<compile_context>
chip_gen: v7x
topology: tpu7x:2x2x1
jax: 0.10.2.dev20260603
libtpu: 0.0.44.dev20260713+nightly
codegen_flags: <defaults>
</compile_context>

<pallas_src>
import functools

import jax
import jax.numpy as jnp
from jax import lax
from jax.experimental import pallas as pl
from jax.experimental.pallas import tpu as pltpu
from jax.experimental.pallas import tpu_sc as plsc

N, SF, C, H, W = 4, 8, 3, 512, 512
NUM_BINS = 256
M = N * SF * C
NC, NS, L = 2, 16, 16
NW = NC * NS
ROWS_PER_W = M // NW
NBP = 272
SLAB = 64
NSLAB = H // SLAB
NCHUNK = ROWS_PER_W * NSLAB
UNROLL = 16
GROUPS_PER_ROW = W // 16
HSIZE = ROWS_PER_W * NBP * L
OSIZE = ROWS_PER_W * NUM_BINS
RSIZE = NBP + 16
MAGIC = float(2.0**23)
BIAS = 0x50000000

_mesh = plsc.VectorSubcoreMesh(core_axis_name="c", subcore_axis_name="s")


@functools.partial(
    pl.kernel,
    out_type=jax.ShapeDtypeStruct((M * NUM_BINS,), jnp.float32),
    mesh=_mesh,
    scratch_types=[
        pltpu.VMEM((SLAB, W), jnp.float32),
        pltpu.VMEM((SLAB, W), jnp.float32),
        pltpu.VMEM((HSIZE,), jnp.float32),
        pltpu.VMEM((HSIZE,), jnp.float32),
        pltpu.VMEM((RSIZE,), jnp.float32),
        pltpu.VMEM((RSIZE,), jnp.float32),
        pltpu.VMEM((OSIZE,), jnp.float32),
        pltpu.SemaphoreType.DMA,
        pltpu.SemaphoreType.DMA,
    ],
    compiler_params=pltpu.CompilerParams(
        needs_layout_passes=False, use_tc_tiling_on_sc=True
    ),
)
def _hist_kernel(x_hbm, out_hbm, buf0, buf1, cnt_h, fs_h, cnt_r, fs_r,
                 outbuf, sem0, sem1):
    wid = lax.axis_index("s") * NC + lax.axis_index("c")
    lane = jnp.arange(L, dtype=jnp.int32)
    ones = jnp.ones((L,), jnp.float32)
    zeros = jnp.zeros((L,), jnp.float32)

    def zero_body(i, _):
        cnt_h[pl.ds(i * 16, 16)] = zeros
        fs_h[pl.ds(i * 16, 16)] = zeros
        return 0

    lax.fori_loop(0, HSIZE // 16, zero_body, 0)

    plane0 = wid * ROWS_PER_W
    bufs = (buf0, buf1)
    sems = (sem0, sem1)

    def start(g, b):
        pltpu.async_copy(
            x_hbm.at[plane0 + (g >> 3), pl.ds((g & (NSLAB - 1)) * SLAB, SLAB), :],
            bufs[b],
            sems[b],
        )

    def consume(g, b):
        pltpu.make_async_copy(
            x_hbm.at[plane0, pl.ds(0, SLAB), :], bufs[b], sems[b]
        ).wait()
        lane_base = lane + ((g >> 3) * (NBP * L) + BIAS)
        buf = bufs[b]

        @plsc.parallel_loop(0, SLAB * GROUPS_PER_ROW, step=UNROLL)
        def _slab_body(i):
            row = i >> 5
            col0 = (i & (GROUPS_PER_ROW - 1)) * 16
            for u in range(UNROLL):
                x = buf[row, pl.ds(col0 + u * 16, 16)]
                y = (x + 0.5) + MAGIC
                frac = x - (y - (MAGIC + 1.0))
                idx = (plsc.bitcast(y, jnp.int32) << 4) + lane_base
                plsc.addupdate_scatter(cnt_h, [idx], ones)
                plsc.addupdate_scatter(fs_h, [idx], frac)

    start(jnp.int32(0), 0)

    def chunk_pair(p, _):
        g0 = p * 2
        start(g0 + 1, 1)
        consume(g0, 0)

        @pl.when(g0 + 2 < NCHUNK)
        def _():
            start(g0 + 2, 0)

        consume(g0 + 1, 1)
        return 0

    lax.fori_loop(0, NCHUNK // 2, chunk_pair, 0)

    bin_word = lane * L
    for r in range(ROWS_PER_W):
        def reduce_body(j, _, r=r):
            base = (r * NBP + j * 16) * L + bin_word
            cacc = zeros
            facc = zeros
            for k in range(L):
                perm = (lane + k) & (L - 1)
                cacc = cacc + plsc.load_gather(cnt_h, [base + perm])
                facc = facc + plsc.load_gather(fs_h, [base + perm])
            cnt_r[pl.ds(j * 16, 16)] = cacc
            fs_r[pl.ds(j * 16, 16)] = facc
            return 0

        lax.fori_loop(0, 17, reduce_body, 0)

        def combine_body(j, _, r=r):
            shift = j * 16 + 1 + lane
            hi_cnt = plsc.load_gather(cnt_r, [shift])
            hi_fs = plsc.load_gather(fs_r, [shift])
            lo_fs = fs_r[pl.ds(j * 16, 16)]
            outbuf[pl.ds(r * NUM_BINS + j * 16, 16)] = hi_cnt - hi_fs + lo_fs
            return 0

        lax.fori_loop(0, NUM_BINS // 16, combine_body, 0)

    pltpu.sync_copy(outbuf, out_hbm.at[pl.ds(wid * OSIZE, OSIZE)])


def kernel(input):
    out = _hist_kernel(input.reshape(M, H, W))
    return out.reshape(N, SF, C, NUM_BINS)

# --- scband reference (transcript-rebuilt; emitter-appended) ---
"""Pipeline reference for scband-histogram-42760694399478 (READ-ONLY COPY).

The authoritative reference and input builder live on the scoring server;
editing this copy changes nothing except your own understanding.
"""

import jax, jax.numpy as jnp
import numpy as np

BANDWIDTH = 1.0
N, SF, C, H, W = 4, 8, 3, 512, 512
NUM_BINS = 256

def setup_inputs(seed: int = 0) -> dict:
    key = jax.random.key(seed)
    # intensity-like values in [0, 255] so the 256 integer bin centers are exercised
    x = jax.random.uniform(key, (N, SF, C, H, W), dtype=jnp.float32, minval=0.0, maxval=255.0)
    return {"input": x}

def reference(input):
    # Faithful soft (differentiable) histogram: bin centers at 0..255,
    # triangular kernel of width `bandwidth`: contrib(b) = relu(1 - |x - b| / bw).
    # With bandwidth == 1 each pixel contributes to exactly its two nearest
    # integer bins (linear interpolation), implemented as a scatter-add
    # (SparseCore-friendly), matching the custom CUDA histogram_layer.
    n, sf, c, h, w = input.shape
    M = n * sf * c
    flat = input.reshape(M, h * w)
    xc = jnp.clip(flat, 0.0, float(NUM_BINS - 1))
    lo = jnp.floor(xc)
    frac = xc - lo
    lo_i = lo.astype(jnp.int32)
    hi_i = jnp.minimum(lo_i + 1, NUM_BINS - 1)
    w_lo = jnp.maximum(0.0, 1.0 - frac / BANDWIDTH)
    w_hi = jnp.maximum(0.0, 1.0 - (1.0 - frac) / BANDWIDTH)
    rows = jnp.broadcast_to(jnp.arange(M, dtype=jnp.int32)[:, None], flat.shape)
    hist = jnp.zeros((M, NUM_BINS), dtype=jnp.float32)
    hist = hist.at[rows, lo_i].add(w_lo)
    hist = hist.at[rows, hi_i].add(w_hi)
    return hist.reshape(n, sf, c, NUM_BINS)

if __name__ == "__main__":
    import jax
    _d = setup_inputs()
    print(jax.jit(kernel)(*tuple(_d.values())))

</pallas_src>

<mosaic_0001>
#map = affine_map<(d0, d1) -> (0, 0, 0)>
#map1 = affine_map<(d0, d1) -> (0)>
module attributes {stable_mosaic.version = 14 : i64} {
  func.func @_hist_kernel(%arg0: i32, %arg1: i32, %arg2: memref<96x512x512xf32, #tpu.memory_space<hbm>>, %arg3: memref<24576xf32, #tpu.memory_space<hbm>>, %arg4: memref<64x512xf32, #tpu.memory_space<vmem>>, %arg5: memref<64x512xf32, #tpu.memory_space<vmem>>, %arg6: memref<13056xf32, #tpu.memory_space<vmem>>, %arg7: memref<13056xf32, #tpu.memory_space<vmem>>, %arg8: memref<288xf32, #tpu.memory_space<vmem>>, %arg9: memref<288xf32, #tpu.memory_space<vmem>>, %arg10: memref<768xf32, #tpu.memory_space<vmem>>, %arg11: memref<!tpu.dma_semaphore, #tpu.memory_space<semaphore_mem>>, %arg12: memref<!tpu.dma_semaphore, #tpu.memory_space<semaphore_mem>>) attributes {dimension_semantics = [#tpu.dimension_semantics<core_parallel>, #tpu.dimension_semantics<subcore_parallel>], iteration_bounds = array<i64: 2, 16>, scalar_prefetch = 0 : i64, scratch_operands = 9 : i64, tpu.core_type = #tpu.core_type<sc_vector_subcore>, window_params = [{transform_indices = #map}, {transform_indices = #map1}]} {
    %mul3A = arith.constant 2 : i32
    %mul3A_0 = arith.muli %arg1, %mul3A : i32
    %add3A = arith.addi %mul3A_0, %arg0 : i32
    %iota3A = tpu.iota {dimensions = array<i32: 0>} : vector<16xi32>
    %broadcast_in_dim3A = arith.constant 1.000000e+00 : f32
    %broadcast_in_dim3A_1 = vector.broadcast %broadcast_in_dim3A : f32 to vector<16xf32>
    %broadcast_in_dim3A_2 = arith.constant 0.000000e+00 : f32
    %broadcast_in_dim3A_3 = vector.broadcast %broadcast_in_dim3A_2 : f32 to vector<16xf32>
    %scan3A = arith.constant 0 : i32
    %scan3A_4 = arith.constant 0 : i32
    %scan3A_5 = arith.constant 816 : i32
    %scan3A_6 = arith.addi %scan3A_4, %scan3A_5 : i32
    %scan3A_7 = arith.constant 1 : i32
    %scan3A_8 = scf.for %scan3A_78 = %scan3A_4 to %scan3A_6 step %scan3A_7 iter_args(%scan3A_79 = %scan3A) -> (i32)  : i32 {
      %mul3A_80 = arith.constant 16 : i32
      %mul3A_81 = arith.muli %scan3A_78, %mul3A_80 : i32
      %swap3A = arith.index_cast %mul3A_81 : i32 to index
      %swap3A_82 = tpu.vector_load %arg6[%swap3A] {strides = array<i32>} : memref<13056xf32, #tpu.memory_space<vmem>>, vector<16xf32>,
      tpu.vector_store %arg6[%swap3A], %broadcast_in_dim3A_3 {strides = array<i32>} : memref<13056xf32, #tpu.memory_space<vmem>>, vector<16xf32>,
      %mul3A_83 = arith.constant 16 : i32
      %mul3A_84 = arith.muli %scan3A_78, %mul3A_83 : i32
      %swap3A_85 = arith.index_cast %mul3A_84 : i32 to index
      %swap3A_86 = tpu.vector_load %arg7[%swap3A_85] {strides = array<i32>} : memref<13056xf32, #tpu.memory_space<vmem>>, vector<16xf32>,
      tpu.vector_store %arg7[%swap3A_85], %broadcast_in_dim3A_3 {strides = array<i32>} : memref<13056xf32, #tpu.memory_space<vmem>>, vector<16xf32>,
      %scan3A_87 = arith.constant 0 : i32
      scf.yield %scan3A_87 : i32
    }
    %scan3A_9 = arith.constant 816 : i32
    %mul3A_10 = arith.constant 3 : i32
    %mul3A_11 = arith.muli %add3A, %mul3A_10 : i32
    %shift_right_arithmetic3A = arith.constant 0 : i32
    %shift_right_arithmetic3A_12 = arith.constant 3 : i32
    %shift_right_arithmetic3A_13 = arith.shrsi %shift_right_arithmetic3A, %shift_right_arithmetic3A_12 : i32
    %add3A_14 = arith.addi %mul3A_11, %shift_right_arithmetic3A_13 : i32
    %and3A = arith.constant 0 : i32
    %and3A_15 = arith.constant 7 : i32
    %and3A_16 = arith.andi %and3A, %and3A_15 : i32
    %mul3A_17 = arith.constant 64 : i32
    %mul3A_18 = arith.muli %and3A_16, %mul3A_17 : i32
    %dma_start3A = arith.constant 0 : i32
    %dma_start3A_19 = tpu.memref_slice %arg2[%add3A_14, %mul3A_18, %dma_start3A] : memref<96x512x512xf32, #tpu.memory_space<hbm>> -> memref<1x64x512xf32, #tpu.memory_space<hbm>>
    %dma_start3A_20 = tpu.memref_squeeze %dma_start3A_19 : memref<1x64x512xf32, #tpu.memory_space<hbm>> -> memref<64x512xf32, #tpu.memory_space<hbm>>
    %dma_start3A_21 = arith.constant 0 : i32
    %dma_start3A_22 = tpu.memref_slice %arg2[%add3A_14, %mul3A_18, %dma_start3A_21] : memref<96x512x512xf32, #tpu.memory_space<hbm>> -> memref<1x64x512xf32, #tpu.memory_space<hbm>>
    %dma_start3A_23 = tpu.memref_squeeze %dma_start3A_22 : memref<1x64x512xf32, #tpu.memory_space<hbm>> -> memref<64x512xf32, #tpu.memory_space<hbm>>
    tpu.enqueue_dma source(%dma_start3A_23 : memref<64x512xf32, #tpu.memory_space<hbm>>) target(%arg4 : memref<64x512xf32, #tpu.memory_space<vmem>>) target_semaphore(%arg11 : memref<!tpu.dma_semaphore, #tpu.memory_space<semaphore_mem>>)
    %scan3A_24 = arith.constant 0 : i32
    %scan3A_25 = arith.constant 0 : i32
    %scan3A_26 = arith.constant 12 : i32
    %scan3A_27 = arith.addi %scan3A_25, %scan3A_26 : i32
    %scan3A_28 = arith.constant 1 : i32
    %scan3A_29 = scf.for %scan3A_78 = %scan3A_25 to %scan3A_27 step %scan3A_28 iter_args(%scan3A_79 = %scan3A_24) -> (i32)  : i32 {
      %mul3A_80 = arith.constant 2 : i32
      %mul3A_81 = arith.muli %scan3A_78, %mul3A_80 : i32
      %add3A_82 = arith.constant 1 : i32
      %add3A_83 = arith.addi %mul3A_81, %add3A_82 : i32
      %shift_right_arithmetic3A_84 = arith.constant 3 : i32
      %shift_right_arithmetic3A_85 = arith.shrsi %add3A_83, %shift_right_arithmetic3A_84 : i32
      %add3A_86 = arith.addi %mul3A_11, %shift_right_arithmetic3A_85 : i32
      %and3A_87 = arith.constant 7 : i32
      %and3A_88 = arith.andi %add3A_83, %and3A_87 : i32
      %mul3A_89 = arith.constant 64 : i32
      %mul3A_90 = arith.muli %and3A_88, %mul3A_89 : i32
      %dma_start3A_91 = arith.constant 0 : i32
      %dma_start3A_92 = tpu.memref_slice %arg2[%add3A_86, %mul3A_90, %dma_start3A_91] : memref<96x512x512xf32, #tpu.memory_space<hbm>> -> memref<1x64x512xf32, #tpu.memory_space<hbm>>
      %dma_start3A_93 = tpu.memref_squeeze %dma_start3A_92 : memref<1x64x512xf32, #tpu.memory_space<hbm>> -> memref<64x512xf32, #tpu.memory_space<hbm>>
      %dma_start3A_94 = arith.constant 0 : i32
      %dma_start3A_95 = tpu.memref_slice %arg2[%add3A_86, %mul3A_90, %dma_start3A_94] : memref<96x512x512xf32, #tpu.memory_space<hbm>> -> memref<1x64x512xf32, #tpu.memory_space<hbm>>
      %dma_start3A_96 = tpu.memref_squeeze %dma_start3A_95 : memref<1x64x512xf32, #tpu.memory_space<hbm>> -> memref<64x512xf32, #tpu.memory_space<hbm>>
      tpu.enqueue_dma source(%dma_start3A_96 : memref<64x512xf32, #tpu.memory_space<hbm>>) target(%arg5 : memref<64x512xf32, #tpu.memory_space<vmem>>) target_semaphore(%arg12 : memref<!tpu.dma_semaphore, #tpu.memory_space<semaphore_mem>>)
      %dma_wait3A = arith.constant 0 : i32
      %dma_wait3A_97 = arith.constant 0 : i32
      %dma_wait3A_98 = tpu.memref_slice %arg2[%mul3A_11, %dma_wait3A, %dma_wait3A_97] : memref<96x512x512xf32, #tpu.memory_space<hbm>> -> memref<1x64x512xf32, #tpu.memory_space<hbm>>
      %dma_wait3A_99 = tpu.memref_squeeze %dma_wait3A_98 : memref<1x64x512xf32, #tpu.memory_space<hbm>> -> memref<64x512xf32, #tpu.memory_space<hbm>>
      %dma_wait3A_100 = arith.constant 0 : i32
      %dma_wait3A_101 = arith.constant 0 : i32
      %dma_wait3A_102 = tpu.memref_slice %arg2[%mul3A_11, %dma_wait3A_100, %dma_wait3A_101] : memref<96x512x512xf32, #tpu.memory_space<hbm>> -> memref<1x64x512xf32, #tpu.memory_space<hbm>>
      %dma_wait3A_103 = tpu.memref_squeeze %dma_wait3A_102 : memref<1x64x512xf32, #tpu.memory_space<hbm>> -> memref<64x512xf32, #tpu.memory_space<hbm>>
      tpu.wait_dma2 semaphore(%arg11 : memref<!tpu.dma_semaphore, #tpu.memory_space<semaphore_mem>>) src(%dma_wait3A_103 : memref<64x512xf32, #tpu.memory_space<hbm>>) dst(%arg4 : memref<64x512xf32, #tpu.memory_space<vmem>>)
      %shift_right_arithmetic3A_104 = arith.constant 3 : i32
      %shift_right_arithmetic3A_105 = arith.shrsi %mul3A_81, %shift_right_arithmetic3A_104 : i32
      %mul3A_106 = arith.constant 4352 : i32
      %mul3A_107 = arith.muli %shift_right_arithmetic3A_105, %mul3A_106 : i32
      %add3A_108 = arith.constant 1342177280 : i32
      %add3A_109 = arith.addi %mul3A_107, %add3A_108 : i32
      %add3A_110 = vector.broadcast %add3A_109 : i32 to vector<16xi32>
      %add3A_111 = arith.addi %iota3A, %add3A_110 : vector<16xi32>
      %parallel_loop3A = arith.constant 0 : i32
      %parallel_loop3A_112 = arith.constant 2048 : i32
      %parallel_loop3A_113 = arith.constant 16 : i32
      scf.for %parallel_loop3A_140 = %parallel_loop3A to %parallel_loop3A_112 step %parallel_loop3A_113  : i32 {
        %parallel_loop3A_141 = arith.constant 5 : i32
        %parallel_loop3A_142 = arith.shrsi %parallel_loop3A_140, %parallel_loop3A_141 : i32
        %parallel_loop3A_143 = arith.constant 31 : i32
        %parallel_loop3A_144 = arith.andi %parallel_loop3A_140, %parallel_loop3A_143 : i32
        %parallel_loop3A_145 = arith.constant 16 : i32
        %parallel_loop3A_146 = arith.muli %parallel_loop3A_144, %parallel_loop3A_145 : i32
        %parallel_loop3A_147 = arith.constant 0 : i32
        %parallel_loop3A_148 = arith.addi %parallel_loop3A_146, %parallel_loop3A_147 : i32
        %parallel_loop3A_149 = arith.index_cast %parallel_loop3A_142 : i32 to index
        %parallel_loop3A_150 = arith.index_cast %parallel_loop3A_148 : i32 to index
        %parallel_loop3A_151 = tpu.vector_load %arg4[%parallel_loop3A_149, %parallel_loop3A_150] {strides = array<i32>} : memref<64x512xf32, #tpu.memory_space<vmem>>, vector<16xf32>,
        %parallel_loop3A_152 = arith.constant 5.000000e-01 : f32
        %parallel_loop3A_153 = vector.broadcast %parallel_loop3A_152 : f32 to vector<16xf32>
        %parallel_loop3A_154 = arith.addf %parallel_loop3A_151, %parallel_loop3A_153 : vector<16xf32>
        %parallel_loop3A_155 = arith.constant 0x4B000000 : f32
        %parallel_loop3A_156 = vector.broadcast %parallel_loop3A_155 : f32 to vector<16xf32>
        %parallel_loop3A_157 = arith.addf %parallel_loop3A_154, %parallel_loop3A_156 : vector<16xf32>
        %parallel_loop3A_158 = arith.constant 0x4B000001 : f32
        %parallel_loop3A_159 = vector.broadcast %parallel_loop3A_158 : f32 to vector<16xf32>
        %parallel_loop3A_160 = arith.subf %parallel_loop3A_157, %parallel_loop3A_159 : vector<16xf32>
        %parallel_loop3A_161 = arith.subf %parallel_loop3A_151, %parallel_loop3A_160 : vector<16xf32>
        %parallel_loop3A_162 = vector.bitcast %parallel_loop3A_157 : vector<16xf32> to vector<16xi32>
        %parallel_loop3A_163 = arith.constant 4 : i32
        %parallel_loop3A_164 = vector.broadcast %parallel_loop3A_163 : i32 to vector<16xi32>
        %parallel_loop3A_165 = arith.shli %parallel_loop3A_162, %parallel_loop3A_164 : vector<16xi32>
        %parallel_loop3A_166 = arith.addi %parallel_loop3A_165, %add3A_111 : vector<16xi32>
        tpu.vector_store_idx %arg6[%parallel_loop3A_166], %broadcast_in_dim3A_1 {add = true} : memref<13056xf32, #tpu.memory_space<vmem>>[vector<16xi32>], vector<16xf32>,
        tpu.vector_store_idx %arg7[%parallel_loop3A_166], %parallel_loop3A_161 {add = true} : memref<13056xf32, #tpu.memory_space<vmem>>[vector<16xi32>], vector<16xf32>,
        %parallel_loop3A_167 = arith.constant 16 : i32
        %parallel_loop3A_168 = arith.addi %parallel_loop3A_146, %parallel_loop3A_167 : i32
        %parallel_loop3A_169 = arith.index_cast %parallel_loop3A_142 : i32 to index
        %parallel_loop3A_170 = arith.index_cast %parallel_loop3A_168 : i32 to index
        %parallel_loop3A_171 = tpu.vector_load %arg4[%parallel_loop3A_169, %parallel_loop3A_170] {strides = array<i32>} : memref<64x512xf32, #tpu.memory_space<vmem>>, vector<16xf32>,
        %parallel_loop3A_172 = arith.constant 5.000000e-01 : f32
        %parallel_loop3A_173 = vector.broadcast %parallel_loop3A_172 : f32 to vector<16xf32>
        %parallel_loop3A_174 = arith.addf %parallel_loop3A_171, %parallel_loop3A_173 : vector<16xf32>
        %parallel_loop3A_175 = arith.constant 0x4B000000 : f32
        %parallel_loop3A_176 = vector.broadcast %parallel_loop3A_175 : f32 to vector<16xf32>
        %parallel_loop3A_177 = arith.addf %parallel_loop3A_174, %parallel_loop3A_176 : vector<16xf32>
        %parallel_loop3A_178 = arith.constant 0x4B000001 : f32
        %parallel_loop3A_179 = vector.broadcast %parallel_loop3A_178 : f32 to vector<16xf32>
        %parallel_loop3A_180 = arith.subf %parallel_loop3A_177, %parallel_loop3A_179 : vector<16xf32>
        %parallel_loop3A_181 = arith.subf %parallel_loop3A_171, %parallel_loop3A_180 : vector<16xf32>
        %parallel_loop3A_182 = vector.bitcast %parallel_loop3A_177 : vector<16xf32> to vector<16xi32>
        %parallel_loop3A_183 = arith.constant 4 : i32
        %parallel_loop3A_184 = vector.broadcast %parallel_loop3A_183 : i32 to vector<16xi32>
        %parallel_loop3A_185 = arith.shli %parallel_loop3A_182, %parallel_loop3A_184 : vector<16xi32>
        %parallel_loop3A_186 = arith.addi %parallel_loop3A_185, %add3A_111 : vector<16xi32>
        tpu.vector_store_idx %arg6[%parallel_loop3A_186], %broadcast_in_dim3A_1 {add = true} : memref<13056xf32, #tpu.memory_space<vmem>>[vector<16xi32>], vector<16xf32>,
        tpu.vector_store_idx %arg7[%parallel_loop3A_186], %parallel_loop3A_181 {add = true} : memref<13056xf32, #tpu.memory_space<vmem>>[vector<16xi32>], vector<16xf32>,
        %parallel_loop3A_187 = arith.constant 32 : i32
        %parallel_loop3A_188 = arith.addi %parallel_loop3A_146, %parallel_loop3A_187 : i32
        %parallel_loop3A_189 = arith.index_cast %parallel_loop3A_142 : i32 to index
        %parallel_loop3A_190 = arith.index_cast %parallel_loop3A_188 : i32 to index
        %parallel_loop3A_191 = tpu.vector_load %arg4[%parallel_loop3A_189, %parallel_loop3A_190] {strides = array<i32>} : memref<64x512xf32, #tpu.memory_space<vmem>>, vector<16xf32>,
        %parallel_loop3A_192 = arith.constant 5.000000e-01 : f32
        %parallel_loop3A_193 = vector.broadcast %parallel_loop3A_192 : f32 to vector<16xf32>
        %parallel_loop3A_194 = arith.addf %parallel_loop3A_191, %parallel_loop3A_193 : vector<16xf32>
        %parallel_loop3A_195 = arith.constant 0x4B000000 : f32
        %parallel_loop3A_196 = vector.broadcast %parallel_loop3A_195 : f32 to vector<16xf32>
        %parallel_loop3A_197 = arith.addf %parallel_loop3A_194, %parallel_loop3A_196 : vector<16xf32>
        %parallel_loop3A_198 = arith.constant 0x4B000001 : f32
        %parallel_loop3A_199 = vector.broadcast %parallel_loop3A_198 : f32 to vector<16xf32>
        %parallel_loop3A_200 = arith.subf %parallel_loop3A_197, %parallel_loop3A_199 : vector<16xf32>
        %parallel_loop3A_201 = arith.subf %parallel_loop3A_191, %parallel_loop3A_200 : vector<16xf32>
        %parallel_loop3A_202 = vector.bitcast %parallel_loop3A_197 : vector<16xf32> to vector<16xi32>
        %parallel_loop3A_203 = arith.constant 4 : i32
        %parallel_loop3A_204 = vector.broadcast %parallel_loop3A_203 : i32 to vector<16xi32>
        %parallel_loop3A_205 = arith.shli %parallel_loop3A_202, %parallel_loop3A_204 : vector<16xi32>
        %parallel_loop3A_206 = arith.addi %parallel_loop3A_205, %add3A_111 : vector<16xi32>
        tpu.vector_store_idx %arg6[%parallel_loop3A_206], %broadcast_in_dim3A_1 {add = true} : memref<13056xf32, #tpu.memory_space<vmem>>[vector<16xi32>], vector<16xf32>,
        tpu.vector_store_idx %arg7[%parallel_loop3A_206], %parallel_loop3A_201 {add = true} : memref<13056xf32, #tpu.memory_space<vmem>>[vector<16xi32>], vector<16xf32>,
        %parallel_loop3A_207 = arith.constant 48 : i32
        %parallel_loop3A_208 = arith.addi %parallel_loop3A_146, %parallel_loop3A_207 : i32
        %parallel_loop3A_209 = arith.index_cast %parallel_loop3A_142 : i32 to index
        %parallel_loop3A_210 = arith.index_cast %parallel_loop3A_208 : i32 to index
        %parallel_loop3A_211 = tpu.vector_load %arg4[%parallel_loop3A_209, %parallel_loop3A_210] {strides = array<i32>} : memref<64x512xf32, #tpu.memory_space<vmem>>, vector<16xf32>,
        %parallel_loop3A_212 = arith.constant 5.000000e-01 : f32
        %parallel_loop3A_213 = vector.broadcast %parallel_loop3A_212 : f32 to vector<16xf32>
        %parallel_loop3A_214 = arith.addf %parallel_loop3A_211, %parallel_loop3A_213 : vector<16xf32>
        %parallel_loop3A_215 = arith.constant 0x4B000000 : f32
        %parallel_loop3A_216 = vector.broadcast %parallel_loop3A_215 : f32 to vector<16xf32>
        %parallel_loop3A_217 = arith.addf %parallel_loop3A_214, %parallel_loop3A_216 : vector<16xf32>
        %parallel_loop3A_218 = arith.constant 0x4B000001 : f32
        %parallel_loop3A_219 = vector.broadcast %parallel_loop3A_218 : f32 to vector<16xf32>
        %parallel_loop3A_220 = arith.subf %parallel_loop3A_217, %parallel_loop3A_219 : vector<16xf32>
        %parallel_loop3A_221 = arith.subf %parallel_loop3A_211, %parallel_loop3A_220 : vector<16xf32>
        %parallel_loop3A_222 = vector.bitcast %parallel_loop3A_217 : vector<16xf32> to vector<16xi32>
        %parallel_loop3A_223 = arith.constant 4 : i32
        %parallel_loop3A_224 = vector.broadcast %parallel_loop3A_223 : i32 to vector<16xi32>
        %parallel_loop3A_225 = arith.shli %parallel_loop3A_222, %parallel_loop3A_224 : vector<16xi32>
        %parallel_loop3A_226 = arith.addi %parallel_loop3A_225, %add3A_111 : vector<16xi32>
        tpu.vector_store_idx %arg6[%parallel_loop3A_226], %broadcast_in_dim3A_1 {add = true} : memref<13056xf32, #tpu.memory_space<vmem>>[vector<16xi32>], vector<16xf32>,
        tpu.vector_store_idx %arg7[%parallel_loop3A_226], %parallel_loop3A_221 {add = true} : memref<13056xf32, #tpu.memory_space<vmem>>[vector<16xi32>], vector<16xf32>,
        %parallel_loop3A_227 = arith.constant 64 : i32
        %parallel_loop3A_228 = arith.addi %parallel_loop3A_146, %parallel_loop3A_227 : i32
        %parallel_loop3A_229 = arith.index_cast %parallel_loop3A_142 : i32 to index
        %parallel_loop3A_230 = arith.index_cast %parallel_loop3A_228 : i32 to index
        %parallel_loop3A_231 = tpu.vector_load %arg4[%parallel_loop3A_229, %parallel_loop3A_230] {strides = array<i32>} : memref<64x512xf32, #tpu.memory_space<vmem>>, vector<16xf32>,
        %parallel_loop3A_232 = arith.constant 5.000000e-01 : f32
        %parallel_loop3A_233 = vector.broadcast %parallel_loop3A_232 : f32 to vector<16xf32>
        %parallel_loop3A_234 = arith.addf %parallel_loop3A_231, %parallel_loop3A_233 : vector<16xf32>
        %parallel_loop3A_235 = arith.constant 0x4B000000 : f32
        %parallel_loop3A_236 = vector.broadcast %parallel_loop3A_235 : f32 to vector<16xf32>
        %parallel_loop3A_237 = arith.addf %parallel_loop3A_234, %parallel_loop3A_236 : vector<16xf32>
        %parallel_loop3A_238 = arith.constant 0x4B000001 : f32
        %parallel_loop3A_239 = vector.broadcast %parallel_loop3A_238 : f32 to vector<16xf32>
        %parallel_loop3A_240 = arith.subf %parallel_loop3A_237, %parallel_loop3A_239 : vector<16xf32>
        %parallel_loop3A_241 = arith.subf %parallel_loop3A_231, %parallel_loop3A_240 : vector<16xf32>
        %parallel_loop3A_242 = vector.bitcast %parallel_loop3A_237 : vector<16xf32> to vector<16xi32>
        %parallel_loop3A_243 = arith.constant 4 : i32
        %parallel_loop3A_244 = vector.broadcast %parallel_loop3A_243 : i32 to vector<16xi32>
        %parallel_loop3A_245 = arith.shli %parallel_loop3A_242, %parallel_loop3A_244 : vector<16xi32>
        %parallel_loop3A_246 = arith.addi %parallel_loop3A_245, %add3A_111 : vector<16xi32>
        tpu.vector_store_idx %arg6[%parallel_loop3A_246], %broadcast_in_dim3A_1 {add = true} : memref<13056xf32, #tpu.memory_space<vmem>>[vector<16xi32>], vector<16xf32>,
        tpu.vector_store_idx %arg7[%parallel_loop3A_246], %parallel_loop3A_241 {add = true} : memref<13056xf32, #tpu.memory_space<vmem>>[vector<16xi32>], vector<16xf32>,
        %parallel_loop3A_247 = arith.constant 80 : i32
        %parallel_loop3A_248 = arith.addi %parallel_loop3A_146, %parallel_loop3A_247 : i32
        %parallel_loop3A_249 = arith.index_cast %parallel_loop3A_142 : i32 to index
        %parallel_loop3A_250 = arith.index_cast %parallel_loop3A_248 : i32 to index
        %parallel_loop3A_251 = tpu.vector_load %arg4[%parallel_loop3A_249, %parallel_loop3A_250] {strides = array<i32>} : memref<64x512xf32, #tpu.memory_space<vmem>>, vector<16xf32>,
        %parallel_loop3A_252 = arith.constant 5.000000e-01 : f32
        %parallel_loop3A_253 = vector.broadcast %parallel_loop3A_252 : f32 to vector<16xf32>
        %parallel_loop3A_254 = arith.addf %parallel_loop3A_251, %parallel_loop3A_253 : vector<16xf32>
        %parallel_loop3A_255 = arith.constant 0x4B000000 : f32
        %parallel_loop3A_256 = vector.broadcast %parallel_loop3A_255 : f32 to vector<16xf32>
        %parallel_loop3A_257 = arith.addf %parallel_loop3A_254, %parallel_loop3A_256 : vector<16xf32>
        %parallel_loop3A_258 = arith.constant 0x4B000001 : f32
        %parallel_loop3A_259 = vector.broadcast %parallel_loop3A_258 : f32 to vector<16xf32>
        %parallel_loop3A_260 = arith.subf %parallel_loop3A_257, %parallel_loop3A_259 : vector<16xf32>
        %parallel_loop3A_261 = arith.subf %parallel_loop3A_251, %parallel_loop3A_260 : vector<16xf32>
        %parallel_loop3A_262 = vector.bitcast %parallel_loop3A_257 : vector<16xf32> to vector<16xi32>
        %parallel_loop3A_263 = arith.constant 4 : i32
        %parallel_loop3A_264 = vector.broadcast %parallel_loop3A_263 : i32 to vector<16xi32>
        %parallel_loop3A_265 = arith.shli %parallel_loop3A_262, %parallel_loop3A_264 : vector<16xi32>
        %parallel_loop3A_266 = arith.addi %parallel_loop3A_265, %add3A_111 : vector<16xi32>
        tpu.vector_store_idx %arg6[%parallel_loop3A_266], %broadcast_in_dim3A_1 {add = true} : memref<13056xf32, #tpu.memory_space<vmem>>[vector<16xi32>], vector<16xf32>,
        tpu.vector_store_idx %arg7[%parallel_loop3A_266], %parallel_loop3A_261 {add = true} : memref<13056xf32, #tpu.memory_space<vmem>>[vector<16xi32>], vector<16xf32>,
        %parallel_loop3A_267 = arith.constant 96 : i32
        %parallel_loop3A_268 = arith.addi %parallel_loop3A_146, %parallel_loop3A_267 : i32
        %parallel_loop3A_269 = arith.index_cast %parallel_loop3A_142 : i32 to index
        %parallel_loop3A_270 = arith.index_cast %parallel_loop3A_268 : i32 to index
        %parallel_loop3A_271 = tpu.vector_load %arg4[%parallel_loop3A_269, %parallel_loop3A_270] {strides = array<i32>} : memref<64x512xf32, #tpu.memory_space<vmem>>, vector<16xf32>,
        %parallel_loop3A_272 = arith.constant 5.000000e-01 : f32
        %parallel_loop3A_273 = vector.broadcast %parallel_loop3A_272 : f32 to vector<16xf32>
        %parallel_loop3A_274 = arith.addf %parallel_loop3A_271, %parallel_loop3A_273 : vector<16xf32>
        %parallel_loop3A_275 = arith.constant 0x4B000000 : f32
        %parallel_loop3A_276 = vector.broadcast %parallel_loop3A_275 : f32 to vector<16xf32>
        %parallel_loop3A_277 = arith.addf %parallel_loop3A_274, %parallel_loop3A_276 : vector<16xf32>
        %parallel_loop3A_278 = arith.constant 0x4B000001 : f32
        %parallel_loop3A_279 = vector.broadcast %parallel_loop3A_278 : f32 to vector<16xf32>
        %parallel_loop3A_280 = arith.subf %parallel_loop3A_277, %parallel_loop3A_279 : vector<16xf32>
        %parallel_loop3A_281 = arith.subf %parallel_loop3A_271, %parallel_loop3A_280 : vector<16xf32>
        %parallel_loop3A_282 = vector.bitcast %parallel_loop3A_277 : vector<16xf32> to vector<16xi32>
        %parallel_loop3A_283 = arith.constant 4 : i32
        %parallel_loop3A_284 = vector.broadcast %parallel_loop3A_283 : i32 to vector<16xi32>
        %parallel_loop3A_285 = arith.shli %parallel_loop3A_282, %parallel_loop3A_284 : vector<16xi32>
        %parallel_loop3A_286 = arith.addi %parallel_loop3A_285, %add3A_111 : vector<16xi32>
        tpu.vector_store_idx %arg6[%parallel_loop3A_286], %broadcast_in_dim3A_1 {add = true} : memref<13056xf32, #tpu.memory_space<vmem>>[vector<16xi32>], vector<16xf32>,
        tpu.vector_store_idx %arg7[%parallel_loop3A_286], %parallel_loop3A_281 {add = true} : memref<13056xf32, #tpu.memory_space<vmem>>[vector<16xi32>], vector<16xf32>,
        %parallel_loop3A_287 = arith.constant 112 : i32
        %parallel_loop3A_288 = arith.addi %parallel_loop3A_146, %parallel_loop3A_287 : i32
        %parallel_loop3A_289 = arith.index_cast %parallel_loop3A_142 : i32 to index
        %parallel_loop3A_290 = arith.index_cast %parallel_loop3A_288 : i32 to index
        %parallel_loop3A_291 = tpu.vector_load %arg4[%parallel_loop3A_289, %parallel_loop3A_290] {strides = array<i32>} : memref<64x512xf32, #tpu.memory_space<vmem>>, vector<16xf32>,
        %parallel_loop3A_292 = arith.constant 5.000000e-01 : f32
        %parallel_loop3A_293 = vector.broadcast %parallel_loop3A_292 : f32 to vector<16xf32>
        %parallel_loop3A_294 = arith.addf %parallel_loop3A_291, %parallel_loop3A_293 : vector<16xf32>
        %parallel_loop3A_295 = arith.constant 0x4B000000 : f32
        %parallel_loop3A_296 = vector.broadcast %parallel_loop3A_295 : f32 to vector<16xf32>
        %parallel_loop3A_297 = arith.addf %parallel_loop3A_294, %parallel_loop3A_296 : vector<16xf32>
        %parallel_loop3A_298 = arith.constant 0x4B000001 : f32
        %parallel_loop3A_299 = vector.broadcast %parallel_loop3A_298 : f32 to vector<16xf32>
        %parallel_loop3A_300 = arith.subf %parallel_loop3A_297, %parallel_loop3A_299 : vector<16xf32>
        %parallel_loop3A_301 = arith.subf %parallel_loop3A_291, %parallel_loop3A_300 : vector<16xf32>
        %parallel_loop3A_302 = vector.bitcast %parallel_loop3A_297 : vector<16xf32> to vector<16xi32>
        %parallel_loop3A_303 = arith.constant 4 : i32
        %parallel_loop3A_304 = vector.broadcast %parallel_loop3A_303 : i32 to vector<16xi32>
        %parallel_loop3A_305 = arith.shli %parallel_loop3A_302, %parallel_loop3A_304 : vector<16xi32>
        %parallel_loop3A_306 = arith.addi %parallel_loop3A_305, %add3A_111 : vector<16xi32>
        tpu.vector_store_idx %arg6[%parallel_loop3A_306], %broadcast_in_dim3A_1 {add = true} : memref<13056xf32, #tpu.memory_space<vmem>>[vector<16xi32>], vector<16xf32>,
        tpu.vector_store_idx %arg7[%parallel_loop3A_306], %parallel_loop3A_301 {add = true} : memref<13056xf32, #tpu.memory_space<vmem>>[vector<16xi32>], vector<16xf32>,
        %parallel_loop3A_307 = arith.constant 128 : i32
        %parallel_loop3A_308 = arith.addi %parallel_loop3A_146, %parallel_loop3A_307 : i32
        %parallel_loop3A_309 = arith.index_cast %parallel_loop3A_142 : i32 to index
        %parallel_loop3A_310 = arith.index_cast %parallel_loop3A_308 : i32 to index
        %parallel_loop3A_311 = tpu.vector_load %arg4[%parallel_loop3A_309, %parallel_loop3A_310] {strides = array<i32>} : memref<64x512xf32, #tpu.memory_space<vmem>>, vector<16xf32>,
        %parallel_loop3A_312 = arith.constant 5.000000e-01 : f32
        %parallel_loop3A_313 = vector.broadcast %parallel_loop3A_312 : f32 to vector<16xf32>
        %parallel_loop3A_314 = arith.addf %parallel_loop3A_311, %parallel_loop3A_313 : vector<16xf32>
        %parallel_loop3A_315 = arith.constant 0x4B000000 : f32
        %parallel_loop3A_316 = vector.broadcast %parallel_loop3A_315 : f32 to vector<16xf32>
        %parallel_loop3A_317 = arith.addf %parallel_loop3A_314, %parallel_loop3A_316 : vector<16xf32>
        %parallel_loop3A_318 = arith.constant 0x4B000001 : f32
        %parallel_loop3A_319 = vector.broadcast %parallel_loop3A_318 : f32 to vector<16xf32>
        %parallel_loop3A_320 = arith.subf %parallel_loop3A_317, %parallel_loop3A_319 : vector<16xf32>
        %parallel_loop3A_321 = arith.subf %parallel_loop3A_311, %parallel_loop3A_320 : vector<16xf32>
        %parallel_loop3A_322 = vector.bitcast %parallel_loop3A_317 : vector<16xf32> to vector<16xi32>
        %parallel_loop3A_323 = arith.constant 4 : i32
        %parallel_loop3A_324 = vector.broadcast %parallel_loop3A_323 : i32 to vector<16xi32>
        %parallel_loop3A_325 = arith.shli %parallel_loop3A_322, %parallel_loop3A_324 : vector<16xi32>
        %parallel_loop3A_326 = arith.addi %parallel_loop3A_325, %add3A_111 : vector<16xi32>
        tpu.vector_store_idx %arg6[%parallel_loop3A_326], %broadcast_in_dim3A_1 {add = true} : memref<13056xf32, #tpu.memory_space<vmem>>[vector<16xi32>], vector<16xf32>,
        tpu.vector_store_idx %arg7[%parallel_loop3A_326], %parallel_loop3A_321 {add = true} : memref<13056xf32, #tpu.memory_space<vmem>>[vector<16xi32>], vector<16xf32>,
        %parallel_loop3A_327 = arith.constant 144 : i32
        %parallel_loop3A_328 = arith.addi %parallel_loop3A_146, %parallel_loop3A_327 : i32
        %parallel_loop3A_329 = arith.index_cast %parallel_loop3A_142 : i32 to index
        %parallel_loop3A_330 = arith.index_cast %parallel_loop3A_328 : i32 to index
        %parallel_loop3A_331 = tpu.vector_load %arg4[%parallel_loop3A_329, %parallel_loop3A_330] {strides = array<i32>} : memref<64x512xf32, #tpu.memory_space<vmem>>, vector<16xf32>,
        %parallel_loop3A_332 = arith.constant 5.000000e-01 : f32
        %parallel_loop3A_333 = vector.broadcast %parallel_loop3A_332 : f32 to vector<16xf32>
        %parallel_loop3A_334 = arith.addf %parallel_loop3A_331, %parallel_loop3A_333 : vector<16xf32>
        %parallel_loop3A_335 = arith.constant 0x4B000000 : f32
        %parallel_loop3A_336 = vector.broadcast %parallel_loop3A_335 : f32 to vector<16xf32>
        %parallel_loop3A_337 = arith.addf %parallel_loop3A_334, %parallel_loop3A_336 : vector<16xf32>
        %parallel_loop3A_338 = arith.constant 0x4B000001 : f32
        %parallel_loop3A_339 = vector.broadcast %parallel_loop3A_338 : f32 to vector<16xf32>
        %parallel_loop3A_340 = arith.subf %parallel_loop3A_337, %parallel_loop3A_339 : vector<16xf32>
        %parallel_loop3A_341 = arith.subf %parallel_loop3A_331, %parallel_loop3A_340 : vector<16xf32>
        %parallel_loop3A_342 = vector.bitcast %parallel_loop3A_337 : vector<16xf32> to vector<16xi32>
        %parallel_loop3A_343 = arith.constant 4 : i32
        %parallel_loop3A_344 = vector.broadcast %parallel_loop3A_343 : i32 to vector<16xi32>
        %parallel_loop3A_345 = arith.shli %parallel_loop3A_342, %parallel_loop3A_344 : vector<16xi32>
        %parallel_loop3A_346 = arith.addi %parallel_loop3A_345, %add3A_111 : vector<16xi32>
        tpu.vector_store_idx %arg6[%parallel_loop3A_346], %broadcast_in_dim3A_1 {add = true} : memref<13056xf32, #tpu.memory_space<vmem>>[vector<16xi32>], vector<16xf32>,
        tpu.vector_store_idx %arg7[%parallel_loop3A_346], %parallel_loop3A_341 {add = true} : memref<13056xf32, #tpu.memory_space<vmem>>[vector<16xi32>], vector<16xf32>,
        %parallel_loop3A_347 = arith.constant 160 : i32
        %parallel_loop3A_348 = arith.addi %parallel_loop3A_146, %parallel_loop3A_347 : i32
        %parallel_loop3A_349 = arith.index_cast %parallel_loop3A_142 : i32 to index
        %parallel_loop3A_350 = arith.index_cast %parallel_loop3A_348 : i32 to index
        %parallel_loop3A_351 = tpu.vector_load %arg4[%parallel_loop3A_349, %parallel_loop3A_350] {strides = array<i32>} : memref<64x512xf32, #tpu.memory_space<vmem>>, vector<16xf32>,
        %parallel_loop3A_352 = arith.constant 5.000000e-01 : f32
        %parallel_loop3A_353 = vector.broadcast %parallel_loop3A_352 : f32 to vector<16xf32>
        %parallel_loop3A_354 = arith.addf %parallel_loop3A_351, %parallel_loop3A_353 : vector<16xf32>
        %parallel_loop3A_355 = arith.constant 0x4B000000 : f32
        %parallel_loop3A_356 = vector.broadcast %parallel_loop3A_355 : f32 to vector<16xf32>
        %parallel_loop3A_357 = arith.addf %parallel_loop3A_354, %parallel_loop3A_356 : vector<16xf32>
        %parallel_loop3A_358 = arith.constant 0x4B000001 : f32
        %parallel_loop3A_359 = vector.broadcast %parallel_loop3A_358 : f32 to vector<16xf32>
        %parallel_loop3A_360 = arith.subf %parallel_loop3A_357, %parallel_loop3A_359 : vector<16xf32>
        %parallel_loop3A_361 = arith.subf %parallel_loop3A_351, %parallel_loop3A_360 : vector<16xf32>
        %parallel_loop3A_362 = vector.bitcast %parallel_loop3A_357 : vector<16xf32> to vector<16xi32>
        %parallel_loop3A_363 = arith.constant 4 : i32
        %parallel_loop3A_364 = vector.broadcast %parallel_loop3A_363 : i32 to vector<16xi32>
        %parallel_loop3A_365 = arith.shli %parallel_loop3A_362, %parallel_loop3A_364 : vector<16xi32>
        %parallel_loop3A_366 = arith.addi %parallel_loop3A_365, %add3A_111 : vector<16xi32>
        tpu.vector_store_idx %arg6[%parallel_loop3A_366], %broadcast_in_dim3A_1 {add = true} : memref<13056xf32, #tpu.memory_space<vmem>>[vector<16xi32>], vector<16xf32>,
        tpu.vector_store_idx %arg7[%parallel_loop3A_366], %parallel_loop3A_361 {add = true} : memref<13056xf32, #tpu.memory_space<vmem>>[vector<16xi32>], vector<16xf32>,
        %parallel_loop3A_367 = arith.constant 176 : i32
        %parallel_loop3A_368 = arith.addi %parallel_loop3A_146, %parallel_loop3A_367 : i32
        %parallel_loop3A_369 = arith.index_cast %parallel_loop3A_142 : i32 to index
        %parallel_loop3A_370 = arith.index_cast %parallel_loop3A_368 : i32 to index
        %parallel_loop3A_371 = tpu.vector_load %arg4[%parallel_loop3A_369, %parallel_loop3A_370] {strides = array<i32>} : memref<64x512xf32, #tpu.memory_space<vmem>>, vector<16xf32>,
        %parallel_loop3A_372 = arith.constant 5.000000e-01 : f32
        %parallel_loop3A_373 = vector.broadcast %parallel_loop3A_372 : f32 to vector<16xf32>
        %parallel_loop3A_374 = arith.addf %parallel_loop3A_371, %parallel_loop3A_373 : vector<16xf32>
        %parallel_loop3A_375 = arith.constant 0x4B000000 : f32
        %parallel_loop3A_376 = vector.broadcast %parallel_loop3A_375 : f32 to vector<16xf32>
        %parallel_loop3A_377 = arith.addf %parallel_loop3A_374, %parallel_loop3A_376 : vector<16xf32>
        %parallel_loop3A_378 = arith.constant 0x4B000001 : f32
        %parallel_loop3A_379 = vector.broadcast %parallel_loop3A_378 : f32 to vector<16xf32>
        %parallel_loop3A_380 = arith.subf %parallel_loop3A_377, %parallel_loop3A_379 : vector<16xf32>
        %parallel_loop3A_381 = arith.subf %parallel_loop3A_371, %parallel_loop3A_380 : vector<16xf32>
        %parallel_loop3A_382 = vector.bitcast %parallel_loop3A_377 : vector<16xf32> to vector<16xi32>
        %parallel_loop3A_383 = arith.constant 4 : i32
        %parallel_loop3A_384 = vector.broadcast %parallel_loop3A_383 : i32 to vector<16xi32>
        %parallel_loop3A_385 = arith.shli %parallel_loop3A_382, %parallel_loop3A_384 : vector<16xi32>
        %parallel_loop3A_386 = arith.addi %parallel_loop3A_385, %add3A_111 : vector<16xi32>
        tpu.vector_store_idx %arg6[%parallel_loop3A_386], %broadcast_in_dim3A_1 {add = true} : memref<13056xf32, #tpu.memory_space<vmem>>[vector<16xi32>], vector<16xf32>,
        tpu.vector_store_idx %arg7[%parallel_loop3A_386], %parallel_loop3A_381 {add = true} : memref<13056xf32, #tpu.memory_space<vmem>>[vector<16xi32>], vector<16xf32>,
        %parallel_loop3A_387 = arith.constant 192 : i32
        %parallel_loop3A_388 = arith.addi %parallel_loop3A_146, %parallel_loop3A_387 : i32
        %parallel_loop3A_389 = arith.index_cast %parallel_loop3A_142 : i32 to index
        %parallel_loop3A_390 = arith.index_cast %parallel_loop3A_388 : i32 to index
        %parallel_loop3A_391 = tpu.vector_load %arg4[%parallel_loop3A_389, %parallel_loop3A_390] {strides = array<i32>} : memref<64x512xf32, #tpu.memory_space<vmem>>, vector<16xf32>,
        %parallel_loop3A_392 = arith.constant 5.000000e-01 : f32
        %parallel_loop3A_393 = vector.broadcast %parallel_loop3A_392 : f32 to vector<16xf32>
        %parallel_loop3A_394 = arith.addf %parallel_loop3A_391, %parallel_loop3A_393 : vector<16xf32>
        %parallel_loop3A_395 = arith.constant 0x4B000000 : f32
        %parallel_loop3A_396 = vector.broadcast %parallel_loop3A_395 : f32 to vector<16xf32>
        %parallel_loop3A_397 = arith.addf %parallel_loop3A_394, %parallel_loop3A_396 : vector<16xf32>
        %parallel_loop3A_398 = arith.constant 0x4B000001 : f32
        %parallel_loop3A_399 = vector.broadcast %parallel_loop3A_398 : f32 to vector<16xf32>
        %parallel_loop3A_400 = arith.subf %parallel_loop3A_397, %parallel_loop3A_399 : vector<16xf32>
        %parallel_loop3A_401 = arith.subf %parallel_loop3A_391, %parallel_loop3A_400 : vector<16xf32>
        %parallel_loop3A_402 = vector.bitcast %parallel_loop3A_397 : vector<16xf32> to vector<16xi32>
        %parallel_loop3A_403 = arith.constant 4 : i32
        %parallel_loop3A_404 = vector.broadcast %parallel_loop3A_403 : i32 to vector<16xi32>
        %parallel_loop3A_405 = arith.shli %parallel_loop3A_402, %parallel_loop3A_404 : vector<16xi32>
        %parallel_loop3A_406 = arith.addi %parallel_loop3A_405, %add3A_111 : vector<16xi32>
        tpu.vector_store_idx %arg6[%parallel_loop3A_406], %broadcast_in_dim3A_1 {add = true} : memref<13056xf32, #tpu.memory_space<vmem>>[vector<16xi32>], vector<16xf32>,
        tpu.vector_store_idx %arg7[%parallel_loop3A_406], %parallel_loop3A_401 {add = true} : memref<13056xf32, #tpu.memory_space<vmem>>[vector<16xi32>], vector<16xf32>,
        %parallel_loop3A_407 = arith.constant 208 : i32
        %parallel_loop3A_408 = arith.addi %parallel_loop3A_146, %parallel_loop3A_407 : i32
        %parallel_loop3A_409 = arith.index_cast %parallel_loop3A_142 : i32 to index
        %parallel_loop3A_410 = arith.index_cast %parallel_loop3A_408 : i32 to index
        %parallel_loop3A_411 = tpu.vector_load %arg4[%parallel_loop3A_409, %parallel_loop3A_410] {strides = array<i32>} : memref<64x512xf32, #tpu.memory_space<vmem>>, vector<16xf32>,
        %parallel_loop3A_412 = arith.constant 5.000000e-01 : f32
        %parallel_loop3A_413 = vector.broadcast %parallel_loop3A_412 : f32 to vector<16xf32>
        %parallel_loop3A_414 = arith.addf %parallel_loop3A_411, %parallel_loop3A_413 : vector<16xf32>
        %parallel_loop3A_415 = arith.constant 0x4B000000 : f32
        %parallel_loop3A_416 = vector.broadcast %parallel_loop3A_415 : f32 to vector<16xf32>
        %parallel_loop3A_417 = arith.addf %parallel_loop3A_414, %parallel_loop3A_416 : vector<16xf32>
        %parallel_loop3A_418 = arith.constant 0x4B000001 : f32
        %parallel_loop3A_419 = vector.broadcast %parallel_loop3A_418 : f32 to vector<16xf32>
        %parallel_loop3A_420 = arith.subf %parallel_loop3A_417, %parallel_loop3A_419 : vector<16xf32>
        %parallel_loop3A_421 = arith.subf %parallel_loop3A_411, %parallel_loop3A_420 : vector<16xf32>
        %parallel_loop3A_422 = vector.bitcast %parallel_loop3A_417 : vector<16xf32> to vector<16xi32>
        %parallel_loop3A_423 = arith.constant 4 : i32
        %parallel_loop3A_424 = vector.broadcast %parallel_loop3A_423 : i32 to vector<16xi32>
        %parallel_loop3A_425 = arith.shli %parallel_loop3A_422, %parallel_loop3A_424 : vector<16xi32>
        %parallel_loop3A_426 = arith.addi %parallel_loop3A_425, %add3A_111 : vector<16xi32>
        tpu.vector_store_idx %arg6[%parallel_loop3A_426], %broadcast_in_dim3A_1 {add = true} : memref<13056xf32, #tpu.memory_space<vmem>>[vector<16xi32>], vector<16xf32>,
        tpu.vector_store_idx %arg7[%parallel_loop3A_426], %parallel_loop3A_421 {add = true} : memref<13056xf32, #tpu.memory_space<vmem>>[vector<16xi32>], vector<16xf32>,
        %parallel_loop3A_427 = arith.constant 224 : i32
        %parallel_loop3A_428 = arith.addi %parallel_loop3A_146, %parallel_loop3A_427 : i32
        %parallel_loop3A_429 = arith.index_cast %parallel_loop3A_142 : i32 to index
        %parallel_loop3A_430 = arith.index_cast %parallel_loop3A_428 : i32 to index
        %parallel_loop3A_431 = tpu.vector_load %arg4[%parallel_loop3A_429, %parallel_loop3A_430] {strides = array<i32>} : memref<64x512xf32, #tpu.memory_space<vmem>>, vector<16xf32>,
        %parallel_loop3A_432 = arith.constant 5.000000e-01 : f32
        %parallel_loop3A_433 = vector.broadcast %parallel_loop3A_432 : f32 to vector<16xf32>
        %parallel_loop3A_434 = arith.addf %parallel_loop3A_431, %parallel_loop3A_433 : vector<16xf32>
        %parallel_loop3A_435 = arith.constant 0x4B000000 : f32
        %parallel_loop3A_436 = vector.broadcast %parallel_loop3A_435 : f32 to vector<16xf32>
        %parallel_loop3A_437 = arith.addf %parallel_loop3A_434, %parallel_loop3A_436 : vector<16xf32>
        %parallel_loop3A_438 = arith.constant 0x4B000001 : f32
        %parallel_loop3A_439 = vector.broadcast %parallel_loop3A_438 : f32 to vector<16xf32>
        %parallel_loop3A_440 = arith.subf %parallel_loop3A_437, %parallel_loop3A_439 : vector<16xf32>
        %parallel_loop3A_441 = arith.subf %parallel_loop3A_431, %parallel_loop3A_440 : vector<16xf32>
        %parallel_loop3A_442 = vector.bitcast %parallel_loop3A_437 : vector<16xf32> to vector<16xi32>
        %parallel_loop3A_443 = arith.constant 4 : i32
        %parallel_loop3A_444 = vector.broadcast %parallel_loop3A_443 : i32 to vector<16xi32>
        %parallel_loop3A_445 = arith.shli %parallel_loop3A_442, %parallel_loop3A_444 : vector<16xi32>
        %parallel_loop3A_446 = arith.addi %parallel_loop3A_445, %add3A_111 : vector<16xi32>
        tpu.vector_store_idx %arg6[%parallel_loop3A_446], %broadcast_in_dim3A_1 {add = true} : memref<13056xf32, #tpu.memory_space<vmem>>[vector<16xi32>], vector<16xf32>,
        tpu.vector_store_idx %arg7[%parallel_loop3A_446], %parallel_loop3A_441 {add = true} : memref<13056xf32, #tpu.memory_space<vmem>>[vector<16xi32>], vector<16xf32>,
        %parallel_loop3A_447 = arith.constant 240 : i32
        %parallel_loop3A_448 = arith.addi %parallel_loop3A_146, %parallel_loop3A_447 : i32
        %parallel_loop3A_449 = arith.index_cast %parallel_loop3A_142 : i32 to index
        %parallel_loop3A_450 = arith.index_cast %parallel_loop3A_448 : i32 to index
        %parallel_loop3A_451 = tpu.vector_load %arg4[%parallel_loop3A_449, %parallel_loop3A_450] {strides = array<i32>} : memref<64x512xf32, #tpu.memory_space<vmem>>, vector<16xf32>,
        %parallel_loop3A_452 = arith.constant 5.000000e-01 : f32
        %parallel_loop3A_453 = vector.broadcast %parallel_loop3A_452 : f32 to vector<16xf32>
        %parallel_loop3A_454 = arith.addf %parallel_loop3A_451, %parallel_loop3A_453 : vector<16xf32>
        %parallel_loop3A_455 = arith.constant 0x4B000000 : f32
        %parallel_loop3A_456 = vector.broadcast %parallel_loop3A_455 : f32 to vector<16xf32>
        %parallel_loop3A_457 = arith.addf %parallel_loop3A_454, %parallel_loop3A_456 : vector<16xf32>
        %parallel_loop3A_458 = arith.constant 0x4B000001 : f32
        %parallel_loop3A_459 = vector.broadcast %parallel_loop3A_458 : f32 to vector<16xf32>
        %parallel_loop3A_460 = arith.subf %parallel_loop3A_457, %parallel_loop3A_459 : vector<16xf32>
        %parallel_loop3A_461 = arith.subf %parallel_loop3A_451, %parallel_loop3A_460 : vector<16xf32>
        %parallel_loop3A_462 = vector.bitcast %parallel_loop3A_457 : vector<16xf32> to vector<16xi32>
        %parallel_loop3A_463 = arith.constant 4 : i32
        %parallel_loop3A_464 = vector.broadcast %parallel_loop3A_463 : i32 to vector<16xi32>
        %parallel_loop3A_465 = arith.shli %parallel_loop3A_462, %parallel_loop3A_464 : vector<16xi32>
        %parallel_loop3A_466 = arith.addi %parallel_loop3A_465, %add3A_111 : vector<16xi32>
        tpu.vector_store_idx %arg6[%parallel_loop3A_466], %broadcast_in_dim3A_1 {add = true} : memref<13056xf32, #tpu.memory_space<vmem>>[vector<16xi32>], vector<16xf32>,
        tpu.vector_store_idx %arg7[%parallel_loop3A_466], %parallel_loop3A_461 {add = true} : memref<13056xf32, #tpu.memory_space<vmem>>[vector<16xi32>], vector<16xf32>,
      } {sc.loop_unroll_factor = 1 : i64, sc.parallel_access}
      %add3A_114 = arith.constant 2 : i32
      %add3A_115 = arith.addi %mul3A_81, %add3A_114 : i32
      %lt3A = arith.constant 24 : i32
      %lt3A_116 = arith.cmpi slt, %add3A_115, %lt3A : i32
      %convert_element_type3A = arith.extui %lt3A_116 : i1 to i32
      %cond3A = arith.constant 0 : i32
      %cond3A_117 = arith.cmpi ne, %convert_element_type3A, %cond3A : i32
      scf.if %cond3A_117 {
        %add3A_140 = arith.constant 2 : i32
        %add3A_141 = arith.addi %mul3A_81, %add3A_140 : i32
        %shift_right_arithmetic3A_142 = arith.constant 3 : i32
        %shift_right_arithmetic3A_143 = arith.shrsi %add3A_141, %shift_right_arithmetic3A_142 : i32
        %add3A_144 = arith.addi %mul3A_11, %shift_right_arithmetic3A_143 : i32
        %and3A_145 = arith.constant 7 : i32
        %and3A_146 = arith.andi %add3A_141, %and3A_145 : i32
        %mul3A_147 = arith.constant 64 : i32
        %mul3A_148 = arith.muli %and3A_146, %mul3A_147 : i32
        %dma_start3A_149 = arith.constant 0 : i32
        %dma_start3A_150 = tpu.memref_slice %arg2[%add3A_144, %mul3A_148, %dma_start3A_149] : memref<96x512x512xf32, #tpu.memory_space<hbm>> -> memref<1x64x512xf32, #tpu.memory_space<hbm>>
        %dma_start3A_151 = tpu.memref_squeeze %dma_start3A_150 : memref<1x64x512xf32, #tpu.memory_space<hbm>> -> memref<64x512xf32, #tpu.memory_space<hbm>>
        %dma_start3A_152 = arith.constant 0 : i32
        %dma_start3A_153 = tpu.memref_slice %arg2[%add3A_144, %mul3A_148, %dma_start3A_152] : memref<96x512x512xf32, #tpu.memory_space<hbm>> -> memref<1x64x512xf32, #tpu.memory_space<hbm>>
        %dma_start3A_154 = tpu.memref_squeeze %dma_start3A_153 : memref<1x64x512xf32, #tpu.memory_space<hbm>> -> memref<64x512xf32, #tpu.memory_space<hbm>>
        tpu.enqueue_dma source(%dma_start3A_154 : memref<64x512xf32, #tpu.memory_space<hbm>>) target(%arg4 : memref<64x512xf32, #tpu.memory_space<vmem>>) target_semaphore(%arg11 : memref<!tpu.dma_semaphore, #tpu.memory_space<semaphore_mem>>)
      } else {
      }
      %add3A_118 = arith.constant 1 : i32
      %add3A_119 = arith.addi %mul3A_81, %add3A_118 : i32
      %dma_wait3A_120 = arith.constant 0 : i32
      %dma_wait3A_121 = arith.constant 0 : i32
      %dma_wait3A_122 = tpu.memref_slice %arg2[%mul3A_11, %dma_wait3A_120, %dma_wait3A_121] : memref<96x512x512xf32, #tpu.memory_space<hbm>> -> memref<1x64x512xf32, #tpu.memory_space<hbm>>
      %dma_wait3A_123 = tpu.memref_squeeze %dma_wait3A_122 : memref<1x64x512xf32, #tpu.memory_space<hbm>> -> memref<64x512xf32, #tpu.memory_space<hbm>>
      %dma_wait3A_124 = arith.constant 0 : i32
      %dma_wait3A_125 = arith.constant 0 : i32
      %dma_wait3A_126 = tpu.memref_slice %arg2[%mul3A_11, %dma_wait3A_124, %dma_wait3A_125] : memref<96x512x512xf32, #tpu.memory_space<hbm>> -> memref<1x64x512xf32, #tpu.memory_space<hbm>>
      %dma_wait3A_127 = tpu.memref_squeeze %dma_wait3A_126 : memref<1x64x512xf32, #tpu.memory_space<hbm>> -> memref<64x512xf32, #tpu.memory_space<hbm>>
      tpu.wait_dma2 semaphore(%arg12 : memref<!tpu.dma_semaphore, #tpu.memory_space<semaphore_mem>>) src(%dma_wait3A_127 : memref<64x512xf32, #tpu.memory_space<hbm>>) dst(%arg5 : memref<64x512xf32, #tpu.memory_space<vmem>>)
      %shift_right_arithmetic3A_128 = arith.constant 3 : i32
      %shift_right_arithmetic3A_129 = arith.shrsi %add3A_119, %shift_right_arithmetic3A_128 : i32
      %mul3A_130 = arith.constant 4352 : i32
      %mul3A_131 = arith.muli %shift_right_arithmetic3A_129, %mul3A_130 : i32
      %add3A_132 = arith.constant 1342177280 : i32
      %add3A_133 = arith.addi %mul3A_131, %add3A_132 : i32
      %add3A_134 = vector.broadcast %add3A_133 : i32 to vector<16xi32>
      %add3A_135 = arith.addi %iota3A, %add3A_134 : vector<16xi32>
      %parallel_loop3A_136 = arith.constant 0 : i32
      %parallel_loop3A_137 = arith.constant 2048 : i32
      %parallel_loop3A_138 = arith.constant 16 : i32
      scf.for %parallel_loop3A_140 = %parallel_loop3A_136 to %parallel_loop3A_137 step %parallel_loop3A_138  : i32 {
        %parallel_loop3A_141 = arith.constant 5 : i32
        %parallel_loop3A_142 = arith.shrsi %parallel_loop3A_140, %parallel_loop3A_141 : i32
        %parallel_loop3A_143 = arith.constant 31 : i32
        %parallel_loop3A_144 = arith.andi %parallel_loop3A_140, %parallel_loop3A_143 : i32
        %parallel_loop3A_145 = arith.constant 16 : i32
        %parallel_loop3A_146 = arith.muli %parallel_loop3A_144, %parallel_loop3A_145 : i32
        %parallel_loop3A_147 = arith.constant 0 : i32
        %parallel_loop3A_148 = arith.addi %parallel_loop3A_146, %parallel_loop3A_147 : i32
        %parallel_loop3A_149 = arith.index_cast %parallel_loop3A_142 : i32 to index
        %parallel_loop3A_150 = arith.index_cast %parallel_loop3A_148 : i32 to index
        %parallel_loop3A_151 = tpu.vector_load %arg5[%parallel_loop3A_149, %parallel_loop3A_150] {strides = array<i32>} : memref<64x512xf32, #tpu.memory_space<vmem>>, vector<16xf32>,
        %parallel_loop3A_152 = arith.constant 5.000000e-01 : f32
        %parallel_loop3A_153 = vector.broadcast %parallel_loop3A_152 : f32 to vector<16xf32>
        %parallel_loop3A_154 = arith.addf %parallel_loop3A_151, %parallel_loop3A_153 : vector<16xf32>
        %parallel_loop3A_155 = arith.constant 0x4B000000 : f32
        %parallel_loop3A_156 = vector.broadcast %parallel_loop3A_155 : f32 to vector<16xf32>
        %parallel_loop3A_157 = arith.addf %parallel_loop3A_154, %parallel_loop3A_156 : vector<16xf32>
        %parallel_loop3A_158 = arith.constant 0x4B000001 : f32
        %parallel_loop3A_159 = vector.broadcast %parallel_loop3A_158 : f32 to vector<16xf32>
        %parallel_loop3A_160 = arith.subf %parallel_loop3A_157, %parallel_loop3A_159 : vector<16xf32>
        %parallel_loop3A_161 = arith.subf %parallel_loop3A_151, %parallel_loop3A_160 : vector<16xf32>
        %parallel_loop3A_162 = vector.bitcast %parallel_loop3A_157 : vector<16xf32> to vector<16xi32>
        %parallel_loop3A_163 = arith.constant 4 : i32
        %parallel_loop3A_164 = vector.broadcast %parallel_loop3A_163 : i32 to vector<16xi32>
        %parallel_loop3A_165 = arith.shli %parallel_loop3A_162, %parallel_loop3A_164 : vector<16xi32>
        %parallel_loop3A_166 = arith.addi %parallel_loop3A_165, %add3A_135 : vector<16xi32>
        tpu.vector_store_idx %arg6[%parallel_loop3A_166], %broadcast_in_dim3A_1 {add = true} : memref<13056xf32, #tpu.memory_space<vmem>>[vector<16xi32>], vector<16xf32>,
        tpu.vector_store_idx %arg7[%parallel_loop3A_166], %parallel_loop3A_161 {add = true} : memref<13056xf32, #tpu.memory_space<vmem>>[vector<16xi32>], vector<16xf32>,
        %parallel_loop3A_167 = arith.constant 16 : i32
        %parallel_loop3A_168 = arith.addi %parallel_loop3A_146, %parallel_loop3A_167 : i32
        %parallel_loop3A_169 = arith.index_cast %parallel_loop3A_142 : i32 to index
        %parallel_loop3A_170 = arith.index_cast %parallel_loop3A_168 : i32 to index
        %parallel_loop3A_171 = tpu.vector_load %arg5[%parallel_loop3A_169, %parallel_loop3A_170] {strides = array<i32>} : memref<64x512xf32, #tpu.memory_space<vmem>>, vector<16xf32>,
        %parallel_loop3A_172 = arith.constant 5.000000e-01 : f32
        %parallel_loop3A_173 = vector.broadcast %parallel_loop3A_172 : f32 to vector<16xf32>
        %parallel_loop3A_174 = arith.addf %parallel_loop3A_171, %parallel_loop3A_173 : vector<16xf32>
        %parallel_loop3A_175 = arith.constant 0x4B000000 : f32
        %parallel_loop3A_176 = vector.broadcast %parallel_loop3A_175 : f32 to vector<16xf32>
        %parallel_loop3A_177 = arith.addf %parallel_loop3A_174, %parallel_loop3A_176 : vector<16xf32>
        %parallel_loop3A_178 = arith.constant 0x4B000001 : f32
        %parallel_loop3A_179 = vector.broadcast %parallel_loop3A_178 : f32 to vector<16xf32>
        %parallel_loop3A_180 = arith.subf %parallel_loop3A_177, %parallel_loop3A_179 : vector<16xf32>
        %parallel_loop3A_181 = arith.subf %parallel_loop3A_171, %parallel_loop3A_180 : vector<16xf32>
        %parallel_loop3A_182 = vector.bitcast %parallel_loop3A_177 : vector<16xf32> to vector<16xi32>
        %parallel_loop3A_183 = arith.constant 4 : i32
        %parallel_loop3A_184 = vector.broadcast %parallel_loop3A_183 : i32 to vector<16xi32>
        %parallel_loop3A_185 = arith.shli %parallel_loop3A_182, %parallel_loop3A_184 : vector<16xi32>
        %parallel_loop3A_186 = arith.addi %parallel_loop3A_185, %add3A_135 : vector<16xi32>
        tpu.vector_store_idx %arg6[%parallel_loop3A_186], %broadcast_in_dim3A_1 {add = true} : memref<13056xf32, #tpu.memory_space<vmem>>[vector<16xi32>], vector<16xf32>,
        tpu.vector_store_idx %arg7[%parallel_loop3A_186], %parallel_loop3A_181 {add = true} : memref<13056xf32, #tpu.memory_space<vmem>>[vector<16xi32>], vector<16xf32>,
        %parallel_loop3A_187 = arith.constant 32 : i32
        %parallel_loop3A_188 = arith.addi %parallel_loop3A_146, %parallel_loop3A_187 : i32
        %parallel_loop3A_189 = arith.index_cast %parallel_loop3A_142 : i32 to index
        %parallel_loop3A_190 = arith.index_cast %parallel_loop3A_188 : i32 to index
        %parallel_loop3A_191 = tpu.vector_load %arg5[%parallel_loop3A_189, %parallel_loop3A_190] {strides = array<i32>} : memref<64x512xf32, #tpu.memory_space<vmem>>, vector<16xf32>,
        %parallel_loop3A_192 = arith.constant 5.000000e-01 : f32
        %parallel_loop3A_193 = vector.broadcast %parallel_loop3A_192 : f32 to vector<16xf32>
        %parallel_loop3A_194 = arith.addf %parallel_loop3A_191, %parallel_loop3A_193 : vector<16xf32>
        %parallel_loop3A_195 = arith.constant 0x4B000000 : f32
        %parallel_loop3A_196 = vector.broadcast %parallel_loop3A_195 : f32 to vector<16xf32>
        %parallel_loop3A_197 = arith.addf %parallel_loop3A_194, %parallel_loop3A_196 : vector<16xf32>
        %parallel_loop3A_198 = arith.constant 0x4B000001 : f32
        %parallel_loop3A_199 = vector.broadcast %parallel_loop3A_198 : f32 to vector<16xf32>
        %parallel_loop3A_200 = arith.subf %parallel_loop3A_197, %parallel_loop3A_199 : vector<16xf32>
        %parallel_loop3A_201 = arith.subf %parallel_loop3A_191, %parallel_loop3A_200 : vector<16xf32>
        %parallel_loop3A_202 = vector.bitcast %parallel_loop3A_197 : vector<16xf32> to vector<16xi32>
        %parallel_loop3A_203 = arith.constant 4 : i32
        %parallel_loop3A_204 = vector.broadcast %parallel_loop3A_203 : i32 to vector<16xi32>
        %parallel_loop3A_205 = arith.shli %parallel_loop3A_202, %parallel_loop3A_204 : vector<16xi32>
        %parallel_loop3A_206 = arith.addi %parallel_loop3A_205, %add3A_135 : vector<16xi32>
        tpu.vector_store_idx %arg6[%parallel_loop3A_206], %broadcast_in_dim3A_1 {add = true} : memref<13056xf32, #tpu.memory_space<vmem>>[vector<16xi32>], vector<16xf32>,
        tpu.vector_store_idx %arg7[%parallel_loop3A_206], %parallel_loop3A_201 {add = true} : memref<13056xf32, #tpu.memory_space<vmem>>[vector<16xi32>], vector<16xf32>,
        %parallel_loop3A_207 = arith.constant 48 : i32
        %parallel_loop3A_208 = arith.addi %parallel_loop3A_146, %parallel_loop3A_207 : i32
        %parallel_loop3A_209 = arith.index_cast %parallel_loop3A_142 : i32 to index
        %parallel_loop3A_210 = arith.index_cast %parallel_loop3A_208 : i32 to index
        %parallel_loop3A_211 = tpu.vector_load %arg5[%parallel_loop3A_209, %parallel_loop3A_210] {strides = array<i32>} : memref<64x512xf32, #tpu.memory_space<vmem>>, vector<16xf32>,
        %parallel_loop3A_212 = arith.constant 5.000000e-01 : f32
        %parallel_loop3A_213 = vector.broadcast %parallel_loop3A_212 : f32 to vector<16xf32>
        %parallel_loop3A_214 = arith.addf %parallel_loop3A_211, %parallel_loop3A_213 : vector<16xf32>
        %parallel_loop3A_215 = arith.constant 0x4B000000 : f32
        %parallel_loop3A_216 = vector.broadcast %parallel_loop3A_215 : f32 to vector<16xf32>
        %parallel_loop3A_217 = arith.addf %parallel_loop3A_214, %parallel_loop3A_216 : vector<16xf32>
        %parallel_loop3A_218 = arith.constant 0x4B000001 : f32
        %parallel_loop3A_219 = vector.broadcast %parallel_loop3A_218 : f32 to vector<16xf32>
        %parallel_loop3A_220 = arith.subf %parallel_loop3A_217, %parallel_loop3A_219 : vector<16xf32>
        %parallel_loop3A_221 = arith.subf %parallel_loop3A_211, %parallel_loop3A_220 : vector<16xf32>
        %parallel_loop3A_222 = vector.bitcast %parallel_loop3A_217 : vector<16xf32> to vector<16xi32>
        %parallel_loop3A_223 = arith.constant 4 : i32
        %parallel_loop3A_224 = vector.broadcast %parallel_loop3A_223 : i32 to vector<16xi32>
        %parallel_loop3A_225 = arith.shli %parallel_loop3A_222, %parallel_loop3A_224 : vector<16xi32>
        %parallel_loop3A_226 = arith.addi %parallel_loop3A_225, %add3A_135 : vector<16xi32>
        tpu.vector_store_idx %arg6[%parallel_loop3A_226], %broadcast_in_dim3A_1 {add = true} : memref<13056xf32, #tpu.memory_space<vmem>>[vector<16xi32>], vector<16xf32>,
        tpu.vector_store_idx %arg7[%parallel_loop3A_226], %parallel_loop3A_221 {add = true} : memref<13056xf32, #tpu.memory_space<vmem>>[vector<16xi32>], vector<16xf32>,
        %parallel_loop3A_227 = arith.constant 64 : i32
        %parallel_loop3A_228 = arith.addi %parallel_loop3A_146, %parallel_loop3A_227 : i32
        %parallel_loop3A_229 = arith.index_cast %parallel_loop3A_142 : i32 to index
        %parallel_loop3A_230 = arith.index_cast %parallel_loop3A_228 : i32 to index
        %parallel_loop3A_231 = tpu.vector_load %arg5[%parallel_loop3A_229, %parallel_loop3A_230] {strides = array<i32>} : memref<64x512xf32, #tpu.memory_space<vmem>>, vector<16xf32>,
        %parallel_loop3A_232 = arith.constant 5.000000e-01 : f32
        %parallel_loop3A_233 = vector.broadcast %parallel_loop3A_232 : f32 to vector<16xf32>
        %parallel_loop3A_234 = arith.addf %parallel_loop3A_231, %parallel_loop3A_233 : vector<16xf32>
        %parallel_loop3A_235 = arith.constant 0x4B000000 : f32
        %parallel_loop3A_236 = vector.broadcast %parallel_loop3A_235 : f32 to vector<16xf32>
        %parallel_loop3A_237 = arith.addf %parallel_loop3A_234, %parallel_loop3A_236 : vector<16xf32>
        %parallel_loop3A_238 = arith.constant 0x4B000001 : f32
        %parallel_loop3A_239 = vector.broadcast %parallel_loop3A_238 : f32 to vector<16xf32>
        %parallel_loop3A_240 = arith.subf %parallel_loop3A_237, %parallel_loop3A_239 : vector<16xf32>
        %parallel_loop3A_241 = arith.subf %parallel_loop3A_231, %parallel_loop3A_240 : vector<16xf32>
        %parallel_loop3A_242 = vector.bitcast %parallel_loop3A_237 : vector<16xf32> to vector<16xi32>
        %parallel_loop3A_243 = arith.constant 4 : i32
        %parallel_loop3A_244 = vector.broadcast %parallel_loop3A_243 : i32 to vector<16xi32>
        %parallel_loop3A_245 = arith.shli %parallel_loop3A_242, %parallel_loop3A_244 : vector<16xi32>
        %parallel_loop3A_246 = arith.addi %parallel_loop3A_245, %add3A_135 : vector<16xi32>
        tpu.vector_store_idx %arg6[%parallel_loop3A_246], %broadcast_in_dim3A_1 {add = true} : memref<13056xf32, #tpu.memory_space<vmem>>[vector<16xi32>], vector<16xf32>,
        tpu.vector_store_idx %arg7[%parallel_loop3A_246], %parallel_loop3A_241 {add = true} : memref<13056xf32, #tpu.memory_space<vmem>>[vector<16xi32>], vector<16xf32>,
        %parallel_loop3A_247 = arith.constant 80 : i32
        %parallel_loop3A_248 = arith.addi %parallel_loop3A_146, %parallel_loop3A_247 : i32
        %parallel_loop3A_249 = arith.index_cast %parallel_loop3A_142 : i32 to index
        %parallel_loop3A_250 = arith.index_cast %parallel_loop3A_248 : i32 to index
        %parallel_loop3A_251 = tpu.vector_load %arg5[%parallel_loop3A_249, %parallel_loop3A_250] {strides = array<i32>} : memref<64x512xf32, #tpu.memory_space<vmem>>, vector<16xf32>,
        %parallel_loop3A_252 = arith.constant 5.000000e-01 : f32
        %parallel_loop3A_253 = vector.broadcast %parallel_loop3A_252 : f32 to vector<16xf32>
        %parallel_loop3A_254 = arith.addf %parallel_loop3A_251, %parallel_loop3A_253 : vector<16xf32>
        %parallel_loop3A_255 = arith.constant 0x4B000000 : f32
        %parallel_loop3A_256 = vector.broadcast %parallel_loop3A_255 : f32 to vector<16xf32>
        %parallel_loop3A_257 = arith.addf %parallel_loop3A_254, %parallel_loop3A_256 : vector<16xf32>
        %parallel_loop3A_258 = arith.constant 0x4B000001 : f32
        %parallel_loop3A_259 = vector.broadcast %parallel_loop3A_258 : f32 to vector<16xf32>
        %parallel_loop3A_260 = arith.subf %parallel_loop3A_257, %parallel_loop3A_259 : vector<16xf32>
        %parallel_loop3A_261 = arith.subf %parallel_loop3A_251, %parallel_loop3A_260 : vector<16xf32>
        %parallel_loop3A_262 = vector.bitcast %parallel_loop3A_257 : vector<16xf32> to vector<16xi32>
        %parallel_loop3A_263 = arith.constant 4 : i32
        %parallel_loop3A_264 = vector.broadcast %parallel_loop3A_263 : i32 to vector<16xi32>
        %parallel_loop3A_265 = arith.shli %parallel_loop3A_262, %parallel_loop3A_264 : vector<16xi32>
        %parallel_loop3A_266 = arith.addi %parallel_loop3A_265, %add3A_135 : vector<16xi32>
        tpu.vector_store_idx %arg6[%parallel_loop3A_266], %broadcast_in_dim3A_1 {add = true} : memref<13056xf32, #tpu.memory_space<vmem>>[vector<16xi32>], vector<16xf32>,
        tpu.vector_store_idx %arg7[%parallel_loop3A_266], %parallel_loop3A_261 {add = true} : memref<13056xf32, #tpu.memory_space<vmem>>[vector<16xi32>], vector<16xf32>,
        %parallel_loop3A_267 = arith.constant 96 : i32
        %parallel_loop3A_268 = arith.addi %parallel_loop3A_146, %parallel_loop3A_267 : i32
        %parallel_loop3A_269 = arith.index_cast %parallel_loop3A_142 : i32 to index
        %parallel_loop3A_270 = arith.index_cast %parallel_loop3A_268 : i32 to index
        %parallel_loop3A_271 = tpu.vector_load %arg5[%parallel_loop3A_269, %parallel_loop3A_270] {strides = array<i32>} : memref<64x512xf32, #tpu.memory_space<vmem>>, vector<16xf32>,
        %parallel_loop3A_272 = arith.constant 5.000000e-01 : f32
        %parallel_loop3A_273 = vector.broadcast %parallel_loop3A_272 : f32 to vector<16xf32>
        %parallel_loop3A_274 = arith.addf %parallel_loop3A_271, %parallel_loop3A_273 : vector<16xf32>
        %parallel_loop3A_275 = arith.constant 0x4B000000 : f32
        %parallel_loop3A_276 = vector.broadcast %parallel_loop3A_275 : f32 to vector<16xf32>
        %parallel_loop3A_277 = arith.addf %parallel_loop3A_274, %parallel_loop3A_276 : vector<16xf32>
        %parallel_loop3A_278 = arith.constant 0x4B000001 : f32
        %parallel_loop3A_279 = vector.broadcast %parallel_loop3A_278 : f32 to vector<16xf32>
        %parallel_loop3A_280 = arith.subf %parallel_loop3A_277, %parallel_loop3A_279 : vector<16xf32>
        %parallel_loop3A_281 = arith.subf %parallel_loop3A_271, %parallel_loop3A_280 : vector<16xf32>
        %parallel_loop3A_282 = vector.bitcast %parallel_loop3A_277 : vector<16xf32> to vector<16xi32>
        %parallel_loop3A_283 = arith.constant 4 : i32
        %parallel_loop3A_284 = vector.broadcast %parallel_loop3A_283 : i32 to vector<16xi32>
        %parallel_loop3A_285 = arith.shli %parallel_loop3A_282, %parallel_loop3A_284 : vector<16xi32>
        %parallel_loop3A_286 = arith.addi %parallel_loop3A_285, %add3A_135 : vector<16xi32>
        tpu.vector_store_idx %arg6[%parallel_loop3A_286], %broadcast_in_dim3A_1 {add = true} : memref<13056xf32, #tpu.memory_space<vmem>>[vector<16xi32>], vector<16xf32>,
        tpu.vector_store_idx %arg7[%parallel_loop3A_286], %parallel_loop3A_281 {add = true} : memref<13056xf32, #tpu.memory_space<vmem>>[vector<16xi32>], vector<16xf32>,
        %parallel_loop3A_287 = arith.constant 112 : i32
        %parallel_loop3A_288 = arith.addi %parallel_loop3A_146, %parallel_loop3A_287 : i32
        %parallel_loop3A_289 = arith.index_cast %parallel_loop3A_142 : i32 to index
        %parallel_loop3A_290 = arith.index_cast %parallel_loop3A_288 : i32 to index
        %parallel_loop3A_291 = tpu.vector_load %arg5[%parallel_loop3A_289, %parallel_loop3A_290] {strides = array<i32>} : memref<64x512xf32, #tpu.memory_space<vmem>>, vector<16xf32>,
        %parallel_loop3A_292 = arith.constant 5.000000e-01 : f32
        %parallel_loop3A_293 = vector.broadcast %parallel_loop3A_292 : f32 to vector<16xf32>
        %parallel_loop3A_294 = arith.addf %parallel_loop3A_291, %parallel_loop3A_293 : vector<16xf32>
        %parallel_loop3A_295 = arith.constant 0x4B000000 : f32
        %parallel_loop3A_296 = vector.broadcast %parallel_loop3A_295 : f32 to vector<16xf32>
        %parallel_loop3A_297 = arith.addf %parallel_loop3A_294, %parallel_loop3A_296 : vector<16xf32>
        %parallel_loop3A_298 = arith.constant 0x4B000001 : f32
        %parallel_loop3A_299 = vector.broadcast %parallel_loop3A_298 : f32 to vector<16xf32>
        %parallel_loop3A_300 = arith.subf %parallel_loop3A_297, %parallel_loop3A_299 : vector<16xf32>
        %parallel_loop3A_301 = arith.subf %parallel_loop3A_291, %parallel_loop3A_300 : vector<16xf32>
        %parallel_loop3A_302 = vector.bitcast %parallel_loop3A_297 : vector<16xf32> to vector<16xi32>
        %parallel_loop3A_303 = arith.constant 4 : i32
        %parallel_loop3A_304 = vector.broadcast %parallel_loop3A_303 : i32 to vector<16xi32>
        %parallel_loop3A_305 = arith.shli %parallel_loop3A_302, %parallel_loop3A_304 : vector<16xi32>
        %parallel_loop3A_306 = arith.addi %parallel_loop3A_305, %add3A_135 : vector<16xi32>
        tpu.vector_store_idx %arg6[%parallel_loop3A_306], %broadcast_in_dim3A_1 {add = true} : memref<13056xf32, #tpu.memory_space<vmem>>[vector<16xi32>], vector<16xf32>,
        tpu.vector_store_idx %arg7[%parallel_loop3A_306], %parallel_loop3A_301 {add = true} : memref<13056xf32, #tpu.memory_space<vmem>>[vector<16xi32>], vector<16xf32>,
        %parallel_loop3A_307 = arith.constant 128 : i32
        %parallel_loop3A_308 = arith.addi %parallel_loop3A_146, %parallel_loop3A_307 : i32
        %parallel_loop3A_309 = arith.index_cast %parallel_loop3A_142 : i32 to index
        %parallel_loop3A_310 = arith.index_cast %parallel_loop3A_308 : i32 to index
        %parallel_loop3A_311 = tpu.vector_load %arg5[%parallel_loop3A_309, %parallel_loop3A_310] {strides = array<i32>} : memref<64x512xf32, #tpu.memory_space<vmem>>, vector<16xf32>,
        %parallel_loop3A_312 = arith.constant 5.000000e-01 : f32
        %parallel_loop3A_313 = vector.broadcast %parallel_loop3A_312 : f32 to vector<16xf32>
        %parallel_loop3A_314 = arith.addf %parallel_loop3A_311, %parallel_loop3A_313 : vector<16xf32>
        %parallel_loop3A_315 = arith.constant 0x4B000000 : f32
        %parallel_loop3A_316 = vector.broadcast %parallel_loop3A_315 : f32 to vector<16xf32>
        %parallel_loop3A_317 = arith.addf %parallel_loop3A_314, %parallel_loop3A_316 : vector<16xf32>
        %parallel_loop3A_318 = arith.constant 0x4B000001 : f32
        %parallel_loop3A_319 = vector.broadcast %parallel_loop3A_318 : f32 to vector<16xf32>
        %parallel_loop3A_320 = arith.subf %parallel_loop3A_317, %parallel_loop3A_319 : vector<16xf32>
        %parallel_loop3A_321 = arith.subf %parallel_loop3A_311, %parallel_loop3A_320 : vector<16xf32>
        %parallel_loop3A_322 = vector.bitcast %parallel_loop3A_317 : vector<16xf32> to vector<16xi32>
        %parallel_loop3A_323 = arith.constant 4 : i32
        %parallel_loop3A_324 = vector.broadcast %parallel_loop3A_323 : i32 to vector<16xi32>
        %parallel_loop3A_325 = arith.shli %parallel_loop3A_322, %parallel_loop3A_324 : vector<16xi32>
        %parallel_loop3A_326 = arith.addi %parallel_loop3A_325, %add3A_135 : vector<16xi32>
        tpu.vector_store_idx %arg6[%parallel_loop3A_326], %broadcast_in_dim3A_1 {add = true} : memref<13056xf32, #tpu.memory_space<vmem>>[vector<16xi32>], vector<16xf32>,
        tpu.vector_store_idx %arg7[%parallel_loop3A_326], %parallel_loop3A_321 {add = true} : memref<13056xf32, #tpu.memory_space<vmem>>[vector<16xi32>], vector<16xf32>,
        %parallel_loop3A_327 = arith.constant 144 : i32
        %parallel_loop3A_328 = arith.addi %parallel_loop3A_146, %parallel_loop3A_327 : i32
        %parallel_loop3A_329 = arith.index_cast %parallel_loop3A_142 : i32 to index
        %parallel_loop3A_330 = arith.index_cast %parallel_loop3A_328 : i32 to index
        %parallel_loop3A_331 = tpu.vector_load %arg5[%parallel_loop3A_329, %parallel_loop3A_330] {strides = array<i32>} : memref<64x512xf32, #tpu.memory_space<vmem>>, vector<16xf32>,
        %parallel_loop3A_332 = arith.constant 5.000000e-01 : f32
        %parallel_loop3A_333 = vector.broadcast %parallel_loop3A_332 : f32 to vector<16xf32>
        %parallel_loop3A_334 = arith.addf %parallel_loop3A_331, %parallel_loop3A_333 : vector<16xf32>
        %parallel_loop3A_335 = arith.constant 0x4B000000 : f32
        %parallel_loop3A_336 = vector.broadcast %parallel_loop3A_335 : f32 to vector<16xf32>
        %parallel_loop3A_337 = arith.addf %parallel_loop3A_334, %parallel_loop3A_336 : vector<16xf32>
        %parallel_loop3A_338 = arith.constant 0x4B000001 : f32
        %parallel_loop3A_339 = vector.broadcast %parallel_loop3A_338 : f32 to vector<16xf32>
        %parallel_loop3A_340 = arith.subf %parallel_loop3A_337, %parallel_loop3A_339 : vector<16xf32>
        %parallel_loop3A_341 = arith.subf %parallel_loop3A_331, %parallel_loop3A_340 : vector<16xf32>
        %parallel_loop3A_342 = vector.bitcast %parallel_loop3A_337 : vector<16xf32> to vector<16xi32>
        %parallel_loop3A_343 = arith.constant 4 : i32
        %parallel_loop3A_344 = vector.broadcast %parallel_loop3A_343 : i32 to vector<16xi32>
        %parallel_loop3A_345 = arith.shli %parallel_loop3A_342, %parallel_loop3A_344 : vector<16xi32>
        %parallel_loop3A_346 = arith.addi %parallel_loop3A_345, %add3A_135 : vector<16xi32>
        tpu.vector_store_idx %arg6[%parallel_loop3A_346], %broadcast_in_dim3A_1 {add = true} : memref<13056xf32, #tpu.memory_space<vmem>>[vector<16xi32>], vector<16xf32>,
        tpu.vector_store_idx %arg7[%parallel_loop3A_346], %parallel_loop3A_341 {add = true} : memref<13056xf32, #tpu.memory_space<vmem>>[vector<16xi32>], vector<16xf32>,
        %parallel_loop3A_347 = arith.constant 160 : i32
        %parallel_loop3A_348 = arith.addi %parallel_loop3A_146, %parallel_loop3A_347 : i32
        %parallel_loop3A_349 = arith.index_cast %parallel_loop3A_142 : i32 to index
        %parallel_loop3A_350 = arith.index_cast %parallel_loop3A_348 : i32 to index
        %parallel_loop3A_351 = tpu.vector_load %arg5[%parallel_loop3A_349, %parallel_loop3A_350] {strides = array<i32>} : memref<64x512xf32, #tpu.memory_space<vmem>>, vector<16xf32>,
        %parallel_loop3A_352 = arith.constant 5.000000e-01 : f32
        %parallel_loop3A_353 = vector.broadcast %parallel_loop3A_352 : f32 to vector<16xf32>
        %parallel_loop3A_354 = arith.addf %parallel_loop3A_351, %parallel_loop3A_353 : vector<16xf32>
        %parallel_loop3A_355 = arith.constant 0x4B000000 : f32
        %parallel_loop3A_356 = vector.broadcast %parallel_loop3A_355 : f32 to vector<16xf32>
        %parallel_loop3A_357 = arith.addf %parallel_loop3A_354, %parallel_loop3A_356 : vector<16xf32>
        %parallel_loop3A_358 = arith.constant 0x4B000001 : f32
        %parallel_loop3A_359 = vector.broadcast %parallel_loop3A_358 : f32 to vector<16xf32>
        %parallel_loop3A_360 = arith.subf %parallel_loop3A_357, %parallel_loop3A_359 : vector<16xf32>
        %parallel_loop3A_361 = arith.subf %parallel_loop3A_351, %parallel_loop3A_360 : vector<16xf32>
        %parallel_loop3A_362 = vector.bitcast %parallel_loop3A_357 : vector<16xf32> to vector<16xi32>
        %parallel_loop3A_363 = arith.constant 4 : i32
        %parallel_loop3A_364 = vector.broadcast %parallel_loop3A_363 : i32 to vector<16xi32>
        %parallel_loop3A_365 = arith.shli %parallel_loop3A_362, %parallel_loop3A_364 : vector<16xi32>
        %parallel_loop3A_366 = arith.addi %parallel_loop3A_365, %add3A_135 : vector<16xi32>
        tpu.vector_store_idx %arg6[%parallel_loop3A_366], %broadcast_in_dim3A_1 {add = true} : memref<13056xf32, #tpu.memory_space<vmem>>[vector<16xi32>], vector<16xf32>,
        tpu.vector_store_idx %arg7[%parallel_loop3A_366], %parallel_loop3A_361 {add = true} : memref<13056xf32, #tpu.memory_space<vmem>>[vector<16xi32>], vector<16xf32>,
        %parallel_loop3A_367 = arith.constant 176 : i32
        %parallel_loop3A_368 = arith.addi %parallel_loop3A_146, %parallel_loop3A_367 : i32
        %parallel_loop3A_369 = arith.index_cast %parallel_loop3A_142 : i32 to index
        %parallel_loop3A_370 = arith.index_cast %parallel_loop3A_368 : i32 to index
        %parallel_loop3A_371 = tpu.vector_load %arg5[%parallel_loop3A_369, %parallel_loop3A_370] {strides = array<i32>} : memref<64x512xf32, #tpu.memory_space<vmem>>, vector<16xf32>,
        %parallel_loop3A_372 = arith.constant 5.000000e-01 : f32
        %parallel_loop3A_373 = vector.broadcast %parallel_loop3A_372 : f32 to vector<16xf32>
        %parallel_loop3A_374 = arith.addf %parallel_loop3A_371, %parallel_loop3A_373 : vector<16xf32>
        %parallel_loop3A_375 = arith.constant 0x4B000000 : f32
        %parallel_loop3A_376 = vector.broadcast %parallel_loop3A_375 : f32 to vector<16xf32>
        %parallel_loop3A_377 = arith.addf %parallel_loop3A_374, %parallel_loop3A_376 : vector<16xf32>
        %parallel_loop3A_378 = arith.constant 0x4B000001 : f32
        %parallel_loop3A_379 = vector.broadcast %parallel_loop3A_378 : f32 to vector<16xf32>
        %parallel_loop3A_380 = arith.subf %parallel_loop3A_377, %parallel_loop3A_379 : vector<16xf32>
        %parallel_loop3A_381 = arith.subf %parallel_loop3A_371, %parallel_loop3A_380 : vector<16xf32>
        %parallel_loop3A_382 = vector.bitcast %parallel_loop3A_377 : vector<16xf32> to vector<16xi32>
        %parallel_loop3A_383 = arith.constant 4 : i32
        %parallel_loop3A_384 = vector.broadcast %parallel_loop3A_383 : i32 to vector<16xi32>
        %parallel_loop3A_385 = arith.shli %parallel_loop3A_382, %parallel_loop3A_384 : vector<16xi32>
        %parallel_loop3A_386 = arith.addi %parallel_loop3A_385, %add3A_135 : vector<16xi32>
        tpu.vector_store_idx %arg6[%parallel_loop3A_386], %broadcast_in_dim3A_1 {add = true} : memref<13056xf32, #tpu.memory_space<vmem>>[vector<16xi32>], vector<16xf32>,
        tpu.vector_store_idx %arg7[%parallel_loop3A_386], %parallel_loop3A_381 {add = true} : memref<13056xf32, #tpu.memory_space<vmem>>[vector<16xi32>], vector<16xf32>,
        %parallel_loop3A_387 = arith.constant 192 : i32
        %parallel_loop3A_388 = arith.addi %parallel_loop3A_146, %parallel_loop3A_387 : i32
        %parallel_loop3A_389 = arith.index_cast %parallel_loop3A_142 : i32 to index
        %parallel_loop3A_390 = arith.index_cast %parallel_loop3A_388 : i32 to index
        %parallel_loop3A_391 = tpu.vector_load %arg5[%parallel_loop3A_389, %parallel_loop3A_390] {strides = array<i32>} : memref<64x512xf32, #tpu.memory_space<vmem>>, vector<16xf32>,
        %parallel_loop3A_392 = arith.constant 5.000000e-01 : f32
        %parallel_loop3A_393 = vector.broadcast %parallel_loop3A_392 : f32 to vector<16xf32>
        %parallel_loop3A_394 = arith.addf %parallel_loop3A_391, %parallel_loop3A_393 : vector<16xf32>
        %parallel_loop3A_395 = arith.constant 0x4B000000 : f32
        %parallel_loop3A_396 = vector.broadcast %parallel_loop3A_395 : f32 to vector<16xf32>
        %parallel_loop3A_397 = arith.addf %parallel_loop3A_394, %parallel_loop3A_396 : vector<16xf32>
        %parallel_loop3A_398 = arith.constant 0x4B000001 : f32
        %parallel_loop3A_399 = vector.broadcast %parallel_loop3A_398 : f32 to vector<16xf32>
        %parallel_loop3A_400 = arith.subf %parallel_loop3A_397, %parallel_loop3A_399 : vector<16xf32>
        %parallel_loop3A_401 = arith.subf %parallel_loop3A_391, %parallel_loop3A_400 : vector<16xf32>
        %parallel_loop3A_402 = vector.bitcast %parallel_loop3A_397 : vector<16xf32> to vector<16xi32>
        %parallel_loop3A_403 = arith.constant 4 : i32
        %parallel_loop3A_404 = vector.broadcast %parallel_loop3A_403 : i32 to vector<16xi32>
        %parallel_loop3A_405 = arith.shli %parallel_loop3A_402, %parallel_loop3A_404 : vector<16xi32>
        %parallel_loop3A_406 = arith.addi %parallel_loop3A_405, %add3A_135 : vector<16xi32>
        tpu.vector_store_idx %arg6[%parallel_loop3A_406], %broadcast_in_dim3A_1 {add = true} : memref<13056xf32, #tpu.memory_space<vmem>>[vector<16xi32>], vector<16xf32>,
        tpu.vector_store_idx %arg7[%parallel_loop3A_406], %parallel_loop3A_401 {add = true} : memref<13056xf32, #tpu.memory_space<vmem>>[vector<16xi32>], vector<16xf32>,
        %parallel_loop3A_407 = arith.constant 208 : i32
        %parallel_loop3A_408 = arith.addi %parallel_loop3A_146, %parallel_loop3A_407 : i32
        %parallel_loop3A_409 = arith.index_cast %parallel_loop3A_142 : i32 to index
        %parallel_loop3A_410 = arith.index_cast %parallel_loop3A_408 : i32 to index
        %parallel_loop3A_411 = tpu.vector_load %arg5[%parallel_loop3A_409, %parallel_loop3A_410] {strides = array<i32>} : memref<64x512xf32, #tpu.memory_space<vmem>>, vector<16xf32>,
        %parallel_loop3A_412 = arith.constant 5.000000e-01 : f32
        %parallel_loop3A_413 = vector.broadcast %parallel_loop3A_412 : f32 to vector<16xf32>
        %parallel_loop3A_414 = arith.addf %parallel_loop3A_411, %parallel_loop3A_413 : vector<16xf32>
        %parallel_loop3A_415 = arith.constant 0x4B000000 : f32
        %parallel_loop3A_416 = vector.broadcast %parallel_loop3A_415 : f32 to vector<16xf32>
        %parallel_loop3A_417 = arith.addf %parallel_loop3A_414, %parallel_loop3A_416 : vector<16xf32>
        %parallel_loop3A_418 = arith.constant 0x4B000001 : f32
        %parallel_loop3A_419 = vector.broadcast %parallel_loop3A_418 : f32 to vector<16xf32>
        %parallel_loop3A_420 = arith.subf %parallel_loop3A_417, %parallel_loop3A_419 : vector<16xf32>
        %parallel_loop3A_421 = arith.subf %parallel_loop3A_411, %parallel_loop3A_420 : vector<16xf32>
        %parallel_loop3A_422 = vector.bitcast %parallel_loop3A_417 : vector<16xf32> to vector<16xi32>
        %parallel_loop3A_423 = arith.constant 4 : i32
        %parallel_loop3A_424 = vector.broadcast %parallel_loop3A_423 : i32 to vector<16xi32>
        %parallel_loop3A_425 = arith.shli %parallel_loop3A_422, %parallel_loop3A_424 : vector<16xi32>
        %parallel_loop3A_426 = arith.addi %parallel_loop3A_425, %add3A_135 : vector<16xi32>
        tpu.vector_store_idx %arg6[%parallel_loop3A_426], %broadcast_in_dim3A_1 {add = true} : memref<13056xf32, #tpu.memory_space<vmem>>[vector<16xi32>], vector<16xf32>,
        tpu.vector_store_idx %arg7[%parallel_loop3A_426], %parallel_loop3A_421 {add = true} : memref<13056xf32, #tpu.memory_space<vmem>>[vector<16xi32>], vector<16xf32>,
        %parallel_loop3A_427 = arith.constant 224 : i32
        %parallel_loop3A_428 = arith.addi %parallel_loop3A_146, %parallel_loop3A_427 : i32
        %parallel_loop3A_429 = arith.index_cast %parallel_loop3A_142 : i32 to index
        %parallel_loop3A_430 = arith.index_cast %parallel_loop3A_428 : i32 to index
        %parallel_loop3A_431 = tpu.vector_load %arg5[%parallel_loop3A_429, %parallel_loop3A_430] {strides = array<i32>} : memref<64x512xf32, #tpu.memory_space<vmem>>, vector<16xf32>,
        %parallel_loop3A_432 = arith.constant 5.000000e-01 : f32
        %parallel_loop3A_433 = vector.broadcast %parallel_loop3A_432 : f32 to vector<16xf32>
        %parallel_loop3A_434 = arith.addf %parallel_loop3A_431, %parallel_loop3A_433 : vector<16xf32>
        %parallel_loop3A_435 = arith.constant 0x4B000000 : f32
        %parallel_loop3A_436 = vector.broadcast %parallel_loop3A_435 : f32 to vector<16xf32>
        %parallel_loop3A_437 = arith.addf %parallel_loop3A_434, %parallel_loop3A_436 : vector<16xf32>
        %parallel_loop3A_438 = arith.constant 0x4B000001 : f32
        %parallel_loop3A_439 = vector.broadcast %parallel_loop3A_438 : f32 to vector<16xf32>
        %parallel_loop3A_440 = arith.subf %parallel_loop3A_437, %parallel_loop3A_439 : vector<16xf32>
        %parallel_loop3A_441 = arith.subf %parallel_loop3A_431, %parallel_loop3A_440 : vector<16xf32>
        %parallel_loop3A_442 = vector.bitcast %parallel_loop3A_437 : vector<16xf32> to vector<16xi32>
        %parallel_loop3A_443 = arith.constant 4 : i32
        %parallel_loop3A_444 = vector.broadcast %parallel_loop3A_443 : i32 to vector<16xi32>
        %parallel_loop3A_445 = arith.shli %parallel_loop3A_442, %parallel_loop3A_444 : vector<16xi32>
        %parallel_loop3A_446 = arith.addi %parallel_loop3A_445, %add3A_135 : vector<16xi32>
        tpu.vector_store_idx %arg6[%parallel_loop3A_446], %broadcast_in_dim3A_1 {add = true} : memref<13056xf32, #tpu.memory_space<vmem>>[vector<16xi32>], vector<16xf32>,
        tpu.vector_store_idx %arg7[%parallel_loop3A_446], %parallel_loop3A_441 {add = true} : memref<13056xf32, #tpu.memory_space<vmem>>[vector<16xi32>], vector<16xf32>,
        %parallel_loop3A_447 = arith.constant 240 : i32
        %parallel_loop3A_448 = arith.addi %parallel_loop3A_146, %parallel_loop3A_447 : i32
        %parallel_loop3A_449 = arith.index_cast %parallel_loop3A_142 : i32 to index
        %parallel_loop3A_450 = arith.index_cast %parallel_loop3A_448 : i32 to index
        %parallel_loop3A_451 = tpu.vector_load %arg5[%parallel_loop3A_449, %parallel_loop3A_450] {strides = array<i32>} : memref<64x512xf32, #tpu.memory_space<vmem>>, vector<16xf32>,
        %parallel_loop3A_452 = arith.constant 5.000000e-01 : f32
        %parallel_loop3A_453 = vector.broadcast %parallel_loop3A_452 : f32 to vector<16xf32>
        %parallel_loop3A_454 = arith.addf %parallel_loop3A_451, %parallel_loop3A_453 : vector<16xf32>
        %parallel_loop3A_455 = arith.constant 0x4B000000 : f32
        %parallel_loop3A_456 = vector.broadcast %parallel_loop3A_455 : f32 to vector<16xf32>
        %parallel_loop3A_457 = arith.addf %parallel_loop3A_454, %parallel_loop3A_456 : vector<16xf32>
        %parallel_loop3A_458 = arith.constant 0x4B000001 : f32
        %parallel_loop3A_459 = vector.broadcast %parallel_loop3A_458 : f32 to vector<16xf32>
        %parallel_loop3A_460 = arith.subf %parallel_loop3A_457, %parallel_loop3A_459 : vector<16xf32>
        %parallel_loop3A_461 = arith.subf %parallel_loop3A_451, %parallel_loop3A_460 : vector<16xf32>
        %parallel_loop3A_462 = vector.bitcast %parallel_loop3A_457 : vector<16xf32> to vector<16xi32>
        %parallel_loop3A_463 = arith.constant 4 : i32
        %parallel_loop3A_464 = vector.broadcast %parallel_loop3A_463 : i32 to vector<16xi32>
        %parallel_loop3A_465 = arith.shli %parallel_loop3A_462, %parallel_loop3A_464 : vector<16xi32>
        %parallel_loop3A_466 = arith.addi %parallel_loop3A_465, %add3A_135 : vector<16xi32>
        tpu.vector_store_idx %arg6[%parallel_loop3A_466], %broadcast_in_dim3A_1 {add = true} : memref<13056xf32, #tpu.memory_space<vmem>>[vector<16xi32>], vector<16xf32>,
        tpu.vector_store_idx %arg7[%parallel_loop3A_466], %parallel_loop3A_461 {add = true} : memref<13056xf32, #tpu.memory_space<vmem>>[vector<16xi32>], vector<16xf32>,
      } {sc.loop_unroll_factor = 1 : i64, sc.parallel_access}
      %scan3A_139 = arith.constant 0 : i32
      scf.yield %scan3A_139 : i32
    }
    %scan3A_30 = arith.constant 12 : i32
    %mul3A_31 = arith.constant 16 : i32
    %mul3A_32 = vector.broadcast %mul3A_31 : i32 to vector<16xi32>
    %mul3A_33 = arith.muli %iota3A, %mul3A_32 : vector<16xi32>
    %scan3A_34 = arith.constant 0 : i32
    %scan3A_35 = arith.constant 0 : i32
    %scan3A_36 = arith.constant 17 : i32
    %scan3A_37 = arith.addi %scan3A_35, %scan3A_36 : i32
    %scan3A_38 = arith.constant 1 : i32
    %scan3A_39 = scf.for %scan3A_78 = %scan3A_35 to %scan3A_37 step %scan3A_38 iter_args(%scan3A_79 = %scan3A_34) -> (i32)  : i32 {
      %mul3A_80 = arith.constant 16 : i32
      %mul3A_81 = arith.muli %scan3A_78, %mul3A_80 : i32
      %add3A_82 = arith.constant 0 : i32
      %add3A_83 = arith.addi %add3A_82, %mul3A_81 : i32
      %mul3A_84 = arith.constant 16 : i32
      %mul3A_85 = arith.muli %add3A_83, %mul3A_84 : i32
      %add3A_86 = vector.broadcast %mul3A_85 : i32 to vector<16xi32>
      %add3A_87 = arith.addi %add3A_86, %mul3A_33 : vector<16xi32>
      %add3A_88 = arith.constant 0 : i32
      %add3A_89 = vector.broadcast %add3A_88 : i32 to vector<16xi32>
      %add3A_90 = arith.addi %iota3A, %add3A_89 : vector<16xi32>
      %and3A_91 = arith.constant 15 : i32
      %and3A_92 = vector.broadcast %and3A_91 : i32 to vector<16xi32>
      %and3A_93 = arith.andi %add3A_90, %and3A_92 : vector<16xi32>
      %add3A_94 = arith.addi %add3A_87, %and3A_93 : vector<16xi32>
      %gather3A = tpu.vector_load_idx %arg6[%add3A_94] : memref<13056xf32, #tpu.memory_space<vmem>>[vector<16xi32>], vector<16xf32>,
      %add3A_95 = arith.addf %broadcast_in_dim3A_3, %gather3A : vector<16xf32>
      %add3A_96 = arith.addi %add3A_87, %and3A_93 : vector<16xi32>
      %gather3A_97 = tpu.vector_load_idx %arg7[%add3A_96] : memref<13056xf32, #tpu.memory_space<vmem>>[vector<16xi32>], vector<16xf32>,
      %add3A_98 = arith.addf %broadcast_in_dim3A_3, %gather3A_97 : vector<16xf32>
      %add3A_99 = arith.constant 1 : i32
      %add3A_100 = vector.broadcast %add3A_99 : i32 to vector<16xi32>
      %add3A_101 = arith.addi %iota3A, %add3A_100 : vector<16xi32>
      %and3A_102 = arith.constant 15 : i32
      %and3A_103 = vector.broadcast %and3A_102 : i32 to vector<16xi32>
      %and3A_104 = arith.andi %add3A_101, %and3A_103 : vector<16xi32>
      %add3A_105 = arith.addi %add3A_87, %and3A_104 : vector<16xi32>
      %gather3A_106 = tpu.vector_load_idx %arg6[%add3A_105] : memref<13056xf32, #tpu.memory_space<vmem>>[vector<16xi32>], vector<16xf32>,
      %add3A_107 = arith.addf %add3A_95, %gather3A_106 : vector<16xf32>
      %add3A_108 = arith.addi %add3A_87, %and3A_104 : vector<16xi32>
      %gather3A_109 = tpu.vector_load_idx %arg7[%add3A_108] : memref<13056xf32, #tpu.memory_space<vmem>>[vector<16xi32>], vector<16xf32>,
      %add3A_110 = arith.addf %add3A_98, %gather3A_109 : vector<16xf32>
      %add3A_111 = arith.constant 2 : i32
      %add3A_112 = vector.broadcast %add3A_111 : i32 to vector<16xi32>
      %add3A_113 = arith.addi %iota3A, %add3A_112 : vector<16xi32>
      %and3A_114 = arith.constant 15 : i32
      %and3A_115 = vector.broadcast %and3A_114 : i32 to vector<16xi32>
      %and3A_116 = arith.andi %add3A_113, %and3A_115 : vector<16xi32>
      %add3A_117 = arith.addi %add3A_87, %and3A_116 : vector<16xi32>
      %gather3A_118 = tpu.vector_load_idx %arg6[%add3A_117] : memref<13056xf32, #tpu.memory_space<vmem>>[vector<16xi32>], vector<16xf32>,
      %add3A_119 = arith.addf %add3A_107, %gather3A_118 : vector<16xf32>
      %add3A_120 = arith.addi %add3A_87, %and3A_116 : vector<16xi32>
      %gather3A_121 = tpu.vector_load_idx %arg7[%add3A_120] : memref<13056xf32, #tpu.memory_space<vmem>>[vector<16xi32>], vector<16xf32>,
      %add3A_122 = arith.addf %add3A_110, %gather3A_121 : vector<16xf32>
      %add3A_123 = arith.constant 3 : i32
      %add3A_124 = vector.broadcast %add3A_123 : i32 to vector<16xi32>
      %add3A_125 = arith.addi %iota3A, %add3A_124 : vector<16xi32>
      %and3A_126 = arith.constant 15 : i32
      %and3A_127 = vector.broadcast %and3A_126 : i32 to vector<16xi32>
      %and3A_128 = arith.andi %add3A_125, %and3A_127 : vector<16xi32>
      %add3A_129 = arith.addi %add3A_87, %and3A_128 : vector<16xi32>
      %gather3A_130 = tpu.vector_load_idx %arg6[%add3A_129] : memref<13056xf32, #tpu.memory_space<vmem>>[vector<16xi32>], vector<16xf32>,
      %add3A_131 = arith.addf %add3A_119, %gather3A_130 : vector<16xf32>
      %add3A_132 = arith.addi %add3A_87, %and3A_128 : vector<16xi32>
      %gather3A_133 = tpu.vector_load_idx %arg7[%add3A_132] : memref<13056xf32, #tpu.memory_space<vmem>>[vector<16xi32>], vector<16xf32>,
      %add3A_134 = arith.addf %add3A_122, %gather3A_133 : vector<16xf32>
      %add3A_135 = arith.constant 4 : i32
      %add3A_136 = vector.broadcast %add3A_135 : i32 to vector<16xi32>
      %add3A_137 = arith.addi %iota3A, %add3A_136 : vector<16xi32>
      %and3A_138 = arith.constant 15 : i32
      %and3A_139 = vector.broadcast %and3A_138 : i32 to vector<16xi32>
      %and3A_140 = arith.andi %add3A_137, %and3A_139 : vector<16xi32>
      %add3A_141 = arith.addi %add3A_87, %and3A_140 : vector<16xi32>
      %gather3A_142 = tpu.vector_load_idx %arg6[%add3A_141] : memref<13056xf32, #tpu.memory_space<vmem>>[vector<16xi32>], vector<16xf32>,
      %add3A_143 = arith.addf %add3A_131, %gather3A_142 : vector<16xf32>
      %add3A_144 = arith.addi %add3A_87, %and3A_140 : vector<16xi32>
      %gather3A_145 = tpu.vector_load_idx %arg7[%add3A_144] : memref<13056xf32, #tpu.memory_space<vmem>>[vector<16xi32>], vector<16xf32>,
      %add3A_146 = arith.addf %add3A_134, %gather3A_145 : vector<16xf32>
      %add3A_147 = arith.constant 5 : i32
      %add3A_148 = vector.broadcast %add3A_147 : i32 to vector<16xi32>
      %add3A_149 = arith.addi %iota3A, %add3A_148 : vector<16xi32>
      %and3A_150 = arith.constant 15 : i32
      %and3A_151 = vector.broadcast %and3A_150 : i32 to vector<16xi32>
      %and3A_152 = arith.andi %add3A_149, %and3A_151 : vector<16xi32>
      %add3A_153 = arith.addi %add3A_87, %and3A_152 : vector<16xi32>
      %gather3A_154 = tpu.vector_load_idx %arg6[%add3A_153] : memref<13056xf32, #tpu.memory_space<vmem>>[vector<16xi32>], vector<16xf32>,
      %add3A_155 = arith.addf %add3A_143, %gather3A_154 : vector<16xf32>
      %add3A_156 = arith.addi %add3A_87, %and3A_152 : vector<16xi32>
      %gather3A_157 = tpu.vector_load_idx %arg7[%add3A_156] : memref<13056xf32, #tpu.memory_space<vmem>>[vector<16xi32>], vector<16xf32>,
      %add3A_158 = arith.addf %add3A_146, %gather3A_157 : vector<16xf32>
      %add3A_159 = arith.constant 6 : i32
      %add3A_160 = vector.broadcast %add3A_159 : i32 to vector<16xi32>
      %add3A_161 = arith.addi %iota3A, %add3A_160 : vector<16xi32>
      %and3A_162 = arith.constant 15 : i32
      %and3A_163 = vector.broadcast %and3A_162 : i32 to vector<16xi32>
      %and3A_164 = arith.andi %add3A_161, %and3A_163 : vector<16xi32>
      %add3A_165 = arith.addi %add3A_87, %and3A_164 : vector<16xi32>
      %gather3A_166 = tpu.vector_load_idx %arg6[%add3A_165] : memref<13056xf32, #tpu.memory_space<vmem>>[vector<16xi32>], vector<16xf32>,
      %add3A_167 = arith.addf %add3A_155, %gather3A_166 : vector<16xf32>
      %add3A_168 = arith.addi %add3A_87, %and3A_164 : vector<16xi32>
      %gather3A_169 = tpu.vector_load_idx %arg7[%add3A_168] : memref<13056xf32, #tpu.memory_space<vmem>>[vector<16xi32>], vector<16xf32>,
      %add3A_170 = arith.addf %add3A_158, %gather3A_169 : vector<16xf32>
      %add3A_171 = arith.constant 7 : i32
      %add3A_172 = vector.broadcast %add3A_171 : i32 to vector<16xi32>
      %add3A_173 = arith.addi %iota3A, %add3A_172 : vector<16xi32>
      %and3A_174 = arith.constant 15 : i32
      %and3A_175 = vector.broadcast %and3A_174 : i32 to vector<16xi32>
      %and3A_176 = arith.andi %add3A_173, %and3A_175 : vector<16xi32>
      %add3A_177 = arith.addi %add3A_87, %and3A_176 : vector<16xi32>
      %gather3A_178 = tpu.vector_load_idx %arg6[%add3A_177] : memref<13056xf32, #tpu.memory_space<vmem>>[vector<16xi32>], vector<16xf32>,
      %add3A_179 = arith.addf %add3A_167, %gather3A_178 : vector<16xf32>
      %add3A_180 = arith.addi %add3A_87, %and3A_176 : vector<16xi32>
      %gather3A_181 = tpu.vector_load_idx %arg7[%add3A_180] : memref<13056xf32, #tpu.memory_space<vmem>>[vector<16xi32>], vector<16xf32>,
      %add3A_182 = arith.addf %add3A_170, %gather3A_181 : vector<16xf32>
      %add3A_183 = arith.constant 8 : i32
      %add3A_184 = vector.broadcast %add3A_183 : i32 to vector<16xi32>
      %add3A_185 = arith.addi %iota3A, %add3A_184 : vector<16xi32>
      %and3A_186 = arith.constant 15 : i32
      %and3A_187 = vector.broadcast %and3A_186 : i32 to vector<16xi32>
      %and3A_188 = arith.andi %add3A_185, %and3A_187 : vector<16xi32>
      %add3A_189 = arith.addi %add3A_87, %and3A_188 : vector<16xi32>
      %gather3A_190 = tpu.vector_load_idx %arg6[%add3A_189] : memref<13056xf32, #tpu.memory_space<vmem>>[vector<16xi32>], vector<16xf32>,
      %add3A_191 = arith.addf %add3A_179, %gather3A_190 : vector<16xf32>
      %add3A_192 = arith.addi %add3A_87, %and3A_188 : vector<16xi32>
      %gather3A_193 = tpu.vector_load_idx %arg7[%add3A_192] : memref<13056xf32, #tpu.memory_space<vmem>>[vector<16xi32>], vector<16xf32>,
      %add3A_194 = arith.addf %add3A_182, %gather3A_193 : vector<16xf32>
      %add3A_195 = arith.constant 9 : i32
      %add3A_196 = vector.broadcast %add3A_195 : i32 to vector<16xi32>
      %add3A_197 = arith.addi %iota3A, %add3A_196 : vector<16xi32>
      %and3A_198 = arith.constant 15 : i32
      %and3A_199 = vector.broadcast %and3A_198 : i32 to vector<16xi32>
      %and3A_200 = arith.andi %add3A_197, %and3A_199 : vector<16xi32>
      %add3A_201 = arith.addi %add3A_87, %and3A_200 : vector<16xi32>
      %gather3A_202 = tpu.vector_load_idx %arg6[%add3A_201] : memref<13056xf32, #tpu.memory_space<vmem>>[vector<16xi32>], vector<16xf32>,
      %add3A_203 = arith.addf %add3A_191, %gather3A_202 : vector<16xf32>
      %add3A_204 = arith.addi %add3A_87, %and3A_200 : vector<16xi32>
      %gather3A_205 = tpu.vector_load_idx %arg7[%add3A_204] : memref<13056xf32, #tpu.memory_space<vmem>>[vector<16xi32>], vector<16xf32>,
      %add3A_206 = arith.addf %add3A_194, %gather3A_205 : vector<16xf32>
      %add3A_207 = arith.constant 10 : i32
      %add3A_208 = vector.broadcast %add3A_207 : i32 to vector<16xi32>
      %add3A_209 = arith.addi %iota3A, %add3A_208 : vector<16xi32>
      %and3A_210 = arith.constant 15 : i32
      %and3A_211 = vector.broadcast %and3A_210 : i32 to vector<16xi32>
      %and3A_212 = arith.andi %add3A_209, %and3A_211 : vector<16xi32>
      %add3A_213 = arith.addi %add3A_87, %and3A_212 : vector<16xi32>
      %gather3A_214 = tpu.vector_load_idx %arg6[%add3A_213] : memref<13056xf32, #tpu.memory_space<vmem>>[vector<16xi32>], vector<16xf32>,
      %add3A_215 = arith.addf %add3A_203, %gather3A_214 : vector<16xf32>
      %add3A_216 = arith.addi %add3A_87, %and3A_212 : vector<16xi32>
      %gather3A_217 = tpu.vector_load_idx %arg7[%add3A_216] : memref<13056xf32, #tpu.memory_space<vmem>>[vector<16xi32>], vector<16xf32>,
      %add3A_218 = arith.addf %add3A_206, %gather3A_217 : vector<16xf32>
      %add3A_219 = arith.constant 11 : i32
      %add3A_220 = vector.broadcast %add3A_219 : i32 to vector<16xi32>
      %add3A_221 = arith.addi %iota3A, %add3A_220 : vector<16xi32>
      %and3A_222 = arith.constant 15 : i32
      %and3A_223 = vector.broadcast %and3A_222 : i32 to vector<16xi32>
      %and3A_224 = arith.andi %add3A_221, %and3A_223 : vector<16xi32>
      %add3A_225 = arith.addi %add3A_87, %and3A_224 : vector<16xi32>
      %gather3A_226 = tpu.vector_load_idx %arg6[%add3A_225] : memref<13056xf32, #tpu.memory_space<vmem>>[vector<16xi32>], vector<16xf32>,
      %add3A_227 = arith.addf %add3A_215, %gather3A_226 : vector<16xf32>
      %add3A_228 = arith.addi %add3A_87, %and3A_224 : vector<16xi32>
      %gather3A_229 = tpu.vector_load_idx %arg7[%add3A_228] : memref<13056xf32, #tpu.memory_space<vmem>>[vector<16xi32>], vector<16xf32>,
      %add3A_230 = arith.addf %add3A_218, %gather3A_229 : vector<16xf32>
      %add3A_231 = arith.constant 12 : i32
      %add3A_232 = vector.broadcast %add3A_231 : i32 to vector<16xi32>
      %add3A_233 = arith.addi %iota3A, %add3A_232 : vector<16xi32>
      %and3A_234 = arith.constant 15 : i32
      %and3A_235 = vector.broadcast %and3A_234 : i32 to vector<16xi32>
      %and3A_236 = arith.andi %add3A_233, %and3A_235 : vector<16xi32>
      %add3A_237 = arith.addi %add3A_87, %and3A_236 : vector<16xi32>
      %gather3A_238 = tpu.vector_load_idx %arg6[%add3A_237] : memref<13056xf32, #tpu.memory_space<vmem>>[vector<16xi32>], vector<16xf32>,
      %add3A_239 = arith.addf %add3A_227, %gather3A_238 : vector<16xf32>
      %add3A_240 = arith.addi %add3A_87, %and3A_236 : vector<16xi32>
      %gather3A_241 = tpu.vector_load_idx %arg7[%add3A_240] : memref<13056xf32, #tpu.memory_space<vmem>>[vector<16xi32>], vector<16xf32>,
      %add3A_242 = arith.addf %add3A_230, %gather3A_241 : vector<16xf32>
      %add3A_243 = arith.constant 13 : i32
      %add3A_244 = vector.broadcast %add3A_243 : i32 to vector<16xi32>
      %add3A_245 = arith.addi %iota3A, %add3A_244 : vector<16xi32>
      %and3A_246 = arith.constant 15 : i32
      %and3A_247 = vector.broadcast %and3A_246 : i32 to vector<16xi32>
      %and3A_248 = arith.andi %add3A_245, %and3A_247 : vector<16xi32>
      %add3A_249 = arith.addi %add3A_87, %and3A_248 : vector<16xi32>
      %gather3A_250 = tpu.vector_load_idx %arg6[%add3A_249] : memref<13056xf32, #tpu.memory_space<vmem>>[vector<16xi32>], vector<16xf32>,
      %add3A_251 = arith.addf %add3A_239, %gather3A_250 : vector<16xf32>
      %add3A_252 = arith.addi %add3A_87, %and3A_248 : vector<16xi32>
      %gather3A_253 = tpu.vector_load_idx %arg7[%add3A_252] : memref<13056xf32, #tpu.memory_space<vmem>>[vector<16xi32>], vector<16xf32>,
      %add3A_254 = arith.addf %add3A_242, %gather3A_253 : vector<16xf32>
      %add3A_255 = arith.constant 14 : i32
      %add3A_256 = vector.broadcast %add3A_255 : i32 to vector<16xi32>
      %add3A_257 = arith.addi %iota3A, %add3A_256 : vector<16xi32>
      %and3A_258 = arith.constant 15 : i32
      %and3A_259 = vector.broadcast %and3A_258 : i32 to vector<16xi32>
      %and3A_260 = arith.andi %add3A_257, %and3A_259 : vector<16xi32>
      %add3A_261 = arith.addi %add3A_87, %and3A_260 : vector<16xi32>
      %gather3A_262 = tpu.vector_load_idx %arg6[%add3A_261] : memref<13056xf32, #tpu.memory_space<vmem>>[vector<16xi32>], vector<16xf32>,
      %add3A_263 = arith.addf %add3A_251, %gather3A_262 : vector<16xf32>
      %add3A_264 = arith.addi %add3A_87, %and3A_260 : vector<16xi32>
      %gather3A_265 = tpu.vector_load_idx %arg7[%add3A_264] : memref<13056xf32, #tpu.memory_space<vmem>>[vector<16xi32>], vector<16xf32>,
      %add3A_266 = arith.addf %add3A_254, %gather3A_265 : vector<16xf32>
      %add3A_267 = arith.constant 15 : i32
      %add3A_268 = vector.broadcast %add3A_267 : i32 to vector<16xi32>
      %add3A_269 = arith.addi %iota3A, %add3A_268 : vector<16xi32>
      %and3A_270 = arith.constant 15 : i32
      %and3A_271 = vector.broadcast %and3A_270 : i32 to vector<16xi32>
      %and3A_272 = arith.andi %add3A_269, %and3A_271 : vector<16xi32>
      %add3A_273 = arith.addi %add3A_87, %and3A_272 : vector<16xi32>
      %gather3A_274 = tpu.vector_load_idx %arg6[%add3A_273] : memref<13056xf32, #tpu.memory_space<vmem>>[vector<16xi32>], vector<16xf32>,
      %add3A_275 = arith.addf %add3A_263, %gather3A_274 : vector<16xf32>
      %add3A_276 = arith.addi %add3A_87, %and3A_272 : vector<16xi32>
      %gather3A_277 = tpu.vector_load_idx %arg7[%add3A_276] : memref<13056xf32, #tpu.memory_space<vmem>>[vector<16xi32>], vector<16xf32>,
      %add3A_278 = arith.addf %add3A_266, %gather3A_277 : vector<16xf32>
      %mul3A_279 = arith.constant 16 : i32
      %mul3A_280 = arith.muli %scan3A_78, %mul3A_279 : i32
      %swap3A = arith.index_cast %mul3A_280 : i32 to index
      %swap3A_281 = tpu.vector_load %arg8[%swap3A] {strides = array<i32>} : memref<288xf32, #tpu.memory_space<vmem>>, vector<16xf32>,
      tpu.vector_store %arg8[%swap3A], %add3A_275 {strides = array<i32>} : memref<288xf32, #tpu.memory_space<vmem>>, vector<16xf32>,
      %mul3A_282 = arith.constant 16 : i32
      %mul3A_283 = arith.muli %scan3A_78, %mul3A_282 : i32
      %swap3A_284 = arith.index_cast %mul3A_283 : i32 to index
      %swap3A_285 = tpu.vector_load %arg9[%swap3A_284] {strides = array<i32>} : memref<288xf32, #tpu.memory_space<vmem>>, vector<16xf32>,
      tpu.vector_store %arg9[%swap3A_284], %add3A_278 {strides = array<i32>} : memref<288xf32, #tpu.memory_space<vmem>>, vector<16xf32>,
      %scan3A_286 = arith.constant 0 : i32
      scf.yield %scan3A_286 : i32
    }
    %scan3A_40 = arith.constant 17 : i32
    %scan3A_41 = arith.constant 0 : i32
    %scan3A_42 = arith.constant 0 : i32
    %scan3A_43 = arith.constant 16 : i32
    %scan3A_44 = arith.addi %scan3A_42, %scan3A_43 : i32
    %scan3A_45 = arith.constant 1 : i32
    %scan3A_46 = scf.for %scan3A_78 = %scan3A_42 to %scan3A_44 step %scan3A_45 iter_args(%scan3A_79 = %scan3A_41) -> (i32)  : i32 {
      %mul3A_80 = arith.constant 16 : i32
      %mul3A_81 = arith.muli %scan3A_78, %mul3A_80 : i32
      %add3A_82 = arith.constant 1 : i32
      %add3A_83 = arith.addi %mul3A_81, %add3A_82 : i32
      %add3A_84 = vector.broadcast %add3A_83 : i32 to vector<16xi32>
      %add3A_85 = arith.addi %add3A_84, %iota3A : vector<16xi32>
      %gather3A = tpu.vector_load_idx %arg8[%add3A_85] : memref<288xf32, #tpu.memory_space<vmem>>[vector<16xi32>], vector<16xf32>,
      %gather3A_86 = tpu.vector_load_idx %arg9[%add3A_85] : memref<288xf32, #tpu.memory_space<vmem>>[vector<16xi32>], vector<16xf32>,
      %mul3A_87 = arith.constant 16 : i32
      %mul3A_88 = arith.muli %scan3A_78, %mul3A_87 : i32
      %get3A = arith.index_cast %mul3A_88 : i32 to index
      %get3A_89 = tpu.vector_load %arg9[%get3A] {strides = array<i32>} : memref<288xf32, #tpu.memory_space<vmem>>, vector<16xf32>,
      %sub3A = arith.subf %gather3A, %gather3A_86 : vector<16xf32>
      %add3A_90 = arith.addf %sub3A, %get3A_89 : vector<16xf32>
      %mul3A_91 = arith.constant 16 : i32
      %mul3A_92 = arith.muli %scan3A_78, %mul3A_91 : i32
      %add3A_93 = arith.constant 0 : i32
      %add3A_94 = arith.addi %add3A_93, %mul3A_92 : i32
      %swap3A = arith.index_cast %add3A_94 : i32 to index
      %swap3A_95 = tpu.vector_load %arg10[%swap3A] {strides = array<i32>} : memref<768xf32, #tpu.memory_space<vmem>>, vector<16xf32>,
      tpu.vector_store %arg10[%swap3A], %add3A_90 {strides = array<i32>} : memref<768xf32, #tpu.memory_space<vmem>>, vector<16xf32>,
      %scan3A_96 = arith.constant 0 : i32
      scf.yield %scan3A_96 : i32
    }
    %scan3A_47 = arith.constant 16 : i32
    %scan3A_48 = arith.constant 0 : i32
    %scan3A_49 = arith.constant 0 : i32
    %scan3A_50 = arith.constant 17 : i32
    %scan3A_51 = arith.addi %scan3A_49, %scan3A_50 : i32
    %scan3A_52 = arith.constant 1 : i32
    %scan3A_53 = scf.for %scan3A_78 = %scan3A_49 to %scan3A_51 step %scan3A_52 iter_args(%scan3A_79 = %scan3A_48) -> (i32)  : i32 {
      %mul3A_80 = arith.constant 16 : i32
      %mul3A_81 = arith.muli %scan3A_78, %mul3A_80 : i32
      %add3A_82 = arith.constant 272 : i32
      %add3A_83 = arith.addi %add3A_82, %mul3A_81 : i32
      %mul3A_84 = arith.constant 16 : i32
      %mul3A_85 = arith.muli %add3A_83, %mul3A_84 : i32
      %add3A_86 = vector.broadcast %mul3A_85 : i32 to vector<16xi32>
      %add3A_87 = arith.addi %add3A_86, %mul3A_33 : vector<16xi32>
      %add3A_88 = arith.constant 0 : i32
      %add3A_89 = vector.broadcast %add3A_88 : i32 to vector<16xi32>
      %add3A_90 = arith.addi %iota3A, %add3A_89 : vector<16xi32>
      %and3A_91 = arith.constant 15 : i32
      %and3A_92 = vector.broadcast %and3A_91 : i32 to vector<16xi32>
      %and3A_93 = arith.andi %add3A_90, %and3A_92 : vector<16xi32>
      %add3A_94 = arith.addi %add3A_87, %and3A_93 : vector<16xi32>
      %gather3A = tpu.vector_load_idx %arg6[%add3A_94] : memref<13056xf32, #tpu.memory_space<vmem>>[vector<16xi32>], vector<16xf32>,
      %add3A_95 = arith.addf %broadcast_in_dim3A_3, %gather3A : vector<16xf32>
      %add3A_96 = arith.addi %add3A_87, %and3A_93 : vector<16xi32>
      %gather3A_97 = tpu.vector_load_idx %arg7[%add3A_96] : memref<13056xf32, #tpu.memory_space<vmem>>[vector<16xi32>], vector<16xf32>,
      %add3A_98 = arith.addf %broadcast_in_dim3A_3, %gather3A_97 : vector<16xf32>
      %add3A_99 = arith.constant 1 : i32
      %add3A_100 = vector.broadcast %add3A_99 : i32 to vector<16xi32>
      %add3A_101 = arith.addi %iota3A, %add3A_100 : vector<16xi32>
      %and3A_102 = arith.constant 15 : i32
      %and3A_103 = vector.broadcast %and3A_102 : i32 to vector<16xi32>
      %and3A_104 = arith.andi %add3A_101, %and3A_103 : vector<16xi32>
      %add3A_105 = arith.addi %add3A_87, %and3A_104 : vector<16xi32>
      %gather3A_106 = tpu.vector_load_idx %arg6[%add3A_105] : memref<13056xf32, #tpu.memory_space<vmem>>[vector<16xi32>], vector<16xf32>,
      %add3A_107 = arith.addf %add3A_95, %gather3A_106 : vector<16xf32>
      %add3A_108 = arith.addi %add3A_87, %and3A_104 : vector<16xi32>
      %gather3A_109 = tpu.vector_load_idx %arg7[%add3A_108] : memref<13056xf32, #tpu.memory_space<vmem>>[vector<16xi32>], vector<16xf32>,
      %add3A_110 = arith.addf %add3A_98, %gather3A_109 : vector<16xf32>
      %add3A_111 = arith.constant 2 : i32
      %add3A_112 = vector.broadcast %add3A_111 : i32 to vector<16xi32>
      %add3A_113 = arith.addi %iota3A, %add3A_112 : vector<16xi32>
      %and3A_114 = arith.constant 15 : i32
      %and3A_115 = vector.broadcast %and3A_114 : i32 to vector<16xi32>
      %and3A_116 = arith.andi %add3A_113, %and3A_115 : vector<16xi32>
      %add3A_117 = arith.addi %add3A_87, %and3A_116 : vector<16xi32>
      %gather3A_118 = tpu.vector_load_idx %arg6[%add3A_117] : memref<13056xf32, #tpu.memory_space<vmem>>[vector<16xi32>], vector<16xf32>,
      %add3A_119 = arith.addf %add3A_107, %gather3A_118 : vector<16xf32>
      %add3A_120 = arith.addi %add3A_87, %and3A_116 : vector<16xi32>
      %gather3A_121 = tpu.vector_load_idx %arg7[%add3A_120] : memref<13056xf32, #tpu.memory_space<vmem>>[vector<16xi32>], vector<16xf32>,
      %add3A_122 = arith.addf %add3A_110, %gather3A_121 : vector<16xf32>
      %add3A_123 = arith.constant 3 : i32
      %add3A_124 = vector.broadcast %add3A_123 : i32 to vector<16xi32>
      %add3A_125 = arith.addi %iota3A, %add3A_124 : vector<16xi32>
      %and3A_126 = arith.constant 15 : i32
      %and3A_127 = vector.broadcast %and3A_126 : i32 to vector<16xi32>
      %and3A_128 = arith.andi %add3A_125, %and3A_127 : vector<16xi32>
      %add3A_129 = arith.addi %add3A_87, %and3A_128 : vector<16xi32>
      %gather3A_130 = tpu.vector_load_idx %arg6[%add3A_129] : memref<13056xf32, #tpu.memory_space<vmem>>[vector<16xi32>], vector<16xf32>,
      %add3A_131 = arith.addf %add3A_119, %gather3A_130 : vector<16xf32>
      %add3A_132 = arith.addi %add3A_87, %and3A_128 : vector<16xi32>
      %gather3A_133 = tpu.vector_load_idx %arg7[%add3A_132] : memref<13056xf32, #tpu.memory_space<vmem>>[vector<16xi32>], vector<16xf32>,
      %add3A_134 = arith.addf %add3A_122, %gather3A_133 : vector<16xf32>
      %add3A_135 = arith.constant 4 : i32
      %add3A_136 = vector.broadcast %add3A_135 : i32 to vector<16xi32>
      %add3A_137 = arith.addi %iota3A, %add3A_136 : vector<16xi32>
      %and3A_138 = arith.constant 15 : i32
      %and3A_139 = vector.broadcast %and3A_138 : i32 to vector<16xi32>
      %and3A_140 = arith.andi %add3A_137, %and3A_139 : vector<16xi32>
      %add3A_141 = arith.addi %add3A_87, %and3A_140 : vector<16xi32>
      %gather3A_142 = tpu.vector_load_idx %arg6[%add3A_141] : memref<13056xf32, #tpu.memory_space<vmem>>[vector<16xi32>], vector<16xf32>,
      %add3A_143 = arith.addf %add3A_131, %gather3A_142 : vector<16xf32>
      %add3A_144 = arith.addi %add3A_87, %and3A_140 : vector<16xi32>
      %gather3A_145 = tpu.vector_load_idx %arg7[%add3A_144] : memref<13056xf32, #tpu.memory_space<vmem>>[vector<16xi32>], vector<16xf32>,
      %add3A_146 = arith.addf %add3A_134, %gather3A_145 : vector<16xf32>
      %add3A_147 = arith.constant 5 : i32
      %add3A_148 = vector.broadcast %add3A_147 : i32 to vector<16xi32>
      %add3A_149 = arith.addi %iota3A, %add3A_148 : vector<16xi32>
      %and3A_150 = arith.constant 15 : i32
      %and3A_151 = vector.broadcast %and3A_150 : i32 to vector<16xi32>
      %and3A_152 = arith.andi %add3A_149, %and3A_151 : vector<16xi32>
      %add3A_153 = arith.addi %add3A_87, %and3A_152 : vector<16xi32>
      %gather3A_154 = tpu.vector_load_idx %arg6[%add3A_153] : memref<13056xf32, #tpu.memory_space<vmem>>[vector<16xi32>], vector<16xf32>,
      %add3A_155 = arith.addf %add3A_143, %gather3A_154 : vector<16xf32>
      %add3A_156 = arith.addi %add3A_87, %and3A_152 : vector<16xi32>
      %gather3A_157 = tpu.vector_load_idx %arg7[%add3A_156] : memref<13056xf32, #tpu.memory_space<vmem>>[vector<16xi32>], vector<16xf32>,
      %add3A_158 = arith.addf %add3A_146, %gather3A_157 : vector<16xf32>
      %add3A_159 = arith.constant 6 : i32
      %add3A_160 = vector.broadcast %add3A_159 : i32 to vector<16xi32>
      %add3A_161 = arith.addi %iota3A, %add3A_160 : vector<16xi32>
      %and3A_162 = arith.constant 15 : i32
      %and3A_163 = vector.broadcast %and3A_162 : i32 to vector<16xi32>
      %and3A_164 = arith.andi %add3A_161, %and3A_163 : vector<16xi32>
      %add3A_165 = arith.addi %add3A_87, %and3A_164 : vector<16xi32>
      %gather3A_166 = tpu.vector_load_idx %arg6[%add3A_165] : memref<13056xf32, #tpu.memory_space<vmem>>[vector<16xi32>], vector<16xf32>,
      %add3A_167 = arith.addf %add3A_155, %gather3A_166 : vector<16xf32>
      %add3A_168 = arith.addi %add3A_87, %and3A_164 : vector<16xi32>
      %gather3A_169 = tpu.vector_load_idx %arg7[%add3A_168] : memref<13056xf32, #tpu.memory_space<vmem>>[vector<16xi32>], vector<16xf32>,
      %add3A_170 = arith.addf %add3A_158, %gather3A_169 : vector<16xf32>
      %add3A_171 = arith.constant 7 : i32
      %add3A_172 = vector.broadcast %add3A_171 : i32 to vector<16xi32>
      %add3A_173 = arith.addi %iota3A, %add3A_172 : vector<16xi32>
      %and3A_174 = arith.constant 15 : i32
      %and3A_175 = vector.broadcast %and3A_174 : i32 to vector<16xi32>
      %and3A_176 = arith.andi %add3A_173, %and3A_175 : vector<16xi32>
      %add3A_177 = arith.addi %add3A_87, %and3A_176 : vector<16xi32>
      %gather3A_178 = tpu.vector_load_idx %arg6[%add3A_177] : memref<13056xf32, #tpu.memory_space<vmem>>[vector<16xi32>], vector<16xf32>,
      %add3A_179 = arith.addf %add3A_167, %gather3A_178 : vector<16xf32>
      %add3A_180 = arith.addi %add3A_87, %and3A_176 : vector<16xi32>
      %gather3A_181 = tpu.vector_load_idx %arg7[%add3A_180] : memref<13056xf32, #tpu.memory_space<vmem>>[vector<16xi32>], vector<16xf32>,
      %add3A_182 = arith.addf %add3A_170, %gather3A_181 : vector<16xf32>
      %add3A_183 = arith.constant 8 : i32
      %add3A_184 = vector.broadcast %add3A_183 : i32 to vector<16xi32>
      %add3A_185 = arith.addi %iota3A, %add3A_184 : vector<16xi32>
      %and3A_186 = arith.constant 15 : i32
      %and3A_187 = vector.broadcast %and3A_186 : i32 to vector<16xi32>
      %and3A_188 = arith.andi %add3A_185, %and3A_187 : vector<16xi32>
      %add3A_189 = arith.addi %add3A_87, %and3A_188 : vector<16xi32>
      %gather3A_190 = tpu.vector_load_idx %arg6[%add3A_189] : memref<13056xf32, #tpu.memory_space<vmem>>[vector<16xi32>], vector<16xf32>,
      %add3A_191 = arith.addf %add3A_179, %gather3A_190 : vector<16xf32>
      %add3A_192 = arith.addi %add3A_87, %and3A_188 : vector<16xi32>
      %gather3A_193 = tpu.vector_load_idx %arg7[%add3A_192] : memref<13056xf32, #tpu.memory_space<vmem>>[vector<16xi32>], vector<16xf32>,
      %add3A_194 = arith.addf %add3A_182, %gather3A_193 : vector<16xf32>
      %add3A_195 = arith.constant 9 : i32
      %add3A_196 = vector.broadcast %add3A_195 : i32 to vector<16xi32>
      %add3A_197 = arith.addi %iota3A, %add3A_196 : vector<16xi32>
      %and3A_198 = arith.constant 15 : i32
      %and3A_199 = vector.broadcast %and3A_198 : i32 to vector<16xi32>
      %and3A_200 = arith.andi %add3A_197, %and3A_199 : vector<16xi32>
      %add3A_201 = arith.addi %add3A_87, %and3A_200 : vector<16xi32>
      %gather3A_202 = tpu.vector_load_idx %arg6[%add3A_201] : memref<13056xf32, #tpu.memory_space<vmem>>[vector<16xi32>], vector<16xf32>,
      %add3A_203 = arith.addf %add3A_191, %gather3A_202 : vector<16xf32>
      %add3A_204 = arith.addi %add3A_87, %and3A_200 : vector<16xi32>
      %gather3A_205 = tpu.vector_load_idx %arg7[%add3A_204] : memref<13056xf32, #tpu.memory_space<vmem>>[vector<16xi32>], vector<16xf32>,
      %add3A_206 = arith.addf %add3A_194, %gather3A_205 : vector<16xf32>
      %add3A_207 = arith.constant 10 : i32
      %add3A_208 = vector.broadcast %add3A_207 : i32 to vector<16xi32>
      %add3A_209 = arith.addi %iota3A, %add3A_208 : vector<16xi32>
      %and3A_210 = arith.constant 15 : i32
      %and3A_211 = vector.broadcast %and3A_210 : i32 to vector<16xi32>
      %and3A_212 = arith.andi %add3A_209, %and3A_211 : vector<16xi32>
      %add3A_213 = arith.addi %add3A_87, %and3A_212 : vector<16xi32>
      %gather3A_214 = tpu.vector_load_idx %arg6[%add3A_213] : memref<13056xf32, #tpu.memory_space<vmem>>[vector<16xi32>], vector<16xf32>,
      %add3A_215 = arith.addf %add3A_203, %gather3A_214 : vector<16xf32>
      %add3A_216 = arith.addi %add3A_87, %and3A_212 : vector<16xi32>
      %gather3A_217 = tpu.vector_load_idx %arg7[%add3A_216] : memref<13056xf32, #tpu.memory_space<vmem>>[vector<16xi32>], vector<16xf32>,
      %add3A_218 = arith.addf %add3A_206, %gather3A_217 : vector<16xf32>
      %add3A_219 = arith.constant 11 : i32
      %add3A_220 = vector.broadcast %add3A_219 : i32 to vector<16xi32>
      %add3A_221 = arith.addi %iota3A, %add3A_220 : vector<16xi32>
      %and3A_222 = arith.constant 15 : i32
      %and3A_223 = vector.broadcast %and3A_222 : i32 to vector<16xi32>
      %and3A_224 = arith.andi %add3A_221, %and3A_223 : vector<16xi32>
      %add3A_225 = arith.addi %add3A_87, %and3A_224 : vector<16xi32>
      %gather3A_226 = tpu.vector_load_idx %arg6[%add3A_225] : memref<13056xf32, #tpu.memory_space<vmem>>[vector<16xi32>], vector<16xf32>,
      %add3A_227 = arith.addf %add3A_215, %gather3A_226 : vector<16xf32>
      %add3A_228 = arith.addi %add3A_87, %and3A_224 : vector<16xi32>
      %gather3A_229 = tpu.vector_load_idx %arg7[%add3A_228] : memref<13056xf32, #tpu.memory_space<vmem>>[vector<16xi32>], vector<16xf32>,
      %add3A_230 = arith.addf %add3A_218, %gather3A_229 : vector<16xf32>
      %add3A_231 = arith.constant 12 : i32
      %add3A_232 = vector.broadcast %add3A_231 : i32 to vector<16xi32>
      %add3A_233 = arith.addi %iota3A, %add3A_232 : vector<16xi32>
      %and3A_234 = arith.constant 15 : i32
      %and3A_235 = vector.broadcast %and3A_234 : i32 to vector<16xi32>
      %and3A_236 = arith.andi %add3A_233, %and3A_235 : vector<16xi32>
      %add3A_237 = arith.addi %add3A_87, %and3A_236 : vector<16xi32>
      %gather3A_238 = tpu.vector_load_idx %arg6[%add3A_237] : memref<13056xf32, #tpu.memory_space<vmem>>[vector<16xi32>], vector<16xf32>,
      %add3A_239 = arith.addf %add3A_227, %gather3A_238 : vector<16xf32>
      %add3A_240 = arith.addi %add3A_87, %and3A_236 : vector<16xi32>
      %gather3A_241 = tpu.vector_load_idx %arg7[%add3A_240] : memref<13056xf32, #tpu.memory_space<vmem>>[vector<16xi32>], vector<16xf32>,
      %add3A_242 = arith.addf %add3A_230, %gather3A_241 : vector<16xf32>
      %add3A_243 = arith.constant 13 : i32
      %add3A_244 = vector.broadcast %add3A_243 : i32 to vector<16xi32>
      %add3A_245 = arith.addi %iota3A, %add3A_244 : vector<16xi32>
      %and3A_246 = arith.constant 15 : i32
      %and3A_247 = vector.broadcast %and3A_246 : i32 to vector<16xi32>
      %and3A_248 = arith.andi %add3A_245, %and3A_247 : vector<16xi32>
      %add3A_249 = arith.addi %add3A_87, %and3A_248 : vector<16xi32>
      %gather3A_250 = tpu.vector_load_idx %arg6[%add3A_249] : memref<13056xf32, #tpu.memory_space<vmem>>[vector<16xi32>], vector<16xf32>,
      %add3A_251 = arith.addf %add3A_239, %gather3A_250 : vector<16xf32>
      %add3A_252 = arith.addi %add3A_87, %and3A_248 : vector<16xi32>
      %gather3A_253 = tpu.vector_load_idx %arg7[%add3A_252] : memref<13056xf32, #tpu.memory_space<vmem>>[vector<16xi32>], vector<16xf32>,
      %add3A_254 = arith.addf %add3A_242, %gather3A_253 : vector<16xf32>
      %add3A_255 = arith.constant 14 : i32
      %add3A_256 = vector.broadcast %add3A_255 : i32 to vector<16xi32>
      %add3A_257 = arith.addi %iota3A, %add3A_256 : vector<16xi32>
      %and3A_258 = arith.constant 15 : i32
      %and3A_259 = vector.broadcast %and3A_258 : i32 to vector<16xi32>
      %and3A_260 = arith.andi %add3A_257, %and3A_259 : vector<16xi32>
      %add3A_261 = arith.addi %add3A_87, %and3A_260 : vector<16xi32>
      %gather3A_262 = tpu.vector_load_idx %arg6[%add3A_261] : memref<13056xf32, #tpu.memory_space<vmem>>[vector<16xi32>], vector<16xf32>,
      %add3A_263 = arith.addf %add3A_251, %gather3A_262 : vector<16xf32>
      %add3A_264 = arith.addi %add3A_87, %and3A_260 : vector<16xi32>
      %gather3A_265 = tpu.vector_load_idx %arg7[%add3A_264] : memref<13056xf32, #tpu.memory_space<vmem>>[vector<16xi32>], vector<16xf32>,
      %add3A_266 = arith.addf %add3A_254, %gather3A_265 : vector<16xf32>
      %add3A_267 = arith.constant 15 : i32
      %add3A_268 = vector.broadcast %add3A_267 : i32 to vector<16xi32>
      %add3A_269 = arith.addi %iota3A, %add3A_268 : vector<16xi32>
      %and3A_270 = arith.constant 15 : i32
      %and3A_271 = vector.broadcast %and3A_270 : i32 to vector<16xi32>
      %and3A_272 = arith.andi %add3A_269, %and3A_271 : vector<16xi32>
      %add3A_273 = arith.addi %add3A_87, %and3A_272 : vector<16xi32>
      %gather3A_274 = tpu.vector_load_idx %arg6[%add3A_273] : memref<13056xf32, #tpu.memory_space<vmem>>[vector<16xi32>], vector<16xf32>,
      %add3A_275 = arith.addf %add3A_263, %gather3A_274 : vector<16xf32>
      %add3A_276 = arith.addi %add3A_87, %and3A_272 : vector<16xi32>
      %gather3A_277 = tpu.vector_load_idx %arg7[%add3A_276] : memref<13056xf32, #tpu.memory_space<vmem>>[vector<16xi32>], vector<16xf32>,
      %add3A_278 = arith.addf %add3A_266, %gather3A_277 : vector<16xf32>
      %mul3A_279 = arith.constant 16 : i32
      %mul3A_280 = arith.muli %scan3A_78, %mul3A_279 : i32
      %swap3A = arith.index_cast %mul3A_280 : i32 to index
      %swap3A_281 = tpu.vector_load %arg8[%swap3A] {strides = array<i32>} : memref<288xf32, #tpu.memory_space<vmem>>, vector<16xf32>,
      tpu.vector_store %arg8[%swap3A], %add3A_275 {strides = array<i32>} : memref<288xf32, #tpu.memory_space<vmem>>, vector<16xf32>,
      %mul3A_282 = arith.constant 16 : i32
      %mul3A_283 = arith.muli %scan3A_78, %mul3A_282 : i32
      %swap3A_284 = arith.index_cast %mul3A_283 : i32 to index
      %swap3A_285 = tpu.vector_load %arg9[%swap3A_284] {strides = array<i32>} : memref<288xf32, #tpu.memory_space<vmem>>, vector<16xf32>,
      tpu.vector_store %arg9[%swap3A_284], %add3A_278 {strides = array<i32>} : memref<288xf32, #tpu.memory_space<vmem>>, vector<16xf32>,
      %scan3A_286 = arith.constant 0 : i32
      scf.yield %scan3A_286 : i32
    }
    %scan3A_54 = arith.constant 17 : i32
    %scan3A_55 = arith.constant 0 : i32
    %scan3A_56 = arith.constant 0 : i32
    %scan3A_57 = arith.constant 16 : i32
    %scan3A_58 = arith.addi %scan3A_56, %scan3A_57 : i32
    %scan3A_59 = arith.constant 1 : i32
    %scan3A_60 = scf.for %scan3A_78 = %scan3A_56 to %scan3A_58 step %scan3A_59 iter_args(%scan3A_79 = %scan3A_55) -> (i32)  : i32 {
      %mul3A_80 = arith.constant 16 : i32
      %mul3A_81 = arith.muli %scan3A_78, %mul3A_80 : i32
      %add3A_82 = arith.constant 1 : i32
      %add3A_83 = arith.addi %mul3A_81, %add3A_82 : i32
      %add3A_84 = vector.broadcast %add3A_83 : i32 to vector<16xi32>
      %add3A_85 = arith.addi %add3A_84, %iota3A : vector<16xi32>
      %gather3A = tpu.vector_load_idx %arg8[%add3A_85] : memref<288xf32, #tpu.memory_space<vmem>>[vector<16xi32>], vector<16xf32>,
      %gather3A_86 = tpu.vector_load_idx %arg9[%add3A_85] : memref<288xf32, #tpu.memory_space<vmem>>[vector<16xi32>], vector<16xf32>,
      %mul3A_87 = arith.constant 16 : i32
      %mul3A_88 = arith.muli %scan3A_78, %mul3A_87 : i32
      %get3A = arith.index_cast %mul3A_88 : i32 to index
      %get3A_89 = tpu.vector_load %arg9[%get3A] {strides = array<i32>} : memref<288xf32, #tpu.memory_space<vmem>>, vector<16xf32>,
      %sub3A = arith.subf %gather3A, %gather3A_86 : vector<16xf32>
      %add3A_90 = arith.addf %sub3A, %get3A_89 : vector<16xf32>
      %mul3A_91 = arith.constant 16 : i32
      %mul3A_92 = arith.muli %scan3A_78, %mul3A_91 : i32
      %add3A_93 = arith.constant 256 : i32
      %add3A_94 = arith.addi %add3A_93, %mul3A_92 : i32
      %swap3A = arith.index_cast %add3A_94 : i32 to index
      %swap3A_95 = tpu.vector_load %arg10[%swap3A] {strides = array<i32>} : memref<768xf32, #tpu.memory_space<vmem>>, vector<16xf32>,
      tpu.vector_store %arg10[%swap3A], %add3A_90 {strides = array<i32>} : memref<768xf32, #tpu.memory_space<vmem>>, vector<16xf32>,
      %scan3A_96 = arith.constant 0 : i32
      scf.yield %scan3A_96 : i32
    }
    %scan3A_61 = arith.constant 16 : i32
    %scan3A_62 = arith.constant 0 : i32
    %scan3A_63 = arith.constant 0 : i32
    %scan3A_64 = arith.constant 17 : i32
    %scan3A_65 = arith.addi %scan3A_63, %scan3A_64 : i32
    %scan3A_66 = arith.constant 1 : i32
    %scan3A_67 = scf.for %scan3A_78 = %scan3A_63 to %scan3A_65 step %scan3A_66 iter_args(%scan3A_79 = %scan3A_62) -> (i32)  : i32 {
      %mul3A_80 = arith.constant 16 : i32
      %mul3A_81 = arith.muli %scan3A_78, %mul3A_80 : i32
      %add3A_82 = arith.constant 544 : i32
      %add3A_83 = arith.addi %add3A_82, %mul3A_81 : i32
      %mul3A_84 = arith.constant 16 : i32
      %mul3A_85 = arith.muli %add3A_83, %mul3A_84 : i32
      %add3A_86 = vector.broadcast %mul3A_85 : i32 to vector<16xi32>
      %add3A_87 = arith.addi %add3A_86, %mul3A_33 : vector<16xi32>
      %add3A_88 = arith.constant 0 : i32
      %add3A_89 = vector.broadcast %add3A_88 : i32 to vector<16xi32>
      %add3A_90 = arith.addi %iota3A, %add3A_89 : vector<16xi32>
      %and3A_91 = arith.constant 15 : i32
      %and3A_92 = vector.broadcast %and3A_91 : i32 to vector<16xi32>
      %and3A_93 = arith.andi %add3A_90, %and3A_92 : vector<16xi32>
      %add3A_94 = arith.addi %add3A_87, %and3A_93 : vector<16xi32>
      %gather3A = tpu.vector_load_idx %arg6[%add3A_94] : memref<13056xf32, #tpu.memory_space<vmem>>[vector<16xi32>], vector<16xf32>,
      %add3A_95 = arith.addf %broadcast_in_dim3A_3, %gather3A : vector<16xf32>
      %add3A_96 = arith.addi %add3A_87, %and3A_93 : vector<16xi32>
      %gather3A_97 = tpu.vector_load_idx %arg7[%add3A_96] : memref<13056xf32, #tpu.memory_space<vmem>>[vector<16xi32>], vector<16xf32>,
      %add3A_98 = arith.addf %broadcast_in_dim3A_3, %gather3A_97 : vector<16xf32>
      %add3A_99 = arith.constant 1 : i32
      %add3A_100 = vector.broadcast %add3A_99 : i32 to vector<16xi32>
      %add3A_101 = arith.addi %iota3A, %add3A_100 : vector<16xi32>
      %and3A_102 = arith.constant 15 : i32
      %and3A_103 = vector.broadcast %and3A_102 : i32 to vector<16xi32>
      %and3A_104 = arith.andi %add3A_101, %and3A_103 : vector<16xi32>
      %add3A_105 = arith.addi %add3A_87, %and3A_104 : vector<16xi32>
      %gather3A_106 = tpu.vector_load_idx %arg6[%add3A_105] : memref<13056xf32, #tpu.memory_space<vmem>>[vector<16xi32>], vector<16xf32>,
      %add3A_107 = arith.addf %add3A_95, %gather3A_106 : vector<16xf32>
      %add3A_108 = arith.addi %add3A_87, %and3A_104 : vector<16xi32>
      %gather3A_109 = tpu.vector_load_idx %arg7[%add3A_108] : memref<13056xf32, #tpu.memory_space<vmem>>[vector<16xi32>], vector<16xf32>,
      %add3A_110 = arith.addf %add3A_98, %gather3A_109 : vector<16xf32>
      %add3A_111 = arith.constant 2 : i32
      %add3A_112 = vector.broadcast %add3A_111 : i32 to vector<16xi32>
      %add3A_113 = arith.addi %iota3A, %add3A_112 : vector<16xi32>
      %and3A_114 = arith.constant 15 : i32
      %and3A_115 = vector.broadcast %and3A_114 : i32 to vector<16xi32>
      %and3A_116 = arith.andi %add3A_113, %and3A_115 : vector<16xi32>
      %add3A_117 = arith.addi %add3A_87, %and3A_116 : vector<16xi32>
      %gather3A_118 = tpu.vector_load_idx %arg6[%add3A_117] : memref<13056xf32, #tpu.memory_space<vmem>>[vector<16xi32>], vector<16xf32>,
      %add3A_119 = arith.addf %add3A_107, %gather3A_118 : vector<16xf32>
      %add3A_120 = arith.addi %add3A_87, %and3A_116 : vector<16xi32>
      %gather3A_121 = tpu.vector_load_idx %arg7[%add3A_120] : memref<13056xf32, #tpu.memory_space<vmem>>[vector<16xi32>], vector<16xf32>,
      %add3A_122 = arith.addf %add3A_110, %gather3A_121 : vector<16xf32>
      %add3A_123 = arith.constant 3 : i32
      %add3A_124 = vector.broadcast %add3A_123 : i32 to vector<16xi32>
      %add3A_125 = arith.addi %iota3A, %add3A_124 : vector<16xi32>
      %and3A_126 = arith.constant 15 : i32
      %and3A_127 = vector.broadcast %and3A_126 : i32 to vector<16xi32>
      %and3A_128 = arith.andi %add3A_125, %and3A_127 : vector<16xi32>
      %add3A_129 = arith.addi %add3A_87, %and3A_128 : vector<16xi32>
      %gather3A_130 = tpu.vector_load_idx %arg6[%add3A_129] : memref<13056xf32, #tpu.memory_space<vmem>>[vector<16xi32>], vector<16xf32>,
      %add3A_131 = arith.addf %add3A_119, %gather3A_130 : vector<16xf32>
      %add3A_132 = arith.addi %add3A_87, %and3A_128 : vector<16xi32>
      %gather3A_133 = tpu.vector_load_idx %arg7[%add3A_132] : memref<13056xf32, #tpu.memory_space<vmem>>[vector<16xi32>], vector<16xf32>,
      %add3A_134 = arith.addf %add3A_122, %gather3A_133 : vector<16xf32>
      %add3A_135 = arith.constant 4 : i32
      %add3A_136 = vector.broadcast %add3A_135 : i32 to vector<16xi32>
      %add3A_137 = arith.addi %iota3A, %add3A_136 : vector<16xi32>
      %and3A_138 = arith.constant 15 : i32
      %and3A_139 = vector.broadcast %and3A_138 : i32 to vector<16xi32>
      %and3A_140 = arith.andi %add3A_137, %and3A_139 : vector<16xi32>
      %add3A_141 = arith.addi %add3A_87, %and3A_140 : vector<16xi32>
      %gather3A_142 = tpu.vector_load_idx %arg6[%add3A_141] : memref<13056xf32, #tpu.memory_space<vmem>>[vector<16xi32>], vector<16xf32>,
      %add3A_143 = arith.addf %add3A_131, %gather3A_142 : vector<16xf32>
      %add3A_144 = arith.addi %add3A_87, %and3A_140 : vector<16xi32>
      %gather3A_145 = tpu.vector_load_idx %arg7[%add3A_144] : memref<13056xf32, #tpu.memory_space<vmem>>[vector<16xi32>], vector<16xf32>,
      %add3A_146 = arith.addf %add3A_134, %gather3A_145 : vector<16xf32>
      %add3A_147 = arith.constant 5 : i32
      %add3A_148 = vector.broadcast %add3A_147 : i32 to vector<16xi32>
      %add3A_149 = arith.addi %iota3A, %add3A_148 : vector<16xi32>
      %and3A_150 = arith.constant 15 : i32
      %and3A_151 = vector.broadcast %and3A_150 : i32 to vector<16xi32>
      %and3A_152 = arith.andi %add3A_149, %and3A_151 : vector<16xi32>
      %add3A_153 = arith.addi %add3A_87, %and3A_152 : vector<16xi32>
      %gather3A_154 = tpu.vector_load_idx %arg6[%add3A_153] : memref<13056xf32, #tpu.memory_space<vmem>>[vector<16xi32>], vector<16xf32>,
      %add3A_155 = arith.addf %add3A_143, %gather3A_154 : vector<16xf32>
      %add3A_156 = arith.addi %add3A_87, %and3A_152 : vector<16xi32>
      %gather3A_157 = tpu.vector_load_idx %arg7[%add3A_156] : memref<13056xf32, #tpu.memory_space<vmem>>[vector<16xi32>], vector<16xf32>,
      %add3A_158 = arith.addf %add3A_146, %gather3A_157 : vector<16xf32>
      %add3A_159 = arith.constant 6 : i32
      %add3A_160 = vector.broadcast %add3A_159 : i32 to vector<16xi32>
      %add3A_161 = arith.addi %iota3A, %add3A_160 : vector<16xi32>
      %and3A_162 = arith.constant 15 : i32
      %and3A_163 = vector.broadcast %and3A_162 : i32 to vector<16xi32>
      %and3A_164 = arith.andi %add3A_161, %and3A_163 : vector<16xi32>
      %add3A_165 = arith.addi %add3A_87, %and3A_164 : vector<16xi32>
      %gather3A_166 = tpu.vector_load_idx %arg6[%add3A_165] : memref<13056xf32, #tpu.memory_space<vmem>>[vector<16xi32>], vector<16xf32>,
      %add3A_167 = arith.addf %add3A_155, %gather3A_166 : vector<16xf32>
      %add3A_168 = arith.addi %add3A_87, %and3A_164 : vector<16xi32>
      %gather3A_169 = tpu.vector_load_idx %arg7[%add3A_168] : memref<13056xf32, #tpu.memory_space<vmem>>[vector<16xi32>], vector<16xf32>,
      %add3A_170 = arith.addf %add3A_158, %gather3A_169 : vector<16xf32>
      %add3A_171 = arith.constant 7 : i32
      %add3A_172 = vector.broadcast %add3A_171 : i32 to vector<16xi32>
      %add3A_173 = arith.addi %iota3A, %add3A_172 : vector<16xi32>
      %and3A_174 = arith.constant 15 : i32
      %and3A_175 = vector.broadcast %and3A_174 : i32 to vector<16xi32>
      %and3A_176 = arith.andi %add3A_173, %and3A_175 : vector<16xi32>
      %add3A_177 = arith.addi %add3A_87, %and3A_176 : vector<16xi32>
      %gather3A_178 = tpu.vector_load_idx %arg6[%add3A_177] : memref<13056xf32, #tpu.memory_space<vmem>>[vector<16xi32>], vector<16xf32>,
      %add3A_179 = arith.addf %add3A_167, %gather3A_178 : vector<16xf32>
      %add3A_180 = arith.addi %add3A_87, %and3A_176 : vector<16xi32>
      %gather3A_181 = tpu.vector_load_idx %arg7[%add3A_180] : memref<13056xf32, #tpu.memory_space<vmem>>[vector<16xi32>], vector<16xf32>,
      %add3A_182 = arith.addf %add3A_170, %gather3A_181 : vector<16xf32>
      %add3A_183 = arith.constant 8 : i32
      %add3A_184 = vector.broadcast %add3A_183 : i32 to vector<16xi32>
      %add3A_185 = arith.addi %iota3A, %add3A_184 : vector<16xi32>
      %and3A_186 = arith.constant 15 : i32
      %and3A_187 = vector.broadcast %and3A_186 : i32 to vector<16xi32>
      %and3A_188 = arith.andi %add3A_185, %and3A_187 : vector<16xi32>
      %add3A_189 = arith.addi %add3A_87, %and3A_188 : vector<16xi32>
      %gather3A_190 = tpu.vector_load_idx %arg6[%add3A_189] : memref<13056xf32, #tpu.memory_space<vmem>>[vector<16xi32>], vector<16xf32>,
      %add3A_191 = arith.addf %add3A_179, %gather3A_190 : vector<16xf32>
      %add3A_192 = arith.addi %add3A_87, %and3A_188 : vector<16xi32>
      %gather3A_193 = tpu.vector_load_idx %arg7[%add3A_192] : memref<13056xf32, #tpu.memory_space<vmem>>[vector<16xi32>], vector<16xf32>,
      %add3A_194 = arith.addf %add3A_182, %gather3A_193 : vector<16xf32>
      %add3A_195 = arith.constant 9 : i32
      %add3A_196 = vector.broadcast %add3A_195 : i32 to vector<16xi32>
      %add3A_197 = arith.addi %iota3A, %add3A_196 : vector<16xi32>
      %and3A_198 = arith.constant 15 : i32
      %and3A_199 = vector.broadcast %and3A_198 : i32 to vector<16xi32>
      %and3A_200 = arith.andi %add3A_197, %and3A_199 : vector<16xi32>
      %add3A_201 = arith.addi %add3A_87, %and3A_200 : vector<16xi32>
      %gather3A_202 = tpu.vector_load_idx %arg6[%add3A_201] : memref<13056xf32, #tpu.memory_space<vmem>>[vector<16xi32>], vector<16xf32>,
      %add3A_203 = arith.addf %add3A_191, %gather3A_202 : vector<16xf32>
      %add3A_204 = arith.addi %add3A_87, %and3A_200 : vector<16xi32>
      %gather3A_205 = tpu.vector_load_idx %arg7[%add3A_204] : memref<13056xf32, #tpu.memory_space<vmem>>[vector<16xi32>], vector<16xf32>,
      %add3A_206 = arith.addf %add3A_194, %gather3A_205 : vector<16xf32>
      %add3A_207 = arith.constant 10 : i32
      %add3A_208 = vector.broadcast %add3A_207 : i32 to vector<16xi32>
      %add3A_209 = arith.addi %iota3A, %add3A_208 : vector<16xi32>
      %and3A_210 = arith.constant 15 : i32
      %and3A_211 = vector.broadcast %and3A_210 : i32 to vector<16xi32>
      %and3A_212 = arith.andi %add3A_209, %and3A_211 : vector<16xi32>
      %add3A_213 = arith.addi %add3A_87, %and3A_212 : vector<16xi32>
      %gather3A_214 = tpu.vector_load_idx %arg6[%add3A_213] : memref<13056xf32, #tpu.memory_space<vmem>>[vector<16xi32>], vector<16xf32>,
      %add3A_215 = arith.addf %add3A_203, %gather3A_214 : vector<16xf32>
      %add3A_216 = arith.addi %add3A_87, %and3A_212 : vector<16xi32>
      %gather3A_217 = tpu.vector_load_idx %arg7[%add3A_216] : memref<13056xf32, #tpu.memory_space<vmem>>[vector<16xi32>], vector<16xf32>,
      %add3A_218 = arith.addf %add3A_206, %gather3A_217 : vector<16xf32>
      %add3A_219 = arith.constant 11 : i32
      %add3A_220 = vector.broadcast %add3A_219 : i32 to vector<16xi32>
      %add3A_221 = arith.addi %iota3A, %add3A_220 : vector<16xi32>
      %and3A_222 = arith.constant 15 : i32
      %and3A_223 = vector.broadcast %and3A_222 : i32 to vector<16xi32>
      %and3A_224 = arith.andi %add3A_221, %and3A_223 : vector<16xi32>
      %add3A_225 = arith.addi %add3A_87, %and3A_224 : vector<16xi32>
      %gather3A_226 = tpu.vector_load_idx %arg6[%add3A_225] : memref<13056xf32, #tpu.memory_space<vmem>>[vector<16xi32>], vector<16xf32>,
      %add3A_227 = arith.addf %add3A_215, %gather3A_226 : vector<16xf32>
      %add3A_228 = arith.addi %add3A_87, %and3A_224 : vector<16xi32>
      %gather3A_229 = tpu.vector_load_idx %arg7[%add3A_228] : memref<13056xf32, #tpu.memory_space<vmem>>[vector<16xi32>], vector<16xf32>,
      %add3A_230 = arith.addf %add3A_218, %gather3A_229 : vector<16xf32>
      %add3A_231 = arith.constant 12 : i32
      %add3A_232 = vector.broadcast %add3A_231 : i32 to vector<16xi32>
      %add3A_233 = arith.addi %iota3A, %add3A_232 : vector<16xi32>
      %and3A_234 = arith.constant 15 : i32
      %and3A_235 = vector.broadcast %and3A_234 : i32 to vector<16xi32>
      %and3A_236 = arith.andi %add3A_233, %and3A_235 : vector<16xi32>
      %add3A_237 = arith.addi %add3A_87, %and3A_236 : vector<16xi32>
      %gather3A_238 = tpu.vector_load_idx %arg6[%add3A_237] : memref<13056xf32, #tpu.memory_space<vmem>>[vector<16xi32>], vector<16xf32>,
      %add3A_239 = arith.addf %add3A_227, %gather3A_238 : vector<16xf32>
      %add3A_240 = arith.addi %add3A_87, %and3A_236 : vector<16xi32>
      %gather3A_241 = tpu.vector_load_idx %arg7[%add3A_240] : memref<13056xf32, #tpu.memory_space<vmem>>[vector<16xi32>], vector<16xf32>,
      %add3A_242 = arith.addf %add3A_230, %gather3A_241 : vector<16xf32>
      %add3A_243 = arith.constant 13 : i32
      %add3A_244 = vector.broadcast %add3A_243 : i32 to vector<16xi32>
      %add3A_245 = arith.addi %iota3A, %add3A_244 : vector<16xi32>
      %and3A_246 = arith.constant 15 : i32
      %and3A_247 = vector.broadcast %and3A_246 : i32 to vector<16xi32>
      %and3A_248 = arith.andi %add3A_245, %and3A_247 : vector<16xi32>
      %add3A_249 = arith.addi %add3A_87, %and3A_248 : vector<16xi32>
      %gather3A_250 = tpu.vector_load_idx %arg6[%add3A_249] : memref<13056xf32, #tpu.memory_space<vmem>>[vector<16xi32>], vector<16xf32>,
      %add3A_251 = arith.addf %add3A_239, %gather3A_250 : vector<16xf32>
      %add3A_252 = arith.addi %add3A_87, %and3A_248 : vector<16xi32>
      %gather3A_253 = tpu.vector_load_idx %arg7[%add3A_252] : memref<13056xf32, #tpu.memory_space<vmem>>[vector<16xi32>], vector<16xf32>,
      %add3A_254 = arith.addf %add3A_242, %gather3A_253 : vector<16xf32>
      %add3A_255 = arith.constant 14 : i32
      %add3A_256 = vector.broadcast %add3A_255 : i32 to vector<16xi32>
      %add3A_257 = arith.addi %iota3A, %add3A_256 : vector<16xi32>
      %and3A_258 = arith.constant 15 : i32
      %and3A_259 = vector.broadcast %and3A_258 : i32 to vector<16xi32>
      %and3A_260 = arith.andi %add3A_257, %and3A_259 : vector<16xi32>
      %add3A_261 = arith.addi %add3A_87, %and3A_260 : vector<16xi32>
      %gather3A_262 = tpu.vector_load_idx %arg6[%add3A_261] : memref<13056xf32, #tpu.memory_space<vmem>>[vector<16xi32>], vector<16xf32>,
      %add3A_263 = arith.addf %add3A_251, %gather3A_262 : vector<16xf32>
      %add3A_264 = arith.addi %add3A_87, %and3A_260 : vector<16xi32>
      %gather3A_265 = tpu.vector_load_idx %arg7[%add3A_264] : memref<13056xf32, #tpu.memory_space<vmem>>[vector<16xi32>], vector<16xf32>,
      %add3A_266 = arith.addf %add3A_254, %gather3A_265 : vector<16xf32>
      %add3A_267 = arith.constant 15 : i32
      %add3A_268 = vector.broadcast %add3A_267 : i32 to vector<16xi32>
      %add3A_269 = arith.addi %iota3A, %add3A_268 : vector<16xi32>
      %and3A_270 = arith.constant 15 : i32
      %and3A_271 = vector.broadcast %and3A_270 : i32 to vector<16xi32>
      %and3A_272 = arith.andi %add3A_269, %and3A_271 : vector<16xi32>
      %add3A_273 = arith.addi %add3A_87, %and3A_272 : vector<16xi32>
      %gather3A_274 = tpu.vector_load_idx %arg6[%add3A_273] : memref<13056xf32, #tpu.memory_space<vmem>>[vector<16xi32>], vector<16xf32>,
      %add3A_275 = arith.addf %add3A_263, %gather3A_274 : vector<16xf32>
      %add3A_276 = arith.addi %add3A_87, %and3A_272 : vector<16xi32>
      %gather3A_277 = tpu.vector_load_idx %arg7[%add3A_276] : memref<13056xf32, #tpu.memory_space<vmem>>[vector<16xi32>], vector<16xf32>,
      %add3A_278 = arith.addf %add3A_266, %gather3A_277 : vector<16xf32>
      %mul3A_279 = arith.constant 16 : i32
      %mul3A_280 = arith.muli %scan3A_78, %mul3A_279 : i32
      %swap3A = arith.index_cast %mul3A_280 : i32 to index
      %swap3A_281 = tpu.vector_load %arg8[%swap3A] {strides = array<i32>} : memref<288xf32, #tpu.memory_space<vmem>>, vector<16xf32>,
      tpu.vector_store %arg8[%swap3A], %add3A_275 {strides = array<i32>} : memref<288xf32, #tpu.memory_space<vmem>>, vector<16xf32>,
      %mul3A_282 = arith.constant 16 : i32
      %mul3A_283 = arith.muli %scan3A_78, %mul3A_282 : i32
      %swap3A_284 = arith.index_cast %mul3A_283 : i32 to index
      %swap3A_285 = tpu.vector_load %arg9[%swap3A_284] {strides = array<i32>} : memref<288xf32, #tpu.memory_space<vmem>>, vector<16xf32>,
      tpu.vector_store %arg9[%swap3A_284], %add3A_278 {strides = array<i32>} : memref<288xf32, #tpu.memory_space<vmem>>, vector<16xf32>,
      %scan3A_286 = arith.constant 0 : i32
      scf.yield %scan3A_286 : i32
    }
    %scan3A_68 = arith.constant 17 : i32
    %scan3A_69 = arith.constant 0 : i32
    %scan3A_70 = arith.constant 0 : i32
    %scan3A_71 = arith.constant 16 : i32
    %scan3A_72 = arith.addi %scan3A_70, %scan3A_71 : i32
    %scan3A_73 = arith.constant 1 : i32
    %scan3A_74 = scf.for %scan3A_78 = %scan3A_70 to %scan3A_72 step %scan3A_73 iter_args(%scan3A_79 = %scan3A_69) -> (i32)  : i32 {
      %mul3A_80 = arith.constant 16 : i32
      %mul3A_81 = arith.muli %scan3A_78, %mul3A_80 : i32
      %add3A_82 = arith.constant 1 : i32
      %add3A_83 = arith.addi %mul3A_81, %add3A_82 : i32
      %add3A_84 = vector.broadcast %add3A_83 : i32 to vector<16xi32>
      %add3A_85 = arith.addi %add3A_84, %iota3A : vector<16xi32>
      %gather3A = tpu.vector_load_idx %arg8[%add3A_85] : memref<288xf32, #tpu.memory_space<vmem>>[vector<16xi32>], vector<16xf32>,
      %gather3A_86 = tpu.vector_load_idx %arg9[%add3A_85] : memref<288xf32, #tpu.memory_space<vmem>>[vector<16xi32>], vector<16xf32>,
      %mul3A_87 = arith.constant 16 : i32
      %mul3A_88 = arith.muli %scan3A_78, %mul3A_87 : i32
      %get3A = arith.index_cast %mul3A_88 : i32 to index
      %get3A_89 = tpu.vector_load %arg9[%get3A] {strides = array<i32>} : memref<288xf32, #tpu.memory_space<vmem>>, vector<16xf32>,
      %sub3A = arith.subf %gather3A, %gather3A_86 : vector<16xf32>
      %add3A_90 = arith.addf %sub3A, %get3A_89 : vector<16xf32>
      %mul3A_91 = arith.constant 16 : i32
      %mul3A_92 = arith.muli %scan3A_78, %mul3A_91 : i32
      %add3A_93 = arith.constant 512 : i32
      %add3A_94 = arith.addi %add3A_93, %mul3A_92 : i32
      %swap3A = arith.index_cast %add3A_94 : i32 to index
      %swap3A_95 = tpu.vector_load %arg10[%swap3A] {strides = array<i32>} : memref<768xf32, #tpu.memory_space<vmem>>, vector<16xf32>,
      tpu.vector_store %arg10[%swap3A], %add3A_90 {strides = array<i32>} : memref<768xf32, #tpu.memory_space<vmem>>, vector<16xf32>,
      %scan3A_96 = arith.constant 0 : i32
      scf.yield %scan3A_96 : i32
    }
    %scan3A_75 = arith.constant 16 : i32
    %mul3A_76 = arith.constant 768 : i32
    %mul3A_77 = arith.muli %add3A, %mul3A_76 : i32
    "tpu.region"() ({
      %run_scoped3A = tpu.sem_alloc : memref<!tpu.dma_semaphore, #tpu.memory_space<semaphore_mem>>
      %dma_start3A_78 = tpu.memref_slice %arg3[%mul3A_77] : memref<24576xf32, #tpu.memory_space<hbm>> -> memref<768xf32, #tpu.memory_space<hbm>>
      %dma_start3A_79 = tpu.memref_slice %arg3[%mul3A_77] : memref<24576xf32, #tpu.memory_space<hbm>> -> memref<768xf32, #tpu.memory_space<hbm>>
      tpu.enqueue_dma source(%arg10 : memref<768xf32, #tpu.memory_space<vmem>>) target(%dma_start3A_79 : memref<768xf32, #tpu.memory_space<hbm>>) target_semaphore(%run_scoped3A : memref<!tpu.dma_semaphore, #tpu.memory_space<semaphore_mem>>)
      %dma_wait3A = tpu.memref_slice %arg3[%mul3A_77] : memref<24576xf32, #tpu.memory_space<hbm>> -> memref<768xf32, #tpu.memory_space<hbm>>
      %dma_wait3A_80 = tpu.memref_slice %arg3[%mul3A_77] : memref<24576xf32, #tpu.memory_space<hbm>> -> memref<768xf32, #tpu.memory_space<hbm>>
      tpu.wait_dma2 semaphore(%run_scoped3A : memref<!tpu.dma_semaphore, #tpu.memory_space<semaphore_mem>>) src(%arg10 : memref<768xf32, #tpu.memory_space<vmem>>) dst(%dma_wait3A_80 : memref<768xf32, #tpu.memory_space<hbm>>)
      tpu.yield
    }) : () -> ()
    return
  }
}

</mosaic_0001>

<sc_bundles>
// kernel: kernel.3.cloned.1.call-start
scs
__scs_entry_jumppad:
0x0: {  	(pc) =	sbr.rel $0x88, $3  }
0x1: {  	(tag) =	ssettag $0x0;
	lr =	simm.s32 $0x1  }
0x2: {  	[smem:$0x3FA0] =	sst lr;
	_ =	strace $0xD0000000  }
0x3: {  	_ = 	snop  }
0x4: {  	_ = 	snop  }
0x5: {  	_ = 	snop  }
0x6: {  	_ = 	snop  }
0x7: {  	_ = 	snop  }
__scs_overlays_trampoline_lowered:
0x8: {  	[smem:$0x3FAF] =	sst s0  }
0x9: {  	[smem:$0x3FB0] =	sst s1  }
0xa: {  	[smem:$0x3FB1] =	sst s2  }
0xb: {  	[smem:$0x3FB2] =	sst s3  }
0xc: {  	[smem:$0x3FB3] =	sst s4  }
0xd: {  	[smem:$0x3FB4] =	sst s5  }
0xe: {  	[smem:$0x3FB5] =	sst s6  }
0xf: {  	[smem:$0x3FB6] =	sst s7  }
0x10: {  	[smem:$0x3FB7] =	sst s8  }
0x11: {  	[smem:$0x3FB8] =	sst s9;
	s0 =	simm.s32 @!p0 $0x0  }
0x12: {  	s1 =	sld [smem:$0x3F9E];
	s0 =	simm.s32 @p0 $0x1  }
0x13: {  	[smem:$0x3FB9] =	sst s0;
	s0 =	simm.s32 @!p1 $0x0  }
0x14: {  	s2 =	sld [smem:$0x3F9D];
	s0 =	simm.s32 @p1 $0x1  }
0x15: {  	[smem:$0x3FBA] =	sst s0;
	s0 =	simm.s32 @!p2 $0x0  }
0x16: {  	s3 =	sld [smem:$0x3FDB];
	s0 =	simm.s32 @p2 $0x1  }
0x17: {  	s4 =	simm.s32 $0x1BF5;
	[smem:$0x3FBC] =	sst s0  }
0x18: {  	s0 =	sld [smem:$0x3F9F];
	_ =	swait.ge [sflag:s4], $0x0  }
0x19: {  	s7 =	sld [smem:$0x3FA0]  }
0x1a: {  	s8 =	sadd.s32 $0xFFFFE003, lr  }
0x1b: {  	s9 =	sadd.s32 $0xFFFFFEF7, lr;
	s5 =	simm.s32 $0xFFFFFFFF;
	p2 =	slt.u32 s8, $0xFFFFF086  }
0x1c: {  	p1 =	slt.u32 s9, $0xF7A;
	s5 =	simm.s32 @!p2 $0x0  }
0x1d: {  	s5 =	simm.s32 @p1 $0x1;
	p0 =	seq.s32 s7, s2  }
0x1e: {  	s7 =	smul.u32 @!p0 $0xF7A, s2;
	p2 =	seq.s32 @!p0 s5, $0x0  }
0x1f: {  	s9 =	smul.u32 $0xF7A, s1;
	s8 =	simm.s32 @!p0 $0x1BF5;
	p2 =	por !p2, p0  }
0x20: {  	[sflag:s8] =	ssyncset.s32 @!p0 $0xFFFFF086;
	s6 =	sadd.s32 @!p0 s3, s7;
	s7 =	simm.s32 @!p0 $0x108  }
0x21: {  	s3 =	sadd.s32 s3, s9;
	s6 =	sadd.s32 @!p0 $0x88, s6;
	s7 =	simm.s32 @p2 $0x1082  }
0x22: {  	[simem:s7], [sflag:s8] =	dma.local @!p0 [hbm:s6], $0xF7A  }
0x23: {  	s9 =	sor.u32 $0xD0000000, s2;
	s6 =	simm.s32 $0x108;
	_ =	swait.ge @!p0 [sflag:s8], $0x0  }
0x24: {  	s3 =	sadd.s32 $0x88, s3;
	s6 =	simm.s32 @!p1 $0x1082;
	[sflag:s4] =	ssyncset.s32 $0xFFFFF086  }
0x25: {  	[simem:s6], [sflag:s4] =	dma.local [hbm:s3], $0xF7A  }
0x26: {  	[smem:$0x3FA0] =	sst s1;
	(tag) =	ssettag s2;
	_ =	strace s9  }
0x27: {  	s1 =	sld [smem:$0x3FB0]  }
0x28: {  	s2 =	sld [smem:$0x3FB1]  }
0x29: {  	s4 =	sld [smem:$0x3FB3]  }
0x2a: {  	p0 =	seq.s32 s5, $0x0;
	s5 =	sld [smem:$0x3FB4]  }
0x2b: {  	s6 =	sld [smem:$0x3FB5]  }
0x2c: {  	s7 =	sld [smem:$0x3FB6]  }
0x2d: {  	s3 =	simm.s32 $0x108;
	s8 =	sld [smem:$0x3FB7]  }
0x2e: {  	s3 =	simm.s32 @!p0 $0x1082;
	s9 =	sld [smem:$0x3FB8]  }
0x2f: {  	lr =	sadd.s32 s0, s3;
	s0 =	sld [smem:$0x3FAF]  }
0x30: {  	s3 =	sld [smem:$0x3FB2]  }
0x31: {  	[smem:$0x3FBB] =	sst s10  }
0x32: {  	s10 =	sld [smem:$0x3FB9];
	_ =	sdelay $0x3  }
0x33: {  	p0 =	seq.s32 s10, $0x1;
	s10 =	sld [smem:$0x3FBB];
	_ =	sdelay $0x3  }
0x34: {  	[smem:$0x3FBB] =	sst s10  }
0x35: {  	s10 =	sld [smem:$0x3FBA];
	_ =	sdelay $0x3  }
0x36: {  	p1 =	seq.s32 s10, $0x1;
	s10 =	sld [smem:$0x3FBB];
	_ =	sdelay $0x3  }
0x37: {  	[smem:$0x3FBB] =	sst s10  }
0x38: {  	s10 =	sld [smem:$0x3FBC]  }
0x39: {  	_ = 	snop;
	(pc) =	sbr.ind lr, $3  }
0x3a: {  	_ = 	snop  }
0x3b: {  	_ = 	snop  }
0x3c: {  	p2 =	seq.s32 s10, $0x1;
	s10 =	sld [smem:$0x3FBB]  }
0x3d: {  	_ =	shalt  }
0x3e: {  	_ =	shalt  }
0x3f: {  	_ =	shalt  }
0x40: {  	_ =	shalt  }
0x41: {  	_ =	shalt  }
0x42: {  	_ =	shalt  }
0x43: {  	_ =	shalt  }
0x44: {  	_ =	shalt  }
0x45: {  	_ =	shalt  }
0x46: {  	_ =	shalt  }
0x47: {  	_ =	shalt  }
0x48: {  	_ =	shalt  }
0x49: {  	_ =	shalt  }
0x4a: {  	_ =	shalt  }
0x4b: {  	_ =	shalt  }
0x4c: {  	_ =	shalt  }
0x4d: {  	_ =	shalt  }
0x4e: {  	_ =	shalt  }
0x4f: {  	_ =	shalt  }
0x50: {  	_ =	shalt  }
0x51: {  	_ =	shalt  }
0x52: {  	_ =	shalt  }
0x53: {  	_ =	shalt  }
0x54: {  	_ =	shalt  }
0x55: {  	_ =	shalt  }
0x56: {  	_ =	shalt  }
0x57: {  	_ =	shalt  }
0x58: {  	_ =	shalt  }
0x59: {  	_ =	shalt  }
0x5a: {  	_ =	shalt  }
0x5b: {  	_ =	shalt  }
0x5c: {  	_ =	shalt  }
0x5d: {  	_ =	shalt  }
0x5e: {  	_ =	shalt  }
0x5f: {  	_ =	shalt  }
0x60: {  	_ =	shalt  }
0x61: {  	_ =	shalt  }
0x62: {  	_ =	shalt  }
0x63: {  	_ =	shalt  }
0x64: {  	_ =	shalt  }
0x65: {  	_ =	shalt  }
0x66: {  	_ =	shalt  }
0x67: {  	_ =	shalt  }
0x68: {  	_ =	shalt  }
0x69: {  	_ =	shalt  }
0x6a: {  	_ =	shalt  }
0x6b: {  	_ =	shalt  }
0x6c: {  	_ =	shalt  }
0x6d: {  	_ =	shalt  }
0x6e: {  	_ =	shalt  }
0x6f: {  	_ =	shalt  }
0x70: {  	_ =	shalt  }
0x71: {  	_ =	shalt  }
0x72: {  	_ =	shalt  }
0x73: {  	_ =	shalt  }
0x74: {  	_ =	shalt  }
0x75: {  	_ =	shalt  }
0x76: {  	_ =	shalt  }
0x77: {  	_ =	shalt  }
0x78: {  	_ =	shalt  }
0x79: {  	_ =	shalt  }
0x7a: {  	_ =	shalt  }
0x7b: {  	_ =	shalt  }
0x7c: {  	_ =	shalt  }
0x7d: {  	_ =	shalt  }
0x7e: {  	_ =	shalt  }
0x7f: {  	_ =	shalt  }
0x80: {  	_ =	shalt  }
0x81: {  	_ =	shalt  }
0x82: {  	_ =	shalt  }
0x83: {  	_ =	shalt  }
0x84: {  	_ =	shalt  }
0x85: {  	_ =	shalt  }
0x86: {  	_ =	shalt  }
0x87: {  	_ =	shalt  }
.Lfunc_end0:
.L_simem_size_0:
called_computation_lowered:
.L_overlay_start_0:
0x88: {  	s2 =	sld [smem:$0x3FD9]  }
0x89: {  	s3 =	sld [smem:$0x3FFE];
	_ =	sdelay $0x1  }
0x8a: {  	s1 =	srdreg.scid  }
0x8b: {  	s0 =	sand.u32 $0x1, s1  }
0x8c: {  	s18 =	sshll.u32 s0, $0xA;
	s2 =	sadd.s32 s3, s2  }
0x8d: {  	s2 =	sadd.s32 s2, s18  }
0x8e: {  	[smem:$0x3FC7] =	sst s2  }
0x8f: {  	_ = 	snop  }
0x90: {  	s2 =	sld [smem:$0x3FC9]  }
0x91: {  	s19 =	sld [smem:$0x3FD0];
	(tm) =	ssettm $0x1  }
0x92: {  	s4 =	sld [smem:$0x3FFB];
	_ =	sdelay $0x3  }
0x93: {  	_ =	strace s4  }
0x94: {  	s4 =	sld [smem:$0x3FFC];
	_ =	sdelay $0x3  }
0x95: {  	_ =	strace s4  }
0x96: {  	s4 =	sld [smem:$0x3FFD];
	_ =	sdelay $0x3  }
0x97: {  	_ =	strace s4  }
0x98: {  	_ =	strace $0x8FFFFFFF  }
0x99: {  	s20 =	sld [smem:$0x3FDB];
	_ =	sdelay $0x1  }
0x9a: {  	s5 =	simm.s32 $_scs_section_size  }
0x9b: {  	s6 =	simm.s32 $_size__tile_overlayer_lowered;
	s7 =	simm.s32 $_tile_overlayer_lowered  }
0x9c: {  	s23 =	simm.s32 $0x1BFF;
	s22 =	sshll.u32 s7, $0x1;
	s4 =	sadd.s32 s5, s20  }
0x9d: {  	s8 =	simm.s32 $0x0;
	s21 =	sshll.u32 s6, $0x1;
	s6 =	sadd.s32 s22, s4  }
0x9e: {  	[timem:s8], [sflag:s23] =	dma.local [hbm:s6], s21  }
0x9f: {  	_ =	swait.ge [sflag:s23], s21  }
0xa0: {  	s5 =	ssub.s32 $0x0, s21;
	[sflag:s23] =	ssyncset.done $0x0  }
0xa1: {  	[sflag:s23] =	ssyncadd.s32 s5;
	_ =	sdelay $0x1  }
0xa2: {  	s24 =	simm.s32 $0x1B8B  }
0xa3: {  	_ =	swait.ge [sflag:s24], $0x1  }
0xa4: {  	[sflag:s24] =	ssyncset.done $0x0  }
0xa5: {  	s25 =	simm.s32 $0x1B8E;
	[sflag:s24] =	ssyncadd.s32 $0xFFFFFFFF  }
0xa6: {  	s26 =	simm.s32 $execute0_lowered;
	[smem:$0x3FD2] =	sst s25  }
0xa7: {  	s5 =	sshll.u32 s26, $0x1;
	_ =	strace $0x80000046;
	[dreg:$0x1] =	wrdreg $0xFFFFFFFF  }
0xa8: {  	s28 =	simm.s32 $_size_execute0_lowered;
	s4 =	sadd.s32 s4, s5;
	[dreg:$0x0] =	wrdreg $0x0  }
0xa9: {  	s5 =	sshll.u32 s28, $0x1;
	[dreg:$0x2] =	wrdreg s4  }
0xaa: {  	[dreg:$0x3] =	wrdreg s5  }
0xab: {  	[dreg:$0x4] =	wrdreg $0xC0  }
0xac: {  	_ =	task [dreg:s8], $0x5FFFF  }
0xad: {  	[dreg:$0x1] =	wrdreg $0xFFFFFFFF  }
0xae: {  	[dreg:$0x0] =	wrdreg $0x60  }
0xaf: {  	[dreg:$0x2] =	wrdreg s2  }
0xb0: {  	[dreg:$0x3] =	wrdreg s19  }
0xb1: {  	[dreg:$0x4] =	wrdreg $0x9  }
0xb2: {  	_ =	task.clear_ibuf [dreg:s8], $0x5FFFF;
	_ =	strace $0x90000046  }
0xb3: {  	s29 =	simm.s32 $0x9;
	_ =	strace $0x80000048  }
0xb4: {  	_ =	swait.ge [sflag:s29], $0x1  }
0xb5: {  	[sflag:s29] =	ssyncadd.s32 $0xFFFFFFFF  }
0xb6: {  	_ =	strace $0x90000048  }
0xb7: {  	_ =	sfence  }
0xb8: {  	s30 =	sld [smem:$0x0];
	_ =	sdelay $0x2  }
0xb9: {  	s31 =	sshll.u32 s1, $0xD;
	s1 =	sshrl.u32 s1, $0x2  }
0xba: {  	s3 =	sand.u32 $0x4000, s31;
	s1 =	sadd.s32 s1, s30  }
0xbb: {  	s0 =	sor.u32 s3, s0;
	s1 =	sshll.u32 s1, $0x11  }
0xbc: {  	s0 =	sor.u32 s1, s0  }
0xbd: {  	s0 =	sadd.s32 $0x8F2B, s0  }
0xbe: {  	[sflag:s0] =	ssyncadd.remote.s32 $0x1  }
0xbf: {  	_ =	sfence.sel $0xFFFF  }
0xc0: {  	[dreg:$0x0] =	wrdreg $0xFFFFFFFF;
	(pc) =	sbr.abs _section_cstart, $3  }
0xc1: {  	[dreg:$0x1] =	wrdreg $0xFFFFFFFF  }
0xc2: {  	_ =	task.clear_ibuf [dreg:s8], $0x2FFFF;
	_ =	strace $0x9FFFFFFF  }
0xc3: {  	(tm) =	ssettm $0x7FFFFFFF  }
tec
execute0_lowered:
.L_overlay_start_1:
0x0: {  	(tag) =	ssettag $0x1  }
0x1: {  	v0 =	vimm.s32 $0xBCAB9A89  }
0x2: {  	v1 =	vimm.s32 $0xF0EFDECD;
	vm0 =	vcmask $0x1F10;
	v2 =	vimm.s32 $0x78675645  }
0x3: {  	v3 =	vimm.s32 $0xBDAC9B8A;
	v5 =	vimm.s32 $0x35241302;
	v8 =	vimm.s32 $0xF2E1D0CF  }
0x4: {  	v9 =	vimm.s32 $0x39281706;
	v10 =	vimm.s32 $0x7D6C5B4A;
	v11 =	vimm.s32 $0xB2A1908F  }
0x5: {  	v12 =	vimm.s32 $0xF6E5D4C3;
	v13 =	vimm.s32 $0x706F5E4D;
	v14 =	vimm.s32 $0xB5A49382  }
0x6: {  	v15 =	vimm.s32 $0xF9E8D7C6;
	v16 =	vimm.s32 $0x3D2C1B0A;
	v17 =	vimm.s32 $0x71605F4E  }
0x7: {  	v0 =	vunpack.c.0.s8.s32 v0;
	v1 =	vunpack.c.0.s8.s32 v1;
	v2 =	vunpack.c.0.s8.s32 v2  }
0x8: {  	v4 =	vunpack.c.0.s8.s32 v3;
	v3 =	vimm.s32 $0xF1E0DFCE;
	v5 =	vunpack.c.0.s8.s32 v5  }
0x9: {  	v8 =	vunpack.c.0.s8.s32 v8;
	v9 =	vunpack.c.0.s8.s32 v9;
	v10 =	vunpack.c.0.s8.s32 v10  }
0xa: {  	v13 =	vunpack.c.0.s8.s32 v13;
	v0 =	vsel vm0, v1, v0;
	v1 =	vimm.s32 $0x34231201  }
0xb: {  	v14 =	vunpack.c.0.s8.s32 v14;
	v15 =	vunpack.c.0.s8.s32 v15;
	v1 =	vunpack.c.0.s8.s32 v1  }
0xc: {  	v16 =	vunpack.c.0.s8.s32 v16;
	v6 =	vunpack.c.0.s8.s32 v3;
	v3 =	vimm.s32 $0x79685746  }
0xd: {  	v7 =	vunpack.c.0.s8.s32 v3;
	v3 =	vimm.s32 $0xBEAD9C8B;
	v1 =	vsel vm0, v2, v1  }
0xe: {  	v17 =	vunpack.c.0.s8.s32 v17;
	v2 =	vunpack.c.0.s8.s32 v3;
	v3 =	vcombine.low v1, v0  }
0xf: {  	v0 =	vsel vm0, v6, v4;
	v1 =	vsel vm0, v7, v5;
	v5 =	vimm.s32 $0xBFAE9D8C  }
0x10: {  	v6 =	vimm.s32 $0xF3E2D1C0;
	v7 =	vimm.s32 $0x37261504;
	v4 =	vcombine.low v1, v0  }
0x11: {  	v0 =	vsel vm0, v8, v2;
	v1 =	vimm.s32 $0x36251403;
	v2 =	vimm.s32 $0x7A695847  }
0x12: {  	v5 =	vunpack.c.0.s8.s32 v5;
	v1 =	vunpack.c.0.s8.s32 v1;
	v2 =	vunpack.c.0.s8.s32 v2  }
0x13: {  	v6 =	vunpack.c.0.s8.s32 v6;
	v8 =	vimm.s32 $0x7B6A5948;
	v3 =	vand.u32 $0xFF, v3  }
0x14: {  	v1 =	vsel vm0, v2, v1;
	v2 =	vunpack.c.0.s8.s32 v7;
	v7 =	vunpack.c.0.s8.s32 v8  }
0x15: {  	v6 =	vsel vm0, v6, v5;
	v5 =	vimm.s32 $0xB0AF9E8D;
	v8 =	vimm.s32 $0xF4E3D2C1  }
0x16: {  	v8 =	vunpack.c.0.s8.s32 v8;
	v2 =	vsel vm0, v7, v2;
	v7 =	vunpack.c.0.s8.s32 v5  }
0x17: {  	v5 =	vcombine.low v1, v0;
	v1 =	vimm.s32 $0x38271605;
	v6 =	vcombine.low v2, v6  }
0x18: {  	v2 =	vimm.s32 $0x7C6B5A49;
	v1 =	vunpack.c.0.s8.s32 v1;
	v0 =	vsel vm0, v8, v7  }
0x19: {  	v2 =	vunpack.c.0.s8.s32 v2;
	v7 =	vimm.s32 $0xB1A09F8E;
	v8 =	vimm.s32 $0xF5E4D3C2  }
0x1a: {  	v4 =	vand.u32 $0xFF, v4;
	v7 =	vunpack.c.0.s8.s32 v7;
	v8 =	vunpack.c.0.s8.s32 v8  }
0x1b: {  	v5 =	vand.u32 $0xFF, v5;
	v1 =	vsel vm0, v2, v1;
	v2 =	vunpack.c.0.s8.s32 v11  }
0x1c: {  	v11 =	vunpack.c.0.s8.s32 v12;
	v12 =	vcombine.low v1, v0;
	v0 =	vsel vm0, v8, v7  }
0x1d: {  	v1 =	vsel vm0, v10, v9;
	v7 =	vimm.s32 $0xB3A29180;
	v9 =	vimm.s32 $0xF7E6D5C4  }
0x1e: {  	v8 =	vcombine.low v1, v0;
	v0 =	vsel vm0, v11, v2;
	v1 =	vimm.s32 $0x3A291807  }
0x1f: {  	v2 =	vimm.s32 $0x7E6D5C4B;
	v7 =	vunpack.c.0.s8.s32 v7;
	v9 =	vunpack.c.0.s8.s32 v9  }
0x20: {  	v6 =	vand.u32 $0xFF, v6;
	v1 =	vunpack.c.0.s8.s32 v1;
	v2 =	vunpack.c.0.s8.s32 v2  }
0x21: {  	v10 =	vimm.s32 $0x3B2A1908;
	v11 =	vimm.s32 $0x7F6E5D4C;
	v7 =	vsel vm0, v9, v7  }
0x22: {  	v1 =	vsel vm0, v2, v1;
	v2 =	vunpack.c.0.s8.s32 v10;
	v10 =	vunpack.c.0.s8.s32 v11  }
0x23: {  	v9 =	vimm.s32 $0xB4A39281;
	v8 =	vand.u32 $0xFF, v8;
	v11 =	vimm.s32 $0xF8E7D6C5  }
0x24: {  	v2 =	vsel vm0, v10, v2;
	v10 =	vunpack.c.0.s8.s32 v11;
	v11 =	vimm.s32 $0x3C2B1A09  }
0x25: {  	v9 =	vunpack.c.0.s8.s32 v9;
	v18 =	vcombine.low v1, v0;
	v11 =	vunpack.c.0.s8.s32 v11  }
0x26: {  	v19 =	vcombine.low v2, v7;
	v2 =	vsel vm0, v15, v14;
	v7 =	vsel vm0, v17, v16  }
0x27: {  	v14 =	vimm.s32 $0xB7A69584;
	v15 =	vimm.s32 $0xFBEAD9C8;
	v0 =	vsel vm0, v10, v9  }
0x28: {  	v9 =	vimm.s32 $0xB6A59483;
	v10 =	vimm.s32 $0xFAE9D8C7;
	v14 =	vunpack.c.0.s8.s32 v14  }
0x29: {  	v15 =	vunpack.c.0.s8.s32 v15;
	v17 =	vcombine.low v7, v2;
	v7 =	vimm.s32 $0x3F2E1D0C  }
0x2a: {  	v1 =	vsel vm0, v13, v11;
	v11 =	vimm.s32 $0x3E2D1C0B;
	v9 =	vunpack.c.0.s8.s32 v9  }
0x2b: {  	v10 =	vunpack.c.0.s8.s32 v10;
	v13 =	vimm.s32 $0x7261504F;
	v7 =	vunpack.c.0.s8.s32 v7  }
0x2c: {  	v11 =	vunpack.c.0.s8.s32 v11;
	v13 =	vunpack.c.0.s8.s32 v13;
	v16 =	vcombine.low v1, v0  }
0x2d: {  	v2 =	vsel vm0, v15, v14;
	v0 =	vsel vm0, v10, v9;
	v9 =	vimm.s32 $0x73625140  }
0x2e: {  	v14 =	vimm.s32 $0x74635241;
	v10 =	vimm.s32 $0xB8A79685;
	v9 =	vunpack.c.0.s8.s32 v9  }
0x2f: {  	v1 =	vsel vm0, v13, v11;
	v10 =	vunpack.c.0.s8.s32 v10;
	v11 =	vimm.s32 $0xFCEBDAC9  }
0x30: {  	v13 =	vimm.s32 $0x302F1E0D;
	v11 =	vunpack.c.0.s8.s32 v11;
	v7 =	vsel vm0, v9, v7  }
0x31: {  	v9 =	vunpack.c.0.s8.s32 v13;
	v13 =	vunpack.c.0.s8.s32 v14;
	v14 =	vcombine.low v1, v0  }
0x32: {  	v15 =	vcombine.low v7, v2;
	v0 =	vsel vm0, v11, v10;
	v2 =	vimm.s32 $0xB9A89786  }
0x33: {  	v7 =	vimm.s32 $0xFDECDBCA;
	v10 =	vimm.s32 $0xFEEDDCCB;
	v11 =	vimm.s32 $0x3221100F  }
0x34: {  	s0 =	rddreg [dreg:$0x0];
	v1 =	vsel vm0, v13, v9;
	v9 =	vimm.s32 $0xBAA99887;
	v13 =	vimm.s32 $0x76655443  }
0x35: {  	s2 =	srdreg.scid;
	s1 =	stileid.u32;
	v10 =	vunpack.c.0.s8.s32 v10;
	v11 =	vunpack.c.0.s8.s32 v11;
	v20 =	vcombine.low v1, v0  }
0x36: {  	s6 =	rddreg [dreg:$0x1];
	s3 =	simm.s32 $0x0;
	s10 =	simm.s32 $0x10000;
	v0 =	vunpack.c.0.s8.s32 v2;
	v1 =	vunpack.c.0.s8.s32 v7;
	v2 =	vimm.s32 $0x31201F0E  }
0x37: {  	s11 =	simm.s32 $0x13300;
	s12 =	simm.s32 $0x2;
	s13 =	simm.s32 $0x16600;
	v7 =	vimm.s32 $0x75645342;
	v9 =	vunpack.c.0.s8.s32 v9;
	v13 =	vunpack.c.0.s8.s32 v13  }
0x38: {  	s14 =	simm.s32 $0x16780;
	s4 =	sand.u32 $0x1, s2;
	s5 =	sshll.u32 s1, $0x1;
	v2 =	vunpack.c.0.s8.s32 v2;
	v7 =	vunpack.c.0.s8.s32 v7;
	v21 =	vsel vm0, v1, v0  }
0x39: {  	s15 =	simm.s32 $0x16900;
	s16 =	simm.s32 $0x3;
	s5 =	sor.u32 s4, s5;
	v0 =	vimm.f32 $0.0e+00;
	v23 =	vsel vm0, v10, v9;
	v1 =	vlaneseq.u32  }
0x3a: {  	s17 =	simm.s32 $0x0;
	s4 =	ssub.s32 $0x2, s4;
	s7 =	smul.u32 $0x18000, s5;
	v13 =	vsel vm0, v13, v11;
	v9 =	vand.u32 $0xFF, v18;
	v10 =	vand.u32 $0xFF, v19  }
0x3b: {  	[smem:$0x7FF] =	sst s3;
	s8 =	sshrl.u32 s4, $0x1;
	s9 =	smul.u32 $0x60, s5;
	v11 =	vand.u32 $0xFF, v16;
	v22 =	vsel vm0, v7, v2;
	v2 =	vimm.f32 $1.000000000e+00  }
0x3c: {  	s2 =	rddreg [dreg:$0x2];
	_ =	strace $0x80000047;
	s8 =	ssub.s32 s4, s8;
	v7 =	vand.u32 $0xFF, v12;
	v18 =	vcombine.low v13, v23;
	v16 =	vcombine.low v22, v21  }
0x3d: {  	s4 =	smul.u32 $0x3, s5;
	s5 =	sadd.s32 s0, s7;
	s6 =	sadd.s32 s6, s9;
	v12 =	vand.u32 $0xFF, v17;
	v13 =	vand.u32 $0xFF, v14;
	v14 =	vand.u32 $0xFF, v15  }
0x3e: {  	s7 =	smax.u32 s8, $0x1;
	s8 =	simm.s32 $0x8000;
	s9 =	simm.s32 $0x1;
	v15 =	vand.u32 $0xFF, v20;
	v17 =	vand.u32 $0xFF, v18;
	v16 =	vand.u32 $0xFF, v16  }
.LBB2_1:
0x3f: {  	s18 =	simm.s32 $0x40;
	s19 =	simm.s32 $0x0  }
.LBB2_2:
0x40: {  	p0 =	sne.s32 s18, $0xCBC0;
	[tilespmem:s19+$0x10000] =	vst v0;
	s20 =	smov.u32 s18;
	s18 =	sadd.s32 $0x40, s18  }
.Ltmp0:
0x41: {  	[tilespmem:s19+$0x13300] =	vst v0;
	(pc) =	sbr.rel @p0 .LBB2_2-.Ltmp0, $2  }
0x42: {  	_ =	sdelay $0x2  }
0x43: {  	s19 =	sshra.s32 s20, $0x2  }
0x44: {  	[tilespmem:s19+$0x10000] =	vst v0  }
0x45: {  	[tilespmem:s19+$0x13300] =	vst v0;
	s18 =	simm.s32 $0x0;
	s19 =	simm.s32 $0x0  }
0x46: {  	[tilespmem:s18], [sflag:$0x1] =	stream.linear.gather [hbm4b:s5+s18], $0x8000, $0x38;
	[tilespmem:$0x16C00] =	vst v63  }
.LBB2_4:
0x47: {  	s21 =	sshrl.u32 s19, $0x2;
	s20 =	sshll.u32 s19, $0xD  }
0x48: {  	s22 =	sadd.s32 s4, s21;
	s20 =	sand.u32 $0x6000, s20  }
0x49: {  	s22 =	sshll.u32 s22, $0xF;
	s20 =	sadd.s32 s20, s0  }
0x4a: {  	s25 =	sand.u32 $0x2000, s18;
	s20 =	sadd.s32 s22, s20  }
0x4b: {  	s26 =	simm.s32 $0x0;
	s23 =	simm.s32 $0x0;
	s20 =	sadd.s32 $0x1000, s20  }
0x4c: {  	[tilespmem:s8], [sflag:$0x2] =	stream.linear.gather [hbm4b:s20+s18], $0x8000, $0x38;
	[tilespmem:$0x16C00] =	vst v63  }
0x4d: {  	s22 =	sand.u32 $0x7000, s26;
	s20 =	sshrl.u32 s25, $0x2;
	_ =	swait.ge [sflag:s9], $0x8000  }
0x4e: {  	s23 =	sand.u32 $0x380, s23;
	s20 =	sor.u32 s20, s22;
	[sflag:s9] =	ssyncset.done $0x0  }
0x4f: {  	s20 =	sor.u32 s23, s20;
	[sflag:s9] =	ssyncadd.s32 $0xFFFF8000  }
0x50: {  	v19 =	vld [tilespmem:s20+$0x0];
	_ =	sdelay $0x4  }
0x51: {  	v18 =	vadd.f32 $5.000000000e-01, v19  }
0x52: {  	s21 =	smul.u32 $0x1100, s21  }
0x53: {  	v20 =	vadd.f32 $8.388608000e+06, v18  }
0x54: {  	s21 =	sadd.s32 $0x50000000, s21  }
0x55: {  	v18 =	vor.u32 s21, v1;
	v21 =	vshll.u32 v20, $0x4  }
0x56: {  	v21 =	vadd.s32 v18, v21;
	_ =	sdelay $0x1  }
0x57: {  	v20 =	vadd.f32 $-8.388609000e+06, v20;
	_ =	sdelay $0x1  }
0x58: {  	v19 =	vsub.f32 v19, v20  }
0x59: {  	[tilespmem:v21+s10+$0x0] =	vst.idx.add.f32.msk $0xffff, v2  }
0x5a: {  	[tilespmem:v21+s11+$0x0] =	vst.idx.add.f32.msk $0xffff, v19  }
0x5b: {  	v19 =	vld [tilespmem:s20+$0x10];
	_ =	sdelay $0x4  }
0x5c: {  	v20 =	vadd.f32 $5.000000000e-01, v19;
	_ =	sdelay $0x1  }
0x5d: {  	v20 =	vadd.f32 $8.388608000e+06, v20;
	_ =	sdelay $0x1  }
0x5e: {  	v21 =	vshll.u32 v20, $0x4  }
0x5f: {  	v21 =	vadd.s32 v18, v21;
	_ =	sdelay $0x1  }
0x60: {  	v20 =	vadd.f32 $-8.388609000e+06, v20;
	_ =	sdelay $0x1  }
0x61: {  	v19 =	vsub.f32 v19, v20  }
0x62: {  	[tilespmem:v21+s10+$0x0] =	vst.idx.add.f32.msk $0xffff, v2  }
0x63: {  	[tilespmem:v21+s11+$0x0] =	vst.idx.add.f32.msk $0xffff, v19  }
0x64: {  	v19 =	vld [tilespmem:s20+$0x20];
	_ =	sdelay $0x4  }
0x65: {  	v20 =	vadd.f32 $5.000000000e-01, v19;
	_ =	sdelay $0x1  }
0x66: {  	v20 =	vadd.f32 $8.388608000e+06, v20;
	_ =	sdelay $0x1  }
0x67: {  	s29 =	simm.s32 $0x2000;
	v21 =	vshll.u32 v20, $0x4  }
0x68: {  	s30 =	simm.s32 $0x100;
	s21 =	sand.u32 $0x2000, s29;
	v21 =	vadd.s32 v18, v21  }
0x69: {  	s31 =	simm.s32 $0x40;
	s22 =	sand.u32 $0x7000, s30;
	s21 =	sshrl.u32 s21, $0x2  }
0x6a: {  	s23 =	sand.u32 $0x380, s31;
	s21 =	sor.u32 s21, s22;
	v20 =	vadd.f32 $-8.388609000e+06, v20  }
0x6b: {  	s21 =	sor.u32 s23, s21  }
0x6c: {  	v22 =	vld [tilespmem:s21+$0x0];
	v19 =	vsub.f32 v19, v20  }
0x6d: {  	[tilespmem:v21+s10+$0x0] =	vst.idx.add.f32.msk $0xffff, v2  }
0x6e: {  	[tilespmem:v21+s11+$0x0] =	vst.idx.add.f32.msk $0xffff, v19  }
0x6f: {  	v19 =	vld [tilespmem:s20+$0x30];
	_ =	sdelay $0x1  }
0x70: {  	v20 =	vadd.f32 $5.000000000e-01, v22;
	_ =	sdelay $0x1  }
0x71: {  	v20 =	vadd.f32 $8.388608000e+06, v20  }
0x72: {  	v23 =	vadd.f32 $5.000000000e-01, v19  }
0x73: {  	v21 =	vshll.u32 v20, $0x4  }
0x74: {  	v21 =	vadd.s32 v18, v21;
	v23 =	vadd.f32 $8.388608000e+06, v23;
	_ =	sdelay $0x1  }
0x75: {  	v20 =	vadd.f32 $-8.388609000e+06, v20;
	v24 =	vshll.u32 v23, $0x4  }
0x76: {  	v24 =	vadd.s32 v18, v24  }
0x77: {  	v20 =	vsub.f32 v22, v20  }
0x78: {  	[tilespmem:v21+s10+$0x0] =	vst.idx.add.f32.msk $0xffff, v2;
	v22 =	vadd.f32 $-8.388609000e+06, v23  }
0x79: {  	[tilespmem:v21+s11+$0x0] =	vst.idx.add.f32.msk $0xffff, v20  }
0x7a: {  	v20 =	vld [tilespmem:s21+$0x10];
	v19 =	vsub.f32 v19, v22  }
0x7b: {  	[tilespmem:v24+s10+$0x0] =	vst.idx.add.f32.msk $0xffff, v2  }
0x7c: {  	[tilespmem:v24+s11+$0x0] =	vst.idx.add.f32.msk $0xffff, v19  }
0x7d: {  	v19 =	vld [tilespmem:s20+$0x40];
	_ =	sdelay $0x1  }
0x7e: {  	v21 =	vadd.f32 $5.000000000e-01, v20;
	_ =	sdelay $0x1  }
0x7f: {  	v21 =	vadd.f32 $8.388608000e+06, v21  }
0x80: {  	v22 =	vadd.f32 $5.000000000e-01, v19  }
0x81: {  	v23 =	vshll.u32 v21, $0x4  }
0x82: {  	v23 =	vadd.s32 v18, v23;
	v22 =	vadd.f32 $8.388608000e+06, v22;
	_ =	sdelay $0x1  }
0x83: {  	v21 =	vadd.f32 $-8.388609000e+06, v21;
	v24 =	vshll.u32 v22, $0x4  }
0x84: {  	v24 =	vadd.s32 v18, v24  }
0x85: {  	v20 =	vsub.f32 v20, v21  }
0x86: {  	[tilespmem:v23+s10+$0x0] =	vst.idx.add.f32.msk $0xffff, v2;
	v21 =	vadd.f32 $-8.388609000e+06, v22  }
0x87: {  	[tilespmem:v23+s11+$0x0] =	vst.idx.add.f32.msk $0xffff, v20  }
0x88: {  	v20 =	vld [tilespmem:s21+$0x20];
	v19 =	vsub.f32 v19, v21  }
0x89: {  	[tilespmem:v24+s10+$0x0] =	vst.idx.add.f32.msk $0xffff, v2  }
0x8a: {  	[tilespmem:v24+s11+$0x0] =	vst.idx.add.f32.msk $0xffff, v19  }
0x8b: {  	v19 =	vld [tilespmem:s20+$0x50];
	_ =	sdelay $0x1  }
0x8c: {  	v21 =	vadd.f32 $5.000000000e-01, v20;
	_ =	sdelay $0x1  }
0x8d: {  	v21 =	vadd.f32 $8.388608000e+06, v21  }
0x8e: {  	s23 =	simm.s32 $0x4000;
	v22 =	vadd.f32 $5.000000000e-01, v19  }
0x8f: {  	s24 =	simm.s32 $0x200;
	s22 =	sand.u32 $0x2000, s23;
	v23 =	vshll.u32 v21, $0x4  }
0x90: {  	s23 =	sand.u32 $0x7000, s24;
	s24 =	simm.s32 $0x80;
	s22 =	sshrl.u32 s22, $0x2;
	v23 =	vadd.s32 v18, v23;
	v22 =	vadd.f32 $8.388608000e+06, v22  }
0x91: {  	s24 =	sand.u32 $0x380, s24;
	s22 =	sor.u32 s22, s23  }
0x92: {  	s22 =	sor.u32 s24, s22;
	v21 =	vadd.f32 $-8.388609000e+06, v21;
	v24 =	vshll.u32 v22, $0x4  }
0x93: {  	v25 =	vld [tilespmem:s22+$0x0];
	v24 =	vadd.s32 v18, v24  }
0x94: {  	v20 =	vsub.f32 v20, v21  }
0x95: {  	[tilespmem:v23+s10+$0x0] =	vst.idx.add.f32.msk $0xffff, v2;
	v21 =	vadd.f32 $-8.388609000e+06, v22  }
0x96: {  	[tilespmem:v23+s11+$0x0] =	vst.idx.add.f32.msk $0xffff, v20  }
0x97: {  	v20 =	vld [tilespmem:s21+$0x30];
	v19 =	vsub.f32 v19, v21  }
0x98: {  	v21 =	vadd.f32 $5.000000000e-01, v25;
	[tilespmem:v24+s10+$0x0] =	vst.idx.add.f32.msk $0xffff, v2  }
0x99: {  	[tilespmem:v24+s11+$0x0] =	vst.idx.add.f32.msk $0xffff, v19  }
0x9a: {  	v19 =	vadd.f32 $8.388608000e+06, v21;
	v21 =	vld [tilespmem:s20+$0x60];
	_ =	sdelay $0x1  }
0x9b: {  	v22 =	vadd.f32 $5.000000000e-01, v20;
	v23 =	vshll.u32 v19, $0x4  }
0x9c: {  	v23 =	vadd.s32 v18, v23  }
0x9d: {  	v22 =	vadd.f32 $8.388608000e+06, v22  }
0x9e: {  	v19 =	vadd.f32 $-8.388609000e+06, v19;
	v24 =	vadd.f32 $5.000000000e-01, v21  }
0x9f: {  	v26 =	vshll.u32 v22, $0x4  }
0xa0: {  	v26 =	vadd.s32 v18, v26;
	v19 =	vsub.f32 v25, v19;
	v24 =	vadd.f32 $8.388608000e+06, v24  }
0xa1: {  	[tilespmem:v23+s10+$0x0] =	vst.idx.add.f32.msk $0xffff, v2  }
0xa2: {  	v22 =	vadd.f32 $-8.388609000e+06, v22;
	[tilespmem:v23+s11+$0x0] =	vst.idx.add.f32.msk $0xffff, v19;
	v25 =	vshll.u32 v24, $0x4  }
0xa3: {  	v23 =	vld [tilespmem:s22+$0x10];
	v19 =	vadd.s32 v18, v25  }
0xa4: {  	v20 =	vsub.f32 v20, v22  }
0xa5: {  	[tilespmem:v26+s10+$0x0] =	vst.idx.add.f32.msk $0xffff, v2;
	v22 =	vadd.f32 $-8.388609000e+06, v24  }
0xa6: {  	[tilespmem:v26+s11+$0x0] =	vst.idx.add.f32.msk $0xffff, v20  }
0xa7: {  	v20 =	vld [tilespmem:s21+$0x40];
	v21 =	vsub.f32 v21, v22  }
0xa8: {  	v22 =	vadd.f32 $5.000000000e-01, v23;
	[tilespmem:v19+s10+$0x0] =	vst.idx.add.f32.msk $0xffff, v2  }
0xa9: {  	[tilespmem:v19+s11+$0x0] =	vst.idx.add.f32.msk $0xffff, v21  }
0xaa: {  	v21 =	vadd.f32 $8.388608000e+06, v22;
	v19 =	vld [tilespmem:s20+$0x70];
	_ =	sdelay $0x1  }
0xab: {  	v22 =	vadd.f32 $5.000000000e-01, v20;
	v24 =	vshll.u32 v21, $0x4  }
0xac: {  	v24 =	vadd.s32 v18, v24  }
0xad: {  	v22 =	vadd.f32 $8.388608000e+06, v22  }
0xae: {  	v21 =	vadd.f32 $-8.388609000e+06, v21;
	v25 =	vadd.f32 $5.000000000e-01, v19  }
0xaf: {  	v26 =	vshll.u32 v22, $0x4  }
0xb0: {  	v21 =	vsub.f32 v23, v21;
	v26 =	vadd.s32 v18, v26;
	v25 =	vadd.f32 $8.388608000e+06, v25  }
0xb1: {  	[tilespmem:v24+s10+$0x0] =	vst.idx.add.f32.msk $0xffff, v2  }
0xb2: {  	v22 =	vadd.f32 $-8.388609000e+06, v22;
	[tilespmem:v24+s11+$0x0] =	vst.idx.add.f32.msk $0xffff, v21;
	v23 =	vshll.u32 v25, $0x4  }
0xb3: {  	v21 =	vadd.s32 v18, v23;
	v23 =	vld [tilespmem:s22+$0x20]  }
0xb4: {  	v20 =	vsub.f32 v20, v22  }
0xb5: {  	[tilespmem:v26+s10+$0x0] =	vst.idx.add.f32.msk $0xffff, v2;
	v22 =	vadd.f32 $-8.388609000e+06, v25  }
0xb6: {  	[tilespmem:v26+s11+$0x0] =	vst.idx.add.f32.msk $0xffff, v20  }
0xb7: {  	v20 =	vld [tilespmem:s21+$0x50];
	v19 =	vsub.f32 v19, v22  }
0xb8: {  	[tilespmem:v21+s10+$0x0] =	vst.idx.add.f32.msk $0xffff, v2;
	v22 =	vadd.f32 $5.000000000e-01, v23  }
0xb9: {  	[tilespmem:v21+s11+$0x0] =	vst.idx.add.f32.msk $0xffff, v19  }
0xba: {  	v19 =	vld [tilespmem:s20+$0x400];
	v21 =	vadd.f32 $8.388608000e+06, v22;
	_ =	sdelay $0x1  }
0xbb: {  	s25 =	simm.s32 $0x6000;
	v22 =	vadd.f32 $5.000000000e-01, v20;
	v24 =	vshll.u32 v21, $0x4  }
0xbc: {  	s26 =	simm.s32 $0x300;
	s23 =	sand.u32 $0x2000, s25;
	v24 =	vadd.s32 v18, v24  }
0xbd: {  	s25 =	simm.s32 $0xC0;
	s24 =	sand.u32 $0x7000, s26;
	s23 =	sshrl.u32 s23, $0x2;
	v22 =	vadd.f32 $8.388608000e+06, v22  }
0xbe: {  	s25 =	sand.u32 $0x380, s25;
	s23 =	sor.u32 s23, s24;
	v21 =	vadd.f32 $-8.388609000e+06, v21;
	v25 =	vadd.f32 $5.000000000e-01, v19  }
0xbf: {  	s23 =	sor.u32 s25, s23;
	v26 =	vshll.u32 v22, $0x4  }
0xc0: {  	v27 =	vld [tilespmem:s23+$0x0];
	v21 =	vsub.f32 v23, v21;
	v26 =	vadd.s32 v18, v26;
	v25 =	vadd.f32 $8.388608000e+06, v25  }
0xc1: {  	[tilespmem:v24+s10+$0x0] =	vst.idx.add.f32.msk $0xffff, v2  }
0xc2: {  	v22 =	vadd.f32 $-8.388609000e+06, v22;
	v23 =	vshll.u32 v25, $0x4;
	[tilespmem:v24+s11+$0x0] =	vst.idx.add.f32.msk $0xffff, v21  }
0xc3: {  	v21 =	vadd.s32 v18, v23;
	v23 =	vld [tilespmem:s22+$0x30]  }
0xc4: {  	v20 =	vsub.f32 v20, v22  }
0xc5: {  	v22 =	vadd.f32 $5.000000000e-01, v27;
	v24 =	vadd.f32 $-8.388609000e+06, v25;
	[tilespmem:v26+s10+$0x0] =	vst.idx.add.f32.msk $0xffff, v2  }
0xc6: {  	[tilespmem:v26+s11+$0x0] =	vst.idx.add.f32.msk $0xffff, v20  }
0xc7: {  	v22 =	vadd.f32 $8.388608000e+06, v22;
	v19 =	vsub.f32 v19, v24;
	v20 =	vld [tilespmem:s21+$0x60]  }
0xc8: {  	[tilespmem:v21+s10+$0x0] =	vst.idx.add.f32.msk $0xffff, v2;
	v24 =	vadd.f32 $5.000000000e-01, v23  }
0xc9: {  	v25 =	vshll.u32 v22, $0x4;
	[tilespmem:v21+s11+$0x0] =	vst.idx.add.f32.msk $0xffff, v19  }
0xca: {  	v19 =	vadd.s32 v18, v25;
	v21 =	vld [tilespmem:s20+$0x410];
	v24 =	vadd.f32 $8.388608000e+06, v24;
	_ =	sdelay $0x1  }
0xcb: {  	v22 =	vadd.f32 $-8.388609000e+06, v22;
	v25 =	vadd.f32 $5.000000000e-01, v20;
	v26 =	vshll.u32 v24, $0x4  }
0xcc: {  	v26 =	vadd.s32 v18, v26  }
0xcd: {  	v22 =	vsub.f32 v27, v22;
	v25 =	vadd.f32 $8.388608000e+06, v25  }
0xce: {  	v24 =	vadd.f32 $-8.388609000e+06, v24;
	[tilespmem:v19+s10+$0x0] =	vst.idx.add.f32.msk $0xffff, v2;
	v27 =	vadd.f32 $5.000000000e-01, v21  }
0xcf: {  	v28 =	vshll.u32 v25, $0x4;
	[tilespmem:v19+s11+$0x0] =	vst.idx.add.f32.msk $0xffff, v22  }
0xd0: {  	v23 =	vsub.f32 v23, v24;
	v19 =	vadd.s32 v18, v28;
	v22 =	vadd.f32 $8.388608000e+06, v27;
	v27 =	vld [tilespmem:s23+$0x10]  }
0xd1: {  	[tilespmem:v26+s10+$0x0] =	vst.idx.add.f32.msk $0xffff, v2  }
0xd2: {  	v24 =	vadd.f32 $-8.388609000e+06, v25;
	v25 =	vshll.u32 v22, $0x4;
	[tilespmem:v26+s11+$0x0] =	vst.idx.add.f32.msk $0xffff, v23  }
0xd3: {  	v23 =	vadd.s32 v18, v25;
	v25 =	vld [tilespmem:s22+$0x40]  }
0xd4: {  	v20 =	vsub.f32 v20, v24  }
0xd5: {  	v22 =	vadd.f32 $-8.388609000e+06, v22;
	[tilespmem:v19+s10+$0x0] =	vst.idx.add.f32.msk $0xffff, v2;
	v24 =	vadd.f32 $5.000000000e-01, v27  }
0xd6: {  	[tilespmem:v19+s11+$0x0] =	vst.idx.add.f32.msk $0xffff, v20  }
0xd7: {  	v20 =	vsub.f32 v21, v22;
	v19 =	vld [tilespmem:s21+$0x70];
	v21 =	vadd.f32 $8.388608000e+06, v24  }
0xd8: {  	[tilespmem:v23+s10+$0x0] =	vst.idx.add.f32.msk $0xffff, v2;
	v22 =	vadd.f32 $5.000000000e-01, v25  }
0xd9: {  	[tilespmem:v23+s11+$0x0] =	vst.idx.add.f32.msk $0xffff, v20;
	v20 =	vshll.u32 v21, $0x4  }
0xda: {  	v23 =	vld [tilespmem:s20+$0x420];
	v20 =	vadd.s32 v18, v20;
	v22 =	vadd.f32 $8.388608000e+06, v22;
	_ =	sdelay $0x1  }
0xdb: {  	v21 =	vadd.f32 $-8.388609000e+06, v21;
	v24 =	vadd.f32 $5.000000000e-01, v19;
	v26 =	vshll.u32 v22, $0x4  }
0xdc: {  	v26 =	vadd.s32 v18, v26  }
0xdd: {  	v21 =	vsub.f32 v27, v21;
	v24 =	vadd.f32 $8.388608000e+06, v24  }
0xde: {  	v22 =	vadd.f32 $-8.388609000e+06, v22;
	v27 =	vadd.f32 $5.000000000e-01, v23;
	[tilespmem:v20+s10+$0x0] =	vst.idx.add.f32.msk $0xffff, v2  }
0xdf: {  	v28 =	vshll.u32 v24, $0x4;
	[tilespmem:v20+s11+$0x0] =	vst.idx.add.f32.msk $0xffff, v21  }
0xe0: {  	v22 =	vsub.f32 v25, v22;
	v20 =	vadd.s32 v18, v28;
	v21 =	vadd.f32 $8.388608000e+06, v27;
	v27 =	vld [tilespmem:s23+$0x20]  }
0xe1: {  	[tilespmem:v26+s10+$0x0] =	vst.idx.add.f32.msk $0xffff, v2  }
0xe2: {  	v24 =	vadd.f32 $-8.388609000e+06, v24;
	v25 =	vshll.u32 v21, $0x4;
	[tilespmem:v26+s11+$0x0] =	vst.idx.add.f32.msk $0xffff, v22  }
0xe3: {  	v22 =	vadd.s32 v18, v25;
	v25 =	vld [tilespmem:s22+$0x50]  }
0xe4: {  	v19 =	vsub.f32 v19, v24  }
0xe5: {  	v21 =	vadd.f32 $-8.388609000e+06, v21;
	[tilespmem:v20+s10+$0x0] =	vst.idx.add.f32.msk $0xffff, v2;
	v24 =	vadd.f32 $5.000000000e-01, v27  }
0xe6: {  	[tilespmem:v20+s11+$0x0] =	vst.idx.add.f32.msk $0xffff, v19  }
0xe7: {  	v20 =	vsub.f32 v23, v21;
	v19 =	vld [tilespmem:s21+$0x400];
	v21 =	vadd.f32 $8.388608000e+06, v24  }
0xe8: {  	[tilespmem:v22+s10+$0x0] =	vst.idx.add.f32.msk $0xffff, v2;
	v23 =	vadd.f32 $5.000000000e-01, v25  }
0xe9: {  	s29 =	simm.s32 $0x8000;
	[tilespmem:v22+s11+$0x0] =	vst.idx.add.f32.msk $0xffff, v20;
	v20 =	vshll.u32 v21, $0x4  }
0xea: {  	s30 =	simm.s32 $0x400;
	s24 =	sand.u32 $0x2000, s29;
	v22 =	vld [tilespmem:s20+$0x430];
	v20 =	vadd.s32 v18, v20;
	v23 =	vadd.f32 $8.388608000e+06, v23  }
0xeb: {  	s26 =	simm.s32 $0x100;
	s25 =	sand.u32 $0x7000, s30;
	s24 =	sshrl.u32 s24, $0x2  }
0xec: {  	s26 =	sand.u32 $0x380, s26;
	s24 =	sor.u32 s24, s25;
	v21 =	vadd.f32 $-8.388609000e+06, v21;
	v24 =	vadd.f32 $5.000000000e-01, v19;
	v26 =	vshll.u32 v23, $0x4  }
0xed: {  	s24 =	sor.u32 s26, s24;
	v26 =	vadd.s32 v18, v26  }
0xee: {  	v28 =	vld [tilespmem:s24+$0x0];
	v21 =	vsub.f32 v27, v21;
	v24 =	vadd.f32 $8.388608000e+06, v24  }
0xef: {  	v23 =	vadd.f32 $-8.388609000e+06, v23;
	v27 =	vadd.f32 $5.000000000e-01, v22;
	[tilespmem:v20+s10+$0x0] =	vst.idx.add.f32.msk $0xffff, v2  }
0xf0: {  	v29 =	vshll.u32 v24, $0x4;
	[tilespmem:v20+s11+$0x0] =	vst.idx.add.f32.msk $0xffff, v21  }
0xf1: {  	v23 =	vsub.f32 v25, v23;
	v20 =	vadd.s32 v18, v29;
	v21 =	vadd.f32 $8.388608000e+06, v27;
	v27 =	vld [tilespmem:s23+$0x30]  }
0xf2: {  	[tilespmem:v26+s10+$0x0] =	vst.idx.add.f32.msk $0xffff, v2  }
0xf3: {  	v25 =	vadd.f32 $5.000000000e-01, v28;
	v24 =	vadd.f32 $-8.388609000e+06, v24;
	v29 =	vshll.u32 v21, $0x4;
	[tilespmem:v26+s11+$0x0] =	vst.idx.add.f32.msk $0xffff, v23  }
0xf4: {  	v23 =	vadd.s32 v18, v29;
	v26 =	vld [tilespmem:s22+$0x60]  }
0xf5: {  	v19 =	vsub.f32 v19, v24;
	v24 =	vadd.f32 $8.388608000e+06, v25  }
0xf6: {  	v21 =	vadd.f32 $-8.388609000e+06, v21;
	[tilespmem:v20+s10+$0x0] =	vst.idx.add.f32.msk $0xffff, v2;
	v25 =	vadd.f32 $5.000000000e-01, v27  }
0xf7: {  	[tilespmem:v20+s11+$0x0] =	vst.idx.add.f32.msk $0xffff, v19;
	v19 =	vshll.u32 v24, $0x4  }
0xf8: {  	v21 =	vsub.f32 v22, v21;
	v20 =	vld [tilespmem:s21+$0x410];
	v19 =	vadd.s32 v18, v19;
	v22 =	vadd.f32 $8.388608000e+06, v25  }
0xf9: {  	[tilespmem:v23+s10+$0x0] =	vst.idx.add.f32.msk $0xffff, v2;
	v25 =	vadd.f32 $5.000000000e-01, v26  }
0xfa: {  	[tilespmem:v23+s11+$0x0] =	vst.idx.add.f32.msk $0xffff, v21;
	v21 =	vadd.f32 $-8.388609000e+06, v24;
	v23 =	vshll.u32 v22, $0x4  }
0xfb: {  	v24 =	vld [tilespmem:s20+$0x440];
	v23 =	vadd.s32 v18, v23;
	v25 =	vadd.f32 $8.388608000e+06, v25  }
0xfc: {  	v21 =	vsub.f32 v28, v21  }
0xfd: {  	v22 =	vadd.f32 $-8.388609000e+06, v22;
	v28 =	vadd.f32 $5.000000000e-01, v20;
	[tilespmem:v19+s10+$0x0] =	vst.idx.add.f32.msk $0xffff, v2;
	v29 =	vshll.u32 v25, $0x4  }
0xfe: {  	[tilespmem:v19+s11+$0x0] =	vst.idx.add.f32.msk $0xffff, v21;
	v19 =	vadd.s32 v18, v29  }
0xff: {  	v22 =	vsub.f32 v27, v22;
	v21 =	vadd.f32 $8.388608000e+06, v28;
	v28 =	vld [tilespmem:s24+$0x10]  }
0x100: {  	v25 =	vadd.f32 $-8.388609000e+06, v25;
	v27 =	vadd.f32 $5.000000000e-01, v24;
	[tilespmem:v23+s10+$0x0] =	vst.idx.add.f32.msk $0xffff, v2  }
0x101: {  	v29 =	vshll.u32 v21, $0x4;
	[tilespmem:v23+s11+$0x0] =	vst.idx.add.f32.msk $0xffff, v22  }
0x102: {  	v25 =	vsub.f32 v26, v25;
	v22 =	vadd.s32 v18, v29;
	v23 =	vadd.f32 $8.388608000e+06, v27;
	v29 =	vld [tilespmem:s23+$0x40]  }
0x103: {  	[tilespmem:v19+s10+$0x0] =	vst.idx.add.f32.msk $0xffff, v2  }
0x104: {  	v21 =	vadd.f32 $-8.388609000e+06, v21;
	v26 =	vshll.u32 v23, $0x4;
	v27 =	vadd.f32 $5.000000000e-01, v28;
	[tilespmem:v19+s11+$0x0] =	vst.idx.add.f32.msk $0xffff, v25  }
0x105: {  	v19 =	vadd.s32 v18, v26;
	v25 =	vld [tilespmem:s22+$0x70]  }
0x106: {  	v20 =	vsub.f32 v20, v21;
	v21 =	vadd.f32 $8.388608000e+06, v27  }
0x107: {  	v23 =	vadd.f32 $-8.388609000e+06, v23;
	[tilespmem:v22+s10+$0x0] =	vst.idx.add.f32.msk $0xffff, v2;
	v26 =	vadd.f32 $5.000000000e-01, v29  }
0x108: {  	s26 =	simm.s32 $0xA000;
	[tilespmem:v22+s11+$0x0] =	vst.idx.add.f32.msk $0xffff, v20;
	v20 =	vshll.u32 v21, $0x4  }
0x109: {  	s28 =	simm.s32 $0x500;
	s31 =	sand.u32 $0x2000, s26;
	v22 =	vsub.f32 v24, v23;
	v30 =	vld [tilespmem:s21+$0x420];
	v20 =	vadd.s32 v18, v20;
	v23 =	vadd.f32 $8.388608000e+06, v26  }
0x10a: {  	s28 =	sand.u32 $0x7000, s28;
	s29 =	simm.s32 $0x140;
	s25 =	sshrl.u32 s31, $0x2;
	[tilespmem:v19+s10+$0x0] =	vst.idx.add.f32.msk $0xffff, v2;
	v24 =	vadd.f32 $5.000000000e-01, v25  }
0x10b: {  	s29 =	sand.u32 $0x380, s29;
	s25 =	sor.u32 s25, s28;
	v21 =	vadd.f32 $-8.388609000e+06, v21;
	[tilespmem:v19+s11+$0x0] =	vst.idx.add.f32.msk $0xffff, v22;
	v22 =	vshll.u32 v23, $0x4  }
0x10c: {  	s25 =	sor.u32 s29, s25;
	v19 =	vld [tilespmem:s20+$0x450];
	v22 =	vadd.s32 v18, v22;
	v26 =	vadd.f32 $8.388608000e+06, v24  }
0x10d: {  	v21 =	vsub.f32 v28, v21;
	v24 =	vld [tilespmem:s25+$0x0]  }
0x10e: {  	v23 =	vadd.f32 $-8.388609000e+06, v23;
	v27 =	vadd.f32 $5.000000000e-01, v30;
	[tilespmem:v20+s10+$0x0] =	vst.idx.add.f32.msk $0xffff, v2;
	v28 =	vshll.u32 v26, $0x4  }
0x10f: {  	[tilespmem:v20+s11+$0x0] =	vst.idx.add.f32.msk $0xffff, v21;
	v20 =	vadd.s32 v18, v28  }
0x110: {  	v23 =	vsub.f32 v29, v23;
	v21 =	vadd.f32 $8.388608000e+06, v27;
	v27 =	vld [tilespmem:s24+$0x20]  }
0x111: {  	v29 =	vadd.f32 $-8.388609000e+06, v26;
	v28 =	vadd.f32 $5.000000000e-01, v19;
	[tilespmem:v22+s10+$0x0] =	vst.idx.add.f32.msk $0xffff, v2  }
0x112: {  	v26 =	vshll.u32 v21, $0x4;
	[tilespmem:v22+s11+$0x0] =	vst.idx.add.f32.msk $0xffff, v23  }
0x113: {  	v22 =	vadd.s32 v18, v26;
	v23 =	vsub.f32 v25, v29;
	v31 =	vadd.f32 $8.388608000e+06, v28;
	v26 =	vld [tilespmem:s23+$0x50]  }
0x114: {  	[tilespmem:v20+s10+$0x0] =	vst.idx.add.f32.msk $0xffff, v2  }
0x115: {  	v21 =	vadd.f32 $-8.388609000e+06, v21;
	v25 =	vadd.f32 $5.000000000e-01, v24;
	[tilespmem:v20+s11+$0x0] =	vst.idx.add.f32.msk $0xffff, v23;
	v20 =	vshll.u32 v31, $0x4  }
0x116: {  	v29 =	vadd.f32 $5.000000000e-01, v27;
	v20 =	vadd.s32 v18, v20  }
0x117: {  	v28 =	vadd.f32 $8.388608000e+06, v25;
	v23 =	vsub.f32 v30, v21;
	v25 =	vld [tilespmem:s22+$0x400]  }
0x118: {  	s28 =	simm.s32 $0x50;
	v21 =	vadd.f32 $-8.388609000e+06, v31;
	v29 =	vadd.f32 $8.388608000e+06, v29;
	[tilespmem:v22+s10+$0x0] =	vst.idx.add.f32.msk $0xffff, v2  }
.LBB2_5:
0x119: {  	s28 =	sadd.s32 $0x10, s28;
	v30 =	vshll.u32 v28, $0x4;
	s26 =	sadd.s32 $0x2000, s26;
	v31 =	vadd.f32 $5.000000000e-01, v26;
	[tilespmem:v22+s11+$0x0] =	vst.idx.add.f32.msk $0xffff, v23  }
0x11a: {  	s29 =	sand.u32 $0x2000, s26;
	s30 =	sshll.u32 s28, $0x4;
	p0 =	slt.u32 s28, $0x7F0;
	v22 =	vadd.s32 v18, v30;
	v23 =	vshll.u32 v29, $0x4;
	v30 =	vld [tilespmem:s21+$0x430];
	v19 =	vsub.f32 v19, v21  }
0x11b: {  	s31 =	sshll.u32 s28, $0x2;
	s30 =	sand.u32 $0x7000, s30;
	s29 =	sshrl.u32 s29, $0x2;
	v21 =	vadd.s32 v18, v23;
	v23 =	vadd.f32 $8.388608000e+06, v31;
	[tilespmem:v20+s10+$0x0] =	vst.idx.add.f32.msk $0xffff, v2  }
0x11c: {  	s31 =	sand.u32 $0x380, s31;
	s29 =	sor.u32 s29, s30;
	v31 =	vadd.f32 $5.000000000e-01, v25;
	[tilespmem:v20+s11+$0x0] =	vst.idx.add.f32.msk $0xffff, v19  }
0x11d: {  	v19 =	vadd.f32 $-8.388609000e+06, v29;
	s29 =	sor.u32 s31, s29;
	v20 =	vshll.u32 v23, $0x4;
	v29 =	vld [tilespmem:s20+$0x460]  }
0x11e: {  	v32 =	vld [tilespmem:s29+$0x0];
	v20 =	vadd.s32 v18, v20;
	v31 =	vadd.f32 $8.388608000e+06, v31  }
0x11f: {  	v19 =	vsub.f32 v27, v19;
	[tilespmem:v22+s10+$0x0] =	vst.idx.add.f32.msk $0xffff, v2;
	v27 =	vadd.f32 $5.000000000e-01, v30  }
0x120: {  	v23 =	vadd.f32 $-8.388609000e+06, v23;
	[tilespmem:v21+s10+$0x0] =	vst.idx.add.f32.msk $0xffff, v2;
	v33 =	vshll.u32 v31, $0x4  }
0x121: {  	[tilespmem:v21+s11+$0x0] =	vst.idx.add.f32.msk $0xffff, v19;
	v19 =	vadd.s32 v18, v33;
	v21 =	vadd.f32 $8.388608000e+06, v27  }
0x122: {  	v23 =	vsub.f32 v26, v23;
	v27 =	vld [tilespmem:s24+$0x30];
	v26 =	vadd.f32 $5.000000000e-01, v29  }
0x123: {  	v31 =	vadd.f32 $-8.388609000e+06, v31;
	[tilespmem:v20+s10+$0x0] =	vst.idx.add.f32.msk $0xffff, v2;
	v33 =	vshll.u32 v21, $0x4  }
0x124: {  	[tilespmem:v20+s11+$0x0] =	vst.idx.add.f32.msk $0xffff, v23;
	v20 =	vadd.s32 v18, v33;
	v23 =	vadd.f32 $8.388608000e+06, v26  }
0x125: {  	v25 =	vsub.f32 v25, v31;
	v26 =	vld [tilespmem:s23+$0x60]  }
0x126: {  	v21 =	vadd.f32 $-8.388609000e+06, v21;
	[tilespmem:v19+s10+$0x0] =	vst.idx.add.f32.msk $0xffff, v2;
	v31 =	vshll.u32 v23, $0x4  }
0x127: {  	v33 =	vadd.f32 $5.000000000e-01, v27;
	[tilespmem:v19+s11+$0x0] =	vst.idx.add.f32.msk $0xffff, v25;
	v19 =	vadd.s32 v18, v31  }
0x128: {  	v21 =	vsub.f32 v30, v21;
	v25 =	vld [tilespmem:s22+$0x410]  }
0x129: {  	v23 =	vadd.f32 $-8.388609000e+06, v23;
	v30 =	vadd.f32 $8.388608000e+06, v33;
	[tilespmem:v20+s10+$0x0] =	vst.idx.add.f32.msk $0xffff, v2  }
0x12a: {  	v31 =	vadd.f32 $5.000000000e-01, v26;
	[tilespmem:v20+s11+$0x0] =	vst.idx.add.f32.msk $0xffff, v21  }
0x12b: {  	v23 =	vsub.f32 v29, v23;
	v20 =	vadd.f32 $-8.388609000e+06, v28;
	v21 =	vshll.u32 v30, $0x4;
	v28 =	vld [tilespmem:s21+$0x440]  }
0x12c: {  	v21 =	vadd.s32 v18, v21;
	v29 =	vadd.f32 $8.388608000e+06, v31;
	[tilespmem:v19+s10+$0x0] =	vst.idx.add.f32.msk $0xffff, v2  }
0x12d: {  	v20 =	vsub.f32 v24, v20;
	v24 =	vmov v32;
	v31 =	vadd.f32 $5.000000000e-01, v25;
	[tilespmem:v19+s11+$0x0] =	vst.idx.add.f32.msk $0xffff, v23  }
0x12e: {  	v19 =	vadd.f32 $-8.388609000e+06, v30;
	v23 =	vshll.u32 v29, $0x4;
	v30 =	vld [tilespmem:s20+$0x470];
	s20 =	smov.u32 s21;
	s21 =	smov.u32 s22;
	s22 =	smov.u32 s23  }
0x12f: {  	s23 =	smov.u32 s24;
	s24 =	smov.u32 s25;
	s25 =	smov.u32 s29;
	[tilespmem:v22+s11+$0x0] =	vst.idx.add.f32.msk $0xffff, v20;
	v20 =	vadd.s32 v18, v23;
	v22 =	vadd.f32 $8.388608000e+06, v31  }
0x130: {  	v19 =	vsub.f32 v27, v19;
	v23 =	vld [tilespmem:s24+$0x10];
	v27 =	vadd.f32 $5.000000000e-01, v28  }
0x131: {  	v29 =	vadd.f32 $-8.388609000e+06, v29;
	[tilespmem:v21+s10+$0x0] =	vst.idx.add.f32.msk $0xffff, v2;
	v31 =	vshll.u32 v22, $0x4  }
0x132: {  	[tilespmem:v21+s11+$0x0] =	vst.idx.add.f32.msk $0xffff, v19;
	v19 =	vadd.s32 v18, v31;
	v21 =	vadd.f32 $8.388608000e+06, v27  }
0x133: {  	v26 =	vsub.f32 v26, v29;
	v31 =	vld [tilespmem:s23+$0x40];
	v27 =	vadd.f32 $5.000000000e-01, v30  }
0x134: {  	v22 =	vadd.f32 $-8.388609000e+06, v22;
	[tilespmem:v20+s10+$0x0] =	vst.idx.add.f32.msk $0xffff, v2;
	v29 =	vshll.u32 v21, $0x4  }
0x135: {  	v32 =	vadd.f32 $5.000000000e-01, v23;
	[tilespmem:v20+s11+$0x0] =	vst.idx.add.f32.msk $0xffff, v26;
	v20 =	vadd.s32 v18, v29;
	v26 =	vadd.f32 $8.388608000e+06, v27  }
0x136: {  	v22 =	vsub.f32 v25, v22;
	v29 =	vld [tilespmem:s22+$0x70]  }
0x137: {  	v21 =	vadd.f32 $-8.388609000e+06, v21;
	v25 =	vadd.f32 $8.388608000e+06, v32;
	[tilespmem:v19+s10+$0x0] =	vst.idx.add.f32.msk $0xffff, v2;
	v27 =	vshll.u32 v26, $0x4  }
0x138: {  	v32 =	vadd.f32 $5.000000000e-01, v31;
	[tilespmem:v19+s11+$0x0] =	vst.idx.add.f32.msk $0xffff, v22;
	v22 =	vadd.s32 v18, v27  }
0x139: {  	v21 =	vsub.f32 v28, v21;
	v19 =	vshll.u32 v25, $0x4;
	v33 =	vld [tilespmem:s21+$0x420]  }
0x13a: {  	v26 =	vadd.f32 $-8.388609000e+06, v26;
	v27 =	vadd.s32 v18, v19;
	v28 =	vadd.f32 $8.388608000e+06, v32;
	[tilespmem:v20+s10+$0x0] =	vst.idx.add.f32.msk $0xffff, v2  }
0x13b: {  	v32 =	vadd.f32 $5.000000000e-01, v29;
	[tilespmem:v20+s11+$0x0] =	vst.idx.add.f32.msk $0xffff, v21  }
0x13c: {  	v20 =	vadd.f32 $-8.388609000e+06, v25;
	v25 =	vsub.f32 v30, v26;
	v21 =	vshll.u32 v28, $0x4;
	v19 =	vld [tilespmem:s20+$0x450]  }
0x13d: {  	v21 =	vadd.s32 v18, v21;
	v26 =	vadd.f32 $8.388608000e+06, v32;
	[tilespmem:v22+s10+$0x0] =	vst.idx.add.f32.msk $0xffff, v2  }
0x13e: {  	v20 =	vsub.f32 v23, v20;
	v23 =	vadd.f32 $5.000000000e-01, v33;
	[tilespmem:v22+s11+$0x0] =	vst.idx.add.f32.msk $0xffff, v25  }
0x13f: {  	v22 =	vadd.f32 $-8.388609000e+06, v28;
	[tilespmem:v27+s10+$0x0] =	vst.idx.add.f32.msk $0xffff, v2;
	v25 =	vshll.u32 v26, $0x4  }
0x140: {  	[tilespmem:v27+s11+$0x0] =	vst.idx.add.f32.msk $0xffff, v20;
	v20 =	vadd.s32 v18, v25;
	v23 =	vadd.f32 $8.388608000e+06, v23  }
0x141: {  	v22 =	vsub.f32 v31, v22;
	v27 =	vld [tilespmem:s24+$0x20];
	v25 =	vadd.f32 $5.000000000e-01, v19  }
0x142: {  	v28 =	vadd.f32 $-8.388609000e+06, v26;
	[tilespmem:v21+s10+$0x0] =	vst.idx.add.f32.msk $0xffff, v2;
	v26 =	vshll.u32 v23, $0x4  }
0x143: {  	[tilespmem:v21+s11+$0x0] =	vst.idx.add.f32.msk $0xffff, v22;
	v22 =	vadd.s32 v18, v26;
	v21 =	vadd.f32 $8.388608000e+06, v25  }
.Ltmp1:
0x144: {  	v25 =	vsub.f32 v29, v28;
	v26 =	vld [tilespmem:s23+$0x50];
	(pc) =	sbr.rel @p0 .LBB2_5-.Ltmp1, $4  }
0x145: {  	v23 =	vadd.f32 $-8.388609000e+06, v23;
	v28 =	vadd.f32 $5.000000000e-01, v24;
	[tilespmem:v20+s10+$0x0] =	vst.idx.add.f32.msk $0xffff, v2;
	v29 =	vshll.u32 v21, $0x4  }
0x146: {  	v30 =	vadd.f32 $5.000000000e-01, v27;
	[tilespmem:v20+s11+$0x0] =	vst.idx.add.f32.msk $0xffff, v25;
	v20 =	vadd.s32 v18, v29  }
0x147: {  	v23 =	vsub.f32 v33, v23;
	v28 =	vadd.f32 $8.388608000e+06, v28;
	v25 =	vld [tilespmem:s22+$0x400]  }
0x148: {  	v21 =	vadd.f32 $-8.388609000e+06, v21;
	v29 =	vadd.f32 $8.388608000e+06, v30;
	[tilespmem:v22+s10+$0x0] =	vst.idx.add.f32.msk $0xffff, v2  }
0x149: {  	v30 =	vshll.u32 v28, $0x4  }
0x14a: {  	v30 =	vadd.s32 v18, v30;
	_ =	sdelay $0x1  }
0x14b: {  	v28 =	vadd.f32 $-8.388609000e+06, v28;
	_ =	sdelay $0x1  }
0x14c: {  	v24 =	vsub.f32 v24, v28  }
0x14d: {  	[tilespmem:v30+s10+$0x0] =	vst.idx.add.f32.msk $0xffff, v2  }
0x14e: {  	[tilespmem:v30+s11+$0x0] =	vst.idx.add.f32.msk $0xffff, v24  }
0x14f: {  	v24 =	vld [tilespmem:s25+$0x10];
	_ =	sdelay $0x4  }
0x150: {  	v28 =	vadd.f32 $5.000000000e-01, v24;
	_ =	sdelay $0x1  }
0x151: {  	v28 =	vadd.f32 $8.388608000e+06, v28;
	_ =	sdelay $0x1  }
0x152: {  	v30 =	vshll.u32 v28, $0x4  }
0x153: {  	v30 =	vadd.s32 v18, v30;
	_ =	sdelay $0x1  }
0x154: {  	v28 =	vadd.f32 $-8.388609000e+06, v28;
	_ =	sdelay $0x1  }
0x155: {  	v24 =	vsub.f32 v24, v28  }
0x156: {  	[tilespmem:v30+s10+$0x0] =	vst.idx.add.f32.msk $0xffff, v2  }
0x157: {  	[tilespmem:v30+s11+$0x0] =	vst.idx.add.f32.msk $0xffff, v24  }
0x158: {  	v24 =	vld [tilespmem:s25+$0x20];
	_ =	sdelay $0x4  }
0x159: {  	v28 =	vadd.f32 $5.000000000e-01, v24  }
0x15a: {  	v30 =	vshll.u32 v29, $0x4  }
0x15b: {  	v30 =	vadd.s32 v18, v30;
	v28 =	vadd.f32 $8.388608000e+06, v28;
	_ =	sdelay $0x1  }
0x15c: {  	v29 =	vadd.f32 $-8.388609000e+06, v29;
	v31 =	vshll.u32 v28, $0x4  }
0x15d: {  	v31 =	vadd.s32 v18, v31  }
0x15e: {  	v27 =	vsub.f32 v27, v29  }
0x15f: {  	[tilespmem:v30+s10+$0x0] =	vst.idx.add.f32.msk $0xffff, v2;
	v28 =	vadd.f32 $-8.388609000e+06, v28  }
0x160: {  	[tilespmem:v30+s11+$0x0] =	vst.idx.add.f32.msk $0xffff, v27  }
0x161: {  	v27 =	vld [tilespmem:s24+$0x30];
	v24 =	vsub.f32 v24, v28  }
0x162: {  	[tilespmem:v31+s10+$0x0] =	vst.idx.add.f32.msk $0xffff, v2  }
0x163: {  	[tilespmem:v31+s11+$0x0] =	vst.idx.add.f32.msk $0xffff, v24  }
0x164: {  	v24 =	vld [tilespmem:s25+$0x30];
	_ =	sdelay $0x1  }
0x165: {  	v28 =	vadd.f32 $5.000000000e-01, v27;
	_ =	sdelay $0x1  }
0x166: {  	v28 =	vadd.f32 $8.388608000e+06, v28  }
0x167: {  	v29 =	vadd.f32 $5.000000000e-01, v24  }
0x168: {  	v30 =	vshll.u32 v28, $0x4  }
0x169: {  	v30 =	vadd.s32 v18, v30;
	v29 =	vadd.f32 $8.388608000e+06, v29;
	_ =	sdelay $0x1  }
0x16a: {  	v28 =	vadd.f32 $-8.388609000e+06, v28;
	v31 =	vshll.u32 v29, $0x4  }
0x16b: {  	v31 =	vadd.s32 v18, v31  }
0x16c: {  	v27 =	vsub.f32 v27, v28  }
0x16d: {  	[tilespmem:v30+s10+$0x0] =	vst.idx.add.f32.msk $0xffff, v2;
	v28 =	vadd.f32 $-8.388609000e+06, v29  }
0x16e: {  	[tilespmem:v30+s11+$0x0] =	vst.idx.add.f32.msk $0xffff, v27  }
0x16f: {  	v27 =	vld [tilespmem:s24+$0x40];
	v24 =	vsub.f32 v24, v28  }
0x170: {  	[tilespmem:v31+s10+$0x0] =	vst.idx.add.f32.msk $0xffff, v2  }
0x171: {  	[tilespmem:v31+s11+$0x0] =	vst.idx.add.f32.msk $0xffff, v24  }
0x172: {  	v24 =	vld [tilespmem:s25+$0x40];
	_ =	sdelay $0x1  }
0x173: {  	v28 =	vadd.f32 $5.000000000e-01, v27;
	_ =	sdelay $0x1  }
0x174: {  	v28 =	vadd.f32 $8.388608000e+06, v28  }
0x175: {  	v29 =	vadd.f32 $5.000000000e-01, v24  }
0x176: {  	v30 =	vshll.u32 v28, $0x4  }
0x177: {  	v30 =	vadd.s32 v18, v30;
	v29 =	vadd.f32 $8.388608000e+06, v29;
	_ =	sdelay $0x1  }
0x178: {  	v28 =	vadd.f32 $-8.388609000e+06, v28;
	v31 =	vshll.u32 v29, $0x4  }
0x179: {  	v31 =	vadd.s32 v18, v31  }
0x17a: {  	v27 =	vsub.f32 v27, v28  }
0x17b: {  	[tilespmem:v30+s10+$0x0] =	vst.idx.add.f32.msk $0xffff, v2;
	v28 =	vadd.f32 $-8.388609000e+06, v29  }
0x17c: {  	[tilespmem:v30+s11+$0x0] =	vst.idx.add.f32.msk $0xffff, v27  }
0x17d: {  	v27 =	vld [tilespmem:s24+$0x50];
	v24 =	vsub.f32 v24, v28  }
0x17e: {  	[tilespmem:v31+s10+$0x0] =	vst.idx.add.f32.msk $0xffff, v2  }
0x17f: {  	v28 =	vadd.f32 $5.000000000e-01, v26;
	[tilespmem:v31+s11+$0x0] =	vst.idx.add.f32.msk $0xffff, v24  }
0x180: {  	v24 =	vld [tilespmem:s25+$0x50]  }
0x181: {  	v28 =	vadd.f32 $8.388608000e+06, v28  }
0x182: {  	v29 =	vadd.f32 $5.000000000e-01, v27  }
0x183: {  	v30 =	vshll.u32 v28, $0x4  }
0x184: {  	v29 =	vadd.f32 $8.388608000e+06, v29;
	v30 =	vadd.s32 v18, v30  }
0x185: {  	v31 =	vadd.f32 $5.000000000e-01, v24  }
0x186: {  	v28 =	vadd.f32 $-8.388609000e+06, v28;
	v32 =	vshll.u32 v29, $0x4  }
0x187: {  	v32 =	vadd.s32 v18, v32;
	v31 =	vadd.f32 $8.388608000e+06, v31  }
0x188: {  	v26 =	vsub.f32 v26, v28  }
0x189: {  	v28 =	vadd.f32 $-8.388609000e+06, v29;
	[tilespmem:v30+s10+$0x0] =	vst.idx.add.f32.msk $0xffff, v2;
	v29 =	vshll.u32 v31, $0x4  }
0x18a: {  	[tilespmem:v30+s11+$0x0] =	vst.idx.add.f32.msk $0xffff, v26;
	v26 =	vadd.s32 v18, v29  }
0x18b: {  	v27 =	vsub.f32 v27, v28;
	v29 =	vld [tilespmem:s23+$0x60]  }
0x18c: {  	[tilespmem:v32+s10+$0x0] =	vst.idx.add.f32.msk $0xffff, v2;
	v28 =	vadd.f32 $-8.388609000e+06, v31  }
0x18d: {  	[tilespmem:v32+s11+$0x0] =	vst.idx.add.f32.msk $0xffff, v27  }
0x18e: {  	v27 =	vld [tilespmem:s24+$0x60];
	v24 =	vsub.f32 v24, v28  }
0x18f: {  	[tilespmem:v26+s10+$0x0] =	vst.idx.add.f32.msk $0xffff, v2  }
0x190: {  	v28 =	vadd.f32 $5.000000000e-01, v29;
	[tilespmem:v26+s11+$0x0] =	vst.idx.add.f32.msk $0xffff, v24  }
0x191: {  	v24 =	vld [tilespmem:s25+$0x60]  }
0x192: {  	v26 =	vadd.f32 $8.388608000e+06, v28  }
0x193: {  	v28 =	vadd.f32 $5.000000000e-01, v27  }
0x194: {  	v30 =	vshll.u32 v26, $0x4  }
0x195: {  	v28 =	vadd.f32 $8.388608000e+06, v28;
	v30 =	vadd.s32 v18, v30  }
0x196: {  	v31 =	vadd.f32 $5.000000000e-01, v24  }
0x197: {  	v26 =	vadd.f32 $-8.388609000e+06, v26;
	v48 =	vshll.u32 v28, $0x4  }
0x198: {  	v32 =	vadd.s32 v18, v48;
	v31 =	vadd.f32 $8.388608000e+06, v31  }
0x199: {  	v26 =	vsub.f32 v29, v26  }
0x19a: {  	v28 =	vadd.f32 $-8.388609000e+06, v28;
	[tilespmem:v30+s10+$0x0] =	vst.idx.add.f32.msk $0xffff, v2;
	v29 =	vshll.u32 v31, $0x4  }
0x19b: {  	[tilespmem:v30+s11+$0x0] =	vst.idx.add.f32.msk $0xffff, v26;
	v26 =	vadd.s32 v18, v29  }
0x19c: {  	v27 =	vsub.f32 v27, v28;
	v29 =	vld [tilespmem:s23+$0x70]  }
0x19d: {  	v28 =	vadd.f32 $-8.388609000e+06, v31;
	[tilespmem:v32+s10+$0x0] =	vst.idx.add.f32.msk $0xffff, v2  }
0x19e: {  	[tilespmem:v32+s11+$0x0] =	vst.idx.add.f32.msk $0xffff, v27  }
0x19f: {  	v24 =	vsub.f32 v24, v28;
	v27 =	vld [tilespmem:s24+$0x70]  }
0x1a0: {  	[tilespmem:v26+s10+$0x0] =	vst.idx.add.f32.msk $0xffff, v2  }
0x1a1: {  	v28 =	vadd.f32 $5.000000000e-01, v29;
	[tilespmem:v26+s11+$0x0] =	vst.idx.add.f32.msk $0xffff, v24  }
0x1a2: {  	v24 =	vld [tilespmem:s25+$0x70]  }
0x1a3: {  	v26 =	vadd.f32 $8.388608000e+06, v28  }
0x1a4: {  	v28 =	vadd.f32 $5.000000000e-01, v27  }
0x1a5: {  	v30 =	vshll.u32 v26, $0x4  }
0x1a6: {  	v28 =	vadd.f32 $8.388608000e+06, v28;
	v30 =	vadd.s32 v18, v30  }
0x1a7: {  	v31 =	vadd.f32 $5.000000000e-01, v24  }
0x1a8: {  	v26 =	vadd.f32 $-8.388609000e+06, v26;
	v49 =	vshll.u32 v28, $0x4  }
0x1a9: {  	v32 =	vadd.s32 v18, v49;
	v31 =	vadd.f32 $8.388608000e+06, v31  }
0x1aa: {  	v26 =	vsub.f32 v29, v26  }
0x1ab: {  	v28 =	vadd.f32 $-8.388609000e+06, v28;
	[tilespmem:v30+s10+$0x0] =	vst.idx.add.f32.msk $0xffff, v2;
	v29 =	vshll.u32 v31, $0x4  }
0x1ac: {  	[tilespmem:v30+s11+$0x0] =	vst.idx.add.f32.msk $0xffff, v26;
	v26 =	vadd.s32 v18, v29  }
0x1ad: {  	v27 =	vsub.f32 v27, v28;
	v29 =	vld [tilespmem:s23+$0x400]  }
0x1ae: {  	v28 =	vadd.f32 $-8.388609000e+06, v31;
	[tilespmem:v32+s10+$0x0] =	vst.idx.add.f32.msk $0xffff, v2  }
0x1af: {  	v30 =	vadd.f32 $5.000000000e-01, v25;
	[tilespmem:v32+s11+$0x0] =	vst.idx.add.f32.msk $0xffff, v27  }
0x1b0: {  	v24 =	vsub.f32 v24, v28;
	v27 =	vld [tilespmem:s24+$0x400]  }
0x1b1: {  	v28 =	vadd.f32 $8.388608000e+06, v30;
	[tilespmem:v26+s10+$0x0] =	vst.idx.add.f32.msk $0xffff, v2  }
0x1b2: {  	v30 =	vadd.f32 $5.000000000e-01, v29;
	[tilespmem:v26+s11+$0x0] =	vst.idx.add.f32.msk $0xffff, v24  }
0x1b3: {  	v24 =	vshll.u32 v28, $0x4;
	v26 =	vld [tilespmem:s25+$0x400]  }
0x1b4: {  	v24 =	vadd.s32 v18, v24;
	v30 =	vadd.f32 $8.388608000e+06, v30  }
0x1b5: {  	v31 =	vadd.f32 $5.000000000e-01, v27  }
0x1b6: {  	v28 =	vadd.f32 $-8.388609000e+06, v28;
	v50 =	vshll.u32 v30, $0x4  }
0x1b7: {  	v31 =	vadd.f32 $8.388608000e+06, v31;
	v32 =	vadd.s32 v18, v50  }
0x1b8: {  	v25 =	vsub.f32 v25, v28;
	v28 =	vadd.f32 $5.000000000e-01, v26  }
0x1b9: {  	v30 =	vadd.f32 $-8.388609000e+06, v30;
	v33 =	vshll.u32 v31, $0x4;
	[tilespmem:v24+s10+$0x0] =	vst.idx.add.f32.msk $0xffff, v2  }
0x1ba: {  	[tilespmem:v24+s11+$0x0] =	vst.idx.add.f32.msk $0xffff, v25;
	v24 =	vadd.s32 v18, v33;
	v25 =	vadd.f32 $8.388608000e+06, v28  }
0x1bb: {  	v29 =	vsub.f32 v29, v30;
	v28 =	vld [tilespmem:s22+$0x410]  }
0x1bc: {  	v30 =	vadd.f32 $-8.388609000e+06, v31;
	[tilespmem:v32+s10+$0x0] =	vst.idx.add.f32.msk $0xffff, v2;
	v31 =	vshll.u32 v25, $0x4  }
0x1bd: {  	[tilespmem:v32+s11+$0x0] =	vst.idx.add.f32.msk $0xffff, v29;
	v29 =	vadd.s32 v18, v31  }
0x1be: {  	v27 =	vsub.f32 v27, v30;
	v31 =	vld [tilespmem:s23+$0x410]  }
0x1bf: {  	v25 =	vadd.f32 $-8.388609000e+06, v25;
	[tilespmem:v24+s10+$0x0] =	vst.idx.add.f32.msk $0xffff, v2  }
0x1c0: {  	v30 =	vadd.f32 $5.000000000e-01, v28;
	[tilespmem:v24+s11+$0x0] =	vst.idx.add.f32.msk $0xffff, v27  }
0x1c1: {  	v25 =	vsub.f32 v26, v25;
	v24 =	vld [tilespmem:s24+$0x410]  }
0x1c2: {  	v26 =	vadd.f32 $8.388608000e+06, v30;
	[tilespmem:v29+s10+$0x0] =	vst.idx.add.f32.msk $0xffff, v2  }
0x1c3: {  	v27 =	vadd.f32 $5.000000000e-01, v31;
	[tilespmem:v29+s11+$0x0] =	vst.idx.add.f32.msk $0xffff, v25  }
0x1c4: {  	v25 =	vshll.u32 v26, $0x4;
	v29 =	vld [tilespmem:s25+$0x410]  }
0x1c5: {  	v25 =	vadd.s32 v18, v25;
	v27 =	vadd.f32 $8.388608000e+06, v27  }
0x1c6: {  	v30 =	vadd.f32 $5.000000000e-01, v24  }
0x1c7: {  	v26 =	vadd.f32 $-8.388609000e+06, v26;
	v51 =	vshll.u32 v27, $0x4  }
0x1c8: {  	v32 =	vadd.s32 v18, v51;
	v30 =	vadd.f32 $8.388608000e+06, v30  }
0x1c9: {  	v26 =	vsub.f32 v28, v26;
	v28 =	vadd.f32 $5.000000000e-01, v29  }
0x1ca: {  	v27 =	vadd.f32 $-8.388609000e+06, v27;
	[tilespmem:v25+s10+$0x0] =	vst.idx.add.f32.msk $0xffff, v2;
	v52 =	vshll.u32 v30, $0x4  }
0x1cb: {  	[tilespmem:v25+s11+$0x0] =	vst.idx.add.f32.msk $0xffff, v26;
	v25 =	vadd.s32 v18, v52;
	v26 =	vadd.f32 $8.388608000e+06, v28  }
0x1cc: {  	v27 =	vsub.f32 v31, v27;
	v28 =	vld [tilespmem:s22+$0x420]  }
0x1cd: {  	v30 =	vadd.f32 $-8.388609000e+06, v30;
	[tilespmem:v32+s10+$0x0] =	vst.idx.add.f32.msk $0xffff, v2;
	v31 =	vshll.u32 v26, $0x4  }
0x1ce: {  	[tilespmem:v32+s11+$0x0] =	vst.idx.add.f32.msk $0xffff, v27;
	v27 =	vadd.s32 v18, v31  }
0x1cf: {  	v24 =	vsub.f32 v24, v30;
	v31 =	vld [tilespmem:s23+$0x420]  }
0x1d0: {  	v26 =	vadd.f32 $-8.388609000e+06, v26;
	[tilespmem:v25+s10+$0x0] =	vst.idx.add.f32.msk $0xffff, v2  }
0x1d1: {  	v30 =	vadd.f32 $5.000000000e-01, v28;
	[tilespmem:v25+s11+$0x0] =	vst.idx.add.f32.msk $0xffff, v24  }
0x1d2: {  	v25 =	vsub.f32 v29, v26;
	v24 =	vld [tilespmem:s24+$0x420]  }
0x1d3: {  	v26 =	vadd.f32 $8.388608000e+06, v30;
	[tilespmem:v27+s10+$0x0] =	vst.idx.add.f32.msk $0xffff, v2  }
0x1d4: {  	v29 =	vadd.f32 $5.000000000e-01, v31;
	[tilespmem:v27+s11+$0x0] =	vst.idx.add.f32.msk $0xffff, v25  }
0x1d5: {  	v25 =	vshll.u32 v26, $0x4;
	v27 =	vld [tilespmem:s25+$0x420]  }
0x1d6: {  	v25 =	vadd.s32 v18, v25;
	v29 =	vadd.f32 $8.388608000e+06, v29  }
0x1d7: {  	v30 =	vadd.f32 $5.000000000e-01, v24  }
0x1d8: {  	v26 =	vadd.f32 $-8.388609000e+06, v26;
	v53 =	vshll.u32 v29, $0x4  }
0x1d9: {  	[tilespmem:v22+s11+$0x0] =	vst.idx.add.f32.msk $0xffff, v23;
	v22 =	vadd.s32 v18, v53;
	v23 =	vadd.f32 $8.388608000e+06, v30  }
0x1da: {  	v26 =	vsub.f32 v28, v26;
	v30 =	vld [tilespmem:s21+$0x430];
	v28 =	vadd.f32 $5.000000000e-01, v27  }
0x1db: {  	v29 =	vadd.f32 $-8.388609000e+06, v29;
	[tilespmem:v25+s10+$0x0] =	vst.idx.add.f32.msk $0xffff, v2;
	v54 =	vshll.u32 v23, $0x4  }
0x1dc: {  	[tilespmem:v25+s11+$0x0] =	vst.idx.add.f32.msk $0xffff, v26;
	v25 =	vadd.s32 v18, v54;
	v26 =	vadd.f32 $8.388608000e+06, v28  }
0x1dd: {  	v29 =	vsub.f32 v31, v29;
	v28 =	vld [tilespmem:s22+$0x430]  }
0x1de: {  	v23 =	vadd.f32 $-8.388609000e+06, v23;
	[tilespmem:v22+s10+$0x0] =	vst.idx.add.f32.msk $0xffff, v2;
	v31 =	vshll.u32 v26, $0x4  }
0x1df: {  	v55 =	vadd.f32 $5.000000000e-01, v30;
	[tilespmem:v22+s11+$0x0] =	vst.idx.add.f32.msk $0xffff, v29;
	v22 =	vadd.s32 v18, v31  }
0x1e0: {  	v23 =	vsub.f32 v24, v23;
	v29 =	vld [tilespmem:s23+$0x430]  }
0x1e1: {  	v26 =	vadd.f32 $-8.388609000e+06, v26;
	v24 =	vadd.f32 $8.388608000e+06, v55;
	[tilespmem:v25+s10+$0x0] =	vst.idx.add.f32.msk $0xffff, v2  }
0x1e2: {  	v31 =	vadd.f32 $5.000000000e-01, v28;
	[tilespmem:v25+s11+$0x0] =	vst.idx.add.f32.msk $0xffff, v23  }
0x1e3: {  	v26 =	vsub.f32 v27, v26;
	v23 =	vshll.u32 v24, $0x4;
	v25 =	vld [tilespmem:s24+$0x430]  }
0x1e4: {  	v23 =	vadd.s32 v18, v23;
	v27 =	vadd.f32 $8.388608000e+06, v31;
	[tilespmem:v22+s10+$0x0] =	vst.idx.add.f32.msk $0xffff, v2  }
0x1e5: {  	v31 =	vadd.f32 $5.000000000e-01, v29;
	[tilespmem:v22+s11+$0x0] =	vst.idx.add.f32.msk $0xffff, v26  }
0x1e6: {  	v22 =	vadd.f32 $-8.388609000e+06, v24;
	v24 =	vshll.u32 v27, $0x4;
	v26 =	vld [tilespmem:s25+$0x430]  }
0x1e7: {  	v24 =	vadd.s32 v18, v24;
	v31 =	vadd.f32 $8.388608000e+06, v31  }
0x1e8: {  	[tilespmem:v20+s10+$0x0] =	vst.idx.add.f32.msk $0xffff, v2;
	v22 =	vsub.f32 v30, v22;
	v30 =	vadd.f32 $5.000000000e-01, v25  }
0x1e9: {  	v27 =	vadd.f32 $-8.388609000e+06, v27;
	[tilespmem:v23+s10+$0x0] =	vst.idx.add.f32.msk $0xffff, v2;
	v56 =	vshll.u32 v31, $0x4  }
0x1ea: {  	[tilespmem:v23+s11+$0x0] =	vst.idx.add.f32.msk $0xffff, v22;
	v22 =	vadd.s32 v18, v56;
	v23 =	vadd.f32 $8.388608000e+06, v30  }
0x1eb: {  	v27 =	vsub.f32 v28, v27;
	v30 =	vld [tilespmem:s21+$0x440];
	v28 =	vadd.f32 $5.000000000e-01, v26  }
0x1ec: {  	v31 =	vadd.f32 $-8.388609000e+06, v31;
	[tilespmem:v24+s10+$0x0] =	vst.idx.add.f32.msk $0xffff, v2;
	v57 =	vshll.u32 v23, $0x4  }
0x1ed: {  	[tilespmem:v24+s11+$0x0] =	vst.idx.add.f32.msk $0xffff, v27;
	v24 =	vadd.s32 v18, v57;
	v27 =	vadd.f32 $8.388608000e+06, v28  }
0x1ee: {  	v29 =	vsub.f32 v29, v31;
	v28 =	vld [tilespmem:s22+$0x440]  }
0x1ef: {  	v23 =	vadd.f32 $-8.388609000e+06, v23;
	[tilespmem:v22+s10+$0x0] =	vst.idx.add.f32.msk $0xffff, v2;
	v31 =	vshll.u32 v27, $0x4  }
0x1f0: {  	v58 =	vadd.f32 $5.000000000e-01, v30;
	[tilespmem:v22+s11+$0x0] =	vst.idx.add.f32.msk $0xffff, v29;
	v22 =	vadd.s32 v18, v31  }
0x1f1: {  	v23 =	vsub.f32 v25, v23;
	v29 =	vld [tilespmem:s23+$0x440]  }
0x1f2: {  	v27 =	vadd.f32 $-8.388609000e+06, v27;
	v25 =	vadd.f32 $8.388608000e+06, v58;
	[tilespmem:v24+s10+$0x0] =	vst.idx.add.f32.msk $0xffff, v2  }
0x1f3: {  	v31 =	vadd.f32 $5.000000000e-01, v28;
	[tilespmem:v24+s11+$0x0] =	vst.idx.add.f32.msk $0xffff, v23  }
0x1f4: {  	v26 =	vsub.f32 v26, v27;
	v23 =	vshll.u32 v25, $0x4;
	v24 =	vld [tilespmem:s24+$0x440]  }
0x1f5: {  	v23 =	vadd.s32 v18, v23;
	v27 =	vadd.f32 $8.388608000e+06, v31;
	[tilespmem:v22+s10+$0x0] =	vst.idx.add.f32.msk $0xffff, v2  }
0x1f6: {  	v19 =	vsub.f32 v19, v21;
	v21 =	vadd.f32 $5.000000000e-01, v29;
	[tilespmem:v22+s11+$0x0] =	vst.idx.add.f32.msk $0xffff, v26  }
0x1f7: {  	v22 =	vadd.f32 $-8.388609000e+06, v25;
	v25 =	vshll.u32 v27, $0x4;
	v26 =	vld [tilespmem:s25+$0x440]  }
0x1f8: {  	[tilespmem:v20+s11+$0x0] =	vst.idx.add.f32.msk $0xffff, v19;
	v19 =	vadd.s32 v18, v25;
	v20 =	vadd.f32 $8.388608000e+06, v21  }
0x1f9: {  	v21 =	vld [tilespmem:s20+$0x460];
	v22 =	vsub.f32 v30, v22;
	v25 =	vadd.f32 $5.000000000e-01, v24  }
0x1fa: {  	v27 =	vadd.f32 $-8.388609000e+06, v27;
	[tilespmem:v23+s10+$0x0] =	vst.idx.add.f32.msk $0xffff, v2;
	v30 =	vshll.u32 v20, $0x4  }
0x1fb: {  	[tilespmem:v23+s11+$0x0] =	vst.idx.add.f32.msk $0xffff, v22;
	v22 =	vadd.s32 v18, v30;
	v23 =	vadd.f32 $8.388608000e+06, v25  }
0x1fc: {  	v27 =	vsub.f32 v28, v27;
	v25 =	vld [tilespmem:s21+$0x450];
	v28 =	vadd.f32 $5.000000000e-01, v26  }
0x1fd: {  	v20 =	vadd.f32 $-8.388609000e+06, v20;
	[tilespmem:v19+s10+$0x0] =	vst.idx.add.f32.msk $0xffff, v2;
	v30 =	vshll.u32 v23, $0x4  }
0x1fe: {  	[tilespmem:v19+s11+$0x0] =	vst.idx.add.f32.msk $0xffff, v27;
	v19 =	vadd.s32 v18, v30;
	v27 =	vadd.f32 $8.388608000e+06, v28  }
0x1ff: {  	v20 =	vsub.f32 v29, v20;
	v28 =	vld [tilespmem:s22+$0x450]  }
0x200: {  	v29 =	vadd.f32 $5.000000000e-01, v21;
	v23 =	vadd.f32 $-8.388609000e+06, v23;
	[tilespmem:v22+s10+$0x0] =	vst.idx.add.f32.msk $0xffff, v2;
	v30 =	vshll.u32 v27, $0x4  }
0x201: {  	v31 =	vadd.f32 $5.000000000e-01, v25;
	[tilespmem:v22+s11+$0x0] =	vst.idx.add.f32.msk $0xffff, v20;
	v20 =	vadd.s32 v18, v30  }
0x202: {  	v23 =	vsub.f32 v24, v23;
	v22 =	vadd.f32 $8.388608000e+06, v29;
	v29 =	vld [tilespmem:s23+$0x450]  }
0x203: {  	v27 =	vadd.f32 $-8.388609000e+06, v27;
	v24 =	vadd.f32 $8.388608000e+06, v31;
	[tilespmem:v19+s10+$0x0] =	vst.idx.add.f32.msk $0xffff, v2  }
0x204: {  	v30 =	vshll.u32 v22, $0x4;
	v31 =	vadd.f32 $5.000000000e-01, v28;
	[tilespmem:v19+s11+$0x0] =	vst.idx.add.f32.msk $0xffff, v23  }
0x205: {  	v26 =	vsub.f32 v26, v27;
	v19 =	vadd.s32 v18, v30;
	v23 =	vshll.u32 v24, $0x4;
	v30 =	vld [tilespmem:s24+$0x450]  }
0x206: {  	v23 =	vadd.s32 v18, v23;
	v27 =	vadd.f32 $8.388608000e+06, v31;
	[tilespmem:v20+s10+$0x0] =	vst.idx.add.f32.msk $0xffff, v2  }
0x207: {  	v31 =	vadd.f32 $5.000000000e-01, v29;
	[tilespmem:v20+s11+$0x0] =	vst.idx.add.f32.msk $0xffff, v26  }
0x208: {  	v20 =	vadd.f32 $-8.388609000e+06, v24;
	v24 =	vshll.u32 v27, $0x4;
	v26 =	vld [tilespmem:s25+$0x450]  }
0x209: {  	v24 =	vadd.s32 v18, v24;
	v31 =	vadd.f32 $8.388608000e+06, v31  }
0x20a: {  	[tilespmem:v19+s10+$0x0] =	vst.idx.add.f32.msk $0xffff, v2;
	v20 =	vsub.f32 v25, v20;
	v25 =	vadd.f32 $5.000000000e-01, v30  }
0x20b: {  	v27 =	vadd.f32 $-8.388609000e+06, v27;
	[tilespmem:v23+s10+$0x0] =	vst.idx.add.f32.msk $0xffff, v2;
	v59 =	vshll.u32 v31, $0x4  }
0x20c: {  	[tilespmem:v23+s11+$0x0] =	vst.idx.add.f32.msk $0xffff, v20;
	v20 =	vadd.s32 v18, v59;
	v23 =	vadd.f32 $8.388608000e+06, v25  }
0x20d: {  	v27 =	vsub.f32 v28, v27;
	v25 =	vld [tilespmem:s21+$0x460];
	v28 =	vadd.f32 $5.000000000e-01, v26  }
0x20e: {  	v31 =	vadd.f32 $-8.388609000e+06, v31;
	[tilespmem:v24+s10+$0x0] =	vst.idx.add.f32.msk $0xffff, v2;
	v60 =	vshll.u32 v23, $0x4  }
0x20f: {  	[tilespmem:v24+s11+$0x0] =	vst.idx.add.f32.msk $0xffff, v27;
	v24 =	vadd.s32 v18, v60;
	v27 =	vadd.f32 $8.388608000e+06, v28  }
0x210: {  	v29 =	vsub.f32 v29, v31;
	v28 =	vld [tilespmem:s22+$0x460]  }
0x211: {  	v23 =	vadd.f32 $-8.388609000e+06, v23;
	[tilespmem:v20+s10+$0x0] =	vst.idx.add.f32.msk $0xffff, v2;
	v31 =	vshll.u32 v27, $0x4  }
0x212: {  	v61 =	vadd.f32 $5.000000000e-01, v25;
	[tilespmem:v20+s11+$0x0] =	vst.idx.add.f32.msk $0xffff, v29;
	v20 =	vadd.s32 v18, v31  }
0x213: {  	v23 =	vsub.f32 v30, v23;
	v29 =	vld [tilespmem:s23+$0x460]  }
0x214: {  	v27 =	vadd.f32 $-8.388609000e+06, v27;
	v30 =	vadd.f32 $8.388608000e+06, v61;
	[tilespmem:v24+s10+$0x0] =	vst.idx.add.f32.msk $0xffff, v2  }
0x215: {  	v31 =	vadd.f32 $5.000000000e-01, v28;
	[tilespmem:v24+s11+$0x0] =	vst.idx.add.f32.msk $0xffff, v23  }
0x216: {  	v22 =	vadd.f32 $-8.388609000e+06, v22;
	v26 =	vsub.f32 v26, v27;
	v23 =	vshll.u32 v30, $0x4;
	v24 =	vld [tilespmem:s24+$0x460]  }
0x217: {  	v23 =	vadd.s32 v18, v23;
	v27 =	vadd.f32 $8.388608000e+06, v31;
	[tilespmem:v20+s10+$0x0] =	vst.idx.add.f32.msk $0xffff, v2  }
0x218: {  	v21 =	vsub.f32 v21, v22;
	v22 =	vadd.f32 $5.000000000e-01, v29;
	[tilespmem:v20+s11+$0x0] =	vst.idx.add.f32.msk $0xffff, v26  }
0x219: {  	v20 =	vadd.f32 $-8.388609000e+06, v30;
	v26 =	vshll.u32 v27, $0x4;
	v30 =	vld [tilespmem:s25+$0x460]  }
0x21a: {  	[tilespmem:v19+s11+$0x0] =	vst.idx.add.f32.msk $0xffff, v21;
	v19 =	vadd.s32 v18, v26;
	v21 =	vadd.f32 $8.388608000e+06, v22  }
0x21b: {  	v22 =	vld [tilespmem:s20+$0x470];
	v20 =	vsub.f32 v25, v20;
	v25 =	vadd.f32 $5.000000000e-01, v24  }
0x21c: {  	v26 =	vadd.f32 $-8.388609000e+06, v27;
	[tilespmem:v23+s10+$0x0] =	vst.idx.add.f32.msk $0xffff, v2;
	v27 =	vshll.u32 v21, $0x4  }
0x21d: {  	[tilespmem:v23+s11+$0x0] =	vst.idx.add.f32.msk $0xffff, v20;
	v20 =	vadd.s32 v18, v27;
	v23 =	vadd.f32 $8.388608000e+06, v25  }
0x21e: {  	v26 =	vsub.f32 v28, v26;
	v25 =	vld [tilespmem:s21+$0x470];
	v27 =	vadd.f32 $5.000000000e-01, v30  }
0x21f: {  	v21 =	vadd.f32 $-8.388609000e+06, v21;
	[tilespmem:v19+s10+$0x0] =	vst.idx.add.f32.msk $0xffff, v2;
	v28 =	vshll.u32 v23, $0x4  }
0x220: {  	[tilespmem:v19+s11+$0x0] =	vst.idx.add.f32.msk $0xffff, v26;
	v19 =	vadd.s32 v18, v28;
	v26 =	vadd.f32 $8.388608000e+06, v27  }
0x221: {  	v21 =	vsub.f32 v29, v21;
	v27 =	vld [tilespmem:s22+$0x470]  }
0x222: {  	v23 =	vadd.f32 $-8.388609000e+06, v23;
	[tilespmem:v20+s10+$0x0] =	vst.idx.add.f32.msk $0xffff, v2;
	v28 =	vshll.u32 v26, $0x4  }
0x223: {  	[tilespmem:v20+s11+$0x0] =	vst.idx.add.f32.msk $0xffff, v21;
	v20 =	vadd.s32 v18, v28  }
0x224: {  	v23 =	vsub.f32 v24, v23;
	v21 =	vadd.f32 $5.000000000e-01, v22;
	v28 =	vld [tilespmem:s23+$0x470]  }
0x225: {  	v24 =	vadd.f32 $-8.388609000e+06, v26;
	[tilespmem:v19+s10+$0x0] =	vst.idx.add.f32.msk $0xffff, v2  }
0x226: {  	v21 =	vadd.f32 $8.388608000e+06, v21;
	[tilespmem:v19+s11+$0x0] =	vst.idx.add.f32.msk $0xffff, v23  }
0x227: {  	v24 =	vsub.f32 v30, v24;
	v19 =	vadd.f32 $5.000000000e-01, v25;
	v23 =	vld [tilespmem:s24+$0x470]  }
0x228: {  	[tilespmem:v20+s10+$0x0] =	vst.idx.add.f32.msk $0xffff, v2  }
0x229: {  	v29 =	vadd.f32 $5.000000000e-01, v27;
	v26 =	vshll.u32 v21, $0x4;
	v19 =	vadd.f32 $8.388608000e+06, v19;
	[tilespmem:v20+s11+$0x0] =	vst.idx.add.f32.msk $0xffff, v24  }
0x22a: {  	v20 =	vadd.s32 v18, v26;
	v24 =	vld [tilespmem:s25+$0x470]  }
0x22b: {  	v29 =	vadd.f32 $8.388608000e+06, v29;
	v30 =	vadd.f32 $5.000000000e-01, v28;
	v26 =	vshll.u32 v19, $0x4  }
0x22c: {  	v21 =	vadd.f32 $-8.388609000e+06, v21;
	v26 =	vadd.s32 v18, v26  }
0x22d: {  	v31 =	vshll.u32 v29, $0x4;
	v30 =	vadd.f32 $8.388608000e+06, v30;
	v62 =	vadd.f32 $5.000000000e-01, v23  }
0x22e: {  	v21 =	vsub.f32 v22, v21;
	v19 =	vadd.f32 $-8.388609000e+06, v19;
	v22 =	vadd.s32 v18, v31  }
0x22f: {  	v31 =	vshll.u32 v30, $0x4;
	v32 =	vadd.f32 $8.388608000e+06, v62;
	[tilespmem:v20+s10+$0x0] =	vst.idx.add.f32.msk $0xffff, v2;
	v63 =	vadd.f32 $5.000000000e-01, v24  }
0x230: {  	v19 =	vsub.f32 v25, v19;
	[tilespmem:v20+s11+$0x0] =	vst.idx.add.f32.msk $0xffff, v21;
	v20 =	vadd.f32 $-8.388609000e+06, v29;
	v21 =	vadd.s32 v18, v31  }
0x231: {  	[tilespmem:v26+s10+$0x0] =	vst.idx.add.f32.msk $0xffff, v2;
	v25 =	vshll.u32 v32, $0x4;
	v29 =	vadd.f32 $8.388608000e+06, v63  }
0x232: {  	[tilespmem:v26+s11+$0x0] =	vst.idx.add.f32.msk $0xffff, v19;
	v25 =	vadd.s32 v18, v25;
	v19 =	vsub.f32 v27, v20;
	v20 =	vadd.f32 $-8.388609000e+06, v30  }
0x233: {  	[tilespmem:v22+s10+$0x0] =	vst.idx.add.f32.msk $0xffff, v2;
	v26 =	vshll.u32 v29, $0x4  }
0x234: {  	p0 =	seq.s32 s19, $0xB;
	[tilespmem:v22+s11+$0x0] =	vst.idx.add.f32.msk $0xffff, v19;
	v19 =	vsub.f32 v28, v20;
	v20 =	vadd.f32 $-8.388609000e+06, v32;
	v22 =	vadd.s32 v18, v26  }
0x235: {  	s20 =	sshll.u32 @!p0 s19, $0x1;
	[tilespmem:v21+s10+$0x0] =	vst.idx.add.f32.msk $0xffff, v2  }
0x236: {  	s20 =	sadd.s32 @!p0 $0x2, s20;
	[tilespmem:v21+s11+$0x0] =	vst.idx.add.f32.msk $0xffff, v19;
	v19 =	vsub.f32 v23, v20;
	v20 =	vadd.f32 $-8.388609000e+06, v29  }
0x237: {  	s21 =	sshrl.u32 @!p0 s20, $0x3;
	s20 =	sshll.u32 @!p0 s20, $0xC;
	[tilespmem:v25+s10+$0x0] =	vst.idx.add.f32.msk $0xffff, v2  }
0x238: {  	s21 =	sadd.s32 @!p0 s4, s21;
	s20 =	sand.u32 @!p0 $0x6000, s20;
	[tilespmem:v25+s11+$0x0] =	vst.idx.add.f32.msk $0xffff, v19;
	v19 =	vsub.f32 v24, v20  }
0x239: {  	s21 =	sshll.u32 @!p0 s21, $0xF;
	s20 =	sadd.s32 @!p0 s0, s20;
	[tilespmem:v22+s10+$0x0] =	vst.idx.add.f32.msk $0xffff, v2  }
0x23a: {  	s20 =	sadd.s32 @!p0 s21, s20;
	s21 =	simm.s32 @!p0 $0x0;
	[tilespmem:v22+s11+$0x0] =	vst.idx.add.f32.msk $0xffff, v19  }
0x23b: {  	[tilespmem:s21], [sflag:$0x1] =	stream.linear.gather @!p0 [hbm4b:s20+s21], $0x8000, $0x38;
	[tilespmem:$0x16C00] =	vst v63  }
0x23c: {  	s21 =	simm.s32 $0x0  }
0x23d: {  	s22 =	simm.s32 $0x0;
	s23 =	simm.s32 $0x0;
	s20 =	sand.u32 $0x2000, s21  }
0x23e: {  	_ =	swait.ge [sflag:s12], $0x8000;
	s21 =	sand.u32 $0x7000, s22;
	s20 =	sshrl.u32 s20, $0x2  }
0x23f: {  	s22 =	sand.u32 $0x380, s23;
	[sflag:s12] =	ssyncset.done $0x0;
	s20 =	sor.u32 s20, s21  }
0x240: {  	[sflag:s12] =	ssyncadd.s32 $0xFFFF8000;
	s20 =	sor.u32 s22, s20  }
0x241: {  	v19 =	vld [tilespmem:s20+$0x8000];
	_ =	sdelay $0x4  }
0x242: {  	v20 =	vadd.f32 $5.000000000e-01, v19;
	_ =	sdelay $0x1  }
0x243: {  	v20 =	vadd.f32 $8.388608000e+06, v20;
	_ =	sdelay $0x1  }
0x244: {  	v21 =	vshll.u32 v20, $0x4  }
0x245: {  	v21 =	vadd.s32 v18, v21;
	_ =	sdelay $0x1  }
0x246: {  	v20 =	vadd.f32 $-8.388609000e+06, v20;
	_ =	sdelay $0x1  }
0x247: {  	v19 =	vsub.f32 v19, v20  }
0x248: {  	[tilespmem:v21+s10+$0x0] =	vst.idx.add.f32.msk $0xffff, v2  }
0x249: {  	[tilespmem:v21+s11+$0x0] =	vst.idx.add.f32.msk $0xffff, v19  }
0x24a: {  	v19 =	vld [tilespmem:s20+$0x8010];
	_ =	sdelay $0x4  }
0x24b: {  	v20 =	vadd.f32 $5.000000000e-01, v19;
	_ =	sdelay $0x1  }
0x24c: {  	v20 =	vadd.f32 $8.388608000e+06, v20;
	_ =	sdelay $0x1  }
0x24d: {  	v21 =	vshll.u32 v20, $0x4  }
0x24e: {  	v21 =	vadd.s32 v18, v21;
	_ =	sdelay $0x1  }
0x24f: {  	v20 =	vadd.f32 $-8.388609000e+06, v20;
	_ =	sdelay $0x1  }
0x250: {  	v19 =	vsub.f32 v19, v20  }
0x251: {  	[tilespmem:v21+s10+$0x0] =	vst.idx.add.f32.msk $0xffff, v2  }
0x252: {  	[tilespmem:v21+s11+$0x0] =	vst.idx.add.f32.msk $0xffff, v19  }
0x253: {  	v19 =	vld [tilespmem:s20+$0x8020];
	_ =	sdelay $0x4  }
0x254: {  	v20 =	vadd.f32 $5.000000000e-01, v19;
	_ =	sdelay $0x1  }
0x255: {  	v20 =	vadd.f32 $8.388608000e+06, v20;
	_ =	sdelay $0x1  }
0x256: {  	s24 =	simm.s32 $0x2000;
	v21 =	vshll.u32 v20, $0x4  }
0x257: {  	s25 =	simm.s32 $0x100;
	s21 =	sand.u32 $0x2000, s24;
	v21 =	vadd.s32 v18, v21  }
0x258: {  	s26 =	simm.s32 $0x40;
	s22 =	sand.u32 $0x7000, s25;
	s21 =	sshrl.u32 s21, $0x2  }
0x259: {  	s23 =	sand.u32 $0x380, s26;
	s21 =	sor.u32 s21, s22;
	v20 =	vadd.f32 $-8.388609000e+06, v20  }
0x25a: {  	s21 =	sor.u32 s23, s21  }
0x25b: {  	v22 =	vld [tilespmem:s21+$0x8000];
	v19 =	vsub.f32 v19, v20  }
0x25c: {  	[tilespmem:v21+s10+$0x0] =	vst.idx.add.f32.msk $0xffff, v2  }
0x25d: {  	[tilespmem:v21+s11+$0x0] =	vst.idx.add.f32.msk $0xffff, v19  }
0x25e: {  	v19 =	vld [tilespmem:s20+$0x8030];
	_ =	sdelay $0x1  }
0x25f: {  	v20 =	vadd.f32 $5.000000000e-01, v22;
	_ =	sdelay $0x1  }
0x260: {  	v20 =	vadd.f32 $8.388608000e+06, v20  }
0x261: {  	v23 =	vadd.f32 $5.000000000e-01, v19  }
0x262: {  	v21 =	vshll.u32 v20, $0x4  }
0x263: {  	v21 =	vadd.s32 v18, v21;
	v23 =	vadd.f32 $8.388608000e+06, v23;
	_ =	sdelay $0x1  }
0x264: {  	v20 =	vadd.f32 $-8.388609000e+06, v20;
	v24 =	vshll.u32 v23, $0x4  }
0x265: {  	v24 =	vadd.s32 v18, v24  }
0x266: {  	v20 =	vsub.f32 v22, v20  }
0x267: {  	[tilespmem:v21+s10+$0x0] =	vst.idx.add.f32.msk $0xffff, v2;
	v22 =	vadd.f32 $-8.388609000e+06, v23  }
0x268: {  	[tilespmem:v21+s11+$0x0] =	vst.idx.add.f32.msk $0xffff, v20  }
0x269: {  	v20 =	vld [tilespmem:s21+$0x8010];
	v19 =	vsub.f32 v19, v22  }
0x26a: {  	[tilespmem:v24+s10+$0x0] =	vst.idx.add.f32.msk $0xffff, v2  }
0x26b: {  	[tilespmem:v24+s11+$0x0] =	vst.idx.add.f32.msk $0xffff, v19  }
0x26c: {  	v19 =	vld [tilespmem:s20+$0x8040];
	_ =	sdelay $0x1  }
0x26d: {  	v21 =	vadd.f32 $5.000000000e-01, v20;
	_ =	sdelay $0x1  }
0x26e: {  	v21 =	vadd.f32 $8.388608000e+06, v21  }
0x26f: {  	v22 =	vadd.f32 $5.000000000e-01, v19  }
0x270: {  	v23 =	vshll.u32 v21, $0x4  }
0x271: {  	v23 =	vadd.s32 v18, v23;
	v22 =	vadd.f32 $8.388608000e+06, v22;
	_ =	sdelay $0x1  }
0x272: {  	v21 =	vadd.f32 $-8.388609000e+06, v21;
	v24 =	vshll.u32 v22, $0x4  }
0x273: {  	v24 =	vadd.s32 v18, v24  }
0x274: {  	v20 =	vsub.f32 v20, v21  }
0x275: {  	[tilespmem:v23+s10+$0x0] =	vst.idx.add.f32.msk $0xffff, v2;
	v21 =	vadd.f32 $-8.388609000e+06, v22  }
0x276: {  	[tilespmem:v23+s11+$0x0] =	vst.idx.add.f32.msk $0xffff, v20  }
0x277: {  	v20 =	vld [tilespmem:s21+$0x8020];
	v19 =	vsub.f32 v19, v21  }
0x278: {  	[tilespmem:v24+s10+$0x0] =	vst.idx.add.f32.msk $0xffff, v2  }
0x279: {  	[tilespmem:v24+s11+$0x0] =	vst.idx.add.f32.msk $0xffff, v19  }
0x27a: {  	v19 =	vld [tilespmem:s20+$0x8050];
	_ =	sdelay $0x1  }
0x27b: {  	v21 =	vadd.f32 $5.000000000e-01, v20;
	_ =	sdelay $0x1  }
0x27c: {  	v21 =	vadd.f32 $8.388608000e+06, v21  }
0x27d: {  	s29 =	simm.s32 $0x4000;
	v22 =	vadd.f32 $5.000000000e-01, v19  }
0x27e: {  	s30 =	simm.s32 $0x200;
	s22 =	sand.u32 $0x2000, s29;
	v23 =	vshll.u32 v21, $0x4  }
0x27f: {  	s31 =	simm.s32 $0x80;
	s23 =	sand.u32 $0x7000, s30;
	s22 =	sshrl.u32 s22, $0x2;
	v23 =	vadd.s32 v18, v23;
	v22 =	vadd.f32 $8.388608000e+06, v22  }
0x280: {  	s24 =	sand.u32 $0x380, s31;
	s22 =	sor.u32 s22, s23  }
0x281: {  	s22 =	sor.u32 s24, s22;
	v21 =	vadd.f32 $-8.388609000e+06, v21;
	v24 =	vshll.u32 v22, $0x4  }
0x282: {  	v25 =	vld [tilespmem:s22+$0x8000];
	v24 =	vadd.s32 v18, v24  }
0x283: {  	v20 =	vsub.f32 v20, v21  }
0x284: {  	[tilespmem:v23+s10+$0x0] =	vst.idx.add.f32.msk $0xffff, v2;
	v21 =	vadd.f32 $-8.388609000e+06, v22  }
0x285: {  	[tilespmem:v23+s11+$0x0] =	vst.idx.add.f32.msk $0xffff, v20  }
0x286: {  	v20 =	vld [tilespmem:s21+$0x8030];
	v19 =	vsub.f32 v19, v21  }
0x287: {  	v21 =	vadd.f32 $5.000000000e-01, v25;
	[tilespmem:v24+s10+$0x0] =	vst.idx.add.f32.msk $0xffff, v2  }
0x288: {  	[tilespmem:v24+s11+$0x0] =	vst.idx.add.f32.msk $0xffff, v19  }
0x289: {  	v19 =	vadd.f32 $8.388608000e+06, v21;
	v21 =	vld [tilespmem:s20+$0x8060];
	_ =	sdelay $0x1  }
0x28a: {  	v22 =	vadd.f32 $5.000000000e-01, v20;
	v23 =	vshll.u32 v19, $0x4  }
0x28b: {  	v23 =	vadd.s32 v18, v23  }
0x28c: {  	v22 =	vadd.f32 $8.388608000e+06, v22  }
0x28d: {  	v19 =	vadd.f32 $-8.388609000e+06, v19;
	v24 =	vadd.f32 $5.000000000e-01, v21  }
0x28e: {  	v26 =	vshll.u32 v22, $0x4  }
0x28f: {  	v26 =	vadd.s32 v18, v26;
	v19 =	vsub.f32 v25, v19;
	v24 =	vadd.f32 $8.388608000e+06, v24  }
0x290: {  	[tilespmem:v23+s10+$0x0] =	vst.idx.add.f32.msk $0xffff, v2  }
0x291: {  	v22 =	vadd.f32 $-8.388609000e+06, v22;
	[tilespmem:v23+s11+$0x0] =	vst.idx.add.f32.msk $0xffff, v19;
	v25 =	vshll.u32 v24, $0x4  }
0x292: {  	v23 =	vld [tilespmem:s22+$0x8010];
	v19 =	vadd.s32 v18, v25  }
0x293: {  	v20 =	vsub.f32 v20, v22  }
0x294: {  	[tilespmem:v26+s10+$0x0] =	vst.idx.add.f32.msk $0xffff, v2;
	v22 =	vadd.f32 $-8.388609000e+06, v24  }
0x295: {  	[tilespmem:v26+s11+$0x0] =	vst.idx.add.f32.msk $0xffff, v20  }
0x296: {  	v20 =	vld [tilespmem:s21+$0x8040];
	v21 =	vsub.f32 v21, v22  }
0x297: {  	v22 =	vadd.f32 $5.000000000e-01, v23;
	[tilespmem:v19+s10+$0x0] =	vst.idx.add.f32.msk $0xffff, v2  }
0x298: {  	[tilespmem:v19+s11+$0x0] =	vst.idx.add.f32.msk $0xffff, v21  }
0x299: {  	v21 =	vadd.f32 $8.388608000e+06, v22;
	v19 =	vld [tilespmem:s20+$0x8070];
	_ =	sdelay $0x1  }
0x29a: {  	v22 =	vadd.f32 $5.000000000e-01, v20;
	v24 =	vshll.u32 v21, $0x4  }
0x29b: {  	v24 =	vadd.s32 v18, v24  }
0x29c: {  	v22 =	vadd.f32 $8.388608000e+06, v22  }
0x29d: {  	v21 =	vadd.f32 $-8.388609000e+06, v21;
	v25 =	vadd.f32 $5.000000000e-01, v19  }
0x29e: {  	v26 =	vshll.u32 v22, $0x4  }
0x29f: {  	v21 =	vsub.f32 v23, v21;
	v26 =	vadd.s32 v18, v26;
	v25 =	vadd.f32 $8.388608000e+06, v25  }
0x2a0: {  	[tilespmem:v24+s10+$0x0] =	vst.idx.add.f32.msk $0xffff, v2  }
0x2a1: {  	v22 =	vadd.f32 $-8.388609000e+06, v22;
	[tilespmem:v24+s11+$0x0] =	vst.idx.add.f32.msk $0xffff, v21;
	v23 =	vshll.u32 v25, $0x4  }
0x2a2: {  	v21 =	vadd.s32 v18, v23;
	v23 =	vld [tilespmem:s22+$0x8020]  }
0x2a3: {  	v20 =	vsub.f32 v20, v22  }
0x2a4: {  	[tilespmem:v26+s10+$0x0] =	vst.idx.add.f32.msk $0xffff, v2;
	v22 =	vadd.f32 $-8.388609000e+06, v25  }
0x2a5: {  	[tilespmem:v26+s11+$0x0] =	vst.idx.add.f32.msk $0xffff, v20  }
0x2a6: {  	v20 =	vld [tilespmem:s21+$0x8050];
	v19 =	vsub.f32 v19, v22  }
0x2a7: {  	[tilespmem:v21+s10+$0x0] =	vst.idx.add.f32.msk $0xffff, v2;
	v22 =	vadd.f32 $5.000000000e-01, v23  }
0x2a8: {  	[tilespmem:v21+s11+$0x0] =	vst.idx.add.f32.msk $0xffff, v19  }
0x2a9: {  	v19 =	vld [tilespmem:s20+$0x8400];
	v21 =	vadd.f32 $8.388608000e+06, v22;
	_ =	sdelay $0x1  }
0x2aa: {  	s24 =	simm.s32 $0x6000;
	v22 =	vadd.f32 $5.000000000e-01, v20;
	v24 =	vshll.u32 v21, $0x4  }
0x2ab: {  	s25 =	simm.s32 $0x300;
	s23 =	sand.u32 $0x2000, s24;
	v24 =	vadd.s32 v18, v24  }
0x2ac: {  	s26 =	simm.s32 $0xC0;
	s24 =	sand.u32 $0x7000, s25;
	s23 =	sshrl.u32 s23, $0x2;
	v22 =	vadd.f32 $8.388608000e+06, v22  }
0x2ad: {  	s25 =	sand.u32 $0x380, s26;
	s23 =	sor.u32 s23, s24;
	v21 =	vadd.f32 $-8.388609000e+06, v21;
	v25 =	vadd.f32 $5.000000000e-01, v19  }
0x2ae: {  	s23 =	sor.u32 s25, s23;
	v26 =	vshll.u32 v22, $0x4  }
0x2af: {  	v27 =	vld [tilespmem:s23+$0x8000];
	v21 =	vsub.f32 v23, v21;
	v26 =	vadd.s32 v18, v26;
	v25 =	vadd.f32 $8.388608000e+06, v25  }
0x2b0: {  	[tilespmem:v24+s10+$0x0] =	vst.idx.add.f32.msk $0xffff, v2  }
0x2b1: {  	v22 =	vadd.f32 $-8.388609000e+06, v22;
	v23 =	vshll.u32 v25, $0x4;
	[tilespmem:v24+s11+$0x0] =	vst.idx.add.f32.msk $0xffff, v21  }
0x2b2: {  	v21 =	vadd.s32 v18, v23;
	v23 =	vld [tilespmem:s22+$0x8030]  }
0x2b3: {  	v20 =	vsub.f32 v20, v22  }
0x2b4: {  	v22 =	vadd.f32 $5.000000000e-01, v27;
	v24 =	vadd.f32 $-8.388609000e+06, v25;
	[tilespmem:v26+s10+$0x0] =	vst.idx.add.f32.msk $0xffff, v2  }
0x2b5: {  	[tilespmem:v26+s11+$0x0] =	vst.idx.add.f32.msk $0xffff, v20  }
0x2b6: {  	v22 =	vadd.f32 $8.388608000e+06, v22;
	v19 =	vsub.f32 v19, v24;
	v20 =	vld [tilespmem:s21+$0x8060]  }
0x2b7: {  	[tilespmem:v21+s10+$0x0] =	vst.idx.add.f32.msk $0xffff, v2;
	v24 =	vadd.f32 $5.000000000e-01, v23  }
0x2b8: {  	v25 =	vshll.u32 v22, $0x4;
	[tilespmem:v21+s11+$0x0] =	vst.idx.add.f32.msk $0xffff, v19  }
0x2b9: {  	v19 =	vadd.s32 v18, v25;
	v21 =	vld [tilespmem:s20+$0x8410];
	v24 =	vadd.f32 $8.388608000e+06, v24;
	_ =	sdelay $0x1  }
0x2ba: {  	v22 =	vadd.f32 $-8.388609000e+06, v22;
	v25 =	vadd.f32 $5.000000000e-01, v20;
	v26 =	vshll.u32 v24, $0x4  }
0x2bb: {  	v26 =	vadd.s32 v18, v26  }
0x2bc: {  	v22 =	vsub.f32 v27, v22;
	v25 =	vadd.f32 $8.388608000e+06, v25  }
0x2bd: {  	v24 =	vadd.f32 $-8.388609000e+06, v24;
	[tilespmem:v19+s10+$0x0] =	vst.idx.add.f32.msk $0xffff, v2;
	v27 =	vadd.f32 $5.000000000e-01, v21  }
0x2be: {  	v28 =	vshll.u32 v25, $0x4;
	[tilespmem:v19+s11+$0x0] =	vst.idx.add.f32.msk $0xffff, v22  }
0x2bf: {  	v23 =	vsub.f32 v23, v24;
	v19 =	vadd.s32 v18, v28;
	v22 =	vadd.f32 $8.388608000e+06, v27;
	v27 =	vld [tilespmem:s23+$0x8010]  }
0x2c0: {  	[tilespmem:v26+s10+$0x0] =	vst.idx.add.f32.msk $0xffff, v2  }
0x2c1: {  	v24 =	vadd.f32 $-8.388609000e+06, v25;
	v25 =	vshll.u32 v22, $0x4;
	[tilespmem:v26+s11+$0x0] =	vst.idx.add.f32.msk $0xffff, v23  }
0x2c2: {  	v23 =	vadd.s32 v18, v25;
	v25 =	vld [tilespmem:s22+$0x8040]  }
0x2c3: {  	v20 =	vsub.f32 v20, v24  }
0x2c4: {  	v22 =	vadd.f32 $-8.388609000e+06, v22;
	[tilespmem:v19+s10+$0x0] =	vst.idx.add.f32.msk $0xffff, v2;
	v24 =	vadd.f32 $5.000000000e-01, v27  }
0x2c5: {  	[tilespmem:v19+s11+$0x0] =	vst.idx.add.f32.msk $0xffff, v20  }
0x2c6: {  	v20 =	vsub.f32 v21, v22;
	v19 =	vld [tilespmem:s21+$0x8070];
	v21 =	vadd.f32 $8.388608000e+06, v24  }
0x2c7: {  	[tilespmem:v23+s10+$0x0] =	vst.idx.add.f32.msk $0xffff, v2;
	v22 =	vadd.f32 $5.000000000e-01, v25  }
0x2c8: {  	[tilespmem:v23+s11+$0x0] =	vst.idx.add.f32.msk $0xffff, v20;
	v20 =	vshll.u32 v21, $0x4  }
0x2c9: {  	v23 =	vld [tilespmem:s20+$0x8420];
	v20 =	vadd.s32 v18, v20;
	v22 =	vadd.f32 $8.388608000e+06, v22;
	_ =	sdelay $0x1  }
0x2ca: {  	v21 =	vadd.f32 $-8.388609000e+06, v21;
	v24 =	vadd.f32 $5.000000000e-01, v19;
	v26 =	vshll.u32 v22, $0x4  }
0x2cb: {  	v26 =	vadd.s32 v18, v26  }
0x2cc: {  	v21 =	vsub.f32 v27, v21;
	v24 =	vadd.f32 $8.388608000e+06, v24  }
0x2cd: {  	v22 =	vadd.f32 $-8.388609000e+06, v22;
	v27 =	vadd.f32 $5.000000000e-01, v23;
	[tilespmem:v20+s10+$0x0] =	vst.idx.add.f32.msk $0xffff, v2  }
0x2ce: {  	v28 =	vshll.u32 v24, $0x4;
	[tilespmem:v20+s11+$0x0] =	vst.idx.add.f32.msk $0xffff, v21  }
0x2cf: {  	v22 =	vsub.f32 v25, v22;
	v20 =	vadd.s32 v18, v28;
	v21 =	vadd.f32 $8.388608000e+06, v27;
	v27 =	vld [tilespmem:s23+$0x8020]  }
0x2d0: {  	[tilespmem:v26+s10+$0x0] =	vst.idx.add.f32.msk $0xffff, v2  }
0x2d1: {  	v24 =	vadd.f32 $-8.388609000e+06, v24;
	v25 =	vshll.u32 v21, $0x4;
	[tilespmem:v26+s11+$0x0] =	vst.idx.add.f32.msk $0xffff, v22  }
0x2d2: {  	v22 =	vadd.s32 v18, v25;
	v25 =	vld [tilespmem:s22+$0x8050]  }
0x2d3: {  	v19 =	vsub.f32 v19, v24  }
0x2d4: {  	v21 =	vadd.f32 $-8.388609000e+06, v21;
	[tilespmem:v20+s10+$0x0] =	vst.idx.add.f32.msk $0xffff, v2;
	v24 =	vadd.f32 $5.000000000e-01, v27  }
0x2d5: {  	[tilespmem:v20+s11+$0x0] =	vst.idx.add.f32.msk $0xffff, v19  }
0x2d6: {  	v20 =	vsub.f32 v23, v21;
	v19 =	vld [tilespmem:s21+$0x8400];
	v21 =	vadd.f32 $8.388608000e+06, v24  }
0x2d7: {  	[tilespmem:v22+s10+$0x0] =	vst.idx.add.f32.msk $0xffff, v2;
	v23 =	vadd.f32 $5.000000000e-01, v25  }
0x2d8: {  	s29 =	simm.s32 $0x8000;
	[tilespmem:v22+s11+$0x0] =	vst.idx.add.f32.msk $0xffff, v20;
	v20 =	vshll.u32 v21, $0x4  }
0x2d9: {  	s30 =	simm.s32 $0x400;
	s24 =	sand.u32 $0x2000, s29;
	v22 =	vld [tilespmem:s20+$0x8430];
	v20 =	vadd.s32 v18, v20;
	v23 =	vadd.f32 $8.388608000e+06, v23  }
0x2da: {  	s26 =	simm.s32 $0x100;
	s25 =	sand.u32 $0x7000, s30;
	s24 =	sshrl.u32 s24, $0x2  }
0x2db: {  	s26 =	sand.u32 $0x380, s26;
	s24 =	sor.u32 s24, s25;
	v21 =	vadd.f32 $-8.388609000e+06, v21;
	v24 =	vadd.f32 $5.000000000e-01, v19;
	v26 =	vshll.u32 v23, $0x4  }
0x2dc: {  	s24 =	sor.u32 s26, s24;
	v26 =	vadd.s32 v18, v26  }
0x2dd: {  	v28 =	vld [tilespmem:s24+$0x8000];
	v21 =	vsub.f32 v27, v21;
	v24 =	vadd.f32 $8.388608000e+06, v24  }
0x2de: {  	v23 =	vadd.f32 $-8.388609000e+06, v23;
	v27 =	vadd.f32 $5.000000000e-01, v22;
	[tilespmem:v20+s10+$0x0] =	vst.idx.add.f32.msk $0xffff, v2  }
0x2df: {  	v29 =	vshll.u32 v24, $0x4;
	[tilespmem:v20+s11+$0x0] =	vst.idx.add.f32.msk $0xffff, v21  }
0x2e0: {  	v23 =	vsub.f32 v25, v23;
	v20 =	vadd.s32 v18, v29;
	v21 =	vadd.f32 $8.388608000e+06, v27;
	v27 =	vld [tilespmem:s23+$0x8030]  }
0x2e1: {  	[tilespmem:v26+s10+$0x0] =	vst.idx.add.f32.msk $0xffff, v2  }
0x2e2: {  	v25 =	vadd.f32 $5.000000000e-01, v28;
	v24 =	vadd.f32 $-8.388609000e+06, v24;
	v29 =	vshll.u32 v21, $0x4;
	[tilespmem:v26+s11+$0x0] =	vst.idx.add.f32.msk $0xffff, v23  }
0x2e3: {  	v23 =	vadd.s32 v18, v29;
	v26 =	vld [tilespmem:s22+$0x8060]  }
0x2e4: {  	v19 =	vsub.f32 v19, v24;
	v24 =	vadd.f32 $8.388608000e+06, v25  }
0x2e5: {  	v21 =	vadd.f32 $-8.388609000e+06, v21;
	[tilespmem:v20+s10+$0x0] =	vst.idx.add.f32.msk $0xffff, v2;
	v25 =	vadd.f32 $5.000000000e-01, v27  }
0x2e6: {  	[tilespmem:v20+s11+$0x0] =	vst.idx.add.f32.msk $0xffff, v19;
	v19 =	vshll.u32 v24, $0x4  }
0x2e7: {  	v21 =	vsub.f32 v22, v21;
	v20 =	vld [tilespmem:s21+$0x8410];
	v19 =	vadd.s32 v18, v19;
	v22 =	vadd.f32 $8.388608000e+06, v25  }
0x2e8: {  	[tilespmem:v23+s10+$0x0] =	vst.idx.add.f32.msk $0xffff, v2;
	v25 =	vadd.f32 $5.000000000e-01, v26  }
0x2e9: {  	[tilespmem:v23+s11+$0x0] =	vst.idx.add.f32.msk $0xffff, v21;
	v21 =	vadd.f32 $-8.388609000e+06, v24;
	v23 =	vshll.u32 v22, $0x4  }
0x2ea: {  	v24 =	vld [tilespmem:s20+$0x8440];
	v23 =	vadd.s32 v18, v23;
	v25 =	vadd.f32 $8.388608000e+06, v25  }
0x2eb: {  	v21 =	vsub.f32 v28, v21  }
0x2ec: {  	v22 =	vadd.f32 $-8.388609000e+06, v22;
	v28 =	vadd.f32 $5.000000000e-01, v20;
	[tilespmem:v19+s10+$0x0] =	vst.idx.add.f32.msk $0xffff, v2;
	v29 =	vshll.u32 v25, $0x4  }
0x2ed: {  	[tilespmem:v19+s11+$0x0] =	vst.idx.add.f32.msk $0xffff, v21;
	v19 =	vadd.s32 v18, v29  }
0x2ee: {  	v22 =	vsub.f32 v27, v22;
	v21 =	vadd.f32 $8.388608000e+06, v28;
	v28 =	vld [tilespmem:s24+$0x8010]  }
0x2ef: {  	v25 =	vadd.f32 $-8.388609000e+06, v25;
	v27 =	vadd.f32 $5.000000000e-01, v24;
	[tilespmem:v23+s10+$0x0] =	vst.idx.add.f32.msk $0xffff, v2  }
0x2f0: {  	v29 =	vshll.u32 v21, $0x4;
	[tilespmem:v23+s11+$0x0] =	vst.idx.add.f32.msk $0xffff, v22  }
0x2f1: {  	v25 =	vsub.f32 v26, v25;
	v22 =	vadd.s32 v18, v29;
	v23 =	vadd.f32 $8.388608000e+06, v27;
	v29 =	vld [tilespmem:s23+$0x8040]  }
0x2f2: {  	[tilespmem:v19+s10+$0x0] =	vst.idx.add.f32.msk $0xffff, v2  }
0x2f3: {  	v21 =	vadd.f32 $-8.388609000e+06, v21;
	v26 =	vshll.u32 v23, $0x4;
	v27 =	vadd.f32 $5.000000000e-01, v28;
	[tilespmem:v19+s11+$0x0] =	vst.idx.add.f32.msk $0xffff, v25  }
0x2f4: {  	v19 =	vadd.s32 v18, v26;
	v25 =	vld [tilespmem:s22+$0x8070]  }
0x2f5: {  	v20 =	vsub.f32 v20, v21;
	v21 =	vadd.f32 $8.388608000e+06, v27  }
0x2f6: {  	v23 =	vadd.f32 $-8.388609000e+06, v23;
	[tilespmem:v22+s10+$0x0] =	vst.idx.add.f32.msk $0xffff, v2;
	v26 =	vadd.f32 $5.000000000e-01, v29  }
0x2f7: {  	s26 =	simm.s32 $0xA000;
	[tilespmem:v22+s11+$0x0] =	vst.idx.add.f32.msk $0xffff, v20;
	v20 =	vshll.u32 v21, $0x4  }
0x2f8: {  	s28 =	simm.s32 $0x500;
	s31 =	sand.u32 $0x2000, s26;
	v22 =	vsub.f32 v24, v23;
	v30 =	vld [tilespmem:s21+$0x8420];
	v20 =	vadd.s32 v18, v20;
	v23 =	vadd.f32 $8.388608000e+06, v26  }
0x2f9: {  	s28 =	sand.u32 $0x7000, s28;
	s29 =	simm.s32 $0x140;
	s25 =	sshrl.u32 s31, $0x2;
	[tilespmem:v19+s10+$0x0] =	vst.idx.add.f32.msk $0xffff, v2;
	v24 =	vadd.f32 $5.000000000e-01, v25  }
0x2fa: {  	s29 =	sand.u32 $0x380, s29;
	s25 =	sor.u32 s25, s28;
	v21 =	vadd.f32 $-8.388609000e+06, v21;
	[tilespmem:v19+s11+$0x0] =	vst.idx.add.f32.msk $0xffff, v22;
	v22 =	vshll.u32 v23, $0x4  }
0x2fb: {  	s25 =	sor.u32 s29, s25;
	v19 =	vld [tilespmem:s20+$0x8450];
	v22 =	vadd.s32 v18, v22;
	v26 =	vadd.f32 $8.388608000e+06, v24  }
0x2fc: {  	v21 =	vsub.f32 v28, v21;
	v24 =	vld [tilespmem:s25+$0x8000]  }
0x2fd: {  	v23 =	vadd.f32 $-8.388609000e+06, v23;
	v27 =	vadd.f32 $5.000000000e-01, v30;
	[tilespmem:v20+s10+$0x0] =	vst.idx.add.f32.msk $0xffff, v2;
	v28 =	vshll.u32 v26, $0x4  }
0x2fe: {  	[tilespmem:v20+s11+$0x0] =	vst.idx.add.f32.msk $0xffff, v21;
	v20 =	vadd.s32 v18, v28  }
0x2ff: {  	v23 =	vsub.f32 v29, v23;
	v21 =	vadd.f32 $8.388608000e+06, v27;
	v27 =	vld [tilespmem:s24+$0x8020]  }
0x300: {  	v29 =	vadd.f32 $-8.388609000e+06, v26;
	v28 =	vadd.f32 $5.000000000e-01, v19;
	[tilespmem:v22+s10+$0x0] =	vst.idx.add.f32.msk $0xffff, v2  }
0x301: {  	v26 =	vshll.u32 v21, $0x4;
	[tilespmem:v22+s11+$0x0] =	vst.idx.add.f32.msk $0xffff, v23  }
0x302: {  	v22 =	vadd.s32 v18, v26;
	v23 =	vsub.f32 v25, v29;
	v31 =	vadd.f32 $8.388608000e+06, v28;
	v26 =	vld [tilespmem:s23+$0x8050]  }
0x303: {  	[tilespmem:v20+s10+$0x0] =	vst.idx.add.f32.msk $0xffff, v2  }
0x304: {  	v21 =	vadd.f32 $-8.388609000e+06, v21;
	v25 =	vadd.f32 $5.000000000e-01, v24;
	[tilespmem:v20+s11+$0x0] =	vst.idx.add.f32.msk $0xffff, v23;
	v20 =	vshll.u32 v31, $0x4  }
0x305: {  	v29 =	vadd.f32 $5.000000000e-01, v27;
	v20 =	vadd.s32 v18, v20  }
0x306: {  	v28 =	vadd.f32 $8.388608000e+06, v25;
	v23 =	vsub.f32 v30, v21;
	v25 =	vld [tilespmem:s22+$0x8400]  }
0x307: {  	s28 =	simm.s32 $0x50;
	v21 =	vadd.f32 $-8.388609000e+06, v31;
	v29 =	vadd.f32 $8.388608000e+06, v29;
	[tilespmem:v22+s10+$0x0] =	vst.idx.add.f32.msk $0xffff, v2  }
.LBB2_7:
0x308: {  	s28 =	sadd.s32 $0x10, s28;
	v30 =	vshll.u32 v28, $0x4;
	s26 =	sadd.s32 $0x2000, s26;
	v31 =	vadd.f32 $5.000000000e-01, v26;
	[tilespmem:v22+s11+$0x0] =	vst.idx.add.f32.msk $0xffff, v23  }
0x309: {  	s29 =	sand.u32 $0x2000, s26;
	s30 =	sshll.u32 s28, $0x4;
	p0 =	slt.u32 s28, $0x7F0;
	v22 =	vadd.s32 v18, v30;
	v23 =	vshll.u32 v29, $0x4;
	v30 =	vld [tilespmem:s21+$0x8430];
	v19 =	vsub.f32 v19, v21  }
0x30a: {  	s31 =	sshll.u32 s28, $0x2;
	s30 =	sand.u32 $0x7000, s30;
	s29 =	sshrl.u32 s29, $0x2;
	v21 =	vadd.s32 v18, v23;
	v23 =	vadd.f32 $8.388608000e+06, v31;
	[tilespmem:v20+s10+$0x0] =	vst.idx.add.f32.msk $0xffff, v2  }
0x30b: {  	s31 =	sand.u32 $0x380, s31;
	s29 =	sor.u32 s29, s30;
	v31 =	vadd.f32 $5.000000000e-01, v25;
	[tilespmem:v20+s11+$0x0] =	vst.idx.add.f32.msk $0xffff, v19  }
0x30c: {  	v19 =	vadd.f32 $-8.388609000e+06, v29;
	s29 =	sor.u32 s31, s29;
	v20 =	vshll.u32 v23, $0x4;
	v29 =	vld [tilespmem:s20+$0x8460]  }
0x30d: {  	v32 =	vld [tilespmem:s29+$0x8000];
	v20 =	vadd.s32 v18, v20;
	v31 =	vadd.f32 $8.388608000e+06, v31  }
0x30e: {  	v19 =	vsub.f32 v27, v19;
	[tilespmem:v22+s10+$0x0] =	vst.idx.add.f32.msk $0xffff, v2;
	v27 =	vadd.f32 $5.000000000e-01, v30  }
0x30f: {  	v23 =	vadd.f32 $-8.388609000e+06, v23;
	[tilespmem:v21+s10+$0x0] =	vst.idx.add.f32.msk $0xffff, v2;
	v33 =	vshll.u32 v31, $0x4  }
0x310: {  	[tilespmem:v21+s11+$0x0] =	vst.idx.add.f32.msk $0xffff, v19;
	v19 =	vadd.s32 v18, v33;
	v21 =	vadd.f32 $8.388608000e+06, v27  }
0x311: {  	v23 =	vsub.f32 v26, v23;
	v27 =	vld [tilespmem:s24+$0x8030];
	v26 =	vadd.f32 $5.000000000e-01, v29  }
0x312: {  	v31 =	vadd.f32 $-8.388609000e+06, v31;
	[tilespmem:v20+s10+$0x0] =	vst.idx.add.f32.msk $0xffff, v2;
	v33 =	vshll.u32 v21, $0x4  }
0x313: {  	[tilespmem:v20+s11+$0x0] =	vst.idx.add.f32.msk $0xffff, v23;
	v20 =	vadd.s32 v18, v33;
	v23 =	vadd.f32 $8.388608000e+06, v26  }
0x314: {  	v25 =	vsub.f32 v25, v31;
	v26 =	vld [tilespmem:s23+$0x8060]  }
0x315: {  	v21 =	vadd.f32 $-8.388609000e+06, v21;
	[tilespmem:v19+s10+$0x0] =	vst.idx.add.f32.msk $0xffff, v2;
	v31 =	vshll.u32 v23, $0x4  }
0x316: {  	v33 =	vadd.f32 $5.000000000e-01, v27;
	[tilespmem:v19+s11+$0x0] =	vst.idx.add.f32.msk $0xffff, v25;
	v19 =	vadd.s32 v18, v31  }
0x317: {  	v21 =	vsub.f32 v30, v21;
	v25 =	vld [tilespmem:s22+$0x8410]  }
0x318: {  	v23 =	vadd.f32 $-8.388609000e+06, v23;
	v30 =	vadd.f32 $8.388608000e+06, v33;
	[tilespmem:v20+s10+$0x0] =	vst.idx.add.f32.msk $0xffff, v2  }
0x319: {  	v31 =	vadd.f32 $5.000000000e-01, v26;
	[tilespmem:v20+s11+$0x0] =	vst.idx.add.f32.msk $0xffff, v21  }
0x31a: {  	v23 =	vsub.f32 v29, v23;
	v20 =	vadd.f32 $-8.388609000e+06, v28;
	v21 =	vshll.u32 v30, $0x4;
	v28 =	vld [tilespmem:s21+$0x8440]  }
0x31b: {  	v21 =	vadd.s32 v18, v21;
	v29 =	vadd.f32 $8.388608000e+06, v31;
	[tilespmem:v19+s10+$0x0] =	vst.idx.add.f32.msk $0xffff, v2  }
0x31c: {  	v20 =	vsub.f32 v24, v20;
	v24 =	vmov v32;
	v31 =	vadd.f32 $5.000000000e-01, v25;
	[tilespmem:v19+s11+$0x0] =	vst.idx.add.f32.msk $0xffff, v23  }
0x31d: {  	v19 =	vadd.f32 $-8.388609000e+06, v30;
	v23 =	vshll.u32 v29, $0x4;
	v30 =	vld [tilespmem:s20+$0x8470];
	s20 =	smov.u32 s21;
	s21 =	smov.u32 s22;
	s22 =	smov.u32 s23  }
0x31e: {  	s23 =	smov.u32 s24;
	s24 =	smov.u32 s25;
	s25 =	smov.u32 s29;
	[tilespmem:v22+s11+$0x0] =	vst.idx.add.f32.msk $0xffff, v20;
	v20 =	vadd.s32 v18, v23;
	v22 =	vadd.f32 $8.388608000e+06, v31  }
0x31f: {  	v19 =	vsub.f32 v27, v19;
	v23 =	vld [tilespmem:s24+$0x8010];
	v27 =	vadd.f32 $5.000000000e-01, v28  }
0x320: {  	v29 =	vadd.f32 $-8.388609000e+06, v29;
	[tilespmem:v21+s10+$0x0] =	vst.idx.add.f32.msk $0xffff, v2;
	v31 =	vshll.u32 v22, $0x4  }
0x321: {  	[tilespmem:v21+s11+$0x0] =	vst.idx.add.f32.msk $0xffff, v19;
	v19 =	vadd.s32 v18, v31;
	v21 =	vadd.f32 $8.388608000e+06, v27  }
0x322: {  	v26 =	vsub.f32 v26, v29;
	v31 =	vld [tilespmem:s23+$0x8040];
	v27 =	vadd.f32 $5.000000000e-01, v30  }
0x323: {  	v22 =	vadd.f32 $-8.388609000e+06, v22;
	[tilespmem:v20+s10+$0x0] =	vst.idx.add.f32.msk $0xffff, v2;
	v29 =	vshll.u32 v21, $0x4  }
0x324: {  	v32 =	vadd.f32 $5.000000000e-01, v23;
	[tilespmem:v20+s11+$0x0] =	vst.idx.add.f32.msk $0xffff, v26;
	v20 =	vadd.s32 v18, v29;
	v26 =	vadd.f32 $8.388608000e+06, v27  }
0x325: {  	v22 =	vsub.f32 v25, v22;
	v29 =	vld [tilespmem:s22+$0x8070]  }
0x326: {  	v21 =	vadd.f32 $-8.388609000e+06, v21;
	v25 =	vadd.f32 $8.388608000e+06, v32;
	[tilespmem:v19+s10+$0x0] =	vst.idx.add.f32.msk $0xffff, v2;
	v27 =	vshll.u32 v26, $0x4  }
0x327: {  	v32 =	vadd.f32 $5.000000000e-01, v31;
	[tilespmem:v19+s11+$0x0] =	vst.idx.add.f32.msk $0xffff, v22;
	v22 =	vadd.s32 v18, v27  }
0x328: {  	v21 =	vsub.f32 v28, v21;
	v19 =	vshll.u32 v25, $0x4;
	v33 =	vld [tilespmem:s21+$0x8420]  }
0x329: {  	v26 =	vadd.f32 $-8.388609000e+06, v26;
	v27 =	vadd.s32 v18, v19;
	v28 =	vadd.f32 $8.388608000e+06, v32;
	[tilespmem:v20+s10+$0x0] =	vst.idx.add.f32.msk $0xffff, v2  }
0x32a: {  	v32 =	vadd.f32 $5.000000000e-01, v29;
	[tilespmem:v20+s11+$0x0] =	vst.idx.add.f32.msk $0xffff, v21  }
0x32b: {  	v20 =	vadd.f32 $-8.388609000e+06, v25;
	v25 =	vsub.f32 v30, v26;
	v21 =	vshll.u32 v28, $0x4;
	v19 =	vld [tilespmem:s20+$0x8450]  }
0x32c: {  	v21 =	vadd.s32 v18, v21;
	v26 =	vadd.f32 $8.388608000e+06, v32;
	[tilespmem:v22+s10+$0x0] =	vst.idx.add.f32.msk $0xffff, v2  }
0x32d: {  	v20 =	vsub.f32 v23, v20;
	v23 =	vadd.f32 $5.000000000e-01, v33;
	[tilespmem:v22+s11+$0x0] =	vst.idx.add.f32.msk $0xffff, v25  }
0x32e: {  	v22 =	vadd.f32 $-8.388609000e+06, v28;
	[tilespmem:v27+s10+$0x0] =	vst.idx.add.f32.msk $0xffff, v2;
	v25 =	vshll.u32 v26, $0x4  }
0x32f: {  	[tilespmem:v27+s11+$0x0] =	vst.idx.add.f32.msk $0xffff, v20;
	v20 =	vadd.s32 v18, v25;
	v23 =	vadd.f32 $8.388608000e+06, v23  }
0x330: {  	v22 =	vsub.f32 v31, v22;
	v27 =	vld [tilespmem:s24+$0x8020];
	v25 =	vadd.f32 $5.000000000e-01, v19  }
0x331: {  	v28 =	vadd.f32 $-8.388609000e+06, v26;
	[tilespmem:v21+s10+$0x0] =	vst.idx.add.f32.msk $0xffff, v2;
	v26 =	vshll.u32 v23, $0x4  }
0x332: {  	[tilespmem:v21+s11+$0x0] =	vst.idx.add.f32.msk $0xffff, v22;
	v22 =	vadd.s32 v18, v26;
	v21 =	vadd.f32 $8.388608000e+06, v25  }
.Ltmp2:
0x333: {  	v25 =	vsub.f32 v29, v28;
	v26 =	vld [tilespmem:s23+$0x8050];
	(pc) =	sbr.rel @p0 .LBB2_7-.Ltmp2, $4  }
0x334: {  	v23 =	vadd.f32 $-8.388609000e+06, v23;
	v28 =	vadd.f32 $5.000000000e-01, v24;
	[tilespmem:v20+s10+$0x0] =	vst.idx.add.f32.msk $0xffff, v2;
	v29 =	vshll.u32 v21, $0x4  }
0x335: {  	v30 =	vadd.f32 $5.000000000e-01, v27;
	[tilespmem:v20+s11+$0x0] =	vst.idx.add.f32.msk $0xffff, v25;
	v20 =	vadd.s32 v18, v29  }
0x336: {  	v23 =	vsub.f32 v33, v23;
	v28 =	vadd.f32 $8.388608000e+06, v28;
	v25 =	vld [tilespmem:s22+$0x8400]  }
0x337: {  	v21 =	vadd.f32 $-8.388609000e+06, v21;
	v29 =	vadd.f32 $8.388608000e+06, v30;
	[tilespmem:v22+s10+$0x0] =	vst.idx.add.f32.msk $0xffff, v2  }
0x338: {  	v30 =	vshll.u32 v28, $0x4  }
0x339: {  	v30 =	vadd.s32 v18, v30;
	_ =	sdelay $0x1  }
0x33a: {  	v39 =	vadd.f32 $-8.388609000e+06, v28;
	_ =	sdelay $0x1  }
0x33b: {  	v24 =	vsub.f32 v24, v39  }
0x33c: {  	[tilespmem:v30+s10+$0x0] =	vst.idx.add.f32.msk $0xffff, v2  }
0x33d: {  	[tilespmem:v30+s11+$0x0] =	vst.idx.add.f32.msk $0xffff, v24  }
0x33e: {  	v24 =	vld [tilespmem:s25+$0x8010];
	_ =	sdelay $0x4  }
0x33f: {  	v40 =	vadd.f32 $5.000000000e-01, v24;
	_ =	sdelay $0x1  }
0x340: {  	v28 =	vadd.f32 $8.388608000e+06, v40;
	_ =	sdelay $0x1  }
0x341: {  	v41 =	vshll.u32 v28, $0x4  }
0x342: {  	v30 =	vadd.s32 v18, v41;
	_ =	sdelay $0x1  }
0x343: {  	v28 =	vadd.f32 $-8.388609000e+06, v28;
	_ =	sdelay $0x1  }
0x344: {  	v24 =	vsub.f32 v24, v28  }
0x345: {  	[tilespmem:v30+s10+$0x0] =	vst.idx.add.f32.msk $0xffff, v2  }
0x346: {  	[tilespmem:v30+s11+$0x0] =	vst.idx.add.f32.msk $0xffff, v24  }
0x347: {  	v43 =	vshll.u32 v29, $0x4;
	v24 =	vld [tilespmem:s25+$0x8020]  }
0x348: {  	v30 =	vadd.s32 v18, v43;
	_ =	sdelay $0x1  }
0x349: {  	v44 =	vadd.f32 $-8.388609000e+06, v29;
	_ =	sdelay $0x1  }
0x34a: {  	v27 =	vsub.f32 v27, v44;
	v42 =	vadd.f32 $5.000000000e-01, v24  }
0x34b: {  	[tilespmem:v30+s10+$0x0] =	vst.idx.add.f32.msk $0xffff, v2  }
0x34c: {  	[tilespmem:v30+s11+$0x0] =	vst.idx.add.f32.msk $0xffff, v27;
	v28 =	vadd.f32 $8.388608000e+06, v42  }
0x34d: {  	v27 =	vld [tilespmem:s24+$0x8030]  }
0x34e: {  	v31 =	vshll.u32 v28, $0x4  }
0x34f: {  	v31 =	vadd.s32 v18, v31;
	_ =	sdelay $0x1  }
0x350: {  	v28 =	vadd.f32 $-8.388609000e+06, v28  }
0x351: {  	v45 =	vadd.f32 $5.000000000e-01, v27  }
0x352: {  	v24 =	vsub.f32 v24, v28  }
0x353: {  	v28 =	vadd.f32 $8.388608000e+06, v45;
	[tilespmem:v31+s10+$0x0] =	vst.idx.add.f32.msk $0xffff, v2  }
0x354: {  	[tilespmem:v31+s11+$0x0] =	vst.idx.add.f32.msk $0xffff, v24  }
0x355: {  	v47 =	vshll.u32 v28, $0x4;
	v24 =	vld [tilespmem:s25+$0x8030]  }
0x356: {  	v30 =	vadd.s32 v18, v47;
	_ =	sdelay $0x1  }
0x357: {  	v28 =	vadd.f32 $-8.388609000e+06, v28;
	_ =	sdelay $0x1  }
0x358: {  	v27 =	vsub.f32 v27, v28;
	v46 =	vadd.f32 $5.000000000e-01, v24  }
0x359: {  	[tilespmem:v30+s10+$0x0] =	vst.idx.add.f32.msk $0xffff, v2  }
0x35a: {  	[tilespmem:v30+s11+$0x0] =	vst.idx.add.f32.msk $0xffff, v27;
	v29 =	vadd.f32 $8.388608000e+06, v46  }
0x35b: {  	v27 =	vld [tilespmem:s24+$0x8040]  }
0x35c: {  	v48 =	vshll.u32 v29, $0x4  }
0x35d: {  	v31 =	vadd.s32 v18, v48;
	_ =	sdelay $0x1  }
0x35e: {  	v49 =	vadd.f32 $-8.388609000e+06, v29  }
0x35f: {  	v50 =	vadd.f32 $5.000000000e-01, v27  }
0x360: {  	v24 =	vsub.f32 v24, v49  }
0x361: {  	v28 =	vadd.f32 $8.388608000e+06, v50;
	[tilespmem:v31+s10+$0x0] =	vst.idx.add.f32.msk $0xffff, v2  }
0x362: {  	[tilespmem:v31+s11+$0x0] =	vst.idx.add.f32.msk $0xffff, v24  }
0x363: {  	v52 =	vshll.u32 v28, $0x4;
	v24 =	vld [tilespmem:s25+$0x8040]  }
0x364: {  	v30 =	vadd.s32 v18, v52  }
0x365: {  	v55 =	vadd.f32 $5.000000000e-01, v26;
	v28 =	vadd.f32 $-8.388609000e+06, v28;
	_ =	sdelay $0x1  }
0x366: {  	v27 =	vsub.f32 v27, v28;
	v28 =	vadd.f32 $8.388608000e+06, v55  }
0x367: {  	v51 =	vadd.f32 $5.000000000e-01, v24  }
0x368: {  	v57 =	vshll.u32 v28, $0x4;
	[tilespmem:v30+s10+$0x0] =	vst.idx.add.f32.msk $0xffff, v2  }
0x369: {  	[tilespmem:v30+s11+$0x0] =	vst.idx.add.f32.msk $0xffff, v27;
	v30 =	vadd.s32 v18, v57;
	v29 =	vadd.f32 $8.388608000e+06, v51;
	_ =	sdelay $0x1  }
0x36a: {  	v28 =	vadd.f32 $-8.388609000e+06, v28;
	v27 =	vld [tilespmem:s24+$0x8050];
	v53 =	vshll.u32 v29, $0x4  }
0x36b: {  	v31 =	vadd.s32 v18, v53  }
0x36c: {  	v59 =	vsub.f32 v26, v28  }
0x36d: {  	v54 =	vadd.f32 $-8.388609000e+06, v29;
	[tilespmem:v30+s10+$0x0] =	vst.idx.add.f32.msk $0xffff, v2  }
0x36e: {  	[tilespmem:v30+s11+$0x0] =	vst.idx.add.f32.msk $0xffff, v59  }
0x36f: {  	v24 =	vsub.f32 v24, v54;
	v56 =	vadd.f32 $5.000000000e-01, v27;
	v63 =	vld [tilespmem:s23+$0x8060]  }
0x370: {  	[tilespmem:v31+s10+$0x0] =	vst.idx.add.f32.msk $0xffff, v2  }
0x371: {  	v29 =	vadd.f32 $8.388608000e+06, v56;
	[tilespmem:v31+s11+$0x0] =	vst.idx.add.f32.msk $0xffff, v24  }
0x372: {  	v24 =	vld [tilespmem:s25+$0x8050]  }
0x373: {  	v32 =	vshll.u32 v29, $0x4  }
0x374: {  	v32 =	vadd.s32 v18, v32;
	v37 =	vadd.f32 $5.000000000e-01, v63;
	_ =	sdelay $0x1  }
0x375: {  	v60 =	vadd.f32 $-8.388609000e+06, v29;
	v38 =	vadd.f32 $8.388608000e+06, v37  }
0x376: {  	v58 =	vadd.f32 $5.000000000e-01, v24  }
0x377: {  	v27 =	vsub.f32 v27, v60;
	v40 =	vshll.u32 v38, $0x4  }
0x378: {  	[tilespmem:v32+s10+$0x0] =	vst.idx.add.f32.msk $0xffff, v2;
	v30 =	vadd.s32 v18, v40;
	v31 =	vadd.f32 $8.388608000e+06, v58  }
0x379: {  	[tilespmem:v32+s11+$0x0] =	vst.idx.add.f32.msk $0xffff, v27  }
0x37a: {  	v26 =	vadd.f32 $-8.388609000e+06, v38;
	v27 =	vld [tilespmem:s24+$0x8060];
	v61 =	vshll.u32 v31, $0x4  }
0x37b: {  	v62 =	vadd.s32 v18, v61  }
0x37c: {  	v26 =	vsub.f32 v63, v26  }
0x37d: {  	v36 =	vadd.f32 $-8.388609000e+06, v31;
	[tilespmem:v30+s10+$0x0] =	vst.idx.add.f32.msk $0xffff, v2  }
0x37e: {  	[tilespmem:v30+s11+$0x0] =	vst.idx.add.f32.msk $0xffff, v26  }
0x37f: {  	v24 =	vsub.f32 v24, v36;
	v39 =	vadd.f32 $5.000000000e-01, v27;
	v45 =	vld [tilespmem:s23+$0x8070]  }
0x380: {  	[tilespmem:v62+s10+$0x0] =	vst.idx.add.f32.msk $0xffff, v2  }
0x381: {  	v28 =	vadd.f32 $8.388608000e+06, v39;
	[tilespmem:v62+s11+$0x0] =	vst.idx.add.f32.msk $0xffff, v24  }
0x382: {  	v24 =	vld [tilespmem:s25+$0x8060]  }
0x383: {  	v42 =	vshll.u32 v28, $0x4  }
0x384: {  	v32 =	vadd.s32 v18, v42;
	v47 =	vadd.f32 $5.000000000e-01, v45;
	_ =	sdelay $0x1  }
0x385: {  	v28 =	vadd.f32 $-8.388609000e+06, v28;
	v48 =	vadd.f32 $8.388608000e+06, v47  }
0x386: {  	v41 =	vadd.f32 $5.000000000e-01, v24  }
0x387: {  	v27 =	vsub.f32 v27, v28;
	v50 =	vshll.u32 v48, $0x4  }
0x388: {  	[tilespmem:v32+s10+$0x0] =	vst.idx.add.f32.msk $0xffff, v2;
	v30 =	vadd.s32 v18, v50;
	v31 =	vadd.f32 $8.388608000e+06, v41  }
0x389: {  	[tilespmem:v32+s11+$0x0] =	vst.idx.add.f32.msk $0xffff, v27  }
0x38a: {  	v26 =	vadd.f32 $-8.388609000e+06, v48;
	v27 =	vld [tilespmem:s24+$0x8070];
	v43 =	vshll.u32 v31, $0x4  }
0x38b: {  	v44 =	vadd.s32 v18, v43  }
0x38c: {  	v26 =	vsub.f32 v45, v26  }
0x38d: {  	v46 =	vadd.f32 $-8.388609000e+06, v31;
	[tilespmem:v30+s10+$0x0] =	vst.idx.add.f32.msk $0xffff, v2  }
0x38e: {  	[tilespmem:v30+s11+$0x0] =	vst.idx.add.f32.msk $0xffff, v26  }
0x38f: {  	v24 =	vsub.f32 v24, v46;
	v49 =	vadd.f32 $5.000000000e-01, v27;
	v55 =	vld [tilespmem:s23+$0x8400]  }
0x390: {  	[tilespmem:v44+s10+$0x0] =	vst.idx.add.f32.msk $0xffff, v2  }
0x391: {  	v28 =	vadd.f32 $8.388608000e+06, v49;
	[tilespmem:v44+s11+$0x0] =	vst.idx.add.f32.msk $0xffff, v24  }
0x392: {  	v24 =	vld [tilespmem:s25+$0x8070]  }
0x393: {  	v52 =	vshll.u32 v28, $0x4  }
0x394: {  	v32 =	vadd.s32 v18, v52;
	_ =	sdelay $0x1  }
0x395: {  	v28 =	vadd.f32 $-8.388609000e+06, v28;
	v59 =	vadd.f32 $5.000000000e-01, v55  }
0x396: {  	v51 =	vadd.f32 $5.000000000e-01, v24  }
0x397: {  	v27 =	vsub.f32 v27, v28;
	v30 =	vadd.f32 $8.388608000e+06, v59  }
0x398: {  	[tilespmem:v32+s10+$0x0] =	vst.idx.add.f32.msk $0xffff, v2;
	v31 =	vadd.f32 $8.388608000e+06, v51  }
0x399: {  	v62 =	vshll.u32 v30, $0x4;
	[tilespmem:v32+s11+$0x0] =	vst.idx.add.f32.msk $0xffff, v27  }
0x39a: {  	v32 =	vadd.s32 v18, v62;
	v27 =	vld [tilespmem:s24+$0x8400];
	v53 =	vshll.u32 v31, $0x4  }
0x39b: {  	v54 =	vadd.s32 v18, v53  }
0x39c: {  	v57 =	vadd.f32 $5.000000000e-01, v25  }
0x39d: {  	v56 =	vadd.f32 $-8.388609000e+06, v31  }
0x39e: {  	v58 =	vadd.f32 $8.388608000e+06, v57;
	v30 =	vadd.f32 $-8.388609000e+06, v30  }
0x39f: {  	[tilespmem:v32+s10+$0x0] =	vst.idx.add.f32.msk $0xffff, v2;
	v24 =	vsub.f32 v24, v56;
	v61 =	vadd.f32 $5.000000000e-01, v27  }
0x3a0: {  	v60 =	vshll.u32 v58, $0x4;
	[tilespmem:v54+s10+$0x0] =	vst.idx.add.f32.msk $0xffff, v2  }
0x3a1: {  	v29 =	vsub.f32 v55, v30;
	v31 =	vadd.f32 $8.388608000e+06, v61;
	[tilespmem:v54+s11+$0x0] =	vst.idx.add.f32.msk $0xffff, v24;
	v24 =	vadd.s32 v18, v60  }
0x3a2: {  	v26 =	vld [tilespmem:s25+$0x8400]  }
0x3a3: {  	v28 =	vadd.f32 $-8.388609000e+06, v58;
	[tilespmem:v32+s11+$0x0] =	vst.idx.add.f32.msk $0xffff, v29;
	v33 =	vshll.u32 v31, $0x4  }
0x3a4: {  	v43 =	vld [tilespmem:s23+$0x8410];
	v37 =	vadd.s32 v18, v33  }
0x3a5: {  	v63 =	vsub.f32 v25, v28  }
0x3a6: {  	v40 =	vadd.f32 $-8.388609000e+06, v31;
	[tilespmem:v24+s10+$0x0] =	vst.idx.add.f32.msk $0xffff, v2  }
0x3a7: {  	v36 =	vadd.f32 $5.000000000e-01, v26;
	[tilespmem:v24+s11+$0x0] =	vst.idx.add.f32.msk $0xffff, v63  }
0x3a8: {  	v27 =	vsub.f32 v27, v40;
	v39 =	vld [tilespmem:s22+$0x8410]  }
0x3a9: {  	v46 =	vadd.f32 $5.000000000e-01, v43;
	[tilespmem:v37+s10+$0x0] =	vst.idx.add.f32.msk $0xffff, v2;
	v38 =	vadd.f32 $8.388608000e+06, v36  }
0x3aa: {  	[tilespmem:v37+s11+$0x0] =	vst.idx.add.f32.msk $0xffff, v27  }
0x3ab: {  	v27 =	vadd.f32 $8.388608000e+06, v46;
	v24 =	vld [tilespmem:s24+$0x8410];
	v41 =	vshll.u32 v38, $0x4  }
0x3ac: {  	v42 =	vadd.s32 v18, v41  }
0x3ad: {  	v49 =	vshll.u32 v27, $0x4;
	v44 =	vadd.f32 $5.000000000e-01, v39  }
0x3ae: {  	v32 =	vadd.s32 v18, v49;
	v25 =	vadd.f32 $-8.388609000e+06, v38  }
0x3af: {  	v45 =	vadd.f32 $8.388608000e+06, v44  }
0x3b0: {  	v25 =	vsub.f32 v26, v25;
	v48 =	vadd.f32 $5.000000000e-01, v24  }
0x3b1: {  	v27 =	vadd.f32 $-8.388609000e+06, v27;
	[tilespmem:v42+s10+$0x0] =	vst.idx.add.f32.msk $0xffff, v2;
	v47 =	vshll.u32 v45, $0x4  }
0x3b2: {  	v30 =	vadd.f32 $8.388608000e+06, v48;
	[tilespmem:v42+s11+$0x0] =	vst.idx.add.f32.msk $0xffff, v25;
	v25 =	vadd.s32 v18, v47  }
0x3b3: {  	v27 =	vsub.f32 v43, v27;
	[tilespmem:v32+s10+$0x0] =	vst.idx.add.f32.msk $0xffff, v2  }
0x3b4: {  	v26 =	vadd.f32 $-8.388609000e+06, v45;
	v51 =	vshll.u32 v30, $0x4;
	v29 =	vld [tilespmem:s25+$0x8410]  }
0x3b5: {  	[tilespmem:v32+s11+$0x0] =	vst.idx.add.f32.msk $0xffff, v27;
	v52 =	vadd.s32 v18, v51  }
0x3b6: {  	v57 =	vld [tilespmem:s23+$0x8420];
	v26 =	vsub.f32 v39, v26  }
0x3b7: {  	v30 =	vadd.f32 $-8.388609000e+06, v30;
	[tilespmem:v25+s10+$0x0] =	vst.idx.add.f32.msk $0xffff, v2  }
0x3b8: {  	[tilespmem:v25+s11+$0x0] =	vst.idx.add.f32.msk $0xffff, v26  }
0x3b9: {  	v24 =	vsub.f32 v24, v30;
	v50 =	vadd.f32 $5.000000000e-01, v29;
	v54 =	vld [tilespmem:s22+$0x8420]  }
0x3ba: {  	[tilespmem:v52+s10+$0x0] =	vst.idx.add.f32.msk $0xffff, v2  }
0x3bb: {  	[tilespmem:v52+s11+$0x0] =	vst.idx.add.f32.msk $0xffff, v24;
	v53 =	vadd.f32 $8.388608000e+06, v50  }
0x3bc: {  	v24 =	vld [tilespmem:s24+$0x8420]  }
0x3bd: {  	v61 =	vadd.f32 $5.000000000e-01, v57;
	v26 =	vadd.f32 $-8.388609000e+06, v53  }
0x3be: {  	v55 =	vshll.u32 v53, $0x4;
	v58 =	vadd.f32 $5.000000000e-01, v54  }
0x3bf: {  	v56 =	vadd.s32 v18, v55;
	v59 =	vsub.f32 v29, v26;
	v29 =	vadd.f32 $8.388608000e+06, v61;
	_ =	sdelay $0x1  }
0x3c0: {  	v63 =	vadd.f32 $5.000000000e-01, v24;
	v60 =	vadd.f32 $8.388608000e+06, v58;
	v36 =	vshll.u32 v29, $0x4  }
0x3c1: {  	[tilespmem:v22+s11+$0x0] =	vst.idx.add.f32.msk $0xffff, v23;
	v37 =	vadd.s32 v18, v36  }
0x3c2: {  	v39 =	vld [tilespmem:s21+$0x8430];
	v38 =	vadd.f32 $8.388608000e+06, v63;
	v62 =	vshll.u32 v60, $0x4  }
0x3c3: {  	v29 =	vadd.f32 $-8.388609000e+06, v29;
	[tilespmem:v56+s10+$0x0] =	vst.idx.add.f32.msk $0xffff, v2;
	v25 =	vadd.s32 v18, v62  }
0x3c4: {  	v41 =	vshll.u32 v38, $0x4;
	[tilespmem:v56+s11+$0x0] =	vst.idx.add.f32.msk $0xffff, v59  }
0x3c5: {  	v29 =	vsub.f32 v57, v29;
	v42 =	vadd.s32 v18, v41;
	v27 =	vld [tilespmem:s25+$0x8420]  }
0x3c6: {  	[tilespmem:v37+s10+$0x0] =	vst.idx.add.f32.msk $0xffff, v2  }
0x3c7: {  	v26 =	vadd.f32 $-8.388609000e+06, v60;
	[tilespmem:v37+s11+$0x0] =	vst.idx.add.f32.msk $0xffff, v29  }
0x3c8: {  	v46 =	vadd.f32 $5.000000000e-01, v39;
	[tilespmem:v25+s10+$0x0] =	vst.idx.add.f32.msk $0xffff, v2  }
0x3c9: {  	v23 =	vadd.f32 $-8.388609000e+06, v38;
	v26 =	vsub.f32 v54, v26;
	v29 =	vld [tilespmem:s23+$0x8430]  }
0x3ca: {  	v48 =	vadd.f32 $8.388608000e+06, v46;
	[tilespmem:v42+s10+$0x0] =	vst.idx.add.f32.msk $0xffff, v2  }
0x3cb: {  	v23 =	vsub.f32 v24, v23;
	v40 =	vadd.f32 $5.000000000e-01, v27;
	[tilespmem:v25+s11+$0x0] =	vst.idx.add.f32.msk $0xffff, v26  }
0x3cc: {  	v50 =	vshll.u32 v48, $0x4;
	v44 =	vld [tilespmem:s22+$0x8430]  }
0x3cd: {  	[tilespmem:v42+s11+$0x0] =	vst.idx.add.f32.msk $0xffff, v23;
	v23 =	vadd.s32 v18, v50;
	v43 =	vadd.f32 $8.388608000e+06, v40  }
0x3ce: {  	v53 =	vadd.f32 $-8.388609000e+06, v48  }
0x3cf: {  	v45 =	vshll.u32 v43, $0x4;
	v52 =	vadd.f32 $5.000000000e-01, v29  }
0x3d0: {  	v22 =	vsub.f32 v39, v53;
	v25 =	vld [tilespmem:s24+$0x8430];
	v47 =	vadd.s32 v18, v45  }
0x3d1: {  	v49 =	vadd.f32 $5.000000000e-01, v44;
	v31 =	vadd.f32 $8.388608000e+06, v52  }
0x3d2: {  	v26 =	vadd.f32 $-8.388609000e+06, v43;
	[tilespmem:v23+s10+$0x0] =	vst.idx.add.f32.msk $0xffff, v2  }
0x3d3: {  	[tilespmem:v23+s11+$0x0] =	vst.idx.add.f32.msk $0xffff, v22;
	v51 =	vadd.f32 $8.388608000e+06, v49;
	v56 =	vshll.u32 v31, $0x4  }
0x3d4: {  	v26 =	vsub.f32 v27, v26;
	v59 =	vld [tilespmem:s21+$0x8440];
	v57 =	vadd.s32 v18, v56  }
0x3d5: {  	v55 =	vadd.f32 $5.000000000e-01, v25;
	[tilespmem:v47+s10+$0x0] =	vst.idx.add.f32.msk $0xffff, v2;
	v54 =	vshll.u32 v51, $0x4  }
0x3d6: {  	v31 =	vadd.f32 $-8.388609000e+06, v31;
	[tilespmem:v47+s11+$0x0] =	vst.idx.add.f32.msk $0xffff, v26;
	v24 =	vadd.s32 v18, v54  }
0x3d7: {  	v58 =	vadd.f32 $8.388608000e+06, v55;
	v26 =	vld [tilespmem:s25+$0x8430]  }
0x3d8: {  	v29 =	vsub.f32 v29, v31  }
0x3d9: {  	v27 =	vadd.f32 $-8.388609000e+06, v51;
	v61 =	vshll.u32 v58, $0x4;
	[tilespmem:v57+s10+$0x0] =	vst.idx.add.f32.msk $0xffff, v2  }
0x3da: {  	v62 =	vadd.s32 v18, v61;
	[tilespmem:v57+s11+$0x0] =	vst.idx.add.f32.msk $0xffff, v29  }
0x3db: {  	v27 =	vsub.f32 v44, v27;
	v38 =	vadd.f32 $5.000000000e-01, v59;
	[tilespmem:v24+s10+$0x0] =	vst.idx.add.f32.msk $0xffff, v2  }
0x3dc: {  	v23 =	vadd.f32 $-8.388609000e+06, v58;
	v29 =	vld [tilespmem:s23+$0x8440];
	v60 =	vadd.f32 $5.000000000e-01, v26  }
0x3dd: {  	v40 =	vadd.f32 $8.388608000e+06, v38;
	[tilespmem:v24+s11+$0x0] =	vst.idx.add.f32.msk $0xffff, v27  }
0x3de: {  	v23 =	vsub.f32 v25, v23;
	v36 =	vld [tilespmem:s22+$0x8440];
	v63 =	vadd.f32 $8.388608000e+06, v60  }
0x3df: {  	[tilespmem:v62+s10+$0x0] =	vst.idx.add.f32.msk $0xffff, v2;
	v42 =	vshll.u32 v40, $0x4  }
0x3e0: {  	[tilespmem:v62+s11+$0x0] =	vst.idx.add.f32.msk $0xffff, v23;
	v23 =	vadd.s32 v18, v42;
	v37 =	vshll.u32 v63, $0x4  }
0x3e1: {  	v19 =	vsub.f32 v19, v21;
	v44 =	vadd.f32 $5.000000000e-01, v29;
	v39 =	vadd.s32 v18, v37  }
0x3e2: {  	[tilespmem:v20+s10+$0x0] =	vst.idx.add.f32.msk $0xffff, v2;
	v27 =	vadd.f32 $-8.388609000e+06, v63  }
0x3e3: {  	[tilespmem:v20+s11+$0x0] =	vst.idx.add.f32.msk $0xffff, v19;
	v41 =	vadd.f32 $5.000000000e-01, v36;
	v47 =	vadd.f32 $8.388608000e+06, v44  }
0x3e4: {  	v45 =	vadd.f32 $-8.388609000e+06, v40;
	v24 =	vld [tilespmem:s24+$0x8440]  }
0x3e5: {  	[tilespmem:v23+s10+$0x0] =	vst.idx.add.f32.msk $0xffff, v2;
	v26 =	vsub.f32 v26, v27;
	v43 =	vadd.f32 $8.388608000e+06, v41;
	v49 =	vshll.u32 v47, $0x4  }
0x3e6: {  	v50 =	vadd.s32 v18, v49;
	[tilespmem:v39+s10+$0x0] =	vst.idx.add.f32.msk $0xffff, v2  }
0x3e7: {  	v22 =	vsub.f32 v59, v45;
	v46 =	vshll.u32 v43, $0x4;
	[tilespmem:v39+s11+$0x0] =	vst.idx.add.f32.msk $0xffff, v26  }
0x3e8: {  	v20 =	vadd.f32 $-8.388609000e+06, v47;
	v19 =	vadd.s32 v18, v46;
	v26 =	vld [tilespmem:s25+$0x8440]  }
0x3e9: {  	[tilespmem:v23+s11+$0x0] =	vst.idx.add.f32.msk $0xffff, v22  }
0x3ea: {  	v48 =	vadd.f32 $5.000000000e-01, v24;
	v52 =	vld [tilespmem:s21+$0x8450];
	v20 =	vsub.f32 v29, v20  }
0x3eb: {  	v27 =	vadd.f32 $-8.388609000e+06, v43;
	[tilespmem:v50+s10+$0x0] =	vst.idx.add.f32.msk $0xffff, v2  }
0x3ec: {  	v51 =	vadd.f32 $8.388608000e+06, v48;
	[tilespmem:v50+s11+$0x0] =	vst.idx.add.f32.msk $0xffff, v20  }
0x3ed: {  	v27 =	vsub.f32 v36, v27;
	[tilespmem:v19+s10+$0x0] =	vst.idx.add.f32.msk $0xffff, v2;
	v53 =	vadd.f32 $5.000000000e-01, v26  }
0x3ee: {  	v54 =	vshll.u32 v51, $0x4;
	v62 =	vld [tilespmem:s23+$0x8450]  }
0x3ef: {  	[tilespmem:v19+s11+$0x0] =	vst.idx.add.f32.msk $0xffff, v27;
	v19 =	vadd.s32 v18, v54;
	v55 =	vadd.f32 $8.388608000e+06, v53  }
0x3f0: {  	v56 =	vld [tilespmem:s22+$0x8450]  }
0x3f1: {  	v23 =	vadd.f32 $-8.388609000e+06, v51;
	v59 =	vadd.f32 $5.000000000e-01, v52;
	v58 =	vshll.u32 v55, $0x4  }
0x3f2: {  	v60 =	vadd.s32 v18, v58  }
0x3f3: {  	v21 =	vld [tilespmem:s20+$0x8460];
	v23 =	vsub.f32 v24, v23;
	v63 =	vadd.f32 $8.388608000e+06, v59  }
0x3f4: {  	v27 =	vadd.f32 $-8.388609000e+06, v55;
	v38 =	vadd.f32 $5.000000000e-01, v62;
	[tilespmem:v19+s10+$0x0] =	vst.idx.add.f32.msk $0xffff, v2  }
0x3f5: {  	v35 =	vshll.u32 v63, $0x4;
	v34 =	vadd.f32 $5.000000000e-01, v56;
	[tilespmem:v19+s11+$0x0] =	vst.idx.add.f32.msk $0xffff, v23  }
0x3f6: {  	v26 =	vsub.f32 v26, v27;
	v23 =	vadd.s32 v18, v35;
	v31 =	vadd.f32 $8.388608000e+06, v38;
	v36 =	vld [tilespmem:s24+$0x8450]  }
0x3f7: {  	v37 =	vadd.f32 $8.388608000e+06, v34;
	[tilespmem:v60+s10+$0x0] =	vst.idx.add.f32.msk $0xffff, v2  }
0x3f8: {  	v39 =	vadd.f32 $-8.388609000e+06, v63;
	v42 =	vshll.u32 v31, $0x4;
	[tilespmem:v60+s11+$0x0] =	vst.idx.add.f32.msk $0xffff, v26  }
0x3f9: {  	v43 =	vadd.s32 v18, v42;
	v40 =	vshll.u32 v37, $0x4;
	v26 =	vld [tilespmem:s25+$0x8450]  }
0x3fa: {  	v57 =	vadd.f32 $5.000000000e-01, v21;
	v20 =	vsub.f32 v52, v39;
	v24 =	vadd.s32 v18, v40  }
0x3fb: {  	[tilespmem:v23+s10+$0x0] =	vst.idx.add.f32.msk $0xffff, v2;
	v41 =	vadd.f32 $5.000000000e-01, v36  }
0x3fc: {  	v61 =	vadd.f32 $8.388608000e+06, v57;
	v27 =	vadd.f32 $-8.388609000e+06, v37;
	[tilespmem:v23+s11+$0x0] =	vst.idx.add.f32.msk $0xffff, v20  }
0x3fd: {  	v31 =	vadd.f32 $-8.388609000e+06, v31;
	v45 =	vld [tilespmem:s21+$0x8460];
	v44 =	vadd.f32 $8.388608000e+06, v41  }
0x3fe: {  	v33 =	vshll.u32 v61, $0x4;
	v27 =	vsub.f32 v56, v27;
	[tilespmem:v43+s10+$0x0] =	vst.idx.add.f32.msk $0xffff, v2;
	v46 =	vadd.f32 $5.000000000e-01, v26  }
0x3ff: {  	v19 =	vadd.s32 v18, v33;
	[tilespmem:v24+s10+$0x0] =	vst.idx.add.f32.msk $0xffff, v2;
	v47 =	vshll.u32 v44, $0x4  }
0x400: {  	v29 =	vsub.f32 v62, v31;
	[tilespmem:v24+s11+$0x0] =	vst.idx.add.f32.msk $0xffff, v27;
	v48 =	vadd.s32 v18, v47;
	v49 =	vadd.f32 $8.388608000e+06, v46  }
0x401: {  	v50 =	vld [tilespmem:s22+$0x8460]  }
0x402: {  	[tilespmem:v43+s11+$0x0] =	vst.idx.add.f32.msk $0xffff, v29;
	v23 =	vadd.f32 $-8.388609000e+06, v44;
	v51 =	vshll.u32 v49, $0x4  }
0x403: {  	v29 =	vld [tilespmem:s23+$0x8460];
	v52 =	vadd.f32 $5.000000000e-01, v45;
	v53 =	vadd.s32 v18, v51  }
0x404: {  	[tilespmem:v19+s10+$0x0] =	vst.idx.add.f32.msk $0xffff, v2;
	v23 =	vsub.f32 v36, v23  }
0x405: {  	v54 =	vadd.f32 $8.388608000e+06, v52;
	v27 =	vadd.f32 $-8.388609000e+06, v49;
	[tilespmem:v48+s10+$0x0] =	vst.idx.add.f32.msk $0xffff, v2  }
0x406: {  	v55 =	vadd.f32 $5.000000000e-01, v50;
	[tilespmem:v48+s11+$0x0] =	vst.idx.add.f32.msk $0xffff, v23  }
0x407: {  	v22 =	vadd.f32 $-8.388609000e+06, v61;
	v56 =	vshll.u32 v54, $0x4;
	v26 =	vsub.f32 v26, v27;
	v24 =	vld [tilespmem:s24+$0x8460]  }
0x408: {  	v58 =	vadd.f32 $5.000000000e-01, v29;
	v23 =	vadd.s32 v18, v56;
	v57 =	vadd.f32 $8.388608000e+06, v55;
	[tilespmem:v53+s10+$0x0] =	vst.idx.add.f32.msk $0xffff, v2  }
0x409: {  	v21 =	vsub.f32 v21, v22;
	[tilespmem:v53+s11+$0x0] =	vst.idx.add.f32.msk $0xffff, v26  }
0x40a: {  	v59 =	vadd.f32 $-8.388609000e+06, v54;
	v62 =	vadd.f32 $8.388608000e+06, v58;
	v60 =	vshll.u32 v57, $0x4;
	v61 =	vld [tilespmem:s25+$0x8460]  }
0x40b: {  	[tilespmem:v19+s11+$0x0] =	vst.idx.add.f32.msk $0xffff, v21;
	v19 =	vadd.s32 v18, v60  }
0x40c: {  	v63 =	vld [tilespmem:s20+$0x8470];
	v20 =	vsub.f32 v45, v59;
	v33 =	vshll.u32 v62, $0x4;
	v31 =	vadd.f32 $5.000000000e-01, v24  }
0x40d: {  	v34 =	vadd.s32 v18, v33;
	v32 =	vadd.f32 $-8.388609000e+06, v57;
	[tilespmem:v23+s10+$0x0] =	vst.idx.add.f32.msk $0xffff, v2  }
0x40e: {  	v21 =	vadd.f32 $-8.388609000e+06, v62;
	[tilespmem:v23+s11+$0x0] =	vst.idx.add.f32.msk $0xffff, v20;
	v35 =	vadd.f32 $8.388608000e+06, v31  }
0x40f: {  	v26 =	vsub.f32 v50, v32;
	v36 =	vld [tilespmem:s21+$0x8470];
	v37 =	vadd.f32 $5.000000000e-01, v61  }
0x410: {  	[tilespmem:v19+s10+$0x0] =	vst.idx.add.f32.msk $0xffff, v2;
	v38 =	vshll.u32 v35, $0x4  }
0x411: {  	v21 =	vsub.f32 v29, v21;
	[tilespmem:v19+s11+$0x0] =	vst.idx.add.f32.msk $0xffff, v26;
	v19 =	vadd.s32 v18, v38;
	v39 =	vadd.f32 $8.388608000e+06, v37  }
0x412: {  	[tilespmem:v34+s10+$0x0] =	vst.idx.add.f32.msk $0xffff, v2  }
0x413: {  	[tilespmem:v34+s11+$0x0] =	vst.idx.add.f32.msk $0xffff, v21;
	v23 =	vadd.f32 $-8.388609000e+06, v35;
	v41 =	vshll.u32 v39, $0x4  }
0x414: {  	v44 =	vld [tilespmem:s23+$0x8470];
	v42 =	vadd.s32 v18, v41  }
0x415: {  	v43 =	vadd.f32 $5.000000000e-01, v63;
	v40 =	vld [tilespmem:s22+$0x8470];
	v23 =	vsub.f32 v24, v23  }
0x416: {  	v45 =	vadd.f32 $-8.388609000e+06, v39;
	[tilespmem:v19+s10+$0x0] =	vst.idx.add.f32.msk $0xffff, v2  }
0x417: {  	v21 =	vadd.f32 $8.388608000e+06, v43;
	[tilespmem:v19+s11+$0x0] =	vst.idx.add.f32.msk $0xffff, v23  }
0x418: {  	v19 =	vadd.f32 $5.000000000e-01, v36;
	v24 =	vsub.f32 v61, v45;
	v23 =	vld [tilespmem:s24+$0x8470]  }
0x419: {  	[tilespmem:v42+s10+$0x0] =	vst.idx.add.f32.msk $0xffff, v2  }
0x41a: {  	v46 =	vshll.u32 v21, $0x4;
	v47 =	vadd.f32 $5.000000000e-01, v40;
	v19 =	vadd.f32 $8.388608000e+06, v19;
	[tilespmem:v42+s11+$0x0] =	vst.idx.add.f32.msk $0xffff, v24  }
0x41b: {  	v48 =	vadd.s32 v18, v46;
	v24 =	vld [tilespmem:s25+$0x8470]  }
0x41c: {  	v50 =	vadd.f32 $5.000000000e-01, v44;
	v29 =	vadd.f32 $8.388608000e+06, v47;
	v49 =	vshll.u32 v19, $0x4  }
0x41d: {  	v21 =	vadd.f32 $-8.388609000e+06, v21;
	v26 =	vadd.s32 v18, v49  }
0x41e: {  	v30 =	vadd.f32 $8.388608000e+06, v50;
	v51 =	vshll.u32 v29, $0x4;
	v52 =	vadd.f32 $5.000000000e-01, v23  }
0x41f: {  	v21 =	vsub.f32 v63, v21;
	v19 =	vadd.f32 $-8.388609000e+06, v19;
	v53 =	vadd.s32 v18, v51  }
0x420: {  	[tilespmem:v48+s10+$0x0] =	vst.idx.add.f32.msk $0xffff, v2;
	v54 =	vshll.u32 v30, $0x4;
	v32 =	vadd.f32 $8.388608000e+06, v52;
	v55 =	vadd.f32 $5.000000000e-01, v24  }
0x421: {  	[tilespmem:v48+s11+$0x0] =	vst.idx.add.f32.msk $0xffff, v21;
	v57 =	vadd.s32 v18, v54;
	v56 =	vadd.f32 $-8.388609000e+06, v29;
	v19 =	vsub.f32 v36, v19  }
0x422: {  	[tilespmem:v26+s10+$0x0] =	vst.idx.add.f32.msk $0xffff, v2;
	v58 =	vshll.u32 v32, $0x4;
	v59 =	vadd.f32 $8.388608000e+06, v55  }
0x423: {  	v60 =	vadd.f32 $-8.388609000e+06, v30;
	[tilespmem:v26+s11+$0x0] =	vst.idx.add.f32.msk $0xffff, v19;
	v19 =	vsub.f32 v40, v56;
	v25 =	vadd.s32 v18, v58  }
0x424: {  	[tilespmem:v53+s10+$0x0] =	vst.idx.add.f32.msk $0xffff, v2;
	v61 =	vshll.u32 v59, $0x4  }
0x425: {  	s19 =	sadd.s32 $0x1, s19;
	v62 =	vadd.f32 $-8.388609000e+06, v32;
	[tilespmem:v53+s11+$0x0] =	vst.idx.add.f32.msk $0xffff, v19;
	v19 =	vsub.f32 v44, v60;
	v18 =	vadd.s32 v18, v61  }
0x426: {  	p0 =	sne.s32 s19, $0xC;
	[tilespmem:v57+s10+$0x0] =	vst.idx.add.f32.msk $0xffff, v2  }
.Ltmp3:
0x427: {  	[tilespmem:v57+s11+$0x0] =	vst.idx.add.f32.msk $0xffff, v19;
	v19 =	vsub.f32 v23, v62;
	v63 =	vadd.f32 $-8.388609000e+06, v59;
	(pc) =	sbr.rel @p0 .LBB2_4-.Ltmp3, $4  }
0x428: {  	[tilespmem:v25+s10+$0x0] =	vst.idx.add.f32.msk $0xffff, v2  }
0x429: {  	[tilespmem:v25+s11+$0x0] =	vst.idx.add.f32.msk $0xffff, v19;
	v19 =	vsub.f32 v24, v63  }
0x42a: {  	[tilespmem:v18+s10+$0x0] =	vst.idx.add.f32.msk $0xffff, v2  }
0x42b: {  	[tilespmem:v18+s11+$0x0] =	vst.idx.add.f32.msk $0xffff, v19  }
0x42c: {  	v18 =	vmul.u32 $0x11, v1  }
0x42d: {  	s18 =	simm.s32 $0x0  }
0x42e: {  	v19 =	vor.u32 s18, v18;
	_ =	sdelay $0x1  }
0x42f: {  	v20 =	vor.u32 s18, v3;
	_ =	sdelay $0x1  }
0x430: {  	v21 =	vor.u32 s18, v4  }
0x431: {  	v22 =	vld.idx.msk [tilespmem:v19+s10+$0x0], $0xffff  }
0x432: {  	v23 =	vor.u32 s18, v5;
	v19 =	vld.idx.msk [tilespmem:v19+s11+$0x0], $0xffff  }
0x433: {  	v24 =	vld.idx.msk [tilespmem:v20+s10+$0x0], $0xffff  }
0x434: {  	v25 =	vor.u32 s18, v6;
	v20 =	vld.idx.msk [tilespmem:v20+s11+$0x0], $0xffff  }
0x435: {  	v26 =	vld.idx.msk [tilespmem:v21+s10+$0x0], $0xffff  }
0x436: {  	v27 =	vor.u32 s18, v7;
	v21 =	vld.idx.msk [tilespmem:v21+s11+$0x0], $0xffff;
	v22 =	vadd.f32 $0.0e+00, v22  }
0x437: {  	v28 =	vld.idx.msk [tilespmem:v23+s10+$0x0], $0xffff;
	v19 =	vadd.f32 $0.0e+00, v19  }
0x438: {  	v29 =	vor.u32 s18, v8;
	v23 =	vld.idx.msk [tilespmem:v23+s11+$0x0], $0xffff;
	v22 =	vadd.f32 v24, v22  }
0x439: {  	v49 =	vld.idx.msk [tilespmem:v25+s10+$0x0], $0xffff;
	v19 =	vadd.f32 v20, v19  }
0x43a: {  	v50 =	vor.u32 s18, v9;
	v20 =	vld.idx.msk [tilespmem:v25+s11+$0x0], $0xffff;
	v22 =	vadd.f32 v26, v22  }
0x43b: {  	v51 =	vld.idx.msk [tilespmem:v27+s10+$0x0], $0xffff;
	v19 =	vadd.f32 v21, v19  }
0x43c: {  	v52 =	vor.u32 s18, v10;
	v21 =	vld.idx.msk [tilespmem:v27+s11+$0x0], $0xffff;
	v22 =	vadd.f32 v28, v22  }
0x43d: {  	v53 =	vld.idx.msk [tilespmem:v29+s10+$0x0], $0xffff;
	v19 =	vadd.f32 v23, v19  }
0x43e: {  	v54 =	vor.u32 s18, v11;
	v23 =	vld.idx.msk [tilespmem:v29+s11+$0x0], $0xffff;
	v22 =	vadd.f32 v49, v22  }
0x43f: {  	v55 =	vld.idx.msk [tilespmem:v50+s10+$0x0], $0xffff;
	v19 =	vadd.f32 v20, v19  }
0x440: {  	v56 =	vor.u32 s18, v12;
	v20 =	vld.idx.msk [tilespmem:v50+s11+$0x0], $0xffff;
	v22 =	vadd.f32 v51, v22  }
0x441: {  	v57 =	vld.idx.msk [tilespmem:v52+s10+$0x0], $0xffff;
	v19 =	vadd.f32 v21, v19  }
0x442: {  	v58 =	vor.u32 s18, v13;
	v21 =	vld.idx.msk [tilespmem:v52+s11+$0x0], $0xffff;
	v22 =	vadd.f32 v53, v22  }
0x443: {  	v59 =	vld.idx.msk [tilespmem:v54+s10+$0x0], $0xffff;
	v19 =	vadd.f32 v23, v19  }
0x444: {  	v60 =	vor.u32 s18, v14;
	v23 =	vld.idx.msk [tilespmem:v54+s11+$0x0], $0xffff;
	v22 =	vadd.f32 v55, v22  }
0x445: {  	v61 =	vld.idx.msk [tilespmem:v56+s10+$0x0], $0xffff;
	v19 =	vadd.f32 v20, v19  }
0x446: {  	v62 =	vor.u32 s18, v15;
	v20 =	vld.idx.msk [tilespmem:v56+s11+$0x0], $0xffff;
	v22 =	vadd.f32 v57, v22  }
0x447: {  	v63 =	vld.idx.msk [tilespmem:v58+s10+$0x0], $0xffff;
	v19 =	vadd.f32 v21, v19  }
0x448: {  	v32 =	vor.u32 s18, v16;
	v21 =	vld.idx.msk [tilespmem:v58+s11+$0x0], $0xffff;
	v22 =	vadd.f32 v59, v22  }
0x449: {  	v33 =	vld.idx.msk [tilespmem:v60+s10+$0x0], $0xffff;
	v19 =	vadd.f32 v23, v19  }
0x44a: {  	v34 =	vor.u32 s18, v17;
	v23 =	vld.idx.msk [tilespmem:v60+s11+$0x0], $0xffff;
	v22 =	vadd.f32 v61, v22  }
0x44b: {  	v35 =	vld.idx.msk [tilespmem:v62+s10+$0x0], $0xffff;
	v19 =	vadd.f32 v20, v19  }
0x44c: {  	v20 =	vld.idx.msk [tilespmem:v62+s11+$0x0], $0xffff;
	v22 =	vadd.f32 v63, v22  }
0x44d: {  	v36 =	vld.idx.msk [tilespmem:v32+s10+$0x0], $0xffff;
	v19 =	vadd.f32 v21, v19  }
0x44e: {  	v21 =	vld.idx.msk [tilespmem:v32+s11+$0x0], $0xffff;
	v22 =	vadd.f32 v33, v22  }
0x44f: {  	v37 =	vld.idx.msk [tilespmem:v34+s10+$0x0], $0xffff;
	v19 =	vadd.f32 v23, v19  }
0x450: {  	v23 =	vld.idx.msk [tilespmem:v34+s11+$0x0], $0xffff;
	v22 =	vadd.f32 v35, v22  }
0x451: {  	v19 =	vadd.f32 v20, v19  }
0x452: {  	s20 =	simm.s32 $0x100;
	v20 =	vadd.f32 v36, v22  }
0x453: {  	v22 =	vor.u32 s20, v18;
	v19 =	vadd.f32 v21, v19  }
0x454: {  	v20 =	vadd.f32 v37, v20  }
0x455: {  	s19 =	simm.s32 $0x16600;
	v21 =	vor.u32 s20, v3;
	v19 =	vadd.f32 v23, v19  }
0x456: {  	s18 =	simm.s32 $0x16780;
	[tilespmem:s19+$0x0] =	vst v20  }
0x457: {  	v20 =	vor.u32 s20, v4;
	[tilespmem:s18+$0x0] =	vst v19  }
0x458: {  	v19 =	vld.idx.msk [tilespmem:v22+s10+$0x0], $0xffff  }
0x459: {  	v23 =	vor.u32 s20, v5;
	v22 =	vld.idx.msk [tilespmem:v22+s11+$0x0], $0xffff  }
0x45a: {  	v38 =	vld.idx.msk [tilespmem:v21+s10+$0x0], $0xffff  }
0x45b: {  	v39 =	vor.u32 s20, v6;
	v21 =	vld.idx.msk [tilespmem:v21+s11+$0x0], $0xffff  }
0x45c: {  	v40 =	vld.idx.msk [tilespmem:v20+s10+$0x0], $0xffff  }
0x45d: {  	v41 =	vor.u32 s20, v7;
	v20 =	vld.idx.msk [tilespmem:v20+s11+$0x0], $0xffff;
	v19 =	vadd.f32 $0.0e+00, v19  }
0x45e: {  	v42 =	vld.idx.msk [tilespmem:v23+s10+$0x0], $0xffff;
	v22 =	vadd.f32 $0.0e+00, v22  }
0x45f: {  	v43 =	vor.u32 s20, v8;
	v23 =	vld.idx.msk [tilespmem:v23+s11+$0x0], $0xffff;
	v19 =	vadd.f32 v38, v19  }
0x460: {  	v44 =	vld.idx.msk [tilespmem:v39+s10+$0x0], $0xffff;
	v21 =	vadd.f32 v21, v22  }
0x461: {  	v45 =	vor.u32 s20, v9;
	v22 =	vld.idx.msk [tilespmem:v39+s11+$0x0], $0xffff;
	v19 =	vadd.f32 v40, v19  }
0x462: {  	v46 =	vld.idx.msk [tilespmem:v41+s10+$0x0], $0xffff;
	v20 =	vadd.f32 v20, v21  }
0x463: {  	v47 =	vor.u32 s20, v10;
	v21 =	vld.idx.msk [tilespmem:v41+s11+$0x0], $0xffff;
	v19 =	vadd.f32 v42, v19  }
0x464: {  	v48 =	vld.idx.msk [tilespmem:v43+s10+$0x0], $0xffff;
	v20 =	vadd.f32 v23, v20  }
0x465: {  	v49 =	vor.u32 s20, v11;
	v23 =	vld.idx.msk [tilespmem:v43+s11+$0x0], $0xffff;
	v19 =	vadd.f32 v44, v19  }
0x466: {  	v50 =	vld.idx.msk [tilespmem:v45+s10+$0x0], $0xffff;
	v20 =	vadd.f32 v22, v20  }
0x467: {  	v51 =	vor.u32 s20, v12;
	v22 =	vld.idx.msk [tilespmem:v45+s11+$0x0], $0xffff;
	v19 =	vadd.f32 v46, v19  }
0x468: {  	v52 =	vld.idx.msk [tilespmem:v47+s10+$0x0], $0xffff;
	v20 =	vadd.f32 v21, v20  }
0x469: {  	v53 =	vor.u32 s20, v13;
	v21 =	vld.idx.msk [tilespmem:v47+s11+$0x0], $0xffff;
	v19 =	vadd.f32 v48, v19  }
0x46a: {  	v54 =	vld.idx.msk [tilespmem:v49+s10+$0x0], $0xffff;
	v20 =	vadd.f32 v23, v20  }
0x46b: {  	v55 =	vor.u32 s20, v14;
	v23 =	vld.idx.msk [tilespmem:v49+s11+$0x0], $0xffff;
	v19 =	vadd.f32 v50, v19  }
0x46c: {  	v56 =	vld.idx.msk [tilespmem:v51+s10+$0x0], $0xffff;
	v20 =	vadd.f32 v22, v20  }
0x46d: {  	v57 =	vor.u32 s20, v15;
	v22 =	vld.idx.msk [tilespmem:v51+s11+$0x0], $0xffff;
	v19 =	vadd.f32 v52, v19  }
0x46e: {  	v58 =	vld.idx.msk [tilespmem:v53+s10+$0x0], $0xffff;
	v20 =	vadd.f32 v21, v20  }
0x46f: {  	v59 =	vor.u32 s20, v16;
	v21 =	vld.idx.msk [tilespmem:v53+s11+$0x0], $0xffff;
	v19 =	vadd.f32 v54, v19  }
0x470: {  	v60 =	vld.idx.msk [tilespmem:v55+s10+$0x0], $0xffff;
	v20 =	vadd.f32 v23, v20  }
0x471: {  	v62 =	vor.u32 s20, v17;
	v23 =	vld.idx.msk [tilespmem:v55+s11+$0x0], $0xffff;
	v19 =	vadd.f32 v56, v19  }
0x472: {  	v61 =	vld.idx.msk [tilespmem:v57+s10+$0x0], $0xffff;
	v20 =	vadd.f32 v22, v20  }
0x473: {  	v22 =	vld.idx.msk [tilespmem:v57+s11+$0x0], $0xffff;
	v19 =	vadd.f32 v58, v19  }
0x474: {  	v63 =	vld.idx.msk [tilespmem:v59+s10+$0x0], $0xffff;
	v20 =	vadd.f32 v21, v20  }
0x475: {  	v21 =	vadd.f32 v60, v19;
	v19 =	vld.idx.msk [tilespmem:v59+s11+$0x0], $0xffff  }
0x476: {  	v23 =	vadd.f32 v23, v20;
	v20 =	vld.idx.msk [tilespmem:v62+s10+$0x0], $0xffff  }
0x477: {  	v24 =	vadd.f32 v61, v21;
	v21 =	vld.idx.msk [tilespmem:v62+s11+$0x0], $0xffff  }
0x478: {  	v22 =	vadd.f32 v22, v23  }
0x479: {  	s22 =	simm.s32 $0x300;
	s21 =	simm.s32 $0x16780;
	s20 =	simm.s32 $0x200;
	v23 =	vadd.f32 v63, v24  }
.LBB2_10:
0x47a: {  	p0 =	sne.s32 s22, $0x1000;
	v24 =	vor.u32 s20, v18;
	v19 =	vadd.f32 v19, v22  }
0x47b: {  	v20 =	vadd.f32 v20, v23  }
0x47c: {  	v22 =	vor.u32 s20, v3;
	s19 =	sadd.s32 $0x10, s19;
	v19 =	vadd.f32 v21, v19  }
0x47d: {  	s21 =	sadd.s32 $0x10, s21;
	[tilespmem:s19+$0x0] =	vst v20  }
0x47e: {  	v20 =	vor.u32 s20, v4;
	[tilespmem:s21+$0x0] =	vst v19  }
0x47f: {  	v19 =	vld.idx.msk [tilespmem:v24+s10+$0x0], $0xffff  }
0x480: {  	v23 =	vor.u32 s20, v5;
	v21 =	vld.idx.msk [tilespmem:v24+s11+$0x0], $0xffff  }
0x481: {  	v24 =	vld.idx.msk [tilespmem:v22+s10+$0x0], $0xffff  }
0x482: {  	v25 =	vor.u32 s20, v6;
	v22 =	vld.idx.msk [tilespmem:v22+s11+$0x0], $0xffff  }
0x483: {  	v26 =	vld.idx.msk [tilespmem:v20+s10+$0x0], $0xffff  }
0x484: {  	v27 =	vor.u32 s20, v7;
	v20 =	vld.idx.msk [tilespmem:v20+s11+$0x0], $0xffff  }
0x485: {  	v19 =	vadd.f32 $0.0e+00, v19;
	v28 =	vld.idx.msk [tilespmem:v23+s10+$0x0], $0xffff  }
0x486: {  	v29 =	vor.u32 s20, v8;
	v21 =	vadd.f32 $0.0e+00, v21;
	v23 =	vld.idx.msk [tilespmem:v23+s11+$0x0], $0xffff  }
0x487: {  	v19 =	vadd.f32 v24, v19;
	v24 =	vld.idx.msk [tilespmem:v25+s10+$0x0], $0xffff  }
0x488: {  	v21 =	vadd.f32 v22, v21;
	v22 =	vld.idx.msk [tilespmem:v25+s11+$0x0], $0xffff;
	v25 =	vor.u32 s20, v9  }
0x489: {  	v19 =	vadd.f32 v26, v19;
	v26 =	vld.idx.msk [tilespmem:v27+s10+$0x0], $0xffff  }
0x48a: {  	v20 =	vadd.f32 v20, v21;
	v21 =	vld.idx.msk [tilespmem:v27+s11+$0x0], $0xffff;
	v27 =	vor.u32 s20, v10  }
0x48b: {  	v19 =	vadd.f32 v28, v19;
	v28 =	vld.idx.msk [tilespmem:v29+s10+$0x0], $0xffff  }
0x48c: {  	v20 =	vadd.f32 v23, v20;
	v23 =	vld.idx.msk [tilespmem:v29+s11+$0x0], $0xffff;
	v29 =	vor.u32 s20, v11  }
0x48d: {  	v19 =	vadd.f32 v24, v19;
	v24 =	vld.idx.msk [tilespmem:v25+s10+$0x0], $0xffff  }
0x48e: {  	v20 =	vadd.f32 v22, v20;
	v22 =	vld.idx.msk [tilespmem:v25+s11+$0x0], $0xffff;
	v25 =	vor.u32 s20, v12  }
0x48f: {  	v19 =	vadd.f32 v26, v19;
	v26 =	vld.idx.msk [tilespmem:v27+s10+$0x0], $0xffff  }
0x490: {  	v20 =	vadd.f32 v21, v20;
	v21 =	vld.idx.msk [tilespmem:v27+s11+$0x0], $0xffff;
	v27 =	vor.u32 s20, v13  }
0x491: {  	v19 =	vadd.f32 v28, v19;
	v28 =	vld.idx.msk [tilespmem:v29+s10+$0x0], $0xffff  }
0x492: {  	v20 =	vadd.f32 v23, v20;
	v23 =	vld.idx.msk [tilespmem:v29+s11+$0x0], $0xffff;
	v29 =	vor.u32 s20, v14  }
0x493: {  	v19 =	vadd.f32 v24, v19;
	v24 =	vld.idx.msk [tilespmem:v25+s10+$0x0], $0xffff  }
0x494: {  	v20 =	vadd.f32 v22, v20;
	v22 =	vld.idx.msk [tilespmem:v25+s11+$0x0], $0xffff;
	v25 =	vor.u32 s20, v15  }
0x495: {  	v19 =	vadd.f32 v26, v19;
	v26 =	vld.idx.msk [tilespmem:v27+s10+$0x0], $0xffff  }
0x496: {  	v20 =	vadd.f32 v21, v20;
	v21 =	vld.idx.msk [tilespmem:v27+s11+$0x0], $0xffff;
	v27 =	vor.u32 s20, v16  }
0x497: {  	v19 =	vadd.f32 v28, v19;
	v28 =	vld.idx.msk [tilespmem:v29+s10+$0x0], $0xffff  }
0x498: {  	v20 =	vadd.f32 v23, v20;
	v23 =	vld.idx.msk [tilespmem:v29+s11+$0x0], $0xffff;
	v29 =	vor.u32 s20, v17;
	s20 =	smov.u32 s22  }
0x499: {  	v19 =	vadd.f32 v24, v19;
	v24 =	vld.idx.msk [tilespmem:v25+s10+$0x0], $0xffff  }
0x49a: {  	v20 =	vadd.f32 v22, v20;
	v22 =	vld.idx.msk [tilespmem:v25+s11+$0x0], $0xffff  }
0x49b: {  	v25 =	vadd.f32 v26, v19;
	v26 =	vld.idx.msk [tilespmem:v27+s10+$0x0], $0xffff  }
0x49c: {  	v21 =	vadd.f32 v21, v20;
	v19 =	vld.idx.msk [tilespmem:v27+s11+$0x0], $0xffff  }
.Ltmp4:
0x49d: {  	v25 =	vadd.f32 v28, v25;
	v20 =	vld.idx.msk [tilespmem:v29+s10+$0x0], $0xffff;
	(pc) =	sbr.rel @p0 .LBB2_10-.Ltmp4, $4  }
0x49e: {  	v23 =	vadd.f32 v23, v21;
	v21 =	vld.idx.msk [tilespmem:v29+s11+$0x0], $0xffff  }
0x49f: {  	v24 =	vadd.f32 v24, v25  }
0x4a0: {  	v22 =	vadd.f32 v22, v23  }
0x4a1: {  	s22 =	sadd.s32 $0x100, s22;
	v23 =	vadd.f32 v26, v24  }
0x4a2: {  	v24 =	vor.u32 s20, v18;
	v19 =	vadd.f32 v19, v22  }
0x4a3: {  	v20 =	vadd.f32 v20, v23  }
0x4a4: {  	v22 =	vor.u32 s20, v3;
	s19 =	sadd.s32 $0x10, s19;
	v19 =	vadd.f32 v21, v19  }
0x4a5: {  	s21 =	sadd.s32 $0x10, s21;
	[tilespmem:s19+$0x0] =	vst v20  }
0x4a6: {  	v20 =	vor.u32 s20, v4;
	[tilespmem:s21+$0x0] =	vst v19  }
0x4a7: {  	v19 =	vld.idx.msk [tilespmem:v24+s10+$0x0], $0xffff  }
0x4a8: {  	v23 =	vor.u32 s20, v5;
	v21 =	vld.idx.msk [tilespmem:v24+s11+$0x0], $0xffff  }
0x4a9: {  	v42 =	vld.idx.msk [tilespmem:v22+s10+$0x0], $0xffff  }
0x4aa: {  	v25 =	vor.u32 s20, v6;
	v22 =	vld.idx.msk [tilespmem:v22+s11+$0x0], $0xffff  }
0x4ab: {  	v26 =	vld.idx.msk [tilespmem:v20+s10+$0x0], $0xffff  }
0x4ac: {  	v27 =	vor.u32 s20, v7;
	v20 =	vld.idx.msk [tilespmem:v20+s11+$0x0], $0xffff;
	v19 =	vadd.f32 $0.0e+00, v19  }
0x4ad: {  	v28 =	vld.idx.msk [tilespmem:v23+s10+$0x0], $0xffff;
	v21 =	vadd.f32 $0.0e+00, v21  }
0x4ae: {  	v29 =	vor.u32 s20, v8;
	v23 =	vld.idx.msk [tilespmem:v23+s11+$0x0], $0xffff;
	v19 =	vadd.f32 v42, v19  }
0x4af: {  	v43 =	vld.idx.msk [tilespmem:v25+s10+$0x0], $0xffff;
	v21 =	vadd.f32 v22, v21  }
0x4b0: {  	v44 =	vor.u32 s20, v9;
	v22 =	vld.idx.msk [tilespmem:v25+s11+$0x0], $0xffff;
	v19 =	vadd.f32 v26, v19  }
0x4b1: {  	v45 =	vld.idx.msk [tilespmem:v27+s10+$0x0], $0xffff;
	v20 =	vadd.f32 v20, v21  }
0x4b2: {  	v46 =	vor.u32 s20, v10;
	v21 =	vld.idx.msk [tilespmem:v27+s11+$0x0], $0xffff;
	v19 =	vadd.f32 v28, v19  }
0x4b3: {  	v47 =	vld.idx.msk [tilespmem:v29+s10+$0x0], $0xffff;
	v20 =	vadd.f32 v23, v20  }
0x4b4: {  	v48 =	vor.u32 s20, v11;
	v23 =	vld.idx.msk [tilespmem:v29+s11+$0x0], $0xffff;
	v19 =	vadd.f32 v43, v19  }
0x4b5: {  	v49 =	vld.idx.msk [tilespmem:v44+s10+$0x0], $0xffff;
	v20 =	vadd.f32 v22, v20  }
0x4b6: {  	v50 =	vor.u32 s20, v12;
	v22 =	vld.idx.msk [tilespmem:v44+s11+$0x0], $0xffff;
	v19 =	vadd.f32 v45, v19  }
0x4b7: {  	v51 =	vld.idx.msk [tilespmem:v46+s10+$0x0], $0xffff;
	v20 =	vadd.f32 v21, v20  }
0x4b8: {  	v52 =	vor.u32 s20, v13;
	v21 =	vld.idx.msk [tilespmem:v46+s11+$0x0], $0xffff;
	v19 =	vadd.f32 v47, v19  }
0x4b9: {  	v53 =	vld.idx.msk [tilespmem:v48+s10+$0x0], $0xffff;
	v20 =	vadd.f32 v23, v20  }
0x4ba: {  	v54 =	vor.u32 s20, v14;
	v23 =	vld.idx.msk [tilespmem:v48+s11+$0x0], $0xffff;
	v19 =	vadd.f32 v49, v19  }
0x4bb: {  	v55 =	vld.idx.msk [tilespmem:v50+s10+$0x0], $0xffff;
	v20 =	vadd.f32 v22, v20  }
0x4bc: {  	v56 =	vor.u32 s20, v15;
	v22 =	vld.idx.msk [tilespmem:v50+s11+$0x0], $0xffff;
	v19 =	vadd.f32 v51, v19  }
0x4bd: {  	v57 =	vld.idx.msk [tilespmem:v52+s10+$0x0], $0xffff;
	v20 =	vadd.f32 v21, v20  }
0x4be: {  	v58 =	vor.u32 s20, v16;
	v21 =	vld.idx.msk [tilespmem:v52+s11+$0x0], $0xffff;
	v19 =	vadd.f32 v53, v19  }
0x4bf: {  	v59 =	vld.idx.msk [tilespmem:v54+s10+$0x0], $0xffff;
	v20 =	vadd.f32 v23, v20  }
0x4c0: {  	v60 =	vor.u32 s20, v17;
	v23 =	vld.idx.msk [tilespmem:v54+s11+$0x0], $0xffff;
	v19 =	vadd.f32 v55, v19  }
0x4c1: {  	v61 =	vld.idx.msk [tilespmem:v56+s10+$0x0], $0xffff;
	v20 =	vadd.f32 v22, v20  }
0x4c2: {  	v22 =	vld.idx.msk [tilespmem:v56+s11+$0x0], $0xffff;
	v19 =	vadd.f32 v57, v19  }
0x4c3: {  	v62 =	vld.idx.msk [tilespmem:v58+s10+$0x0], $0xffff;
	v20 =	vadd.f32 v21, v20  }
0x4c4: {  	v21 =	vld.idx.msk [tilespmem:v58+s11+$0x0], $0xffff;
	v19 =	vadd.f32 v59, v19  }
0x4c5: {  	v63 =	vld.idx.msk [tilespmem:v60+s10+$0x0], $0xffff;
	v20 =	vadd.f32 v23, v20  }
0x4c6: {  	v23 =	vld.idx.msk [tilespmem:v60+s11+$0x0], $0xffff;
	v19 =	vadd.f32 v61, v19  }
0x4c7: {  	v20 =	vadd.f32 v22, v20  }
0x4c8: {  	s29 =	simm.s32 $0x1;
	v19 =	vadd.f32 v62, v19  }
0x4c9: {  	v20 =	vadd.f32 v21, v20;
	v21 =	vadd.s32 s29, v1  }
0x4ca: {  	v19 =	vadd.f32 v63, v19  }
0x4cb: {  	s19 =	sadd.s32 $0x10, s19;
	v20 =	vadd.f32 v23, v20  }
0x4cc: {  	s30 =	sadd.s32 $0x10, s21;
	[tilespmem:s19+$0x0] =	vst v19  }
0x4cd: {  	s19 =	simm.s32 $0x16780;
	[tilespmem:s30+$0x0] =	vst v20  }
0x4ce: {  	s20 =	simm.s32 $0x16600;
	v19 =	vld.idx.msk [tilespmem:v21+s19+$0x0], $0xffff  }
0x4cf: {  	v20 =	vld.idx.msk [tilespmem:v21+s20+$0x0], $0xffff;
	_ =	sdelay $0x1  }
0x4d0: {  	v21 =	vld [tilespmem:s18+$0x0];
	_ =	sdelay $0x1  }
0x4d1: {  	s31 =	simm.s32 $0x11  }
0x4d2: {  	v22 =	vadd.s32 s31, v1;
	v19 =	vsub.f32 v20, v19;
	_ =	sdelay $0x1  }
0x4d3: {  	v19 =	vadd.f32 v21, v19  }
0x4d4: {  	s18 =	simm.s32 $0x16900  }
0x4d5: {  	[tilespmem:s18+$0x0] =	vst v19  }
0x4d6: {  	v21 =	vld.idx.msk [tilespmem:v22+s19+$0x0], $0xffff  }
0x4d7: {  	v22 =	vld.idx.msk [tilespmem:v22+s20+$0x0], $0xffff  }
0x4d8: {  	s21 =	simm.s32 $0x16790  }
0x4d9: {  	v20 =	vld [tilespmem:s21+$0x0];
	_ =	sdelay $0x1  }
0x4da: {  	s22 =	simm.s32 $0x21  }
0x4db: {  	v19 =	vadd.s32 s22, v1;
	v21 =	vsub.f32 v22, v21  }
0x4dc: {  	s22 =	simm.s32 $0x31  }
.LBB2_12:
0x4dd: {  	p0 =	sne.s32 s22, $0xF1;
	v20 =	vadd.f32 v20, v21  }
0x4de: {  	s18 =	sadd.s32 $0x10, s18  }
0x4df: {  	[tilespmem:s18+$0x0] =	vst v20  }
0x4e0: {  	v21 =	vld.idx.msk [tilespmem:v19+s19+$0x0], $0xffff  }
0x4e1: {  	v22 =	vld.idx.msk [tilespmem:v19+s20+$0x0], $0xffff;
	_ =	sdelay $0x1  }
0x4e2: {  	s21 =	sadd.s32 $0x10, s21  }
.Ltmp5:
0x4e3: {  	v20 =	vld [tilespmem:s21+$0x0];
	(pc) =	sbr.rel @p0 .LBB2_12-.Ltmp5, $3  }
0x4e4: {  	_ =	sdelay $0x1  }
0x4e5: {  	v19 =	vadd.s32 s22, v1;
	v21 =	vsub.f32 v22, v21  }
0x4e6: {  	s22 =	sadd.s32 $0x10, s22  }
0x4e7: {  	_ = 	snop  }
0x4e8: {  	v20 =	vadd.f32 v20, v21  }
0x4e9: {  	s22 =	sadd.s32 $0x10, s18  }
0x4ea: {  	s18 =	simm.s32 $0x16780;
	[tilespmem:s22+$0x0] =	vst v20  }
0x4eb: {  	s19 =	simm.s32 $0x16600;
	v20 =	vld.idx.msk [tilespmem:v19+s18+$0x0], $0xffff  }
0x4ec: {  	v19 =	vld.idx.msk [tilespmem:v19+s19+$0x0], $0xffff  }
0x4ed: {  	s20 =	sadd.s32 $0x10, s21  }
0x4ee: {  	v21 =	vld [tilespmem:s20+$0x0];
	_ =	sdelay $0x1  }
0x4ef: {  	s29 =	simm.s32 $0x1100  }
0x4f0: {  	v19 =	vsub.f32 v19, v20;
	v20 =	vor.u32 s29, v18;
	_ =	sdelay $0x1  }
0x4f1: {  	v19 =	vadd.f32 v21, v19;
	v21 =	vor.u32 s29, v3  }
0x4f2: {  	s30 =	sadd.s32 $0x10, s22  }
0x4f3: {  	[tilespmem:s30+$0x0] =	vst v19;
	v19 =	vor.u32 s29, v4  }
0x4f4: {  	v22 =	vld.idx.msk [tilespmem:v20+s10+$0x0], $0xffff  }
0x4f5: {  	v23 =	vor.u32 s29, v5;
	v20 =	vld.idx.msk [tilespmem:v20+s11+$0x0], $0xffff  }
0x4f6: {  	v24 =	vld.idx.msk [tilespmem:v21+s10+$0x0], $0xffff  }
0x4f7: {  	v25 =	vor.u32 s29, v6;
	v21 =	vld.idx.msk [tilespmem:v21+s11+$0x0], $0xffff  }
0x4f8: {  	v26 =	vld.idx.msk [tilespmem:v19+s10+$0x0], $0xffff  }
0x4f9: {  	v27 =	vor.u32 s29, v7;
	v19 =	vld.idx.msk [tilespmem:v19+s11+$0x0], $0xffff;
	v22 =	vadd.f32 $0.0e+00, v22  }
0x4fa: {  	v28 =	vld.idx.msk [tilespmem:v23+s10+$0x0], $0xffff;
	v20 =	vadd.f32 $0.0e+00, v20  }
0x4fb: {  	v29 =	vor.u32 s29, v8;
	v23 =	vld.idx.msk [tilespmem:v23+s11+$0x0], $0xffff;
	v22 =	vadd.f32 v24, v22  }
0x4fc: {  	v48 =	vld.idx.msk [tilespmem:v25+s10+$0x0], $0xffff;
	v20 =	vadd.f32 v21, v20  }
0x4fd: {  	v49 =	vor.u32 s29, v9;
	v21 =	vld.idx.msk [tilespmem:v25+s11+$0x0], $0xffff;
	v22 =	vadd.f32 v26, v22  }
0x4fe: {  	v50 =	vld.idx.msk [tilespmem:v27+s10+$0x0], $0xffff;
	v19 =	vadd.f32 v19, v20  }
0x4ff: {  	v51 =	vor.u32 s29, v10;
	v20 =	vld.idx.msk [tilespmem:v27+s11+$0x0], $0xffff;
	v22 =	vadd.f32 v28, v22  }
0x500: {  	v52 =	vld.idx.msk [tilespmem:v29+s10+$0x0], $0xffff;
	v19 =	vadd.f32 v23, v19  }
0x501: {  	v53 =	vor.u32 s29, v11;
	v23 =	vld.idx.msk [tilespmem:v29+s11+$0x0], $0xffff;
	v22 =	vadd.f32 v48, v22  }
0x502: {  	v54 =	vld.idx.msk [tilespmem:v49+s10+$0x0], $0xffff;
	v19 =	vadd.f32 v21, v19  }
0x503: {  	v55 =	vor.u32 s29, v12;
	v21 =	vld.idx.msk [tilespmem:v49+s11+$0x0], $0xffff;
	v22 =	vadd.f32 v50, v22  }
0x504: {  	v56 =	vld.idx.msk [tilespmem:v51+s10+$0x0], $0xffff;
	v19 =	vadd.f32 v20, v19  }
0x505: {  	v57 =	vor.u32 s29, v13;
	v20 =	vld.idx.msk [tilespmem:v51+s11+$0x0], $0xffff;
	v22 =	vadd.f32 v52, v22  }
0x506: {  	v58 =	vld.idx.msk [tilespmem:v53+s10+$0x0], $0xffff;
	v19 =	vadd.f32 v23, v19  }
0x507: {  	v59 =	vor.u32 s29, v14;
	v23 =	vld.idx.msk [tilespmem:v53+s11+$0x0], $0xffff;
	v22 =	vadd.f32 v54, v22  }
0x508: {  	v60 =	vld.idx.msk [tilespmem:v55+s10+$0x0], $0xffff;
	v19 =	vadd.f32 v21, v19  }
0x509: {  	v61 =	vor.u32 s29, v15;
	v21 =	vld.idx.msk [tilespmem:v55+s11+$0x0], $0xffff;
	v22 =	vadd.f32 v56, v22  }
0x50a: {  	v62 =	vld.idx.msk [tilespmem:v57+s10+$0x0], $0xffff;
	v19 =	vadd.f32 v20, v19  }
0x50b: {  	v63 =	vor.u32 s29, v16;
	v20 =	vld.idx.msk [tilespmem:v57+s11+$0x0], $0xffff;
	v22 =	vadd.f32 v58, v22  }
0x50c: {  	v32 =	vld.idx.msk [tilespmem:v59+s10+$0x0], $0xffff;
	v19 =	vadd.f32 v23, v19  }
0x50d: {  	v33 =	vor.u32 s29, v17;
	v23 =	vld.idx.msk [tilespmem:v59+s11+$0x0], $0xffff;
	v22 =	vadd.f32 v60, v22  }
0x50e: {  	v34 =	vld.idx.msk [tilespmem:v61+s10+$0x0], $0xffff;
	v19 =	vadd.f32 v21, v19  }
0x50f: {  	v21 =	vld.idx.msk [tilespmem:v61+s11+$0x0], $0xffff;
	v22 =	vadd.f32 v62, v22  }
0x510: {  	v35 =	vld.idx.msk [tilespmem:v63+s10+$0x0], $0xffff;
	v19 =	vadd.f32 v20, v19  }
0x511: {  	v20 =	vld.idx.msk [tilespmem:v63+s11+$0x0], $0xffff;
	v22 =	vadd.f32 v32, v22  }
0x512: {  	v36 =	vld.idx.msk [tilespmem:v33+s10+$0x0], $0xffff;
	v19 =	vadd.f32 v23, v19  }
0x513: {  	v23 =	vld.idx.msk [tilespmem:v33+s11+$0x0], $0xffff;
	v22 =	vadd.f32 v34, v22  }
0x514: {  	v19 =	vadd.f32 v21, v19  }
0x515: {  	s31 =	simm.s32 $0x1200;
	v21 =	vadd.f32 v35, v22  }
0x516: {  	v22 =	vor.u32 s31, v18;
	v19 =	vadd.f32 v20, v19  }
0x517: {  	v20 =	vadd.f32 v36, v21  }
0x518: {  	v21 =	vor.u32 s31, v3;
	v19 =	vadd.f32 v23, v19  }
0x519: {  	[tilespmem:s19+$0x0] =	vst v20  }
0x51a: {  	v20 =	vor.u32 s31, v4;
	[tilespmem:s18+$0x0] =	vst v19  }
0x51b: {  	v19 =	vld.idx.msk [tilespmem:v22+s10+$0x0], $0xffff  }
0x51c: {  	v23 =	vor.u32 s31, v5;
	v22 =	vld.idx.msk [tilespmem:v22+s11+$0x0], $0xffff  }
0x51d: {  	v37 =	vld.idx.msk [tilespmem:v21+s10+$0x0], $0xffff  }
0x51e: {  	v38 =	vor.u32 s31, v6;
	v21 =	vld.idx.msk [tilespmem:v21+s11+$0x0], $0xffff  }
0x51f: {  	v39 =	vld.idx.msk [tilespmem:v20+s10+$0x0], $0xffff  }
0x520: {  	v40 =	vor.u32 s31, v7;
	v20 =	vld.idx.msk [tilespmem:v20+s11+$0x0], $0xffff  }
0x521: {  	v41 =	vld.idx.msk [tilespmem:v23+s10+$0x0], $0xffff;
	v19 =	vadd.f32 $0.0e+00, v19;
	v22 =	vadd.f32 $0.0e+00, v22  }
0x522: {  	v42 =	vor.u32 s31, v8;
	v23 =	vld.idx.msk [tilespmem:v23+s11+$0x0], $0xffff  }
0x523: {  	v43 =	vld.idx.msk [tilespmem:v38+s10+$0x0], $0xffff;
	v19 =	vadd.f32 v37, v19;
	v21 =	vadd.f32 v21, v22  }
0x524: {  	v44 =	vor.u32 s31, v9;
	v22 =	vld.idx.msk [tilespmem:v38+s11+$0x0], $0xffff  }
0x525: {  	v45 =	vld.idx.msk [tilespmem:v40+s10+$0x0], $0xffff;
	v19 =	vadd.f32 v39, v19;
	v20 =	vadd.f32 v20, v21  }
0x526: {  	v46 =	vor.u32 s31, v10;
	v21 =	vld.idx.msk [tilespmem:v40+s11+$0x0], $0xffff  }
0x527: {  	v47 =	vld.idx.msk [tilespmem:v42+s10+$0x0], $0xffff;
	v19 =	vadd.f32 v41, v19;
	v20 =	vadd.f32 v23, v20  }
0x528: {  	v48 =	vor.u32 s31, v11;
	v23 =	vld.idx.msk [tilespmem:v42+s11+$0x0], $0xffff  }
0x529: {  	v49 =	vld.idx.msk [tilespmem:v44+s10+$0x0], $0xffff;
	v19 =	vadd.f32 v43, v19;
	v20 =	vadd.f32 v22, v20  }
0x52a: {  	v50 =	vor.u32 s31, v12;
	v22 =	vld.idx.msk [tilespmem:v44+s11+$0x0], $0xffff  }
0x52b: {  	v51 =	vld.idx.msk [tilespmem:v46+s10+$0x0], $0xffff;
	v19 =	vadd.f32 v45, v19;
	v20 =	vadd.f32 v21, v20  }
0x52c: {  	v52 =	vor.u32 s31, v13;
	v21 =	vld.idx.msk [tilespmem:v46+s11+$0x0], $0xffff  }
0x52d: {  	v53 =	vld.idx.msk [tilespmem:v48+s10+$0x0], $0xffff;
	v19 =	vadd.f32 v47, v19;
	v20 =	vadd.f32 v23, v20  }
0x52e: {  	v54 =	vor.u32 s31, v14;
	v23 =	vld.idx.msk [tilespmem:v48+s11+$0x0], $0xffff  }
0x52f: {  	v55 =	vld.idx.msk [tilespmem:v50+s10+$0x0], $0xffff;
	v19 =	vadd.f32 v49, v19;
	v20 =	vadd.f32 v22, v20  }
0x530: {  	v56 =	vor.u32 s31, v15;
	v22 =	vld.idx.msk [tilespmem:v50+s11+$0x0], $0xffff  }
0x531: {  	v57 =	vld.idx.msk [tilespmem:v52+s10+$0x0], $0xffff;
	v19 =	vadd.f32 v51, v19;
	v20 =	vadd.f32 v21, v20  }
0x532: {  	v21 =	vld.idx.msk [tilespmem:v52+s11+$0x0], $0xffff  }
0x533: {  	v58 =	vor.u32 s31, v16;
	v59 =	vld.idx.msk [tilespmem:v54+s10+$0x0], $0xffff;
	v19 =	vadd.f32 v53, v19;
	v20 =	vadd.f32 v23, v20  }
0x534: {  	v23 =	vld.idx.msk [tilespmem:v54+s11+$0x0], $0xffff  }
0x535: {  	v60 =	vor.u32 s31, v17;
	v61 =	vld.idx.msk [tilespmem:v56+s10+$0x0], $0xffff;
	v19 =	vadd.f32 v55, v19;
	v20 =	vadd.f32 v22, v20  }
0x536: {  	v22 =	vld.idx.msk [tilespmem:v56+s11+$0x0], $0xffff  }
0x537: {  	v19 =	vadd.f32 v57, v19;
	v20 =	vadd.f32 v21, v20  }
0x538: {  	v62 =	vld.idx.msk [tilespmem:v58+s10+$0x0], $0xffff  }
0x539: {  	v21 =	vld.idx.msk [tilespmem:v58+s11+$0x0], $0xffff;
	v19 =	vadd.f32 v59, v19;
	v20 =	vadd.f32 v23, v20  }
0x53a: {  	v63 =	vld.idx.msk [tilespmem:v60+s10+$0x0], $0xffff  }
0x53b: {  	v19 =	vadd.f32 v61, v19;
	v22 =	vadd.f32 v22, v20;
	v20 =	vld.idx.msk [tilespmem:v60+s11+$0x0], $0xffff;
	_ =	sdelay $0x1  }
0x53c: {  	s20 =	simm.s32 $0x1300;
	v23 =	vadd.f32 v62, v19  }
0x53d: {  	v19 =	vor.u32 s20, v18;
	v21 =	vadd.f32 v21, v22  }
0x53e: {  	s21 =	simm.s32 $0x16780;
	s22 =	simm.s32 $0x1400;
	v22 =	vadd.f32 v63, v23  }
.LBB2_14:
0x53f: {  	p0 =	sne.s32 s22, $0x2100;
	v23 =	vor.u32 s20, v3;
	v20 =	vadd.f32 v20, v21;
	s19 =	sadd.s32 $0x10, s19  }
0x540: {  	s21 =	sadd.s32 $0x10, s21;
	[tilespmem:s19+$0x0] =	vst v22  }
0x541: {  	v21 =	vor.u32 s20, v4;
	[tilespmem:s21+$0x0] =	vst v20  }
0x542: {  	v20 =	vld.idx.msk [tilespmem:v19+s10+$0x0], $0xffff  }
0x543: {  	v22 =	vor.u32 s20, v5;
	v19 =	vld.idx.msk [tilespmem:v19+s11+$0x0], $0xffff  }
0x544: {  	v24 =	vld.idx.msk [tilespmem:v23+s10+$0x0], $0xffff  }
0x545: {  	v25 =	vor.u32 s20, v6;
	v23 =	vld.idx.msk [tilespmem:v23+s11+$0x0], $0xffff  }
0x546: {  	v26 =	vld.idx.msk [tilespmem:v21+s10+$0x0], $0xffff  }
0x547: {  	v27 =	vor.u32 s20, v7;
	v21 =	vld.idx.msk [tilespmem:v21+s11+$0x0], $0xffff  }
0x548: {  	v20 =	vadd.f32 $0.0e+00, v20;
	v28 =	vld.idx.msk [tilespmem:v22+s10+$0x0], $0xffff  }
0x549: {  	v29 =	vor.u32 s20, v8;
	v19 =	vadd.f32 $0.0e+00, v19;
	v22 =	vld.idx.msk [tilespmem:v22+s11+$0x0], $0xffff  }
0x54a: {  	v20 =	vadd.f32 v24, v20;
	v24 =	vld.idx.msk [tilespmem:v25+s10+$0x0], $0xffff  }
0x54b: {  	v19 =	vadd.f32 v23, v19;
	v23 =	vld.idx.msk [tilespmem:v25+s11+$0x0], $0xffff;
	v25 =	vor.u32 s20, v9  }
0x54c: {  	v20 =	vadd.f32 v26, v20;
	v26 =	vld.idx.msk [tilespmem:v27+s10+$0x0], $0xffff  }
0x54d: {  	v19 =	vadd.f32 v21, v19;
	v21 =	vld.idx.msk [tilespmem:v27+s11+$0x0], $0xffff;
	v27 =	vor.u32 s20, v10  }
0x54e: {  	v20 =	vadd.f32 v28, v20;
	v28 =	vld.idx.msk [tilespmem:v29+s10+$0x0], $0xffff  }
0x54f: {  	v19 =	vadd.f32 v22, v19;
	v22 =	vld.idx.msk [tilespmem:v29+s11+$0x0], $0xffff;
	v29 =	vor.u32 s20, v11  }
0x550: {  	v20 =	vadd.f32 v24, v20;
	v24 =	vld.idx.msk [tilespmem:v25+s10+$0x0], $0xffff  }
0x551: {  	v19 =	vadd.f32 v23, v19;
	v23 =	vld.idx.msk [tilespmem:v25+s11+$0x0], $0xffff;
	v25 =	vor.u32 s20, v12  }
0x552: {  	v20 =	vadd.f32 v26, v20;
	v26 =	vld.idx.msk [tilespmem:v27+s10+$0x0], $0xffff  }
0x553: {  	v19 =	vadd.f32 v21, v19;
	v21 =	vld.idx.msk [tilespmem:v27+s11+$0x0], $0xffff;
	v27 =	vor.u32 s20, v13  }
0x554: {  	v20 =	vadd.f32 v28, v20;
	v28 =	vld.idx.msk [tilespmem:v29+s10+$0x0], $0xffff  }
0x555: {  	v19 =	vadd.f32 v22, v19;
	v22 =	vld.idx.msk [tilespmem:v29+s11+$0x0], $0xffff;
	v29 =	vor.u32 s20, v14  }
0x556: {  	v20 =	vadd.f32 v24, v20;
	v24 =	vld.idx.msk [tilespmem:v25+s10+$0x0], $0xffff  }
0x557: {  	v19 =	vadd.f32 v23, v19;
	v23 =	vld.idx.msk [tilespmem:v25+s11+$0x0], $0xffff;
	v25 =	vor.u32 s20, v15  }
0x558: {  	v20 =	vadd.f32 v26, v20;
	v26 =	vld.idx.msk [tilespmem:v27+s10+$0x0], $0xffff  }
0x559: {  	v19 =	vadd.f32 v21, v19;
	v21 =	vld.idx.msk [tilespmem:v27+s11+$0x0], $0xffff;
	v27 =	vor.u32 s20, v16  }
0x55a: {  	v20 =	vadd.f32 v28, v20;
	v28 =	vld.idx.msk [tilespmem:v29+s10+$0x0], $0xffff  }
0x55b: {  	v19 =	vadd.f32 v22, v19;
	v22 =	vld.idx.msk [tilespmem:v29+s11+$0x0], $0xffff;
	v29 =	vor.u32 s20, v17;
	s20 =	smov.u32 s22  }
0x55c: {  	v20 =	vadd.f32 v24, v20;
	v24 =	vld.idx.msk [tilespmem:v25+s10+$0x0], $0xffff  }
0x55d: {  	v19 =	vadd.f32 v23, v19;
	v23 =	vld.idx.msk [tilespmem:v25+s11+$0x0], $0xffff  }
0x55e: {  	v20 =	vadd.f32 v26, v20;
	v25 =	vld.idx.msk [tilespmem:v27+s10+$0x0], $0xffff  }
0x55f: {  	v19 =	vadd.f32 v21, v19;
	v21 =	vld.idx.msk [tilespmem:v27+s11+$0x0], $0xffff  }
0x560: {  	v26 =	vadd.f32 v28, v20;
	v27 =	vld.idx.msk [tilespmem:v29+s10+$0x0], $0xffff  }
0x561: {  	v19 =	vadd.f32 v22, v19;
	v20 =	vld.idx.msk [tilespmem:v29+s11+$0x0], $0xffff  }
.Ltmp6:
0x562: {  	v22 =	vadd.f32 v24, v26;
	(pc) =	sbr.rel @p0 .LBB2_14-.Ltmp6, $4  }
0x563: {  	v23 =	vadd.f32 v23, v19  }
0x564: {  	v22 =	vadd.f32 v25, v22  }
0x565: {  	v19 =	vor.u32 s22, v18;
	v21 =	vadd.f32 v21, v23  }
0x566: {  	s22 =	sadd.s32 $0x100, s22;
	v22 =	vadd.f32 v27, v22  }
0x567: {  	_ = 	snop  }
0x568: {  	v23 =	vor.u32 s20, v3;
	v20 =	vadd.f32 v20, v21;
	s19 =	sadd.s32 $0x10, s19  }
0x569: {  	s21 =	sadd.s32 $0x10, s21;
	[tilespmem:s19+$0x0] =	vst v22  }
0x56a: {  	v21 =	vor.u32 s20, v4;
	[tilespmem:s21+$0x0] =	vst v20  }
0x56b: {  	v20 =	vld.idx.msk [tilespmem:v19+s10+$0x0], $0xffff  }
0x56c: {  	v22 =	vor.u32 s20, v5;
	v19 =	vld.idx.msk [tilespmem:v19+s11+$0x0], $0xffff  }
0x56d: {  	v24 =	vld.idx.msk [tilespmem:v23+s10+$0x0], $0xffff  }
0x56e: {  	v25 =	vor.u32 s20, v6;
	v23 =	vld.idx.msk [tilespmem:v23+s11+$0x0], $0xffff  }
0x56f: {  	v26 =	vld.idx.msk [tilespmem:v21+s10+$0x0], $0xffff  }
0x570: {  	v27 =	vor.u32 s20, v7;
	v21 =	vld.idx.msk [tilespmem:v21+s11+$0x0], $0xffff;
	v20 =	vadd.f32 $0.0e+00, v20  }
0x571: {  	v28 =	vld.idx.msk [tilespmem:v22+s10+$0x0], $0xffff;
	v19 =	vadd.f32 $0.0e+00, v19  }
0x572: {  	v29 =	vor.u32 s20, v8;
	v22 =	vld.idx.msk [tilespmem:v22+s11+$0x0], $0xffff;
	v20 =	vadd.f32 v24, v20  }
0x573: {  	v43 =	vld.idx.msk [tilespmem:v25+s10+$0x0], $0xffff;
	v19 =	vadd.f32 v23, v19  }
0x574: {  	v44 =	vor.u32 s20, v9;
	v23 =	vld.idx.msk [tilespmem:v25+s11+$0x0], $0xffff;
	v20 =	vadd.f32 v26, v20  }
0x575: {  	v45 =	vld.idx.msk [tilespmem:v27+s10+$0x0], $0xffff;
	v19 =	vadd.f32 v21, v19  }
0x576: {  	v46 =	vor.u32 s20, v10;
	v21 =	vld.idx.msk [tilespmem:v27+s11+$0x0], $0xffff;
	v20 =	vadd.f32 v28, v20  }
0x577: {  	v47 =	vld.idx.msk [tilespmem:v29+s10+$0x0], $0xffff;
	v19 =	vadd.f32 v22, v19  }
0x578: {  	v48 =	vor.u32 s20, v11;
	v22 =	vld.idx.msk [tilespmem:v29+s11+$0x0], $0xffff;
	v20 =	vadd.f32 v43, v20  }
0x579: {  	v49 =	vld.idx.msk [tilespmem:v44+s10+$0x0], $0xffff;
	v19 =	vadd.f32 v23, v19  }
0x57a: {  	v50 =	vor.u32 s20, v12;
	v23 =	vld.idx.msk [tilespmem:v44+s11+$0x0], $0xffff;
	v20 =	vadd.f32 v45, v20  }
0x57b: {  	v51 =	vld.idx.msk [tilespmem:v46+s10+$0x0], $0xffff;
	v19 =	vadd.f32 v21, v19  }
0x57c: {  	v52 =	vor.u32 s20, v13;
	v21 =	vld.idx.msk [tilespmem:v46+s11+$0x0], $0xffff;
	v20 =	vadd.f32 v47, v20  }
0x57d: {  	v53 =	vld.idx.msk [tilespmem:v48+s10+$0x0], $0xffff;
	v19 =	vadd.f32 v22, v19  }
0x57e: {  	v54 =	vor.u32 s20, v14;
	v22 =	vld.idx.msk [tilespmem:v48+s11+$0x0], $0xffff;
	v20 =	vadd.f32 v49, v20  }
0x57f: {  	v55 =	vld.idx.msk [tilespmem:v50+s10+$0x0], $0xffff;
	v19 =	vadd.f32 v23, v19  }
0x580: {  	v56 =	vor.u32 s20, v15;
	v23 =	vld.idx.msk [tilespmem:v50+s11+$0x0], $0xffff;
	v20 =	vadd.f32 v51, v20  }
0x581: {  	v57 =	vld.idx.msk [tilespmem:v52+s10+$0x0], $0xffff;
	v19 =	vadd.f32 v21, v19  }
0x582: {  	v58 =	vor.u32 s20, v16;
	v21 =	vld.idx.msk [tilespmem:v52+s11+$0x0], $0xffff;
	v20 =	vadd.f32 v53, v20  }
0x583: {  	v59 =	vld.idx.msk [tilespmem:v54+s10+$0x0], $0xffff;
	v19 =	vadd.f32 v22, v19  }
0x584: {  	v60 =	vor.u32 s20, v17;
	v22 =	vld.idx.msk [tilespmem:v54+s11+$0x0], $0xffff;
	v20 =	vadd.f32 v55, v20  }
0x585: {  	v61 =	vld.idx.msk [tilespmem:v56+s10+$0x0], $0xffff;
	v19 =	vadd.f32 v23, v19  }
0x586: {  	v23 =	vld.idx.msk [tilespmem:v56+s11+$0x0], $0xffff;
	v20 =	vadd.f32 v57, v20  }
0x587: {  	v62 =	vld.idx.msk [tilespmem:v58+s10+$0x0], $0xffff;
	v19 =	vadd.f32 v21, v19  }
0x588: {  	v21 =	vld.idx.msk [tilespmem:v58+s11+$0x0], $0xffff;
	v20 =	vadd.f32 v59, v20  }
0x589: {  	v63 =	vld.idx.msk [tilespmem:v60+s10+$0x0], $0xffff;
	v19 =	vadd.f32 v22, v19  }
0x58a: {  	v22 =	vld.idx.msk [tilespmem:v60+s11+$0x0], $0xffff;
	v20 =	vadd.f32 v61, v20  }
0x58b: {  	v19 =	vadd.f32 v23, v19  }
0x58c: {  	s30 =	simm.s32 $0x1;
	v20 =	vadd.f32 v62, v20  }
0x58d: {  	v19 =	vadd.f32 v21, v19;
	v21 =	vadd.s32 s30, v1  }
0x58e: {  	v20 =	vadd.f32 v63, v20  }
0x58f: {  	s19 =	sadd.s32 $0x10, s19;
	v19 =	vadd.f32 v22, v19  }
0x590: {  	s31 =	sadd.s32 $0x10, s21;
	[tilespmem:s19+$0x0] =	vst v20  }
0x591: {  	s19 =	simm.s32 $0x16780;
	[tilespmem:s31+$0x0] =	vst v19  }
0x592: {  	s20 =	simm.s32 $0x16600;
	v22 =	vld.idx.msk [tilespmem:v21+s19+$0x0], $0xffff  }
0x593: {  	v21 =	vld.idx.msk [tilespmem:v21+s20+$0x0], $0xffff;
	_ =	sdelay $0x1  }
0x594: {  	v20 =	vld [tilespmem:s18+$0x0];
	_ =	sdelay $0x1  }
0x595: {  	s23 =	simm.s32 $0x11  }
0x596: {  	s22 =	simm.s32 $0x0;
	s21 =	simm.s32 $0x10;
	v19 =	vadd.s32 s23, v1;
	s23 =	simm.s32 $0x20;
	v21 =	vsub.f32 v21, v22  }
.LBB2_16:
0x597: {  	p0 =	sne.s32 s23, $0xF0  }
0x598: {  	v20 =	vadd.f32 v20, v21  }
0x599: {  	s24 =	sand.u32 $0xF0, s22;
	s22 =	smov.u32 s21;
	s21 =	smov.u32 s23  }
0x59a: {  	[tilespmem:s24+$0x16A00] =	vst v20  }
0x59b: {  	v21 =	vld.idx.msk [tilespmem:v19+s19+$0x0], $0xffff  }
0x59c: {  	v22 =	vld.idx.msk [tilespmem:v19+s20+$0x0], $0xffff;
	_ =	sdelay $0x1  }
.Ltmp7:
0x59d: {  	s18 =	sadd.s32 $0x10, s18;
	(pc) =	sbr.rel @p0 .LBB2_16-.Ltmp7, $3  }
0x59e: {  	v20 =	vld [tilespmem:s18+$0x0];
	_ =	sdelay $0x1  }
0x59f: {  	s24 =	sadd.s32 $0x1, s23  }
0x5a0: {  	s23 =	sadd.s32 $0x10, s23;
	v19 =	vadd.s32 s24, v1;
	v21 =	vsub.f32 v22, v21  }
0x5a1: {  	_ = 	snop  }
0x5a2: {  	v20 =	vadd.f32 v20, v21  }
0x5a3: {  	s20 =	sand.u32 $0xF0, s22  }
0x5a4: {  	s19 =	simm.s32 $0x16780;
	[tilespmem:s20+$0x16A00] =	vst v20  }
0x5a5: {  	s20 =	simm.s32 $0x16600;
	v20 =	vld.idx.msk [tilespmem:v19+s19+$0x0], $0xffff  }
0x5a6: {  	v19 =	vld.idx.msk [tilespmem:v19+s20+$0x0], $0xffff  }
0x5a7: {  	s18 =	sadd.s32 $0x10, s18  }
0x5a8: {  	v21 =	vld [tilespmem:s18+$0x0];
	_ =	sdelay $0x1  }
0x5a9: {  	s30 =	simm.s32 $0x2200  }
0x5aa: {  	v19 =	vsub.f32 v19, v20;
	v20 =	vor.u32 s30, v18;
	_ =	sdelay $0x1  }
0x5ab: {  	v19 =	vadd.f32 v21, v19;
	v21 =	vor.u32 s30, v3  }
0x5ac: {  	s21 =	sand.u32 $0xF0, s21  }
0x5ad: {  	[tilespmem:s21+$0x16A00] =	vst v19;
	v19 =	vor.u32 s30, v4  }
0x5ae: {  	v22 =	vld.idx.msk [tilespmem:v20+s10+$0x0], $0xffff  }
0x5af: {  	v23 =	vor.u32 s30, v5;
	v20 =	vld.idx.msk [tilespmem:v20+s11+$0x0], $0xffff  }
0x5b0: {  	v24 =	vld.idx.msk [tilespmem:v21+s10+$0x0], $0xffff  }
0x5b1: {  	v25 =	vor.u32 s30, v6;
	v21 =	vld.idx.msk [tilespmem:v21+s11+$0x0], $0xffff  }
0x5b2: {  	v26 =	vld.idx.msk [tilespmem:v19+s10+$0x0], $0xffff  }
0x5b3: {  	v27 =	vor.u32 s30, v7;
	v19 =	vld.idx.msk [tilespmem:v19+s11+$0x0], $0xffff;
	v22 =	vadd.f32 $0.0e+00, v22  }
0x5b4: {  	v28 =	vld.idx.msk [tilespmem:v23+s10+$0x0], $0xffff;
	v20 =	vadd.f32 $0.0e+00, v20  }
0x5b5: {  	v29 =	vor.u32 s30, v8;
	v23 =	vld.idx.msk [tilespmem:v23+s11+$0x0], $0xffff;
	v22 =	vadd.f32 v24, v22  }
0x5b6: {  	v48 =	vld.idx.msk [tilespmem:v25+s10+$0x0], $0xffff;
	v20 =	vadd.f32 v21, v20  }
0x5b7: {  	v49 =	vor.u32 s30, v9;
	v21 =	vld.idx.msk [tilespmem:v25+s11+$0x0], $0xffff;
	v22 =	vadd.f32 v26, v22  }
0x5b8: {  	v50 =	vld.idx.msk [tilespmem:v27+s10+$0x0], $0xffff;
	v19 =	vadd.f32 v19, v20  }
0x5b9: {  	v51 =	vor.u32 s30, v10;
	v20 =	vld.idx.msk [tilespmem:v27+s11+$0x0], $0xffff;
	v22 =	vadd.f32 v28, v22  }
0x5ba: {  	v52 =	vld.idx.msk [tilespmem:v29+s10+$0x0], $0xffff;
	v19 =	vadd.f32 v23, v19  }
0x5bb: {  	v53 =	vor.u32 s30, v11;
	v23 =	vld.idx.msk [tilespmem:v29+s11+$0x0], $0xffff;
	v22 =	vadd.f32 v48, v22  }
0x5bc: {  	v54 =	vld.idx.msk [tilespmem:v49+s10+$0x0], $0xffff;
	v19 =	vadd.f32 v21, v19  }
0x5bd: {  	v55 =	vor.u32 s30, v12;
	v21 =	vld.idx.msk [tilespmem:v49+s11+$0x0], $0xffff;
	v22 =	vadd.f32 v50, v22  }
0x5be: {  	v56 =	vld.idx.msk [tilespmem:v51+s10+$0x0], $0xffff;
	v19 =	vadd.f32 v20, v19  }
0x5bf: {  	v57 =	vor.u32 s30, v13;
	v20 =	vld.idx.msk [tilespmem:v51+s11+$0x0], $0xffff;
	v22 =	vadd.f32 v52, v22  }
0x5c0: {  	v58 =	vld.idx.msk [tilespmem:v53+s10+$0x0], $0xffff;
	v19 =	vadd.f32 v23, v19  }
0x5c1: {  	v59 =	vor.u32 s30, v14;
	v23 =	vld.idx.msk [tilespmem:v53+s11+$0x0], $0xffff;
	v22 =	vadd.f32 v54, v22  }
0x5c2: {  	v60 =	vld.idx.msk [tilespmem:v55+s10+$0x0], $0xffff;
	v19 =	vadd.f32 v21, v19  }
0x5c3: {  	v61 =	vor.u32 s30, v15;
	v21 =	vld.idx.msk [tilespmem:v55+s11+$0x0], $0xffff;
	v22 =	vadd.f32 v56, v22  }
0x5c4: {  	v62 =	vld.idx.msk [tilespmem:v57+s10+$0x0], $0xffff;
	v19 =	vadd.f32 v20, v19  }
0x5c5: {  	v63 =	vor.u32 s30, v16;
	v20 =	vld.idx.msk [tilespmem:v57+s11+$0x0], $0xffff;
	v22 =	vadd.f32 v58, v22  }
0x5c6: {  	v32 =	vld.idx.msk [tilespmem:v59+s10+$0x0], $0xffff;
	v19 =	vadd.f32 v23, v19  }
0x5c7: {  	v33 =	vor.u32 s30, v17;
	v23 =	vld.idx.msk [tilespmem:v59+s11+$0x0], $0xffff;
	v22 =	vadd.f32 v60, v22  }
0x5c8: {  	v34 =	vld.idx.msk [tilespmem:v61+s10+$0x0], $0xffff;
	v19 =	vadd.f32 v21, v19  }
0x5c9: {  	v21 =	vld.idx.msk [tilespmem:v61+s11+$0x0], $0xffff;
	v22 =	vadd.f32 v62, v22  }
0x5ca: {  	v35 =	vld.idx.msk [tilespmem:v63+s10+$0x0], $0xffff;
	v19 =	vadd.f32 v20, v19  }
0x5cb: {  	v20 =	vld.idx.msk [tilespmem:v63+s11+$0x0], $0xffff;
	v22 =	vadd.f32 v32, v22  }
0x5cc: {  	v36 =	vld.idx.msk [tilespmem:v33+s10+$0x0], $0xffff;
	v19 =	vadd.f32 v23, v19  }
0x5cd: {  	v23 =	vld.idx.msk [tilespmem:v33+s11+$0x0], $0xffff;
	v22 =	vadd.f32 v34, v22  }
0x5ce: {  	v19 =	vadd.f32 v21, v19  }
0x5cf: {  	s31 =	simm.s32 $0x2300;
	v21 =	vadd.f32 v35, v22  }
0x5d0: {  	v22 =	vor.u32 s31, v18;
	v19 =	vadd.f32 v20, v19  }
0x5d1: {  	v20 =	vadd.f32 v36, v21  }
0x5d2: {  	v21 =	vor.u32 s31, v3;
	v19 =	vadd.f32 v23, v19  }
0x5d3: {  	[tilespmem:s20+$0x0] =	vst v20  }
0x5d4: {  	v20 =	vor.u32 s31, v4;
	[tilespmem:s19+$0x0] =	vst v19  }
0x5d5: {  	v19 =	vld.idx.msk [tilespmem:v22+s10+$0x0], $0xffff  }
0x5d6: {  	v23 =	vor.u32 s31, v5;
	v22 =	vld.idx.msk [tilespmem:v22+s11+$0x0], $0xffff  }
0x5d7: {  	v37 =	vld.idx.msk [tilespmem:v21+s10+$0x0], $0xffff  }
0x5d8: {  	v38 =	vor.u32 s31, v6;
	v21 =	vld.idx.msk [tilespmem:v21+s11+$0x0], $0xffff  }
0x5d9: {  	v39 =	vld.idx.msk [tilespmem:v20+s10+$0x0], $0xffff  }
0x5da: {  	v40 =	vor.u32 s31, v7;
	v20 =	vld.idx.msk [tilespmem:v20+s11+$0x0], $0xffff  }
0x5db: {  	v41 =	vld.idx.msk [tilespmem:v23+s10+$0x0], $0xffff;
	v19 =	vadd.f32 $0.0e+00, v19;
	v22 =	vadd.f32 $0.0e+00, v22  }
0x5dc: {  	v42 =	vor.u32 s31, v8;
	v23 =	vld.idx.msk [tilespmem:v23+s11+$0x0], $0xffff  }
0x5dd: {  	v43 =	vld.idx.msk [tilespmem:v38+s10+$0x0], $0xffff;
	v19 =	vadd.f32 v37, v19;
	v21 =	vadd.f32 v21, v22  }
0x5de: {  	v44 =	vor.u32 s31, v9;
	v22 =	vld.idx.msk [tilespmem:v38+s11+$0x0], $0xffff  }
0x5df: {  	v45 =	vld.idx.msk [tilespmem:v40+s10+$0x0], $0xffff;
	v19 =	vadd.f32 v39, v19;
	v20 =	vadd.f32 v20, v21  }
0x5e0: {  	v46 =	vor.u32 s31, v10;
	v21 =	vld.idx.msk [tilespmem:v40+s11+$0x0], $0xffff  }
0x5e1: {  	v47 =	vld.idx.msk [tilespmem:v42+s10+$0x0], $0xffff;
	v19 =	vadd.f32 v41, v19;
	v20 =	vadd.f32 v23, v20  }
0x5e2: {  	v48 =	vor.u32 s31, v11;
	v23 =	vld.idx.msk [tilespmem:v42+s11+$0x0], $0xffff  }
0x5e3: {  	v49 =	vld.idx.msk [tilespmem:v44+s10+$0x0], $0xffff;
	v19 =	vadd.f32 v43, v19;
	v20 =	vadd.f32 v22, v20  }
0x5e4: {  	v50 =	vor.u32 s31, v12;
	v22 =	vld.idx.msk [tilespmem:v44+s11+$0x0], $0xffff  }
0x5e5: {  	v51 =	vld.idx.msk [tilespmem:v46+s10+$0x0], $0xffff;
	v19 =	vadd.f32 v45, v19;
	v20 =	vadd.f32 v21, v20  }
0x5e6: {  	v52 =	vor.u32 s31, v13;
	v21 =	vld.idx.msk [tilespmem:v46+s11+$0x0], $0xffff  }
0x5e7: {  	v53 =	vld.idx.msk [tilespmem:v48+s10+$0x0], $0xffff;
	v19 =	vadd.f32 v47, v19;
	v20 =	vadd.f32 v23, v20  }
0x5e8: {  	v54 =	vor.u32 s31, v14;
	v23 =	vld.idx.msk [tilespmem:v48+s11+$0x0], $0xffff  }
0x5e9: {  	v55 =	vld.idx.msk [tilespmem:v50+s10+$0x0], $0xffff;
	v19 =	vadd.f32 v49, v19;
	v20 =	vadd.f32 v22, v20  }
0x5ea: {  	v56 =	vor.u32 s31, v15;
	v22 =	vld.idx.msk [tilespmem:v50+s11+$0x0], $0xffff  }
0x5eb: {  	v57 =	vld.idx.msk [tilespmem:v52+s10+$0x0], $0xffff;
	v19 =	vadd.f32 v51, v19;
	v20 =	vadd.f32 v21, v20  }
0x5ec: {  	v21 =	vld.idx.msk [tilespmem:v52+s11+$0x0], $0xffff  }
0x5ed: {  	v58 =	vor.u32 s31, v16;
	v59 =	vld.idx.msk [tilespmem:v54+s10+$0x0], $0xffff;
	v19 =	vadd.f32 v53, v19;
	v20 =	vadd.f32 v23, v20  }
0x5ee: {  	v23 =	vld.idx.msk [tilespmem:v54+s11+$0x0], $0xffff  }
0x5ef: {  	v60 =	vor.u32 s31, v17;
	v61 =	vld.idx.msk [tilespmem:v56+s10+$0x0], $0xffff;
	v19 =	vadd.f32 v55, v19;
	v20 =	vadd.f32 v22, v20  }
0x5f0: {  	v22 =	vld.idx.msk [tilespmem:v56+s11+$0x0], $0xffff  }
0x5f1: {  	v19 =	vadd.f32 v57, v19;
	v20 =	vadd.f32 v21, v20  }
0x5f2: {  	v62 =	vld.idx.msk [tilespmem:v58+s10+$0x0], $0xffff  }
0x5f3: {  	v21 =	vld.idx.msk [tilespmem:v58+s11+$0x0], $0xffff;
	v19 =	vadd.f32 v59, v19;
	v20 =	vadd.f32 v23, v20  }
0x5f4: {  	v63 =	vld.idx.msk [tilespmem:v60+s10+$0x0], $0xffff  }
0x5f5: {  	v19 =	vadd.f32 v61, v19;
	v22 =	vadd.f32 v22, v20;
	v20 =	vld.idx.msk [tilespmem:v60+s11+$0x0], $0xffff;
	_ =	sdelay $0x1  }
0x5f6: {  	s18 =	simm.s32 $0x2400;
	v23 =	vadd.f32 v62, v19  }
0x5f7: {  	v19 =	vor.u32 s18, v18;
	v21 =	vadd.f32 v21, v22  }
0x5f8: {  	s22 =	simm.s32 $0x2500;
	s21 =	simm.s32 $0x16780;
	v22 =	vadd.f32 v63, v23  }
.LBB2_18:
0x5f9: {  	p0 =	sne.s32 s22, $0x3200;
	v23 =	vor.u32 s18, v3;
	v20 =	vadd.f32 v20, v21;
	s20 =	sadd.s32 $0x10, s20  }
0x5fa: {  	s21 =	sadd.s32 $0x10, s21;
	[tilespmem:s20+$0x0] =	vst v22  }
0x5fb: {  	v21 =	vor.u32 s18, v4;
	[tilespmem:s21+$0x0] =	vst v20  }
0x5fc: {  	v20 =	vld.idx.msk [tilespmem:v19+s10+$0x0], $0xffff  }
0x5fd: {  	v22 =	vor.u32 s18, v5;
	v19 =	vld.idx.msk [tilespmem:v19+s11+$0x0], $0xffff  }
0x5fe: {  	v24 =	vld.idx.msk [tilespmem:v23+s10+$0x0], $0xffff  }
0x5ff: {  	v25 =	vor.u32 s18, v6;
	v23 =	vld.idx.msk [tilespmem:v23+s11+$0x0], $0xffff  }
0x600: {  	v26 =	vld.idx.msk [tilespmem:v21+s10+$0x0], $0xffff  }
0x601: {  	v27 =	vor.u32 s18, v7;
	v21 =	vld.idx.msk [tilespmem:v21+s11+$0x0], $0xffff  }
0x602: {  	v20 =	vadd.f32 $0.0e+00, v20;
	v28 =	vld.idx.msk [tilespmem:v22+s10+$0x0], $0xffff  }
0x603: {  	v29 =	vor.u32 s18, v8;
	v19 =	vadd.f32 $0.0e+00, v19;
	v22 =	vld.idx.msk [tilespmem:v22+s11+$0x0], $0xffff  }
0x604: {  	v20 =	vadd.f32 v24, v20;
	v24 =	vld.idx.msk [tilespmem:v25+s10+$0x0], $0xffff  }
0x605: {  	v19 =	vadd.f32 v23, v19;
	v23 =	vld.idx.msk [tilespmem:v25+s11+$0x0], $0xffff;
	v25 =	vor.u32 s18, v9  }
0x606: {  	v20 =	vadd.f32 v26, v20;
	v26 =	vld.idx.msk [tilespmem:v27+s10+$0x0], $0xffff  }
0x607: {  	v19 =	vadd.f32 v21, v19;
	v21 =	vld.idx.msk [tilespmem:v27+s11+$0x0], $0xffff;
	v27 =	vor.u32 s18, v10  }
0x608: {  	v20 =	vadd.f32 v28, v20;
	v28 =	vld.idx.msk [tilespmem:v29+s10+$0x0], $0xffff  }
0x609: {  	v19 =	vadd.f32 v22, v19;
	v22 =	vld.idx.msk [tilespmem:v29+s11+$0x0], $0xffff;
	v29 =	vor.u32 s18, v11  }
0x60a: {  	v20 =	vadd.f32 v24, v20;
	v24 =	vld.idx.msk [tilespmem:v25+s10+$0x0], $0xffff  }
0x60b: {  	v19 =	vadd.f32 v23, v19;
	v23 =	vld.idx.msk [tilespmem:v25+s11+$0x0], $0xffff;
	v25 =	vor.u32 s18, v12  }
0x60c: {  	v20 =	vadd.f32 v26, v20;
	v26 =	vld.idx.msk [tilespmem:v27+s10+$0x0], $0xffff  }
0x60d: {  	v19 =	vadd.f32 v21, v19;
	v21 =	vld.idx.msk [tilespmem:v27+s11+$0x0], $0xffff;
	v27 =	vor.u32 s18, v13  }
0x60e: {  	v20 =	vadd.f32 v28, v20;
	v28 =	vld.idx.msk [tilespmem:v29+s10+$0x0], $0xffff  }
0x60f: {  	v19 =	vadd.f32 v22, v19;
	v22 =	vld.idx.msk [tilespmem:v29+s11+$0x0], $0xffff;
	v29 =	vor.u32 s18, v14  }
0x610: {  	v20 =	vadd.f32 v24, v20;
	v24 =	vld.idx.msk [tilespmem:v25+s10+$0x0], $0xffff  }
0x611: {  	v19 =	vadd.f32 v23, v19;
	v23 =	vld.idx.msk [tilespmem:v25+s11+$0x0], $0xffff;
	v25 =	vor.u32 s18, v15  }
0x612: {  	v20 =	vadd.f32 v26, v20;
	v26 =	vld.idx.msk [tilespmem:v27+s10+$0x0], $0xffff  }
0x613: {  	v19 =	vadd.f32 v21, v19;
	v21 =	vld.idx.msk [tilespmem:v27+s11+$0x0], $0xffff;
	v27 =	vor.u32 s18, v16  }
0x614: {  	v20 =	vadd.f32 v28, v20;
	v28 =	vld.idx.msk [tilespmem:v29+s10+$0x0], $0xffff  }
0x615: {  	v19 =	vadd.f32 v22, v19;
	v22 =	vld.idx.msk [tilespmem:v29+s11+$0x0], $0xffff;
	v29 =	vor.u32 s18, v17;
	s18 =	smov.u32 s22  }
0x616: {  	v20 =	vadd.f32 v24, v20;
	v24 =	vld.idx.msk [tilespmem:v25+s10+$0x0], $0xffff  }
0x617: {  	v19 =	vadd.f32 v23, v19;
	v23 =	vld.idx.msk [tilespmem:v25+s11+$0x0], $0xffff  }
0x618: {  	v20 =	vadd.f32 v26, v20;
	v25 =	vld.idx.msk [tilespmem:v27+s10+$0x0], $0xffff  }
0x619: {  	v19 =	vadd.f32 v21, v19;
	v21 =	vld.idx.msk [tilespmem:v27+s11+$0x0], $0xffff  }
0x61a: {  	v26 =	vadd.f32 v28, v20;
	v27 =	vld.idx.msk [tilespmem:v29+s10+$0x0], $0xffff  }
0x61b: {  	v19 =	vadd.f32 v22, v19;
	v20 =	vld.idx.msk [tilespmem:v29+s11+$0x0], $0xffff  }
.Ltmp8:
0x61c: {  	v22 =	vadd.f32 v24, v26;
	(pc) =	sbr.rel @p0 .LBB2_18-.Ltmp8, $4  }
0x61d: {  	v23 =	vadd.f32 v23, v19  }
0x61e: {  	v22 =	vadd.f32 v25, v22  }
0x61f: {  	v19 =	vor.u32 s22, v18;
	v21 =	vadd.f32 v21, v23  }
0x620: {  	s22 =	sadd.s32 $0x100, s22;
	v22 =	vadd.f32 v27, v22  }
0x621: {  	_ = 	snop  }
0x622: {  	v18 =	vor.u32 s18, v3;
	v20 =	vadd.f32 v20, v21;
	s20 =	sadd.s32 $0x10, s20  }
0x623: {  	s21 =	sadd.s32 $0x10, s21;
	[tilespmem:s20+$0x0] =	vst v22  }
0x624: {  	v21 =	vor.u32 s18, v4;
	[tilespmem:s21+$0x0] =	vst v20  }
0x625: {  	v20 =	vld.idx.msk [tilespmem:v19+s10+$0x0], $0xffff  }
0x626: {  	v22 =	vor.u32 s18, v5;
	v19 =	vld.idx.msk [tilespmem:v19+s11+$0x0], $0xffff  }
0x627: {  	v23 =	vld.idx.msk [tilespmem:v18+s10+$0x0], $0xffff  }
0x628: {  	v24 =	vor.u32 s18, v6;
	v18 =	vld.idx.msk [tilespmem:v18+s11+$0x0], $0xffff  }
0x629: {  	v25 =	vld.idx.msk [tilespmem:v21+s10+$0x0], $0xffff  }
0x62a: {  	v26 =	vor.u32 s18, v7;
	v21 =	vld.idx.msk [tilespmem:v21+s11+$0x0], $0xffff;
	v20 =	vadd.f32 $0.0e+00, v20  }
0x62b: {  	v27 =	vld.idx.msk [tilespmem:v22+s10+$0x0], $0xffff;
	v19 =	vadd.f32 $0.0e+00, v19  }
0x62c: {  	v28 =	vor.u32 s18, v8;
	v22 =	vld.idx.msk [tilespmem:v22+s11+$0x0], $0xffff;
	v20 =	vadd.f32 v23, v20  }
0x62d: {  	v23 =	vld.idx.msk [tilespmem:v24+s10+$0x0], $0xffff;
	v18 =	vadd.f32 v18, v19  }
0x62e: {  	v47 =	vor.u32 s18, v9;
	v19 =	vld.idx.msk [tilespmem:v24+s11+$0x0], $0xffff;
	v20 =	vadd.f32 v25, v20  }
0x62f: {  	v48 =	vld.idx.msk [tilespmem:v26+s10+$0x0], $0xffff;
	v18 =	vadd.f32 v21, v18  }
0x630: {  	v49 =	vor.u32 s18, v10;
	v21 =	vld.idx.msk [tilespmem:v26+s11+$0x0], $0xffff;
	v20 =	vadd.f32 v27, v20  }
0x631: {  	v50 =	vld.idx.msk [tilespmem:v28+s10+$0x0], $0xffff;
	v18 =	vadd.f32 v22, v18  }
0x632: {  	v51 =	vor.u32 s18, v11;
	v22 =	vld.idx.msk [tilespmem:v28+s11+$0x0], $0xffff;
	v20 =	vadd.f32 v23, v20  }
0x633: {  	v23 =	vld.idx.msk [tilespmem:v47+s10+$0x0], $0xffff;
	v18 =	vadd.f32 v19, v18  }
0x634: {  	v52 =	vor.u32 s18, v12;
	v19 =	vld.idx.msk [tilespmem:v47+s11+$0x0], $0xffff;
	v20 =	vadd.f32 v48, v20  }
0x635: {  	v53 =	vld.idx.msk [tilespmem:v49+s10+$0x0], $0xffff;
	v18 =	vadd.f32 v21, v18  }
0x636: {  	v54 =	vor.u32 s18, v13;
	v21 =	vld.idx.msk [tilespmem:v49+s11+$0x0], $0xffff;
	v20 =	vadd.f32 v50, v20  }
0x637: {  	v55 =	vld.idx.msk [tilespmem:v51+s10+$0x0], $0xffff;
	v18 =	vadd.f32 v22, v18  }
0x638: {  	v56 =	vor.u32 s18, v14;
	v22 =	vld.idx.msk [tilespmem:v51+s11+$0x0], $0xffff;
	v20 =	vadd.f32 v23, v20  }
0x639: {  	v23 =	vld.idx.msk [tilespmem:v52+s10+$0x0], $0xffff;
	v18 =	vadd.f32 v19, v18  }
0x63a: {  	v57 =	vor.u32 s18, v15;
	v19 =	vld.idx.msk [tilespmem:v52+s11+$0x0], $0xffff;
	v20 =	vadd.f32 v53, v20  }
0x63b: {  	v58 =	vld.idx.msk [tilespmem:v54+s10+$0x0], $0xffff;
	v18 =	vadd.f32 v21, v18  }
0x63c: {  	v59 =	vor.u32 s18, v16;
	v21 =	vld.idx.msk [tilespmem:v54+s11+$0x0], $0xffff;
	v20 =	vadd.f32 v55, v20  }
0x63d: {  	v60 =	vld.idx.msk [tilespmem:v56+s10+$0x0], $0xffff;
	v18 =	vadd.f32 v22, v18  }
0x63e: {  	v61 =	vor.u32 s18, v17;
	v22 =	vld.idx.msk [tilespmem:v56+s11+$0x0], $0xffff;
	v20 =	vadd.f32 v23, v20  }
0x63f: {  	v23 =	vld.idx.msk [tilespmem:v57+s10+$0x0], $0xffff;
	v18 =	vadd.f32 v19, v18  }
0x640: {  	v19 =	vld.idx.msk [tilespmem:v57+s11+$0x0], $0xffff;
	v20 =	vadd.f32 v58, v20  }
0x641: {  	v62 =	vld.idx.msk [tilespmem:v59+s10+$0x0], $0xffff;
	v18 =	vadd.f32 v21, v18  }
0x642: {  	v21 =	vld.idx.msk [tilespmem:v59+s11+$0x0], $0xffff;
	v20 =	vadd.f32 v60, v20  }
0x643: {  	v63 =	vld.idx.msk [tilespmem:v61+s10+$0x0], $0xffff;
	v18 =	vadd.f32 v22, v18  }
0x644: {  	v22 =	vld.idx.msk [tilespmem:v61+s11+$0x0], $0xffff;
	v20 =	vadd.f32 v23, v20  }
0x645: {  	v18 =	vadd.f32 v19, v18  }
0x646: {  	s28 =	simm.s32 $0x1;
	v19 =	vadd.f32 v62, v20  }
0x647: {  	v18 =	vadd.f32 v21, v18;
	v20 =	vadd.s32 s28, v1  }
0x648: {  	v19 =	vadd.f32 v63, v19  }
0x649: {  	s29 =	sadd.s32 $0x10, s20;
	v18 =	vadd.f32 v22, v18  }
0x64a: {  	s30 =	sadd.s32 $0x10, s21;
	[tilespmem:s29+$0x0] =	vst v19  }
0x64b: {  	[tilespmem:s30+$0x0] =	vst v18  }
0x64c: {  	v21 =	vld.idx.msk [tilespmem:v20+s14+$0x0], $0xffff  }
0x64d: {  	v20 =	vld.idx.msk [tilespmem:v20+s13+$0x0], $0xffff;
	_ =	sdelay $0x1  }
0x64e: {  	v19 =	vld [tilespmem:s19+$0x0];
	_ =	sdelay $0x1  }
0x64f: {  	s31 =	simm.s32 $0x11  }
0x650: {  	s20 =	simm.s32 $0x0;
	s18 =	simm.s32 $0x10;
	s21 =	simm.s32 $0x20;
	v18 =	vadd.s32 s31, v1;
	v20 =	vsub.f32 v20, v21  }
.LBB2_20:
0x651: {  	p0 =	sne.s32 s21, $0xF0  }
0x652: {  	v19 =	vadd.f32 v19, v20  }
0x653: {  	s22 =	sand.u32 $0xF0, s20;
	s20 =	smov.u32 s18;
	s18 =	smov.u32 s21  }
0x654: {  	[tilespmem:s22+$0x16B00] =	vst v19  }
0x655: {  	v20 =	vld.idx.msk [tilespmem:v18+s14+$0x0], $0xffff  }
0x656: {  	v21 =	vld.idx.msk [tilespmem:v18+s13+$0x0], $0xffff;
	_ =	sdelay $0x1  }
.Ltmp9:
0x657: {  	s19 =	sadd.s32 $0x10, s19;
	(pc) =	sbr.rel @p0 .LBB2_20-.Ltmp9, $3  }
0x658: {  	v19 =	vld [tilespmem:s19+$0x0];
	_ =	sdelay $0x1  }
0x659: {  	s22 =	sadd.s32 $0x1, s21  }
0x65a: {  	s21 =	sadd.s32 $0x10, s21;
	v18 =	vadd.s32 s22, v1;
	v20 =	vsub.f32 v21, v20  }
0x65b: {  	_ = 	snop  }
0x65c: {  	v19 =	vadd.f32 v19, v20  }
0x65d: {  	s20 =	sand.u32 $0xF0, s20  }
0x65e: {  	[tilespmem:s20+$0x16B00] =	vst v19  }
0x65f: {  	v19 =	vld.idx.msk [tilespmem:v18+s14+$0x0], $0xffff  }
0x660: {  	v18 =	vld.idx.msk [tilespmem:v18+s13+$0x0], $0xffff  }
0x661: {  	s19 =	sadd.s32 $0x10, s19  }
0x662: {  	v63 =	vld [tilespmem:s19+$0x0];
	_ =	sdelay $0x2  }
0x663: {  	v18 =	vsub.f32 v18, v19;
	_ =	sdelay $0x1  }
0x664: {  	s17 =	sadd.s32 $0x1, s17;
	v18 =	vadd.f32 v63, v18  }
0x665: {  	s18 =	sand.u32 $0xF0, s18;
	p0 =	sne.s32 s17, s7  }
.Ltmp10:
0x666: {  	[tilespmem:s18+$0x16B00] =	vst v18;
	(pc) =	sbr.rel @p0 .LBB2_1-.Ltmp10, $4  }
0x667: {  	[hbm4b:s6+s3] =	stream.linear.scatter [tilespmem:s15], [sflag:$0x3], $0x300, $0x38;
	[tilespmem:$0x16C00] =	vst v63  }
0x668: {  	_ =	swait.ge [sflag:s16], $0x300  }
0x669: {  	[sflag:s16] =	ssyncset.done $0x0  }
0x66a: {  	[sflag:s16] =	ssyncadd.s32 $0xFFFFFD00  }
0x66b: {  	_ =	sfence.sel $0x180000  }
0x66c: {  	[bflag:$0x0] =	sbarrier.arrive $0xFFFF  }
0x66d: {  	p0 =	sne.s32 s1, $0x0;
	_ =	strace $0x90000047  }
0x66e: {  	s0 =	sadd.s32 @!p0 $0x100000, s2;
	[bflag:$0x2] =	sbarrier.arrive $0xFFFF  }
0x66f: {  	[sflag:s0] =	ssyncadd.tile.s32 @!p0 $0x1;
	_ =	shalt  }
.Lfunc_end2:
_tile_overlayer_lowered:
.L_overlay_start_2:
0x670: {  	(tag) =	ssettag $0x2  }
0x671: {  	s0 =	rddreg [dreg:$0x0];
	s2 =	stileid.u32  }
0x672: {  	s1 =	rddreg [dreg:$0x1];
	p0 =	sne.s32 s2, $0x0  }
0x673: {  	s3 =	rddreg [dreg:$0x2];
	[bflag:$0x3] =	sbarrier.arrive $0xFFFF;
	s2 =	simm.s32 @!p0 $0x1C03  }
0x674: {  	[timem:s3], [sflag:s2] =	dma.local @!p0 [hbm:s0], s1  }
0x675: {  	s0 =	simm.s32 @!p0 $0x3  }
0x676: {  	_ =	swait.ge @!p0 [sflag:s0], s1  }
0x677: {  	s1 =	ssub.s32 @!p0 $0x0, s1;
	[sflag:s0] =	ssyncset.done @!p0 $0x0  }
0x678: {  	[sflag:s0] =	ssyncadd.s32 @!p0 s1  }
0x679: {  	[bflag:$0x3] =	sbarrier.arrive $0xFFFF  }
0x67a: {  	_ =	shalt  }

</sc_bundles>
